<compile_context>
chip_gen: v7x
topology: tpu7x:2x2x1
jax: 0.10.2.dev20260603
libtpu: 0.0.44.dev20260713+nightly
codegen_flags: <defaults>
</compile_context>

<pallas_src>
import jax
import jax.numpy as jnp
from jax import lax
from jax.experimental import pallas as pl
from jax.experimental.pallas import tpu as pltpu, tpu_sc as plsc

B = 16384
D = 64
NNEG = 20
NC = 2
NS = 16
NW = NC * NS
BPW = B // NW
CH = 32
NCHUNK = BPW // CH
L = 16
GPC = CH // L


def _body(in_table, out_table, in_idx, ctx_idx, neg_idx, pos_out, neg_out,
          in_idx_v, ctx_idx_v, neg_raw_v, neg_idx_t, in_rows, pos_rows,
          neg_rows, pos_v, neg_v, sems):
    wid = lax.axis_index("s") * NC + lax.axis_index("c")

    pltpu.sync_copy(in_idx.at[wid], in_idx_v)
    pltpu.sync_copy(ctx_idx.at[wid], ctx_idx_v)
    pltpu.sync_copy(neg_idx.at[wid], neg_raw_v)

    iota = lax.iota(jnp.int32, L)

    def stage(c, p):
        cvec = jnp.zeros((L,), jnp.int32) + c
        for j in range(NNEG):
            jvec = jnp.full((L,), j, jnp.int32)
            for g in range(GPC):
                rid = iota + (g * L)
                col = plsc.load_gather(neg_raw_v, [cvec, rid, jvec])
                neg_idx_t[p, j, pl.ds(g * L, L)] = col
        cps = [
            pltpu.async_copy(in_table.at[in_idx_v.at[c]], in_rows.at[p],
                             sems.at[p]),
            pltpu.async_copy(out_table.at[ctx_idx_v.at[c]], pos_rows.at[p],
                             sems.at[p]),
        ]
        for j in range(NNEG):
            cps.append(pltpu.async_copy(out_table.at[neg_idx_t.at[p, j]],
                                        neg_rows.at[p, j], sems.at[p]))
        return cps

    def drain(p):
        pltpu.make_async_copy(in_table.at[in_idx_v.at[0]], in_rows.at[p],
                              sems.at[p]).wait()
        pltpu.make_async_copy(out_table.at[ctx_idx_v.at[0]], pos_rows.at[p],
                              sems.at[p]).wait()
        for j in range(NNEG):
            pltpu.make_async_copy(out_table.at[neg_idx_t.at[p, j]],
                                  neg_rows.at[p, j], sems.at[p]).wait()

    stage(0, 0)

    def chunk_body(c, carry):
        p = c & 1
        drain(p)

        @pl.when(c + 1 < NCHUNK)
        def _():
            stage(c + 1, 1 - p)

        pvec = jnp.zeros((L,), jnp.int32) + p

        for g in range(GPC):
            rid = iota + (g * L)

            def d_body(d, accs):
                dvec = (iota + d) & (D - 1)
                inv = plsc.load_gather(in_rows, [pvec, rid, dvec])
                pv = plsc.load_gather(pos_rows, [pvec, rid, dvec])
                new = [accs[0] + inv * pv]
                for j in range(NNEG):
                    jvec = jnp.full((L,), j, jnp.int32)
                    nv = plsc.load_gather(neg_rows, [pvec, jvec, rid, dvec])
                    new.append(accs[j + 1] + inv * nv)
                return tuple(new)

            zeros = tuple(jnp.zeros((L,), jnp.float32)
                          for _ in range(NNEG + 1))
            accs = lax.fori_loop(0, D, d_body, zeros)

            off = c * CH + g * L
            pos_v[pl.ds(off, L)] = accs[0]
            rid_w = iota + off
            for j in range(NNEG):
                jvec = jnp.full((L,), j, jnp.int32)
                plsc.store_scatter(neg_v, [rid_w, jvec], accs[j + 1])
        return carry

    lax.fori_loop(0, NCHUNK, chunk_body, 0)

    pltpu.sync_copy(pos_v, pos_out.at[wid])
    pltpu.sync_copy(neg_v, neg_out.at[wid])


@jax.jit
def _skipgram(in_table, out_table, in_idx, ctx_idx, neg_idx):
    mesh = plsc.VectorSubcoreMesh(core_axis_name="c", subcore_axis_name="s")
    f = pl.kernel(
        _body,
        out_type=[
            jax.ShapeDtypeStruct((NW, BPW), jnp.float32),
            jax.ShapeDtypeStruct((NW, BPW, NNEG), jnp.float32),
        ],
        mesh=mesh,
        scratch_types=[
            pltpu.VMEM((NCHUNK, CH), jnp.int32),
            pltpu.VMEM((NCHUNK, CH), jnp.int32),
            pltpu.VMEM((NCHUNK, CH, NNEG), jnp.int32),
            pltpu.VMEM((2, NNEG, CH), jnp.int32),
            pltpu.VMEM((2, CH, D), jnp.float32),
            pltpu.VMEM((2, CH, D), jnp.float32),
            pltpu.VMEM((2, NNEG, CH, D), jnp.float32),
            pltpu.VMEM((BPW,), jnp.float32),
            pltpu.VMEM((BPW, NNEG), jnp.float32),
            pltpu.SemaphoreType.DMA((2,)),
        ],
        compiler_params=pltpu.CompilerParams(use_tc_tiling_on_sc=False,
                                             needs_layout_passes=False),
    )
    return f(in_table, out_table, in_idx, ctx_idx, neg_idx)


def kernel(in_table, out_table, inputs, contexts, negatives):
    in_idx = inputs.reshape(NW, NCHUNK, CH)
    ctx_idx = contexts.reshape(NW, NCHUNK, CH)
    neg_idx = negatives.reshape(NW, NCHUNK, CH, NNEG)
    pos, neg = _skipgram(in_table, out_table, in_idx, ctx_idx, neg_idx)
    return pos.reshape(B), neg.reshape(B, NNEG)

# --- scband reference (transcript-rebuilt; emitter-appended) ---
"""Pipeline reference for scband-skip-gram-26259430048071 (READ-ONLY COPY).

The authoritative reference and input builder live on the scoring server;
editing this copy changes nothing except your own understanding.
"""

import jax, jax.numpy as jnp
import numpy as np

V = 1000000
D = 64
B = 16384
NNEG = 20

def setup_inputs(seed: int = 0) -> dict:
    key = jax.random.key(seed)
    k1, k2, k3, k4, k5 = jax.random.split(key, 5)
    inputs = jax.random.randint(k1, (B, 1), 0, V, dtype=jnp.int64 if jax.config.jax_enable_x64 else jnp.int32).astype(jnp.int32)
    contexts = jax.random.randint(k2, (B, 1), 0, V).astype(jnp.int32)
    negatives = jax.random.randint(k3, (B, NNEG), 0, V).astype(jnp.int32)
    upper = 0.5 / D
    in_table = jax.random.uniform(k4, (V, D), dtype=jnp.float32, minval=-upper, maxval=upper)
    # original init zeroes out_embeddings; use small random values so outputs are non-degenerate
    out_table = jax.random.normal(k5, (V, D), dtype=jnp.float32) * 0.01
    return {"in_table": in_table, "out_table": out_table, "inputs": inputs, "contexts": contexts, "negatives": negatives}

def reference(in_table, out_table, inputs, contexts, negatives):
    in_vectors = jnp.take(in_table, inputs, axis=0)            # (B, 1, D)
    pos_context_vectors = jnp.take(out_table, contexts, axis=0)  # (B, 1, D)
    neg_context_vectors = jnp.take(out_table, negatives, axis=0) # (B, NNEG, D)
    pos = jnp.sum(in_vectors * pos_context_vectors, axis=(1, 2))  # (B,)
    neg = jnp.sum(in_vectors * neg_context_vectors, axis=2)       # (B, NNEG)
    return (pos, neg)

if __name__ == "__main__":
    import jax
    _d = setup_inputs()
    print(jax.jit(kernel)(*tuple(_d.values())))

</pallas_src>

<mosaic_0001>
#map = affine_map<(d0, d1) -> (0, 0)>
#map1 = affine_map<(d0, d1) -> (0, 0, 0)>
#map2 = affine_map<(d0, d1) -> (0, 0, 0, 0)>
module attributes {stable_mosaic.version = 14 : i64} {
  func.func @_body(%arg0: i32, %arg1: i32, %arg2: memref<1000000x64xf32, #tpu.memory_space<hbm>>, %arg3: memref<1000000x64xf32, #tpu.memory_space<hbm>>, %arg4: memref<32x16x32xi32, #tpu.memory_space<hbm>>, %arg5: memref<32x16x32xi32, #tpu.memory_space<hbm>>, %arg6: memref<32x16x32x20xi32, #tpu.memory_space<hbm>>, %arg7: memref<32x512xf32, #tpu.memory_space<hbm>>, %arg8: memref<32x512x20xf32, #tpu.memory_space<hbm>>, %arg9: memref<16x32xi32, #tpu.memory_space<vmem>>, %arg10: memref<16x32xi32, #tpu.memory_space<vmem>>, %arg11: memref<16x32x20xi32, #tpu.memory_space<vmem>>, %arg12: memref<2x20x32xi32, #tpu.memory_space<vmem>>, %arg13: memref<2x32x64xf32, #tpu.memory_space<vmem>>, %arg14: memref<2x32x64xf32, #tpu.memory_space<vmem>>, %arg15: memref<2x20x32x64xf32, #tpu.memory_space<vmem>>, %arg16: memref<512xf32, #tpu.memory_space<vmem>>, %arg17: memref<512x20xf32, #tpu.memory_space<vmem>>, %arg18: memref<2x!tpu.dma_semaphore, #tpu.memory_space<semaphore_mem>>) attributes {dimension_semantics = [#tpu.dimension_semantics<core_parallel>, #tpu.dimension_semantics<subcore_parallel>], iteration_bounds = array<i64: 2, 16>, scalar_prefetch = 0 : i64, scratch_operands = 10 : i64, tpu.core_type = #tpu.core_type<sc_vector_subcore>, window_params = [{transform_indices = #map}, {transform_indices = #map}, {transform_indices = #map1}, {transform_indices = #map1}, {transform_indices = #map2}, {transform_indices = #map}, {transform_indices = #map1}]} {
    %mul3A = arith.constant 2 : i32
    %mul3A_0 = arith.muli %arg1, %mul3A : i32
    %add3A = arith.addi %mul3A_0, %arg0 : i32
    "tpu.region"() ({
      %run_scoped3A = tpu.sem_alloc : memref<!tpu.dma_semaphore, #tpu.memory_space<semaphore_mem>>
      %dma_start3A_817 = arith.constant 0 : i32
      %dma_start3A_818 = arith.constant 0 : i32
      %dma_start3A_819 = tpu.memref_slice %arg4[%add3A, %dma_start3A_817, %dma_start3A_818] : memref<32x16x32xi32, #tpu.memory_space<hbm>> -> memref<1x16x32xi32, #tpu.memory_space<hbm>>
      %dma_start3A_820 = tpu.memref_squeeze %dma_start3A_819 : memref<1x16x32xi32, #tpu.memory_space<hbm>> -> memref<16x32xi32, #tpu.memory_space<hbm>>
      %dma_start3A_821 = arith.constant 0 : i32
      %dma_start3A_822 = arith.constant 0 : i32
      %dma_start3A_823 = tpu.memref_slice %arg4[%add3A, %dma_start3A_821, %dma_start3A_822] : memref<32x16x32xi32, #tpu.memory_space<hbm>> -> memref<1x16x32xi32, #tpu.memory_space<hbm>>
      %dma_start3A_824 = tpu.memref_squeeze %dma_start3A_823 : memref<1x16x32xi32, #tpu.memory_space<hbm>> -> memref<16x32xi32, #tpu.memory_space<hbm>>
      tpu.enqueue_dma source(%dma_start3A_824 : memref<16x32xi32, #tpu.memory_space<hbm>>) target(%arg9 : memref<16x32xi32, #tpu.memory_space<vmem>>) target_semaphore(%run_scoped3A : memref<!tpu.dma_semaphore, #tpu.memory_space<semaphore_mem>>)
      %dma_wait3A = arith.constant 0 : i32
      %dma_wait3A_825 = arith.constant 0 : i32
      %dma_wait3A_826 = tpu.memref_slice %arg4[%add3A, %dma_wait3A, %dma_wait3A_825] : memref<32x16x32xi32, #tpu.memory_space<hbm>> -> memref<1x16x32xi32, #tpu.memory_space<hbm>>
      %dma_wait3A_827 = tpu.memref_squeeze %dma_wait3A_826 : memref<1x16x32xi32, #tpu.memory_space<hbm>> -> memref<16x32xi32, #tpu.memory_space<hbm>>
      %dma_wait3A_828 = arith.constant 0 : i32
      %dma_wait3A_829 = arith.constant 0 : i32
      %dma_wait3A_830 = tpu.memref_slice %arg4[%add3A, %dma_wait3A_828, %dma_wait3A_829] : memref<32x16x32xi32, #tpu.memory_space<hbm>> -> memref<1x16x32xi32, #tpu.memory_space<hbm>>
      %dma_wait3A_831 = tpu.memref_squeeze %dma_wait3A_830 : memref<1x16x32xi32, #tpu.memory_space<hbm>> -> memref<16x32xi32, #tpu.memory_space<hbm>>
      tpu.wait_dma2 semaphore(%run_scoped3A : memref<!tpu.dma_semaphore, #tpu.memory_space<semaphore_mem>>) src(%dma_wait3A_831 : memref<16x32xi32, #tpu.memory_space<hbm>>) dst(%arg9 : memref<16x32xi32, #tpu.memory_space<vmem>>)
      tpu.yield
    }) : () -> ()
    "tpu.region"() ({
      %run_scoped3A = tpu.sem_alloc : memref<!tpu.dma_semaphore, #tpu.memory_space<semaphore_mem>>
      %dma_start3A_817 = arith.constant 0 : i32
      %dma_start3A_818 = arith.constant 0 : i32
      %dma_start3A_819 = tpu.memref_slice %arg5[%add3A, %dma_start3A_817, %dma_start3A_818] : memref<32x16x32xi32, #tpu.memory_space<hbm>> -> memref<1x16x32xi32, #tpu.memory_space<hbm>>
      %dma_start3A_820 = tpu.memref_squeeze %dma_start3A_819 : memref<1x16x32xi32, #tpu.memory_space<hbm>> -> memref<16x32xi32, #tpu.memory_space<hbm>>
      %dma_start3A_821 = arith.constant 0 : i32
      %dma_start3A_822 = arith.constant 0 : i32
      %dma_start3A_823 = tpu.memref_slice %arg5[%add3A, %dma_start3A_821, %dma_start3A_822] : memref<32x16x32xi32, #tpu.memory_space<hbm>> -> memref<1x16x32xi32, #tpu.memory_space<hbm>>
      %dma_start3A_824 = tpu.memref_squeeze %dma_start3A_823 : memref<1x16x32xi32, #tpu.memory_space<hbm>> -> memref<16x32xi32, #tpu.memory_space<hbm>>
      tpu.enqueue_dma source(%dma_start3A_824 : memref<16x32xi32, #tpu.memory_space<hbm>>) target(%arg10 : memref<16x32xi32, #tpu.memory_space<vmem>>) target_semaphore(%run_scoped3A : memref<!tpu.dma_semaphore, #tpu.memory_space<semaphore_mem>>)
      %dma_wait3A = arith.constant 0 : i32
      %dma_wait3A_825 = arith.constant 0 : i32
      %dma_wait3A_826 = tpu.memref_slice %arg5[%add3A, %dma_wait3A, %dma_wait3A_825] : memref<32x16x32xi32, #tpu.memory_space<hbm>> -> memref<1x16x32xi32, #tpu.memory_space<hbm>>
      %dma_wait3A_827 = tpu.memref_squeeze %dma_wait3A_826 : memref<1x16x32xi32, #tpu.memory_space<hbm>> -> memref<16x32xi32, #tpu.memory_space<hbm>>
      %dma_wait3A_828 = arith.constant 0 : i32
      %dma_wait3A_829 = arith.constant 0 : i32
      %dma_wait3A_830 = tpu.memref_slice %arg5[%add3A, %dma_wait3A_828, %dma_wait3A_829] : memref<32x16x32xi32, #tpu.memory_space<hbm>> -> memref<1x16x32xi32, #tpu.memory_space<hbm>>
      %dma_wait3A_831 = tpu.memref_squeeze %dma_wait3A_830 : memref<1x16x32xi32, #tpu.memory_space<hbm>> -> memref<16x32xi32, #tpu.memory_space<hbm>>
      tpu.wait_dma2 semaphore(%run_scoped3A : memref<!tpu.dma_semaphore, #tpu.memory_space<semaphore_mem>>) src(%dma_wait3A_831 : memref<16x32xi32, #tpu.memory_space<hbm>>) dst(%arg10 : memref<16x32xi32, #tpu.memory_space<vmem>>)
      tpu.yield
    }) : () -> ()
    "tpu.region"() ({
      %run_scoped3A = tpu.sem_alloc : memref<!tpu.dma_semaphore, #tpu.memory_space<semaphore_mem>>
      %dma_start3A_817 = arith.constant 0 : i32
      %dma_start3A_818 = arith.constant 0 : i32
      %dma_start3A_819 = arith.constant 0 : i32
      %dma_start3A_820 = tpu.memref_slice %arg6[%add3A, %dma_start3A_817, %dma_start3A_818, %dma_start3A_819] : memref<32x16x32x20xi32, #tpu.memory_space<hbm>> -> memref<1x16x32x20xi32, #tpu.memory_space<hbm>>
      %dma_start3A_821 = tpu.memref_squeeze %dma_start3A_820 : memref<1x16x32x20xi32, #tpu.memory_space<hbm>> -> memref<16x32x20xi32, #tpu.memory_space<hbm>>
      %dma_start3A_822 = arith.constant 0 : i32
      %dma_start3A_823 = arith.constant 0 : i32
      %dma_start3A_824 = arith.constant 0 : i32
      %dma_start3A_825 = tpu.memref_slice %arg6[%add3A, %dma_start3A_822, %dma_start3A_823, %dma_start3A_824] : memref<32x16x32x20xi32, #tpu.memory_space<hbm>> -> memref<1x16x32x20xi32, #tpu.memory_space<hbm>>
      %dma_start3A_826 = tpu.memref_squeeze %dma_start3A_825 : memref<1x16x32x20xi32, #tpu.memory_space<hbm>> -> memref<16x32x20xi32, #tpu.memory_space<hbm>>
      tpu.enqueue_dma source(%dma_start3A_826 : memref<16x32x20xi32, #tpu.memory_space<hbm>>) target(%arg11 : memref<16x32x20xi32, #tpu.memory_space<vmem>>) target_semaphore(%run_scoped3A : memref<!tpu.dma_semaphore, #tpu.memory_space<semaphore_mem>>)
      %dma_wait3A = arith.constant 0 : i32
      %dma_wait3A_827 = arith.constant 0 : i32
      %dma_wait3A_828 = arith.constant 0 : i32
      %dma_wait3A_829 = tpu.memref_slice %arg6[%add3A, %dma_wait3A, %dma_wait3A_827, %dma_wait3A_828] : memref<32x16x32x20xi32, #tpu.memory_space<hbm>> -> memref<1x16x32x20xi32, #tpu.memory_space<hbm>>
      %dma_wait3A_830 = tpu.memref_squeeze %dma_wait3A_829 : memref<1x16x32x20xi32, #tpu.memory_space<hbm>> -> memref<16x32x20xi32, #tpu.memory_space<hbm>>
      %dma_wait3A_831 = arith.constant 0 : i32
      %dma_wait3A_832 = arith.constant 0 : i32
      %dma_wait3A_833 = arith.constant 0 : i32
      %dma_wait3A_834 = tpu.memref_slice %arg6[%add3A, %dma_wait3A_831, %dma_wait3A_832, %dma_wait3A_833] : memref<32x16x32x20xi32, #tpu.memory_space<hbm>> -> memref<1x16x32x20xi32, #tpu.memory_space<hbm>>
      %dma_wait3A_835 = tpu.memref_squeeze %dma_wait3A_834 : memref<1x16x32x20xi32, #tpu.memory_space<hbm>> -> memref<16x32x20xi32, #tpu.memory_space<hbm>>
      tpu.wait_dma2 semaphore(%run_scoped3A : memref<!tpu.dma_semaphore, #tpu.memory_space<semaphore_mem>>) src(%dma_wait3A_835 : memref<16x32x20xi32, #tpu.memory_space<hbm>>) dst(%arg11 : memref<16x32x20xi32, #tpu.memory_space<vmem>>)
      tpu.yield
    }) : () -> ()
    %iota3A = tpu.iota {dimensions = array<i32: 0>} : vector<16xi32>
    %broadcast_in_dim3A = arith.constant 0 : i32
    %broadcast_in_dim3A_1 = vector.broadcast %broadcast_in_dim3A : i32 to vector<16xi32>
    %add3A_2 = arith.constant 0 : i32
    %add3A_3 = vector.broadcast %add3A_2 : i32 to vector<16xi32>
    %add3A_4 = arith.addi %broadcast_in_dim3A_1, %add3A_3 : vector<16xi32>
    %broadcast_in_dim3A_5 = arith.constant 0 : i32
    %broadcast_in_dim3A_6 = vector.broadcast %broadcast_in_dim3A_5 : i32 to vector<16xi32>
    %add3A_7 = arith.constant 0 : i32
    %add3A_8 = vector.broadcast %add3A_7 : i32 to vector<16xi32>
    %add3A_9 = arith.addi %iota3A, %add3A_8 : vector<16xi32>
    %gather3A = tpu.vector_load_idx %arg11[%add3A_4, %add3A_9, %broadcast_in_dim3A_6] : memref<16x32x20xi32, #tpu.memory_space<vmem>>[vector<16xi32>, vector<16xi32>, vector<16xi32>], vector<16xi32>,
    %swap3A = arith.constant 0 : i32
    %swap3A_10 = arith.constant 0 : i32
    %swap3A_11 = arith.index_cast %swap3A : i32 to index
    %swap3A_12 = arith.index_cast %swap3A_10 : i32 to index
    %swap3A_13 = arith.constant 0 : index
    %swap3A_14 = tpu.vector_load %arg12[%swap3A_11, %swap3A_12, %swap3A_13] {strides = array<i32>} : memref<2x20x32xi32, #tpu.memory_space<vmem>>, vector<16xi32>,
    tpu.vector_store %arg12[%swap3A_11, %swap3A_12, %swap3A_13], %gather3A {strides = array<i32>} : memref<2x20x32xi32, #tpu.memory_space<vmem>>, vector<16xi32>,
    %add3A_15 = arith.constant 16 : i32
    %add3A_16 = vector.broadcast %add3A_15 : i32 to vector<16xi32>
    %add3A_17 = arith.addi %iota3A, %add3A_16 : vector<16xi32>
    %gather3A_18 = tpu.vector_load_idx %arg11[%add3A_4, %add3A_17, %broadcast_in_dim3A_6] : memref<16x32x20xi32, #tpu.memory_space<vmem>>[vector<16xi32>, vector<16xi32>, vector<16xi32>], vector<16xi32>,
    %swap3A_19 = arith.constant 0 : i32
    %swap3A_20 = arith.constant 0 : i32
    %swap3A_21 = arith.index_cast %swap3A_19 : i32 to index
    %swap3A_22 = arith.index_cast %swap3A_20 : i32 to index
    %swap3A_23 = arith.constant 16 : index
    %swap3A_24 = tpu.vector_load %arg12[%swap3A_21, %swap3A_22, %swap3A_23] {strides = array<i32>} : memref<2x20x32xi32, #tpu.memory_space<vmem>>, vector<16xi32>,
    tpu.vector_store %arg12[%swap3A_21, %swap3A_22, %swap3A_23], %gather3A_18 {strides = array<i32>} : memref<2x20x32xi32, #tpu.memory_space<vmem>>, vector<16xi32>,
    %broadcast_in_dim3A_25 = arith.constant 1 : i32
    %broadcast_in_dim3A_26 = vector.broadcast %broadcast_in_dim3A_25 : i32 to vector<16xi32>
    %add3A_27 = arith.constant 0 : i32
    %add3A_28 = vector.broadcast %add3A_27 : i32 to vector<16xi32>
    %add3A_29 = arith.addi %iota3A, %add3A_28 : vector<16xi32>
    %gather3A_30 = tpu.vector_load_idx %arg11[%add3A_4, %add3A_29, %broadcast_in_dim3A_26] : memref<16x32x20xi32, #tpu.memory_space<vmem>>[vector<16xi32>, vector<16xi32>, vector<16xi32>], vector<16xi32>,
    %swap3A_31 = arith.constant 0 : i32
    %swap3A_32 = arith.constant 1 : i32
    %swap3A_33 = arith.index_cast %swap3A_31 : i32 to index
    %swap3A_34 = arith.index_cast %swap3A_32 : i32 to index
    %swap3A_35 = arith.constant 0 : index
    %swap3A_36 = tpu.vector_load %arg12[%swap3A_33, %swap3A_34, %swap3A_35] {strides = array<i32>} : memref<2x20x32xi32, #tpu.memory_space<vmem>>, vector<16xi32>,
    tpu.vector_store %arg12[%swap3A_33, %swap3A_34, %swap3A_35], %gather3A_30 {strides = array<i32>} : memref<2x20x32xi32, #tpu.memory_space<vmem>>, vector<16xi32>,
    %add3A_37 = arith.constant 16 : i32
    %add3A_38 = vector.broadcast %add3A_37 : i32 to vector<16xi32>
    %add3A_39 = arith.addi %iota3A, %add3A_38 : vector<16xi32>
    %gather3A_40 = tpu.vector_load_idx %arg11[%add3A_4, %add3A_39, %broadcast_in_dim3A_26] : memref<16x32x20xi32, #tpu.memory_space<vmem>>[vector<16xi32>, vector<16xi32>, vector<16xi32>], vector<16xi32>,
    %swap3A_41 = arith.constant 0 : i32
    %swap3A_42 = arith.constant 1 : i32
    %swap3A_43 = arith.index_cast %swap3A_41 : i32 to index
    %swap3A_44 = arith.index_cast %swap3A_42 : i32 to index
    %swap3A_45 = arith.constant 16 : index
    %swap3A_46 = tpu.vector_load %arg12[%swap3A_43, %swap3A_44, %swap3A_45] {strides = array<i32>} : memref<2x20x32xi32, #tpu.memory_space<vmem>>, vector<16xi32>,
    tpu.vector_store %arg12[%swap3A_43, %swap3A_44, %swap3A_45], %gather3A_40 {strides = array<i32>} : memref<2x20x32xi32, #tpu.memory_space<vmem>>, vector<16xi32>,
    %broadcast_in_dim3A_47 = arith.constant 2 : i32
    %broadcast_in_dim3A_48 = vector.broadcast %broadcast_in_dim3A_47 : i32 to vector<16xi32>
    %add3A_49 = arith.constant 0 : i32
    %add3A_50 = vector.broadcast %add3A_49 : i32 to vector<16xi32>
    %add3A_51 = arith.addi %iota3A, %add3A_50 : vector<16xi32>
    %gather3A_52 = tpu.vector_load_idx %arg11[%add3A_4, %add3A_51, %broadcast_in_dim3A_48] : memref<16x32x20xi32, #tpu.memory_space<vmem>>[vector<16xi32>, vector<16xi32>, vector<16xi32>], vector<16xi32>,
    %swap3A_53 = arith.constant 0 : i32
    %swap3A_54 = arith.constant 2 : i32
    %swap3A_55 = arith.index_cast %swap3A_53 : i32 to index
    %swap3A_56 = arith.index_cast %swap3A_54 : i32 to index
    %swap3A_57 = arith.constant 0 : index
    %swap3A_58 = tpu.vector_load %arg12[%swap3A_55, %swap3A_56, %swap3A_57] {strides = array<i32>} : memref<2x20x32xi32, #tpu.memory_space<vmem>>, vector<16xi32>,
    tpu.vector_store %arg12[%swap3A_55, %swap3A_56, %swap3A_57], %gather3A_52 {strides = array<i32>} : memref<2x20x32xi32, #tpu.memory_space<vmem>>, vector<16xi32>,
    %add3A_59 = arith.constant 16 : i32
    %add3A_60 = vector.broadcast %add3A_59 : i32 to vector<16xi32>
    %add3A_61 = arith.addi %iota3A, %add3A_60 : vector<16xi32>
    %gather3A_62 = tpu.vector_load_idx %arg11[%add3A_4, %add3A_61, %broadcast_in_dim3A_48] : memref<16x32x20xi32, #tpu.memory_space<vmem>>[vector<16xi32>, vector<16xi32>, vector<16xi32>], vector<16xi32>,
    %swap3A_63 = arith.constant 0 : i32
    %swap3A_64 = arith.constant 2 : i32
    %swap3A_65 = arith.index_cast %swap3A_63 : i32 to index
    %swap3A_66 = arith.index_cast %swap3A_64 : i32 to index
    %swap3A_67 = arith.constant 16 : index
    %swap3A_68 = tpu.vector_load %arg12[%swap3A_65, %swap3A_66, %swap3A_67] {strides = array<i32>} : memref<2x20x32xi32, #tpu.memory_space<vmem>>, vector<16xi32>,
    tpu.vector_store %arg12[%swap3A_65, %swap3A_66, %swap3A_67], %gather3A_62 {strides = array<i32>} : memref<2x20x32xi32, #tpu.memory_space<vmem>>, vector<16xi32>,
    %broadcast_in_dim3A_69 = arith.constant 3 : i32
    %broadcast_in_dim3A_70 = vector.broadcast %broadcast_in_dim3A_69 : i32 to vector<16xi32>
    %add3A_71 = arith.constant 0 : i32
    %add3A_72 = vector.broadcast %add3A_71 : i32 to vector<16xi32>
    %add3A_73 = arith.addi %iota3A, %add3A_72 : vector<16xi32>
    %gather3A_74 = tpu.vector_load_idx %arg11[%add3A_4, %add3A_73, %broadcast_in_dim3A_70] : memref<16x32x20xi32, #tpu.memory_space<vmem>>[vector<16xi32>, vector<16xi32>, vector<16xi32>], vector<16xi32>,
    %swap3A_75 = arith.constant 0 : i32
    %swap3A_76 = arith.constant 3 : i32
    %swap3A_77 = arith.index_cast %swap3A_75 : i32 to index
    %swap3A_78 = arith.index_cast %swap3A_76 : i32 to index
    %swap3A_79 = arith.constant 0 : index
    %swap3A_80 = tpu.vector_load %arg12[%swap3A_77, %swap3A_78, %swap3A_79] {strides = array<i32>} : memref<2x20x32xi32, #tpu.memory_space<vmem>>, vector<16xi32>,
    tpu.vector_store %arg12[%swap3A_77, %swap3A_78, %swap3A_79], %gather3A_74 {strides = array<i32>} : memref<2x20x32xi32, #tpu.memory_space<vmem>>, vector<16xi32>,
    %add3A_81 = arith.constant 16 : i32
    %add3A_82 = vector.broadcast %add3A_81 : i32 to vector<16xi32>
    %add3A_83 = arith.addi %iota3A, %add3A_82 : vector<16xi32>
    %gather3A_84 = tpu.vector_load_idx %arg11[%add3A_4, %add3A_83, %broadcast_in_dim3A_70] : memref<16x32x20xi32, #tpu.memory_space<vmem>>[vector<16xi32>, vector<16xi32>, vector<16xi32>], vector<16xi32>,
    %swap3A_85 = arith.constant 0 : i32
    %swap3A_86 = arith.constant 3 : i32
    %swap3A_87 = arith.index_cast %swap3A_85 : i32 to index
    %swap3A_88 = arith.index_cast %swap3A_86 : i32 to index
    %swap3A_89 = arith.constant 16 : index
    %swap3A_90 = tpu.vector_load %arg12[%swap3A_87, %swap3A_88, %swap3A_89] {strides = array<i32>} : memref<2x20x32xi32, #tpu.memory_space<vmem>>, vector<16xi32>,
    tpu.vector_store %arg12[%swap3A_87, %swap3A_88, %swap3A_89], %gather3A_84 {strides = array<i32>} : memref<2x20x32xi32, #tpu.memory_space<vmem>>, vector<16xi32>,
    %broadcast_in_dim3A_91 = arith.constant 4 : i32
    %broadcast_in_dim3A_92 = vector.broadcast %broadcast_in_dim3A_91 : i32 to vector<16xi32>
    %add3A_93 = arith.constant 0 : i32
    %add3A_94 = vector.broadcast %add3A_93 : i32 to vector<16xi32>
    %add3A_95 = arith.addi %iota3A, %add3A_94 : vector<16xi32>
    %gather3A_96 = tpu.vector_load_idx %arg11[%add3A_4, %add3A_95, %broadcast_in_dim3A_92] : memref<16x32x20xi32, #tpu.memory_space<vmem>>[vector<16xi32>, vector<16xi32>, vector<16xi32>], vector<16xi32>,
    %swap3A_97 = arith.constant 0 : i32
    %swap3A_98 = arith.constant 4 : i32
    %swap3A_99 = arith.index_cast %swap3A_97 : i32 to index
    %swap3A_100 = arith.index_cast %swap3A_98 : i32 to index
    %swap3A_101 = arith.constant 0 : index
    %swap3A_102 = tpu.vector_load %arg12[%swap3A_99, %swap3A_100, %swap3A_101] {strides = array<i32>} : memref<2x20x32xi32, #tpu.memory_space<vmem>>, vector<16xi32>,
    tpu.vector_store %arg12[%swap3A_99, %swap3A_100, %swap3A_101], %gather3A_96 {strides = array<i32>} : memref<2x20x32xi32, #tpu.memory_space<vmem>>, vector<16xi32>,
    %add3A_103 = arith.constant 16 : i32
    %add3A_104 = vector.broadcast %add3A_103 : i32 to vector<16xi32>
    %add3A_105 = arith.addi %iota3A, %add3A_104 : vector<16xi32>
    %gather3A_106 = tpu.vector_load_idx %arg11[%add3A_4, %add3A_105, %broadcast_in_dim3A_92] : memref<16x32x20xi32, #tpu.memory_space<vmem>>[vector<16xi32>, vector<16xi32>, vector<16xi32>], vector<16xi32>,
    %swap3A_107 = arith.constant 0 : i32
    %swap3A_108 = arith.constant 4 : i32
    %swap3A_109 = arith.index_cast %swap3A_107 : i32 to index
    %swap3A_110 = arith.index_cast %swap3A_108 : i32 to index
    %swap3A_111 = arith.constant 16 : index
    %swap3A_112 = tpu.vector_load %arg12[%swap3A_109, %swap3A_110, %swap3A_111] {strides = array<i32>} : memref<2x20x32xi32, #tpu.memory_space<vmem>>, vector<16xi32>,
    tpu.vector_store %arg12[%swap3A_109, %swap3A_110, %swap3A_111], %gather3A_106 {strides = array<i32>} : memref<2x20x32xi32, #tpu.memory_space<vmem>>, vector<16xi32>,
    %broadcast_in_dim3A_113 = arith.constant 5 : i32
    %broadcast_in_dim3A_114 = vector.broadcast %broadcast_in_dim3A_113 : i32 to vector<16xi32>
    %add3A_115 = arith.constant 0 : i32
    %add3A_116 = vector.broadcast %add3A_115 : i32 to vector<16xi32>
    %add3A_117 = arith.addi %iota3A, %add3A_116 : vector<16xi32>
    %gather3A_118 = tpu.vector_load_idx %arg11[%add3A_4, %add3A_117, %broadcast_in_dim3A_114] : memref<16x32x20xi32, #tpu.memory_space<vmem>>[vector<16xi32>, vector<16xi32>, vector<16xi32>], vector<16xi32>,
    %swap3A_119 = arith.constant 0 : i32
    %swap3A_120 = arith.constant 5 : i32
    %swap3A_121 = arith.index_cast %swap3A_119 : i32 to index
    %swap3A_122 = arith.index_cast %swap3A_120 : i32 to index
    %swap3A_123 = arith.constant 0 : index
    %swap3A_124 = tpu.vector_load %arg12[%swap3A_121, %swap3A_122, %swap3A_123] {strides = array<i32>} : memref<2x20x32xi32, #tpu.memory_space<vmem>>, vector<16xi32>,
    tpu.vector_store %arg12[%swap3A_121, %swap3A_122, %swap3A_123], %gather3A_118 {strides = array<i32>} : memref<2x20x32xi32, #tpu.memory_space<vmem>>, vector<16xi32>,
    %add3A_125 = arith.constant 16 : i32
    %add3A_126 = vector.broadcast %add3A_125 : i32 to vector<16xi32>
    %add3A_127 = arith.addi %iota3A, %add3A_126 : vector<16xi32>
    %gather3A_128 = tpu.vector_load_idx %arg11[%add3A_4, %add3A_127, %broadcast_in_dim3A_114] : memref<16x32x20xi32, #tpu.memory_space<vmem>>[vector<16xi32>, vector<16xi32>, vector<16xi32>], vector<16xi32>,
    %swap3A_129 = arith.constant 0 : i32
    %swap3A_130 = arith.constant 5 : i32
    %swap3A_131 = arith.index_cast %swap3A_129 : i32 to index
    %swap3A_132 = arith.index_cast %swap3A_130 : i32 to index
    %swap3A_133 = arith.constant 16 : index
    %swap3A_134 = tpu.vector_load %arg12[%swap3A_131, %swap3A_132, %swap3A_133] {strides = array<i32>} : memref<2x20x32xi32, #tpu.memory_space<vmem>>, vector<16xi32>,
    tpu.vector_store %arg12[%swap3A_131, %swap3A_132, %swap3A_133], %gather3A_128 {strides = array<i32>} : memref<2x20x32xi32, #tpu.memory_space<vmem>>, vector<16xi32>,
    %broadcast_in_dim3A_135 = arith.constant 6 : i32
    %broadcast_in_dim3A_136 = vector.broadcast %broadcast_in_dim3A_135 : i32 to vector<16xi32>
    %add3A_137 = arith.constant 0 : i32
    %add3A_138 = vector.broadcast %add3A_137 : i32 to vector<16xi32>
    %add3A_139 = arith.addi %iota3A, %add3A_138 : vector<16xi32>
    %gather3A_140 = tpu.vector_load_idx %arg11[%add3A_4, %add3A_139, %broadcast_in_dim3A_136] : memref<16x32x20xi32, #tpu.memory_space<vmem>>[vector<16xi32>, vector<16xi32>, vector<16xi32>], vector<16xi32>,
    %swap3A_141 = arith.constant 0 : i32
    %swap3A_142 = arith.constant 6 : i32
    %swap3A_143 = arith.index_cast %swap3A_141 : i32 to index
    %swap3A_144 = arith.index_cast %swap3A_142 : i32 to index
    %swap3A_145 = arith.constant 0 : index
    %swap3A_146 = tpu.vector_load %arg12[%swap3A_143, %swap3A_144, %swap3A_145] {strides = array<i32>} : memref<2x20x32xi32, #tpu.memory_space<vmem>>, vector<16xi32>,
    tpu.vector_store %arg12[%swap3A_143, %swap3A_144, %swap3A_145], %gather3A_140 {strides = array<i32>} : memref<2x20x32xi32, #tpu.memory_space<vmem>>, vector<16xi32>,
    %add3A_147 = arith.constant 16 : i32
    %add3A_148 = vector.broadcast %add3A_147 : i32 to vector<16xi32>
    %add3A_149 = arith.addi %iota3A, %add3A_148 : vector<16xi32>
    %gather3A_150 = tpu.vector_load_idx %arg11[%add3A_4, %add3A_149, %broadcast_in_dim3A_136] : memref<16x32x20xi32, #tpu.memory_space<vmem>>[vector<16xi32>, vector<16xi32>, vector<16xi32>], vector<16xi32>,
    %swap3A_151 = arith.constant 0 : i32
    %swap3A_152 = arith.constant 6 : i32
    %swap3A_153 = arith.index_cast %swap3A_151 : i32 to index
    %swap3A_154 = arith.index_cast %swap3A_152 : i32 to index
    %swap3A_155 = arith.constant 16 : index
    %swap3A_156 = tpu.vector_load %arg12[%swap3A_153, %swap3A_154, %swap3A_155] {strides = array<i32>} : memref<2x20x32xi32, #tpu.memory_space<vmem>>, vector<16xi32>,
    tpu.vector_store %arg12[%swap3A_153, %swap3A_154, %swap3A_155], %gather3A_150 {strides = array<i32>} : memref<2x20x32xi32, #tpu.memory_space<vmem>>, vector<16xi32>,
    %broadcast_in_dim3A_157 = arith.constant 7 : i32
    %broadcast_in_dim3A_158 = vector.broadcast %broadcast_in_dim3A_157 : i32 to vector<16xi32>
    %add3A_159 = arith.constant 0 : i32
    %add3A_160 = vector.broadcast %add3A_159 : i32 to vector<16xi32>
    %add3A_161 = arith.addi %iota3A, %add3A_160 : vector<16xi32>
    %gather3A_162 = tpu.vector_load_idx %arg11[%add3A_4, %add3A_161, %broadcast_in_dim3A_158] : memref<16x32x20xi32, #tpu.memory_space<vmem>>[vector<16xi32>, vector<16xi32>, vector<16xi32>], vector<16xi32>,
    %swap3A_163 = arith.constant 0 : i32
    %swap3A_164 = arith.constant 7 : i32
    %swap3A_165 = arith.index_cast %swap3A_163 : i32 to index
    %swap3A_166 = arith.index_cast %swap3A_164 : i32 to index
    %swap3A_167 = arith.constant 0 : index
    %swap3A_168 = tpu.vector_load %arg12[%swap3A_165, %swap3A_166, %swap3A_167] {strides = array<i32>} : memref<2x20x32xi32, #tpu.memory_space<vmem>>, vector<16xi32>,
    tpu.vector_store %arg12[%swap3A_165, %swap3A_166, %swap3A_167], %gather3A_162 {strides = array<i32>} : memref<2x20x32xi32, #tpu.memory_space<vmem>>, vector<16xi32>,
    %add3A_169 = arith.constant 16 : i32
    %add3A_170 = vector.broadcast %add3A_169 : i32 to vector<16xi32>
    %add3A_171 = arith.addi %iota3A, %add3A_170 : vector<16xi32>
    %gather3A_172 = tpu.vector_load_idx %arg11[%add3A_4, %add3A_171, %broadcast_in_dim3A_158] : memref<16x32x20xi32, #tpu.memory_space<vmem>>[vector<16xi32>, vector<16xi32>, vector<16xi32>], vector<16xi32>,
    %swap3A_173 = arith.constant 0 : i32
    %swap3A_174 = arith.constant 7 : i32
    %swap3A_175 = arith.index_cast %swap3A_173 : i32 to index
    %swap3A_176 = arith.index_cast %swap3A_174 : i32 to index
    %swap3A_177 = arith.constant 16 : index
    %swap3A_178 = tpu.vector_load %arg12[%swap3A_175, %swap3A_176, %swap3A_177] {strides = array<i32>} : memref<2x20x32xi32, #tpu.memory_space<vmem>>, vector<16xi32>,
    tpu.vector_store %arg12[%swap3A_175, %swap3A_176, %swap3A_177], %gather3A_172 {strides = array<i32>} : memref<2x20x32xi32, #tpu.memory_space<vmem>>, vector<16xi32>,
    %broadcast_in_dim3A_179 = arith.constant 8 : i32
    %broadcast_in_dim3A_180 = vector.broadcast %broadcast_in_dim3A_179 : i32 to vector<16xi32>
    %add3A_181 = arith.constant 0 : i32
    %add3A_182 = vector.broadcast %add3A_181 : i32 to vector<16xi32>
    %add3A_183 = arith.addi %iota3A, %add3A_182 : vector<16xi32>
    %gather3A_184 = tpu.vector_load_idx %arg11[%add3A_4, %add3A_183, %broadcast_in_dim3A_180] : memref<16x32x20xi32, #tpu.memory_space<vmem>>[vector<16xi32>, vector<16xi32>, vector<16xi32>], vector<16xi32>,
    %swap3A_185 = arith.constant 0 : i32
    %swap3A_186 = arith.constant 8 : i32
    %swap3A_187 = arith.index_cast %swap3A_185 : i32 to index
    %swap3A_188 = arith.index_cast %swap3A_186 : i32 to index
    %swap3A_189 = arith.constant 0 : index
    %swap3A_190 = tpu.vector_load %arg12[%swap3A_187, %swap3A_188, %swap3A_189] {strides = array<i32>} : memref<2x20x32xi32, #tpu.memory_space<vmem>>, vector<16xi32>,
    tpu.vector_store %arg12[%swap3A_187, %swap3A_188, %swap3A_189], %gather3A_184 {strides = array<i32>} : memref<2x20x32xi32, #tpu.memory_space<vmem>>, vector<16xi32>,
    %add3A_191 = arith.constant 16 : i32
    %add3A_192 = vector.broadcast %add3A_191 : i32 to vector<16xi32>
    %add3A_193 = arith.addi %iota3A, %add3A_192 : vector<16xi32>
    %gather3A_194 = tpu.vector_load_idx %arg11[%add3A_4, %add3A_193, %broadcast_in_dim3A_180] : memref<16x32x20xi32, #tpu.memory_space<vmem>>[vector<16xi32>, vector<16xi32>, vector<16xi32>], vector<16xi32>,
    %swap3A_195 = arith.constant 0 : i32
    %swap3A_196 = arith.constant 8 : i32
    %swap3A_197 = arith.index_cast %swap3A_195 : i32 to index
    %swap3A_198 = arith.index_cast %swap3A_196 : i32 to index
    %swap3A_199 = arith.constant 16 : index
    %swap3A_200 = tpu.vector_load %arg12[%swap3A_197, %swap3A_198, %swap3A_199] {strides = array<i32>} : memref<2x20x32xi32, #tpu.memory_space<vmem>>, vector<16xi32>,
    tpu.vector_store %arg12[%swap3A_197, %swap3A_198, %swap3A_199], %gather3A_194 {strides = array<i32>} : memref<2x20x32xi32, #tpu.memory_space<vmem>>, vector<16xi32>,
    %broadcast_in_dim3A_201 = arith.constant 9 : i32
    %broadcast_in_dim3A_202 = vector.broadcast %broadcast_in_dim3A_201 : i32 to vector<16xi32>
    %add3A_203 = arith.constant 0 : i32
    %add3A_204 = vector.broadcast %add3A_203 : i32 to vector<16xi32>
    %add3A_205 = arith.addi %iota3A, %add3A_204 : vector<16xi32>
    %gather3A_206 = tpu.vector_load_idx %arg11[%add3A_4, %add3A_205, %broadcast_in_dim3A_202] : memref<16x32x20xi32, #tpu.memory_space<vmem>>[vector<16xi32>, vector<16xi32>, vector<16xi32>], vector<16xi32>,
    %swap3A_207 = arith.constant 0 : i32
    %swap3A_208 = arith.constant 9 : i32
    %swap3A_209 = arith.index_cast %swap3A_207 : i32 to index
    %swap3A_210 = arith.index_cast %swap3A_208 : i32 to index
    %swap3A_211 = arith.constant 0 : index
    %swap3A_212 = tpu.vector_load %arg12[%swap3A_209, %swap3A_210, %swap3A_211] {strides = array<i32>} : memref<2x20x32xi32, #tpu.memory_space<vmem>>, vector<16xi32>,
    tpu.vector_store %arg12[%swap3A_209, %swap3A_210, %swap3A_211], %gather3A_206 {strides = array<i32>} : memref<2x20x32xi32, #tpu.memory_space<vmem>>, vector<16xi32>,
    %add3A_213 = arith.constant 16 : i32
    %add3A_214 = vector.broadcast %add3A_213 : i32 to vector<16xi32>
    %add3A_215 = arith.addi %iota3A, %add3A_214 : vector<16xi32>
    %gather3A_216 = tpu.vector_load_idx %arg11[%add3A_4, %add3A_215, %broadcast_in_dim3A_202] : memref<16x32x20xi32, #tpu.memory_space<vmem>>[vector<16xi32>, vector<16xi32>, vector<16xi32>], vector<16xi32>,
    %swap3A_217 = arith.constant 0 : i32
    %swap3A_218 = arith.constant 9 : i32
    %swap3A_219 = arith.index_cast %swap3A_217 : i32 to index
    %swap3A_220 = arith.index_cast %swap3A_218 : i32 to index
    %swap3A_221 = arith.constant 16 : index
    %swap3A_222 = tpu.vector_load %arg12[%swap3A_219, %swap3A_220, %swap3A_221] {strides = array<i32>} : memref<2x20x32xi32, #tpu.memory_space<vmem>>, vector<16xi32>,
    tpu.vector_store %arg12[%swap3A_219, %swap3A_220, %swap3A_221], %gather3A_216 {strides = array<i32>} : memref<2x20x32xi32, #tpu.memory_space<vmem>>, vector<16xi32>,
    %broadcast_in_dim3A_223 = arith.constant 10 : i32
    %broadcast_in_dim3A_224 = vector.broadcast %broadcast_in_dim3A_223 : i32 to vector<16xi32>
    %add3A_225 = arith.constant 0 : i32
    %add3A_226 = vector.broadcast %add3A_225 : i32 to vector<16xi32>
    %add3A_227 = arith.addi %iota3A, %add3A_226 : vector<16xi32>
    %gather3A_228 = tpu.vector_load_idx %arg11[%add3A_4, %add3A_227, %broadcast_in_dim3A_224] : memref<16x32x20xi32, #tpu.memory_space<vmem>>[vector<16xi32>, vector<16xi32>, vector<16xi32>], vector<16xi32>,
    %swap3A_229 = arith.constant 0 : i32
    %swap3A_230 = arith.constant 10 : i32
    %swap3A_231 = arith.index_cast %swap3A_229 : i32 to index
    %swap3A_232 = arith.index_cast %swap3A_230 : i32 to index
    %swap3A_233 = arith.constant 0 : index
    %swap3A_234 = tpu.vector_load %arg12[%swap3A_231, %swap3A_232, %swap3A_233] {strides = array<i32>} : memref<2x20x32xi32, #tpu.memory_space<vmem>>, vector<16xi32>,
    tpu.vector_store %arg12[%swap3A_231, %swap3A_232, %swap3A_233], %gather3A_228 {strides = array<i32>} : memref<2x20x32xi32, #tpu.memory_space<vmem>>, vector<16xi32>,
    %add3A_235 = arith.constant 16 : i32
    %add3A_236 = vector.broadcast %add3A_235 : i32 to vector<16xi32>
    %add3A_237 = arith.addi %iota3A, %add3A_236 : vector<16xi32>
    %gather3A_238 = tpu.vector_load_idx %arg11[%add3A_4, %add3A_237, %broadcast_in_dim3A_224] : memref<16x32x20xi32, #tpu.memory_space<vmem>>[vector<16xi32>, vector<16xi32>, vector<16xi32>], vector<16xi32>,
    %swap3A_239 = arith.constant 0 : i32
    %swap3A_240 = arith.constant 10 : i32
    %swap3A_241 = arith.index_cast %swap3A_239 : i32 to index
    %swap3A_242 = arith.index_cast %swap3A_240 : i32 to index
    %swap3A_243 = arith.constant 16 : index
    %swap3A_244 = tpu.vector_load %arg12[%swap3A_241, %swap3A_242, %swap3A_243] {strides = array<i32>} : memref<2x20x32xi32, #tpu.memory_space<vmem>>, vector<16xi32>,
    tpu.vector_store %arg12[%swap3A_241, %swap3A_242, %swap3A_243], %gather3A_238 {strides = array<i32>} : memref<2x20x32xi32, #tpu.memory_space<vmem>>, vector<16xi32>,
    %broadcast_in_dim3A_245 = arith.constant 11 : i32
    %broadcast_in_dim3A_246 = vector.broadcast %broadcast_in_dim3A_245 : i32 to vector<16xi32>
    %add3A_247 = arith.constant 0 : i32
    %add3A_248 = vector.broadcast %add3A_247 : i32 to vector<16xi32>
    %add3A_249 = arith.addi %iota3A, %add3A_248 : vector<16xi32>
    %gather3A_250 = tpu.vector_load_idx %arg11[%add3A_4, %add3A_249, %broadcast_in_dim3A_246] : memref<16x32x20xi32, #tpu.memory_space<vmem>>[vector<16xi32>, vector<16xi32>, vector<16xi32>], vector<16xi32>,
    %swap3A_251 = arith.constant 0 : i32
    %swap3A_252 = arith.constant 11 : i32
    %swap3A_253 = arith.index_cast %swap3A_251 : i32 to index
    %swap3A_254 = arith.index_cast %swap3A_252 : i32 to index
    %swap3A_255 = arith.constant 0 : index
    %swap3A_256 = tpu.vector_load %arg12[%swap3A_253, %swap3A_254, %swap3A_255] {strides = array<i32>} : memref<2x20x32xi32, #tpu.memory_space<vmem>>, vector<16xi32>,
    tpu.vector_store %arg12[%swap3A_253, %swap3A_254, %swap3A_255], %gather3A_250 {strides = array<i32>} : memref<2x20x32xi32, #tpu.memory_space<vmem>>, vector<16xi32>,
    %add3A_257 = arith.constant 16 : i32
    %add3A_258 = vector.broadcast %add3A_257 : i32 to vector<16xi32>
    %add3A_259 = arith.addi %iota3A, %add3A_258 : vector<16xi32>
    %gather3A_260 = tpu.vector_load_idx %arg11[%add3A_4, %add3A_259, %broadcast_in_dim3A_246] : memref<16x32x20xi32, #tpu.memory_space<vmem>>[vector<16xi32>, vector<16xi32>, vector<16xi32>], vector<16xi32>,
    %swap3A_261 = arith.constant 0 : i32
    %swap3A_262 = arith.constant 11 : i32
    %swap3A_263 = arith.index_cast %swap3A_261 : i32 to index
    %swap3A_264 = arith.index_cast %swap3A_262 : i32 to index
    %swap3A_265 = arith.constant 16 : index
    %swap3A_266 = tpu.vector_load %arg12[%swap3A_263, %swap3A_264, %swap3A_265] {strides = array<i32>} : memref<2x20x32xi32, #tpu.memory_space<vmem>>, vector<16xi32>,
    tpu.vector_store %arg12[%swap3A_263, %swap3A_264, %swap3A_265], %gather3A_260 {strides = array<i32>} : memref<2x20x32xi32, #tpu.memory_space<vmem>>, vector<16xi32>,
    %broadcast_in_dim3A_267 = arith.constant 12 : i32
    %broadcast_in_dim3A_268 = vector.broadcast %broadcast_in_dim3A_267 : i32 to vector<16xi32>
    %add3A_269 = arith.constant 0 : i32
    %add3A_270 = vector.broadcast %add3A_269 : i32 to vector<16xi32>
    %add3A_271 = arith.addi %iota3A, %add3A_270 : vector<16xi32>
    %gather3A_272 = tpu.vector_load_idx %arg11[%add3A_4, %add3A_271, %broadcast_in_dim3A_268] : memref<16x32x20xi32, #tpu.memory_space<vmem>>[vector<16xi32>, vector<16xi32>, vector<16xi32>], vector<16xi32>,
    %swap3A_273 = arith.constant 0 : i32
    %swap3A_274 = arith.constant 12 : i32
    %swap3A_275 = arith.index_cast %swap3A_273 : i32 to index
    %swap3A_276 = arith.index_cast %swap3A_274 : i32 to index
    %swap3A_277 = arith.constant 0 : index
    %swap3A_278 = tpu.vector_load %arg12[%swap3A_275, %swap3A_276, %swap3A_277] {strides = array<i32>} : memref<2x20x32xi32, #tpu.memory_space<vmem>>, vector<16xi32>,
    tpu.vector_store %arg12[%swap3A_275, %swap3A_276, %swap3A_277], %gather3A_272 {strides = array<i32>} : memref<2x20x32xi32, #tpu.memory_space<vmem>>, vector<16xi32>,
    %add3A_279 = arith.constant 16 : i32
    %add3A_280 = vector.broadcast %add3A_279 : i32 to vector<16xi32>
    %add3A_281 = arith.addi %iota3A, %add3A_280 : vector<16xi32>
    %gather3A_282 = tpu.vector_load_idx %arg11[%add3A_4, %add3A_281, %broadcast_in_dim3A_268] : memref<16x32x20xi32, #tpu.memory_space<vmem>>[vector<16xi32>, vector<16xi32>, vector<16xi32>], vector<16xi32>,
    %swap3A_283 = arith.constant 0 : i32
    %swap3A_284 = arith.constant 12 : i32
    %swap3A_285 = arith.index_cast %swap3A_283 : i32 to index
    %swap3A_286 = arith.index_cast %swap3A_284 : i32 to index
    %swap3A_287 = arith.constant 16 : index
    %swap3A_288 = tpu.vector_load %arg12[%swap3A_285, %swap3A_286, %swap3A_287] {strides = array<i32>} : memref<2x20x32xi32, #tpu.memory_space<vmem>>, vector<16xi32>,
    tpu.vector_store %arg12[%swap3A_285, %swap3A_286, %swap3A_287], %gather3A_282 {strides = array<i32>} : memref<2x20x32xi32, #tpu.memory_space<vmem>>, vector<16xi32>,
    %broadcast_in_dim3A_289 = arith.constant 13 : i32
    %broadcast_in_dim3A_290 = vector.broadcast %broadcast_in_dim3A_289 : i32 to vector<16xi32>
    %add3A_291 = arith.constant 0 : i32
    %add3A_292 = vector.broadcast %add3A_291 : i32 to vector<16xi32>
    %add3A_293 = arith.addi %iota3A, %add3A_292 : vector<16xi32>
    %gather3A_294 = tpu.vector_load_idx %arg11[%add3A_4, %add3A_293, %broadcast_in_dim3A_290] : memref<16x32x20xi32, #tpu.memory_space<vmem>>[vector<16xi32>, vector<16xi32>, vector<16xi32>], vector<16xi32>,
    %swap3A_295 = arith.constant 0 : i32
    %swap3A_296 = arith.constant 13 : i32
    %swap3A_297 = arith.index_cast %swap3A_295 : i32 to index
    %swap3A_298 = arith.index_cast %swap3A_296 : i32 to index
    %swap3A_299 = arith.constant 0 : index
    %swap3A_300 = tpu.vector_load %arg12[%swap3A_297, %swap3A_298, %swap3A_299] {strides = array<i32>} : memref<2x20x32xi32, #tpu.memory_space<vmem>>, vector<16xi32>,
    tpu.vector_store %arg12[%swap3A_297, %swap3A_298, %swap3A_299], %gather3A_294 {strides = array<i32>} : memref<2x20x32xi32, #tpu.memory_space<vmem>>, vector<16xi32>,
    %add3A_301 = arith.constant 16 : i32
    %add3A_302 = vector.broadcast %add3A_301 : i32 to vector<16xi32>
    %add3A_303 = arith.addi %iota3A, %add3A_302 : vector<16xi32>
    %gather3A_304 = tpu.vector_load_idx %arg11[%add3A_4, %add3A_303, %broadcast_in_dim3A_290] : memref<16x32x20xi32, #tpu.memory_space<vmem>>[vector<16xi32>, vector<16xi32>, vector<16xi32>], vector<16xi32>,
    %swap3A_305 = arith.constant 0 : i32
    %swap3A_306 = arith.constant 13 : i32
    %swap3A_307 = arith.index_cast %swap3A_305 : i32 to index
    %swap3A_308 = arith.index_cast %swap3A_306 : i32 to index
    %swap3A_309 = arith.constant 16 : index
    %swap3A_310 = tpu.vector_load %arg12[%swap3A_307, %swap3A_308, %swap3A_309] {strides = array<i32>} : memref<2x20x32xi32, #tpu.memory_space<vmem>>, vector<16xi32>,
    tpu.vector_store %arg12[%swap3A_307, %swap3A_308, %swap3A_309], %gather3A_304 {strides = array<i32>} : memref<2x20x32xi32, #tpu.memory_space<vmem>>, vector<16xi32>,
    %broadcast_in_dim3A_311 = arith.constant 14 : i32
    %broadcast_in_dim3A_312 = vector.broadcast %broadcast_in_dim3A_311 : i32 to vector<16xi32>
    %add3A_313 = arith.constant 0 : i32
    %add3A_314 = vector.broadcast %add3A_313 : i32 to vector<16xi32>
    %add3A_315 = arith.addi %iota3A, %add3A_314 : vector<16xi32>
    %gather3A_316 = tpu.vector_load_idx %arg11[%add3A_4, %add3A_315, %broadcast_in_dim3A_312] : memref<16x32x20xi32, #tpu.memory_space<vmem>>[vector<16xi32>, vector<16xi32>, vector<16xi32>], vector<16xi32>,
    %swap3A_317 = arith.constant 0 : i32
    %swap3A_318 = arith.constant 14 : i32
    %swap3A_319 = arith.index_cast %swap3A_317 : i32 to index
    %swap3A_320 = arith.index_cast %swap3A_318 : i32 to index
    %swap3A_321 = arith.constant 0 : index
    %swap3A_322 = tpu.vector_load %arg12[%swap3A_319, %swap3A_320, %swap3A_321] {strides = array<i32>} : memref<2x20x32xi32, #tpu.memory_space<vmem>>, vector<16xi32>,
    tpu.vector_store %arg12[%swap3A_319, %swap3A_320, %swap3A_321], %gather3A_316 {strides = array<i32>} : memref<2x20x32xi32, #tpu.memory_space<vmem>>, vector<16xi32>,
    %add3A_323 = arith.constant 16 : i32
    %add3A_324 = vector.broadcast %add3A_323 : i32 to vector<16xi32>
    %add3A_325 = arith.addi %iota3A, %add3A_324 : vector<16xi32>
    %gather3A_326 = tpu.vector_load_idx %arg11[%add3A_4, %add3A_325, %broadcast_in_dim3A_312] : memref<16x32x20xi32, #tpu.memory_space<vmem>>[vector<16xi32>, vector<16xi32>, vector<16xi32>], vector<16xi32>,
    %swap3A_327 = arith.constant 0 : i32
    %swap3A_328 = arith.constant 14 : i32
    %swap3A_329 = arith.index_cast %swap3A_327 : i32 to index
    %swap3A_330 = arith.index_cast %swap3A_328 : i32 to index
    %swap3A_331 = arith.constant 16 : index
    %swap3A_332 = tpu.vector_load %arg12[%swap3A_329, %swap3A_330, %swap3A_331] {strides = array<i32>} : memref<2x20x32xi32, #tpu.memory_space<vmem>>, vector<16xi32>,
    tpu.vector_store %arg12[%swap3A_329, %swap3A_330, %swap3A_331], %gather3A_326 {strides = array<i32>} : memref<2x20x32xi32, #tpu.memory_space<vmem>>, vector<16xi32>,
    %broadcast_in_dim3A_333 = arith.constant 15 : i32
    %broadcast_in_dim3A_334 = vector.broadcast %broadcast_in_dim3A_333 : i32 to vector<16xi32>
    %add3A_335 = arith.constant 0 : i32
    %add3A_336 = vector.broadcast %add3A_335 : i32 to vector<16xi32>
    %add3A_337 = arith.addi %iota3A, %add3A_336 : vector<16xi32>
    %gather3A_338 = tpu.vector_load_idx %arg11[%add3A_4, %add3A_337, %broadcast_in_dim3A_334] : memref<16x32x20xi32, #tpu.memory_space<vmem>>[vector<16xi32>, vector<16xi32>, vector<16xi32>], vector<16xi32>,
    %swap3A_339 = arith.constant 0 : i32
    %swap3A_340 = arith.constant 15 : i32
    %swap3A_341 = arith.index_cast %swap3A_339 : i32 to index
    %swap3A_342 = arith.index_cast %swap3A_340 : i32 to index
    %swap3A_343 = arith.constant 0 : index
    %swap3A_344 = tpu.vector_load %arg12[%swap3A_341, %swap3A_342, %swap3A_343] {strides = array<i32>} : memref<2x20x32xi32, #tpu.memory_space<vmem>>, vector<16xi32>,
    tpu.vector_store %arg12[%swap3A_341, %swap3A_342, %swap3A_343], %gather3A_338 {strides = array<i32>} : memref<2x20x32xi32, #tpu.memory_space<vmem>>, vector<16xi32>,
    %add3A_345 = arith.constant 16 : i32
    %add3A_346 = vector.broadcast %add3A_345 : i32 to vector<16xi32>
    %add3A_347 = arith.addi %iota3A, %add3A_346 : vector<16xi32>
    %gather3A_348 = tpu.vector_load_idx %arg11[%add3A_4, %add3A_347, %broadcast_in_dim3A_334] : memref<16x32x20xi32, #tpu.memory_space<vmem>>[vector<16xi32>, vector<16xi32>, vector<16xi32>], vector<16xi32>,
    %swap3A_349 = arith.constant 0 : i32
    %swap3A_350 = arith.constant 15 : i32
    %swap3A_351 = arith.index_cast %swap3A_349 : i32 to index
    %swap3A_352 = arith.index_cast %swap3A_350 : i32 to index
    %swap3A_353 = arith.constant 16 : index
    %swap3A_354 = tpu.vector_load %arg12[%swap3A_351, %swap3A_352, %swap3A_353] {strides = array<i32>} : memref<2x20x32xi32, #tpu.memory_space<vmem>>, vector<16xi32>,
    tpu.vector_store %arg12[%swap3A_351, %swap3A_352, %swap3A_353], %gather3A_348 {strides = array<i32>} : memref<2x20x32xi32, #tpu.memory_space<vmem>>, vector<16xi32>,
    %broadcast_in_dim3A_355 = arith.constant 16 : i32
    %broadcast_in_dim3A_356 = vector.broadcast %broadcast_in_dim3A_355 : i32 to vector<16xi32>
    %add3A_357 = arith.constant 0 : i32
    %add3A_358 = vector.broadcast %add3A_357 : i32 to vector<16xi32>
    %add3A_359 = arith.addi %iota3A, %add3A_358 : vector<16xi32>
    %gather3A_360 = tpu.vector_load_idx %arg11[%add3A_4, %add3A_359, %broadcast_in_dim3A_356] : memref<16x32x20xi32, #tpu.memory_space<vmem>>[vector<16xi32>, vector<16xi32>, vector<16xi32>], vector<16xi32>,
    %swap3A_361 = arith.constant 0 : i32
    %swap3A_362 = arith.constant 16 : i32
    %swap3A_363 = arith.index_cast %swap3A_361 : i32 to index
    %swap3A_364 = arith.index_cast %swap3A_362 : i32 to index
    %swap3A_365 = arith.constant 0 : index
    %swap3A_366 = tpu.vector_load %arg12[%swap3A_363, %swap3A_364, %swap3A_365] {strides = array<i32>} : memref<2x20x32xi32, #tpu.memory_space<vmem>>, vector<16xi32>,
    tpu.vector_store %arg12[%swap3A_363, %swap3A_364, %swap3A_365], %gather3A_360 {strides = array<i32>} : memref<2x20x32xi32, #tpu.memory_space<vmem>>, vector<16xi32>,
    %add3A_367 = arith.constant 16 : i32
    %add3A_368 = vector.broadcast %add3A_367 : i32 to vector<16xi32>
    %add3A_369 = arith.addi %iota3A, %add3A_368 : vector<16xi32>
    %gather3A_370 = tpu.vector_load_idx %arg11[%add3A_4, %add3A_369, %broadcast_in_dim3A_356] : memref<16x32x20xi32, #tpu.memory_space<vmem>>[vector<16xi32>, vector<16xi32>, vector<16xi32>], vector<16xi32>,
    %swap3A_371 = arith.constant 0 : i32
    %swap3A_372 = arith.constant 16 : i32
    %swap3A_373 = arith.index_cast %swap3A_371 : i32 to index
    %swap3A_374 = arith.index_cast %swap3A_372 : i32 to index
    %swap3A_375 = arith.constant 16 : index
    %swap3A_376 = tpu.vector_load %arg12[%swap3A_373, %swap3A_374, %swap3A_375] {strides = array<i32>} : memref<2x20x32xi32, #tpu.memory_space<vmem>>, vector<16xi32>,
    tpu.vector_store %arg12[%swap3A_373, %swap3A_374, %swap3A_375], %gather3A_370 {strides = array<i32>} : memref<2x20x32xi32, #tpu.memory_space<vmem>>, vector<16xi32>,
    %broadcast_in_dim3A_377 = arith.constant 17 : i32
    %broadcast_in_dim3A_378 = vector.broadcast %broadcast_in_dim3A_377 : i32 to vector<16xi32>
    %add3A_379 = arith.constant 0 : i32
    %add3A_380 = vector.broadcast %add3A_379 : i32 to vector<16xi32>
    %add3A_381 = arith.addi %iota3A, %add3A_380 : vector<16xi32>
    %gather3A_382 = tpu.vector_load_idx %arg11[%add3A_4, %add3A_381, %broadcast_in_dim3A_378] : memref<16x32x20xi32, #tpu.memory_space<vmem>>[vector<16xi32>, vector<16xi32>, vector<16xi32>], vector<16xi32>,
    %swap3A_383 = arith.constant 0 : i32
    %swap3A_384 = arith.constant 17 : i32
    %swap3A_385 = arith.index_cast %swap3A_383 : i32 to index
    %swap3A_386 = arith.index_cast %swap3A_384 : i32 to index
    %swap3A_387 = arith.constant 0 : index
    %swap3A_388 = tpu.vector_load %arg12[%swap3A_385, %swap3A_386, %swap3A_387] {strides = array<i32>} : memref<2x20x32xi32, #tpu.memory_space<vmem>>, vector<16xi32>,
    tpu.vector_store %arg12[%swap3A_385, %swap3A_386, %swap3A_387], %gather3A_382 {strides = array<i32>} : memref<2x20x32xi32, #tpu.memory_space<vmem>>, vector<16xi32>,
    %add3A_389 = arith.constant 16 : i32
    %add3A_390 = vector.broadcast %add3A_389 : i32 to vector<16xi32>
    %add3A_391 = arith.addi %iota3A, %add3A_390 : vector<16xi32>
    %gather3A_392 = tpu.vector_load_idx %arg11[%add3A_4, %add3A_391, %broadcast_in_dim3A_378] : memref<16x32x20xi32, #tpu.memory_space<vmem>>[vector<16xi32>, vector<16xi32>, vector<16xi32>], vector<16xi32>,
    %swap3A_393 = arith.constant 0 : i32
    %swap3A_394 = arith.constant 17 : i32
    %swap3A_395 = arith.index_cast %swap3A_393 : i32 to index
    %swap3A_396 = arith.index_cast %swap3A_394 : i32 to index
    %swap3A_397 = arith.constant 16 : index
    %swap3A_398 = tpu.vector_load %arg12[%swap3A_395, %swap3A_396, %swap3A_397] {strides = array<i32>} : memref<2x20x32xi32, #tpu.memory_space<vmem>>, vector<16xi32>,
    tpu.vector_store %arg12[%swap3A_395, %swap3A_396, %swap3A_397], %gather3A_392 {strides = array<i32>} : memref<2x20x32xi32, #tpu.memory_space<vmem>>, vector<16xi32>,
    %broadcast_in_dim3A_399 = arith.constant 18 : i32
    %broadcast_in_dim3A_400 = vector.broadcast %broadcast_in_dim3A_399 : i32 to vector<16xi32>
    %add3A_401 = arith.constant 0 : i32
    %add3A_402 = vector.broadcast %add3A_401 : i32 to vector<16xi32>
    %add3A_403 = arith.addi %iota3A, %add3A_402 : vector<16xi32>
    %gather3A_404 = tpu.vector_load_idx %arg11[%add3A_4, %add3A_403, %broadcast_in_dim3A_400] : memref<16x32x20xi32, #tpu.memory_space<vmem>>[vector<16xi32>, vector<16xi32>, vector<16xi32>], vector<16xi32>,
    %swap3A_405 = arith.constant 0 : i32
    %swap3A_406 = arith.constant 18 : i32
    %swap3A_407 = arith.index_cast %swap3A_405 : i32 to index
    %swap3A_408 = arith.index_cast %swap3A_406 : i32 to index
    %swap3A_409 = arith.constant 0 : index
    %swap3A_410 = tpu.vector_load %arg12[%swap3A_407, %swap3A_408, %swap3A_409] {strides = array<i32>} : memref<2x20x32xi32, #tpu.memory_space<vmem>>, vector<16xi32>,
    tpu.vector_store %arg12[%swap3A_407, %swap3A_408, %swap3A_409], %gather3A_404 {strides = array<i32>} : memref<2x20x32xi32, #tpu.memory_space<vmem>>, vector<16xi32>,
    %add3A_411 = arith.constant 16 : i32
    %add3A_412 = vector.broadcast %add3A_411 : i32 to vector<16xi32>
    %add3A_413 = arith.addi %iota3A, %add3A_412 : vector<16xi32>
    %gather3A_414 = tpu.vector_load_idx %arg11[%add3A_4, %add3A_413, %broadcast_in_dim3A_400] : memref<16x32x20xi32, #tpu.memory_space<vmem>>[vector<16xi32>, vector<16xi32>, vector<16xi32>], vector<16xi32>,
    %swap3A_415 = arith.constant 0 : i32
    %swap3A_416 = arith.constant 18 : i32
    %swap3A_417 = arith.index_cast %swap3A_415 : i32 to index
    %swap3A_418 = arith.index_cast %swap3A_416 : i32 to index
    %swap3A_419 = arith.constant 16 : index
    %swap3A_420 = tpu.vector_load %arg12[%swap3A_417, %swap3A_418, %swap3A_419] {strides = array<i32>} : memref<2x20x32xi32, #tpu.memory_space<vmem>>, vector<16xi32>,
    tpu.vector_store %arg12[%swap3A_417, %swap3A_418, %swap3A_419], %gather3A_414 {strides = array<i32>} : memref<2x20x32xi32, #tpu.memory_space<vmem>>, vector<16xi32>,
    %broadcast_in_dim3A_421 = arith.constant 19 : i32
    %broadcast_in_dim3A_422 = vector.broadcast %broadcast_in_dim3A_421 : i32 to vector<16xi32>
    %add3A_423 = arith.constant 0 : i32
    %add3A_424 = vector.broadcast %add3A_423 : i32 to vector<16xi32>
    %add3A_425 = arith.addi %iota3A, %add3A_424 : vector<16xi32>
    %gather3A_426 = tpu.vector_load_idx %arg11[%add3A_4, %add3A_425, %broadcast_in_dim3A_422] : memref<16x32x20xi32, #tpu.memory_space<vmem>>[vector<16xi32>, vector<16xi32>, vector<16xi32>], vector<16xi32>,
    %swap3A_427 = arith.constant 0 : i32
    %swap3A_428 = arith.constant 19 : i32
    %swap3A_429 = arith.index_cast %swap3A_427 : i32 to index
    %swap3A_430 = arith.index_cast %swap3A_428 : i32 to index
    %swap3A_431 = arith.constant 0 : index
    %swap3A_432 = tpu.vector_load %arg12[%swap3A_429, %swap3A_430, %swap3A_431] {strides = array<i32>} : memref<2x20x32xi32, #tpu.memory_space<vmem>>, vector<16xi32>,
    tpu.vector_store %arg12[%swap3A_429, %swap3A_430, %swap3A_431], %gather3A_426 {strides = array<i32>} : memref<2x20x32xi32, #tpu.memory_space<vmem>>, vector<16xi32>,
    %add3A_433 = arith.constant 16 : i32
    %add3A_434 = vector.broadcast %add3A_433 : i32 to vector<16xi32>
    %add3A_435 = arith.addi %iota3A, %add3A_434 : vector<16xi32>
    %gather3A_436 = tpu.vector_load_idx %arg11[%add3A_4, %add3A_435, %broadcast_in_dim3A_422] : memref<16x32x20xi32, #tpu.memory_space<vmem>>[vector<16xi32>, vector<16xi32>, vector<16xi32>], vector<16xi32>,
    %swap3A_437 = arith.constant 0 : i32
    %swap3A_438 = arith.constant 19 : i32
    %swap3A_439 = arith.index_cast %swap3A_437 : i32 to index
    %swap3A_440 = arith.index_cast %swap3A_438 : i32 to index
    %swap3A_441 = arith.constant 16 : index
    %swap3A_442 = tpu.vector_load %arg12[%swap3A_439, %swap3A_440, %swap3A_441] {strides = array<i32>} : memref<2x20x32xi32, #tpu.memory_space<vmem>>, vector<16xi32>,
    tpu.vector_store %arg12[%swap3A_439, %swap3A_440, %swap3A_441], %gather3A_436 {strides = array<i32>} : memref<2x20x32xi32, #tpu.memory_space<vmem>>, vector<16xi32>,
    %dma_start3A = arith.constant 0 : i32
    %dma_start3A_443 = arith.constant 0 : i32
    %dma_start3A_444 = arith.constant 0 : i32
    %dma_start3A_445 = arith.constant 0 : i32
    %dma_start3A_446 = arith.constant 0 : i32
    %dma_start3A_447 = tpu.memref_slice %arg13[%dma_start3A_443, %dma_start3A_445, %dma_start3A_446] : memref<2x32x64xf32, #tpu.memory_space<vmem>> -> memref<1x32x64xf32, #tpu.memory_space<vmem>>
    %dma_start3A_448 = tpu.memref_squeeze %dma_start3A_447 : memref<1x32x64xf32, #tpu.memory_space<vmem>> -> memref<32x64xf32, #tpu.memory_space<vmem>>
    %dma_start3A_449 = arith.constant 0 : i32
    %dma_start3A_450 = tpu.memref_slice %arg9[%dma_start3A, %dma_start3A_449] : memref<16x32xi32, #tpu.memory_space<vmem>> -> memref<1x32xi32, #tpu.memory_space<vmem>>
    %dma_start3A_451 = tpu.memref_squeeze %dma_start3A_450 : memref<1x32xi32, #tpu.memory_space<vmem>> -> memref<32xi32, #tpu.memory_space<vmem>>
    %dma_start3A_452 = arith.constant 0 : i32
    %dma_start3A_453 = arith.constant 0 : i32
    %dma_start3A_454 = tpu.memref_slice %arg2[%dma_start3A_452, %dma_start3A_453] : memref<1000000x64xf32, #tpu.memory_space<hbm>> -> memref<1000000x64xf32, #tpu.memory_space<hbm>>
    %dma_start3A_455 = tpu.memref_slice %arg18[%dma_start3A_444] : memref<2x!tpu.dma_semaphore, #tpu.memory_space<semaphore_mem>> -> memref<1x!tpu.dma_semaphore, #tpu.memory_space<semaphore_mem>>
    %dma_start3A_456 = tpu.memref_squeeze %dma_start3A_455 : memref<1x!tpu.dma_semaphore, #tpu.memory_space<semaphore_mem>> -> memref<!tpu.dma_semaphore, #tpu.memory_space<semaphore_mem>>
    tpu.enqueue_indirect_dma source(%dma_start3A_454 : memref<1000000x64xf32, #tpu.memory_space<hbm>>) target(%dma_start3A_448 : memref<32x64xf32, #tpu.memory_space<vmem>>) offsets(%dma_start3A_451 : memref<32xi32, #tpu.memory_space<vmem>>) semaphore(%dma_start3A_456 : memref<!tpu.dma_semaphore, #tpu.memory_space<semaphore_mem>>)
    %dma_start3A_457 = arith.constant 0 : i32
    %dma_start3A_458 = arith.constant 0 : i32
    %dma_start3A_459 = arith.constant 0 : i32
    %dma_start3A_460 = arith.constant 0 : i32
    %dma_start3A_461 = arith.constant 0 : i32
    %dma_start3A_462 = tpu.memref_slice %arg14[%dma_start3A_458, %dma_start3A_460, %dma_start3A_461] : memref<2x32x64xf32, #tpu.memory_space<vmem>> -> memref<1x32x64xf32, #tpu.memory_space<vmem>>
    %dma_start3A_463 = tpu.memref_squeeze %dma_start3A_462 : memref<1x32x64xf32, #tpu.memory_space<vmem>> -> memref<32x64xf32, #tpu.memory_space<vmem>>
    %dma_start3A_464 = arith.constant 0 : i32
    %dma_start3A_465 = tpu.memref_slice %arg10[%dma_start3A_457, %dma_start3A_464] : memref<16x32xi32, #tpu.memory_space<vmem>> -> memref<1x32xi32, #tpu.memory_space<vmem>>
    %dma_start3A_466 = tpu.memref_squeeze %dma_start3A_465 : memref<1x32xi32, #tpu.memory_space<vmem>> -> memref<32xi32, #tpu.memory_space<vmem>>
    %dma_start3A_467 = arith.constant 0 : i32
    %dma_start3A_468 = arith.constant 0 : i32
    %dma_start3A_469 = tpu.memref_slice %arg3[%dma_start3A_467, %dma_start3A_468] : memref<1000000x64xf32, #tpu.memory_space<hbm>> -> memref<1000000x64xf32, #tpu.memory_space<hbm>>
    %dma_start3A_470 = tpu.memref_slice %arg18[%dma_start3A_459] : memref<2x!tpu.dma_semaphore, #tpu.memory_space<semaphore_mem>> -> memref<1x!tpu.dma_semaphore, #tpu.memory_space<semaphore_mem>>
    %dma_start3A_471 = tpu.memref_squeeze %dma_start3A_470 : memref<1x!tpu.dma_semaphore, #tpu.memory_space<semaphore_mem>> -> memref<!tpu.dma_semaphore, #tpu.memory_space<semaphore_mem>>
    tpu.enqueue_indirect_dma source(%dma_start3A_469 : memref<1000000x64xf32, #tpu.memory_space<hbm>>) target(%dma_start3A_463 : memref<32x64xf32, #tpu.memory_space<vmem>>) offsets(%dma_start3A_466 : memref<32xi32, #tpu.memory_space<vmem>>) semaphore(%dma_start3A_471 : memref<!tpu.dma_semaphore, #tpu.memory_space<semaphore_mem>>)
    %dma_start3A_472 = arith.constant 0 : i32
    %dma_start3A_473 = arith.constant 0 : i32
    %dma_start3A_474 = arith.constant 0 : i32
    %dma_start3A_475 = arith.constant 0 : i32
    %dma_start3A_476 = arith.constant 0 : i32
    %dma_start3A_477 = arith.constant 0 : i32
    %dma_start3A_478 = arith.constant 0 : i32
    %dma_start3A_479 = tpu.memref_slice %arg15[%dma_start3A_474, %dma_start3A_475, %dma_start3A_477, %dma_start3A_478] : memref<2x20x32x64xf32, #tpu.memory_space<vmem>> -> memref<1x1x32x64xf32, #tpu.memory_space<vmem>>
    %dma_start3A_480 = tpu.memref_squeeze %dma_start3A_479 : memref<1x1x32x64xf32, #tpu.memory_space<vmem>> -> memref<32x64xf32, #tpu.memory_space<vmem>>
    %dma_start3A_481 = arith.constant 0 : i32
    %dma_start3A_482 = tpu.memref_slice %arg12[%dma_start3A_472, %dma_start3A_473, %dma_start3A_481] : memref<2x20x32xi32, #tpu.memory_space<vmem>> -> memref<1x1x32xi32, #tpu.memory_space<vmem>>
    %dma_start3A_483 = tpu.memref_squeeze %dma_start3A_482 : memref<1x1x32xi32, #tpu.memory_space<vmem>> -> memref<32xi32, #tpu.memory_space<vmem>>
    %dma_start3A_484 = arith.constant 0 : i32
    %dma_start3A_485 = arith.constant 0 : i32
    %dma_start3A_486 = tpu.memref_slice %arg3[%dma_start3A_484, %dma_start3A_485] : memref<1000000x64xf32, #tpu.memory_space<hbm>> -> memref<1000000x64xf32, #tpu.memory_space<hbm>>
    %dma_start3A_487 = tpu.memref_slice %arg18[%dma_start3A_476] : memref<2x!tpu.dma_semaphore, #tpu.memory_space<semaphore_mem>> -> memref<1x!tpu.dma_semaphore, #tpu.memory_space<semaphore_mem>>
    %dma_start3A_488 = tpu.memref_squeeze %dma_start3A_487 : memref<1x!tpu.dma_semaphore, #tpu.memory_space<semaphore_mem>> -> memref<!tpu.dma_semaphore, #tpu.memory_space<semaphore_mem>>
    tpu.enqueue_indirect_dma source(%dma_start3A_486 : memref<1000000x64xf32, #tpu.memory_space<hbm>>) target(%dma_start3A_480 : memref<32x64xf32, #tpu.memory_space<vmem>>) offsets(%dma_start3A_483 : memref<32xi32, #tpu.memory_space<vmem>>) semaphore(%dma_start3A_488 : memref<!tpu.dma_semaphore, #tpu.memory_space<semaphore_mem>>)
    %dma_start3A_489 = arith.constant 0 : i32
    %dma_start3A_490 = arith.constant 1 : i32
    %dma_start3A_491 = arith.constant 0 : i32
    %dma_start3A_492 = arith.constant 1 : i32
    %dma_start3A_493 = arith.constant 0 : i32
    %dma_start3A_494 = arith.constant 0 : i32
    %dma_start3A_495 = arith.constant 0 : i32
    %dma_start3A_496 = tpu.memref_slice %arg15[%dma_start3A_491, %dma_start3A_492, %dma_start3A_494, %dma_start3A_495] : memref<2x20x32x64xf32, #tpu.memory_space<vmem>> -> memref<1x1x32x64xf32, #tpu.memory_space<vmem>>
    %dma_start3A_497 = tpu.memref_squeeze %dma_start3A_496 : memref<1x1x32x64xf32, #tpu.memory_space<vmem>> -> memref<32x64xf32, #tpu.memory_space<vmem>>
    %dma_start3A_498 = arith.constant 0 : i32
    %dma_start3A_499 = tpu.memref_slice %arg12[%dma_start3A_489, %dma_start3A_490, %dma_start3A_498] : memref<2x20x32xi32, #tpu.memory_space<vmem>> -> memref<1x1x32xi32, #tpu.memory_space<vmem>>
    %dma_start3A_500 = tpu.memref_squeeze %dma_start3A_499 : memref<1x1x32xi32, #tpu.memory_space<vmem>> -> memref<32xi32, #tpu.memory_space<vmem>>
    %dma_start3A_501 = arith.constant 0 : i32
    %dma_start3A_502 = arith.constant 0 : i32
    %dma_start3A_503 = tpu.memref_slice %arg3[%dma_start3A_501, %dma_start3A_502] : memref<1000000x64xf32, #tpu.memory_space<hbm>> -> memref<1000000x64xf32, #tpu.memory_space<hbm>>
    %dma_start3A_504 = tpu.memref_slice %arg18[%dma_start3A_493] : memref<2x!tpu.dma_semaphore, #tpu.memory_space<semaphore_mem>> -> memref<1x!tpu.dma_semaphore, #tpu.memory_space<semaphore_mem>>
    %dma_start3A_505 = tpu.memref_squeeze %dma_start3A_504 : memref<1x!tpu.dma_semaphore, #tpu.memory_space<semaphore_mem>> -> memref<!tpu.dma_semaphore, #tpu.memory_space<semaphore_mem>>
    tpu.enqueue_indirect_dma source(%dma_start3A_503 : memref<1000000x64xf32, #tpu.memory_space<hbm>>) target(%dma_start3A_497 : memref<32x64xf32, #tpu.memory_space<vmem>>) offsets(%dma_start3A_500 : memref<32xi32, #tpu.memory_space<vmem>>) semaphore(%dma_start3A_505 : memref<!tpu.dma_semaphore, #tpu.memory_space<semaphore_mem>>)
    %dma_start3A_506 = arith.constant 0 : i32
    %dma_start3A_507 = arith.constant 2 : i32
    %dma_start3A_508 = arith.constant 0 : i32
    %dma_start3A_509 = arith.constant 2 : i32
    %dma_start3A_510 = arith.constant 0 : i32
    %dma_start3A_511 = arith.constant 0 : i32
    %dma_start3A_512 = arith.constant 0 : i32
    %dma_start3A_513 = tpu.memref_slice %arg15[%dma_start3A_508, %dma_start3A_509, %dma_start3A_511, %dma_start3A_512] : memref<2x20x32x64xf32, #tpu.memory_space<vmem>> -> memref<1x1x32x64xf32, #tpu.memory_space<vmem>>
    %dma_start3A_514 = tpu.memref_squeeze %dma_start3A_513 : memref<1x1x32x64xf32, #tpu.memory_space<vmem>> -> memref<32x64xf32, #tpu.memory_space<vmem>>
    %dma_start3A_515 = arith.constant 0 : i32
    %dma_start3A_516 = tpu.memref_slice %arg12[%dma_start3A_506, %dma_start3A_507, %dma_start3A_515] : memref<2x20x32xi32, #tpu.memory_space<vmem>> -> memref<1x1x32xi32, #tpu.memory_space<vmem>>
    %dma_start3A_517 = tpu.memref_squeeze %dma_start3A_516 : memref<1x1x32xi32, #tpu.memory_space<vmem>> -> memref<32xi32, #tpu.memory_space<vmem>>
    %dma_start3A_518 = arith.constant 0 : i32
    %dma_start3A_519 = arith.constant 0 : i32
    %dma_start3A_520 = tpu.memref_slice %arg3[%dma_start3A_518, %dma_start3A_519] : memref<1000000x64xf32, #tpu.memory_space<hbm>> -> memref<1000000x64xf32, #tpu.memory_space<hbm>>
    %dma_start3A_521 = tpu.memref_slice %arg18[%dma_start3A_510] : memref<2x!tpu.dma_semaphore, #tpu.memory_space<semaphore_mem>> -> memref<1x!tpu.dma_semaphore, #tpu.memory_space<semaphore_mem>>
    %dma_start3A_522 = tpu.memref_squeeze %dma_start3A_521 : memref<1x!tpu.dma_semaphore, #tpu.memory_space<semaphore_mem>> -> memref<!tpu.dma_semaphore, #tpu.memory_space<semaphore_mem>>
    tpu.enqueue_indirect_dma source(%dma_start3A_520 : memref<1000000x64xf32, #tpu.memory_space<hbm>>) target(%dma_start3A_514 : memref<32x64xf32, #tpu.memory_space<vmem>>) offsets(%dma_start3A_517 : memref<32xi32, #tpu.memory_space<vmem>>) semaphore(%dma_start3A_522 : memref<!tpu.dma_semaphore, #tpu.memory_space<semaphore_mem>>)
    %dma_start3A_523 = arith.constant 0 : i32
    %dma_start3A_524 = arith.constant 3 : i32
    %dma_start3A_525 = arith.constant 0 : i32
    %dma_start3A_526 = arith.constant 3 : i32
    %dma_start3A_527 = arith.constant 0 : i32
    %dma_start3A_528 = arith.constant 0 : i32
    %dma_start3A_529 = arith.constant 0 : i32
    %dma_start3A_530 = tpu.memref_slice %arg15[%dma_start3A_525, %dma_start3A_526, %dma_start3A_528, %dma_start3A_529] : memref<2x20x32x64xf32, #tpu.memory_space<vmem>> -> memref<1x1x32x64xf32, #tpu.memory_space<vmem>>
    %dma_start3A_531 = tpu.memref_squeeze %dma_start3A_530 : memref<1x1x32x64xf32, #tpu.memory_space<vmem>> -> memref<32x64xf32, #tpu.memory_space<vmem>>
    %dma_start3A_532 = arith.constant 0 : i32
    %dma_start3A_533 = tpu.memref_slice %arg12[%dma_start3A_523, %dma_start3A_524, %dma_start3A_532] : memref<2x20x32xi32, #tpu.memory_space<vmem>> -> memref<1x1x32xi32, #tpu.memory_space<vmem>>
    %dma_start3A_534 = tpu.memref_squeeze %dma_start3A_533 : memref<1x1x32xi32, #tpu.memory_space<vmem>> -> memref<32xi32, #tpu.memory_space<vmem>>
    %dma_start3A_535 = arith.constant 0 : i32
    %dma_start3A_536 = arith.constant 0 : i32
    %dma_start3A_537 = tpu.memref_slice %arg3[%dma_start3A_535, %dma_start3A_536] : memref<1000000x64xf32, #tpu.memory_space<hbm>> -> memref<1000000x64xf32, #tpu.memory_space<hbm>>
    %dma_start3A_538 = tpu.memref_slice %arg18[%dma_start3A_527] : memref<2x!tpu.dma_semaphore, #tpu.memory_space<semaphore_mem>> -> memref<1x!tpu.dma_semaphore, #tpu.memory_space<semaphore_mem>>
    %dma_start3A_539 = tpu.memref_squeeze %dma_start3A_538 : memref<1x!tpu.dma_semaphore, #tpu.memory_space<semaphore_mem>> -> memref<!tpu.dma_semaphore, #tpu.memory_space<semaphore_mem>>
    tpu.enqueue_indirect_dma source(%dma_start3A_537 : memref<1000000x64xf32, #tpu.memory_space<hbm>>) target(%dma_start3A_531 : memref<32x64xf32, #tpu.memory_space<vmem>>) offsets(%dma_start3A_534 : memref<32xi32, #tpu.memory_space<vmem>>) semaphore(%dma_start3A_539 : memref<!tpu.dma_semaphore, #tpu.memory_space<semaphore_mem>>)
    %dma_start3A_540 = arith.constant 0 : i32
    %dma_start3A_541 = arith.constant 4 : i32
    %dma_start3A_542 = arith.constant 0 : i32
    %dma_start3A_543 = arith.constant 4 : i32
    %dma_start3A_544 = arith.constant 0 : i32
    %dma_start3A_545 = arith.constant 0 : i32
    %dma_start3A_546 = arith.constant 0 : i32
    %dma_start3A_547 = tpu.memref_slice %arg15[%dma_start3A_542, %dma_start3A_543, %dma_start3A_545, %dma_start3A_546] : memref<2x20x32x64xf32, #tpu.memory_space<vmem>> -> memref<1x1x32x64xf32, #tpu.memory_space<vmem>>
    %dma_start3A_548 = tpu.memref_squeeze %dma_start3A_547 : memref<1x1x32x64xf32, #tpu.memory_space<vmem>> -> memref<32x64xf32, #tpu.memory_space<vmem>>
    %dma_start3A_549 = arith.constant 0 : i32
    %dma_start3A_550 = tpu.memref_slice %arg12[%dma_start3A_540, %dma_start3A_541, %dma_start3A_549] : memref<2x20x32xi32, #tpu.memory_space<vmem>> -> memref<1x1x32xi32, #tpu.memory_space<vmem>>
    %dma_start3A_551 = tpu.memref_squeeze %dma_start3A_550 : memref<1x1x32xi32, #tpu.memory_space<vmem>> -> memref<32xi32, #tpu.memory_space<vmem>>
    %dma_start3A_552 = arith.constant 0 : i32
    %dma_start3A_553 = arith.constant 0 : i32
    %dma_start3A_554 = tpu.memref_slice %arg3[%dma_start3A_552, %dma_start3A_553] : memref<1000000x64xf32, #tpu.memory_space<hbm>> -> memref<1000000x64xf32, #tpu.memory_space<hbm>>
    %dma_start3A_555 = tpu.memref_slice %arg18[%dma_start3A_544] : memref<2x!tpu.dma_semaphore, #tpu.memory_space<semaphore_mem>> -> memref<1x!tpu.dma_semaphore, #tpu.memory_space<semaphore_mem>>
    %dma_start3A_556 = tpu.memref_squeeze %dma_start3A_555 : memref<1x!tpu.dma_semaphore, #tpu.memory_space<semaphore_mem>> -> memref<!tpu.dma_semaphore, #tpu.memory_space<semaphore_mem>>
    tpu.enqueue_indirect_dma source(%dma_start3A_554 : memref<1000000x64xf32, #tpu.memory_space<hbm>>) target(%dma_start3A_548 : memref<32x64xf32, #tpu.memory_space<vmem>>) offsets(%dma_start3A_551 : memref<32xi32, #tpu.memory_space<vmem>>) semaphore(%dma_start3A_556 : memref<!tpu.dma_semaphore, #tpu.memory_space<semaphore_mem>>)
    %dma_start3A_557 = arith.constant 0 : i32
    %dma_start3A_558 = arith.constant 5 : i32
    %dma_start3A_559 = arith.constant 0 : i32
    %dma_start3A_560 = arith.constant 5 : i32
    %dma_start3A_561 = arith.constant 0 : i32
    %dma_start3A_562 = arith.constant 0 : i32
    %dma_start3A_563 = arith.constant 0 : i32
    %dma_start3A_564 = tpu.memref_slice %arg15[%dma_start3A_559, %dma_start3A_560, %dma_start3A_562, %dma_start3A_563] : memref<2x20x32x64xf32, #tpu.memory_space<vmem>> -> memref<1x1x32x64xf32, #tpu.memory_space<vmem>>
    %dma_start3A_565 = tpu.memref_squeeze %dma_start3A_564 : memref<1x1x32x64xf32, #tpu.memory_space<vmem>> -> memref<32x64xf32, #tpu.memory_space<vmem>>
    %dma_start3A_566 = arith.constant 0 : i32
    %dma_start3A_567 = tpu.memref_slice %arg12[%dma_start3A_557, %dma_start3A_558, %dma_start3A_566] : memref<2x20x32xi32, #tpu.memory_space<vmem>> -> memref<1x1x32xi32, #tpu.memory_space<vmem>>
    %dma_start3A_568 = tpu.memref_squeeze %dma_start3A_567 : memref<1x1x32xi32, #tpu.memory_space<vmem>> -> memref<32xi32, #tpu.memory_space<vmem>>
    %dma_start3A_569 = arith.constant 0 : i32
    %dma_start3A_570 = arith.constant 0 : i32
    %dma_start3A_571 = tpu.memref_slice %arg3[%dma_start3A_569, %dma_start3A_570] : memref<1000000x64xf32, #tpu.memory_space<hbm>> -> memref<1000000x64xf32, #tpu.memory_space<hbm>>
    %dma_start3A_572 = tpu.memref_slice %arg18[%dma_start3A_561] : memref<2x!tpu.dma_semaphore, #tpu.memory_space<semaphore_mem>> -> memref<1x!tpu.dma_semaphore, #tpu.memory_space<semaphore_mem>>
    %dma_start3A_573 = tpu.memref_squeeze %dma_start3A_572 : memref<1x!tpu.dma_semaphore, #tpu.memory_space<semaphore_mem>> -> memref<!tpu.dma_semaphore, #tpu.memory_space<semaphore_mem>>
    tpu.enqueue_indirect_dma source(%dma_start3A_571 : memref<1000000x64xf32, #tpu.memory_space<hbm>>) target(%dma_start3A_565 : memref<32x64xf32, #tpu.memory_space<vmem>>) offsets(%dma_start3A_568 : memref<32xi32, #tpu.memory_space<vmem>>) semaphore(%dma_start3A_573 : memref<!tpu.dma_semaphore, #tpu.memory_space<semaphore_mem>>)
    %dma_start3A_574 = arith.constant 0 : i32
    %dma_start3A_575 = arith.constant 6 : i32
    %dma_start3A_576 = arith.constant 0 : i32
    %dma_start3A_577 = arith.constant 6 : i32
    %dma_start3A_578 = arith.constant 0 : i32
    %dma_start3A_579 = arith.constant 0 : i32
    %dma_start3A_580 = arith.constant 0 : i32
    %dma_start3A_581 = tpu.memref_slice %arg15[%dma_start3A_576, %dma_start3A_577, %dma_start3A_579, %dma_start3A_580] : memref<2x20x32x64xf32, #tpu.memory_space<vmem>> -> memref<1x1x32x64xf32, #tpu.memory_space<vmem>>
    %dma_start3A_582 = tpu.memref_squeeze %dma_start3A_581 : memref<1x1x32x64xf32, #tpu.memory_space<vmem>> -> memref<32x64xf32, #tpu.memory_space<vmem>>
    %dma_start3A_583 = arith.constant 0 : i32
    %dma_start3A_584 = tpu.memref_slice %arg12[%dma_start3A_574, %dma_start3A_575, %dma_start3A_583] : memref<2x20x32xi32, #tpu.memory_space<vmem>> -> memref<1x1x32xi32, #tpu.memory_space<vmem>>
    %dma_start3A_585 = tpu.memref_squeeze %dma_start3A_584 : memref<1x1x32xi32, #tpu.memory_space<vmem>> -> memref<32xi32, #tpu.memory_space<vmem>>
    %dma_start3A_586 = arith.constant 0 : i32
    %dma_start3A_587 = arith.constant 0 : i32
    %dma_start3A_588 = tpu.memref_slice %arg3[%dma_start3A_586, %dma_start3A_587] : memref<1000000x64xf32, #tpu.memory_space<hbm>> -> memref<1000000x64xf32, #tpu.memory_space<hbm>>
    %dma_start3A_589 = tpu.memref_slice %arg18[%dma_start3A_578] : memref<2x!tpu.dma_semaphore, #tpu.memory_space<semaphore_mem>> -> memref<1x!tpu.dma_semaphore, #tpu.memory_space<semaphore_mem>>
    %dma_start3A_590 = tpu.memref_squeeze %dma_start3A_589 : memref<1x!tpu.dma_semaphore, #tpu.memory_space<semaphore_mem>> -> memref<!tpu.dma_semaphore, #tpu.memory_space<semaphore_mem>>
    tpu.enqueue_indirect_dma source(%dma_start3A_588 : memref<1000000x64xf32, #tpu.memory_space<hbm>>) target(%dma_start3A_582 : memref<32x64xf32, #tpu.memory_space<vmem>>) offsets(%dma_start3A_585 : memref<32xi32, #tpu.memory_space<vmem>>) semaphore(%dma_start3A_590 : memref<!tpu.dma_semaphore, #tpu.memory_space<semaphore_mem>>)
    %dma_start3A_591 = arith.constant 0 : i32
    %dma_start3A_592 = arith.constant 7 : i32
    %dma_start3A_593 = arith.constant 0 : i32
    %dma_start3A_594 = arith.constant 7 : i32
    %dma_start3A_595 = arith.constant 0 : i32
    %dma_start3A_596 = arith.constant 0 : i32
    %dma_start3A_597 = arith.constant 0 : i32
    %dma_start3A_598 = tpu.memref_slice %arg15[%dma_start3A_593, %dma_start3A_594, %dma_start3A_596, %dma_start3A_597] : memref<2x20x32x64xf32, #tpu.memory_space<vmem>> -> memref<1x1x32x64xf32, #tpu.memory_space<vmem>>
    %dma_start3A_599 = tpu.memref_squeeze %dma_start3A_598 : memref<1x1x32x64xf32, #tpu.memory_space<vmem>> -> memref<32x64xf32, #tpu.memory_space<vmem>>
    %dma_start3A_600 = arith.constant 0 : i32
    %dma_start3A_601 = tpu.memref_slice %arg12[%dma_start3A_591, %dma_start3A_592, %dma_start3A_600] : memref<2x20x32xi32, #tpu.memory_space<vmem>> -> memref<1x1x32xi32, #tpu.memory_space<vmem>>
    %dma_start3A_602 = tpu.memref_squeeze %dma_start3A_601 : memref<1x1x32xi32, #tpu.memory_space<vmem>> -> memref<32xi32, #tpu.memory_space<vmem>>
    %dma_start3A_603 = arith.constant 0 : i32
    %dma_start3A_604 = arith.constant 0 : i32
    %dma_start3A_605 = tpu.memref_slice %arg3[%dma_start3A_603, %dma_start3A_604] : memref<1000000x64xf32, #tpu.memory_space<hbm>> -> memref<1000000x64xf32, #tpu.memory_space<hbm>>
    %dma_start3A_606 = tpu.memref_slice %arg18[%dma_start3A_595] : memref<2x!tpu.dma_semaphore, #tpu.memory_space<semaphore_mem>> -> memref<1x!tpu.dma_semaphore, #tpu.memory_space<semaphore_mem>>
    %dma_start3A_607 = tpu.memref_squeeze %dma_start3A_606 : memref<1x!tpu.dma_semaphore, #tpu.memory_space<semaphore_mem>> -> memref<!tpu.dma_semaphore, #tpu.memory_space<semaphore_mem>>
    tpu.enqueue_indirect_dma source(%dma_start3A_605 : memref<1000000x64xf32, #tpu.memory_space<hbm>>) target(%dma_start3A_599 : memref<32x64xf32, #tpu.memory_space<vmem>>) offsets(%dma_start3A_602 : memref<32xi32, #tpu.memory_space<vmem>>) semaphore(%dma_start3A_607 : memref<!tpu.dma_semaphore, #tpu.memory_space<semaphore_mem>>)
    %dma_start3A_608 = arith.constant 0 : i32
    %dma_start3A_609 = arith.constant 8 : i32
    %dma_start3A_610 = arith.constant 0 : i32
    %dma_start3A_611 = arith.constant 8 : i32
    %dma_start3A_612 = arith.constant 0 : i32
    %dma_start3A_613 = arith.constant 0 : i32
    %dma_start3A_614 = arith.constant 0 : i32
    %dma_start3A_615 = tpu.memref_slice %arg15[%dma_start3A_610, %dma_start3A_611, %dma_start3A_613, %dma_start3A_614] : memref<2x20x32x64xf32, #tpu.memory_space<vmem>> -> memref<1x1x32x64xf32, #tpu.memory_space<vmem>>
    %dma_start3A_616 = tpu.memref_squeeze %dma_start3A_615 : memref<1x1x32x64xf32, #tpu.memory_space<vmem>> -> memref<32x64xf32, #tpu.memory_space<vmem>>
    %dma_start3A_617 = arith.constant 0 : i32
    %dma_start3A_618 = tpu.memref_slice %arg12[%dma_start3A_608, %dma_start3A_609, %dma_start3A_617] : memref<2x20x32xi32, #tpu.memory_space<vmem>> -> memref<1x1x32xi32, #tpu.memory_space<vmem>>
    %dma_start3A_619 = tpu.memref_squeeze %dma_start3A_618 : memref<1x1x32xi32, #tpu.memory_space<vmem>> -> memref<32xi32, #tpu.memory_space<vmem>>
    %dma_start3A_620 = arith.constant 0 : i32
    %dma_start3A_621 = arith.constant 0 : i32
    %dma_start3A_622 = tpu.memref_slice %arg3[%dma_start3A_620, %dma_start3A_621] : memref<1000000x64xf32, #tpu.memory_space<hbm>> -> memref<1000000x64xf32, #tpu.memory_space<hbm>>
    %dma_start3A_623 = tpu.memref_slice %arg18[%dma_start3A_612] : memref<2x!tpu.dma_semaphore, #tpu.memory_space<semaphore_mem>> -> memref<1x!tpu.dma_semaphore, #tpu.memory_space<semaphore_mem>>
    %dma_start3A_624 = tpu.memref_squeeze %dma_start3A_623 : memref<1x!tpu.dma_semaphore, #tpu.memory_space<semaphore_mem>> -> memref<!tpu.dma_semaphore, #tpu.memory_space<semaphore_mem>>
    tpu.enqueue_indirect_dma source(%dma_start3A_622 : memref<1000000x64xf32, #tpu.memory_space<hbm>>) target(%dma_start3A_616 : memref<32x64xf32, #tpu.memory_space<vmem>>) offsets(%dma_start3A_619 : memref<32xi32, #tpu.memory_space<vmem>>) semaphore(%dma_start3A_624 : memref<!tpu.dma_semaphore, #tpu.memory_space<semaphore_mem>>)
    %dma_start3A_625 = arith.constant 0 : i32
    %dma_start3A_626 = arith.constant 9 : i32
    %dma_start3A_627 = arith.constant 0 : i32
    %dma_start3A_628 = arith.constant 9 : i32
    %dma_start3A_629 = arith.constant 0 : i32
    %dma_start3A_630 = arith.constant 0 : i32
    %dma_start3A_631 = arith.constant 0 : i32
    %dma_start3A_632 = tpu.memref_slice %arg15[%dma_start3A_627, %dma_start3A_628, %dma_start3A_630, %dma_start3A_631] : memref<2x20x32x64xf32, #tpu.memory_space<vmem>> -> memref<1x1x32x64xf32, #tpu.memory_space<vmem>>
    %dma_start3A_633 = tpu.memref_squeeze %dma_start3A_632 : memref<1x1x32x64xf32, #tpu.memory_space<vmem>> -> memref<32x64xf32, #tpu.memory_space<vmem>>
    %dma_start3A_634 = arith.constant 0 : i32
    %dma_start3A_635 = tpu.memref_slice %arg12[%dma_start3A_625, %dma_start3A_626, %dma_start3A_634] : memref<2x20x32xi32, #tpu.memory_space<vmem>> -> memref<1x1x32xi32, #tpu.memory_space<vmem>>
    %dma_start3A_636 = tpu.memref_squeeze %dma_start3A_635 : memref<1x1x32xi32, #tpu.memory_space<vmem>> -> memref<32xi32, #tpu.memory_space<vmem>>
    %dma_start3A_637 = arith.constant 0 : i32
    %dma_start3A_638 = arith.constant 0 : i32
    %dma_start3A_639 = tpu.memref_slice %arg3[%dma_start3A_637, %dma_start3A_638] : memref<1000000x64xf32, #tpu.memory_space<hbm>> -> memref<1000000x64xf32, #tpu.memory_space<hbm>>
    %dma_start3A_640 = tpu.memref_slice %arg18[%dma_start3A_629] : memref<2x!tpu.dma_semaphore, #tpu.memory_space<semaphore_mem>> -> memref<1x!tpu.dma_semaphore, #tpu.memory_space<semaphore_mem>>
    %dma_start3A_641 = tpu.memref_squeeze %dma_start3A_640 : memref<1x!tpu.dma_semaphore, #tpu.memory_space<semaphore_mem>> -> memref<!tpu.dma_semaphore, #tpu.memory_space<semaphore_mem>>
    tpu.enqueue_indirect_dma source(%dma_start3A_639 : memref<1000000x64xf32, #tpu.memory_space<hbm>>) target(%dma_start3A_633 : memref<32x64xf32, #tpu.memory_space<vmem>>) offsets(%dma_start3A_636 : memref<32xi32, #tpu.memory_space<vmem>>) semaphore(%dma_start3A_641 : memref<!tpu.dma_semaphore, #tpu.memory_space<semaphore_mem>>)
    %dma_start3A_642 = arith.constant 0 : i32
    %dma_start3A_643 = arith.constant 10 : i32
    %dma_start3A_644 = arith.constant 0 : i32
    %dma_start3A_645 = arith.constant 10 : i32
    %dma_start3A_646 = arith.constant 0 : i32
    %dma_start3A_647 = arith.constant 0 : i32
    %dma_start3A_648 = arith.constant 0 : i32
    %dma_start3A_649 = tpu.memref_slice %arg15[%dma_start3A_644, %dma_start3A_645, %dma_start3A_647, %dma_start3A_648] : memref<2x20x32x64xf32, #tpu.memory_space<vmem>> -> memref<1x1x32x64xf32, #tpu.memory_space<vmem>>
    %dma_start3A_650 = tpu.memref_squeeze %dma_start3A_649 : memref<1x1x32x64xf32, #tpu.memory_space<vmem>> -> memref<32x64xf32, #tpu.memory_space<vmem>>
    %dma_start3A_651 = arith.constant 0 : i32
    %dma_start3A_652 = tpu.memref_slice %arg12[%dma_start3A_642, %dma_start3A_643, %dma_start3A_651] : memref<2x20x32xi32, #tpu.memory_space<vmem>> -> memref<1x1x32xi32, #tpu.memory_space<vmem>>
    %dma_start3A_653 = tpu.memref_squeeze %dma_start3A_652 : memref<1x1x32xi32, #tpu.memory_space<vmem>> -> memref<32xi32, #tpu.memory_space<vmem>>
    %dma_start3A_654 = arith.constant 0 : i32
    %dma_start3A_655 = arith.constant 0 : i32
    %dma_start3A_656 = tpu.memref_slice %arg3[%dma_start3A_654, %dma_start3A_655] : memref<1000000x64xf32, #tpu.memory_space<hbm>> -> memref<1000000x64xf32, #tpu.memory_space<hbm>>
    %dma_start3A_657 = tpu.memref_slice %arg18[%dma_start3A_646] : memref<2x!tpu.dma_semaphore, #tpu.memory_space<semaphore_mem>> -> memref<1x!tpu.dma_semaphore, #tpu.memory_space<semaphore_mem>>
    %dma_start3A_658 = tpu.memref_squeeze %dma_start3A_657 : memref<1x!tpu.dma_semaphore, #tpu.memory_space<semaphore_mem>> -> memref<!tpu.dma_semaphore, #tpu.memory_space<semaphore_mem>>
    tpu.enqueue_indirect_dma source(%dma_start3A_656 : memref<1000000x64xf32, #tpu.memory_space<hbm>>) target(%dma_start3A_650 : memref<32x64xf32, #tpu.memory_space<vmem>>) offsets(%dma_start3A_653 : memref<32xi32, #tpu.memory_space<vmem>>) semaphore(%dma_start3A_658 : memref<!tpu.dma_semaphore, #tpu.memory_space<semaphore_mem>>)
    %dma_start3A_659 = arith.constant 0 : i32
    %dma_start3A_660 = arith.constant 11 : i32
    %dma_start3A_661 = arith.constant 0 : i32
    %dma_start3A_662 = arith.constant 11 : i32
    %dma_start3A_663 = arith.constant 0 : i32
    %dma_start3A_664 = arith.constant 0 : i32
    %dma_start3A_665 = arith.constant 0 : i32
    %dma_start3A_666 = tpu.memref_slice %arg15[%dma_start3A_661, %dma_start3A_662, %dma_start3A_664, %dma_start3A_665] : memref<2x20x32x64xf32, #tpu.memory_space<vmem>> -> memref<1x1x32x64xf32, #tpu.memory_space<vmem>>
    %dma_start3A_667 = tpu.memref_squeeze %dma_start3A_666 : memref<1x1x32x64xf32, #tpu.memory_space<vmem>> -> memref<32x64xf32, #tpu.memory_space<vmem>>
    %dma_start3A_668 = arith.constant 0 : i32
    %dma_start3A_669 = tpu.memref_slice %arg12[%dma_start3A_659, %dma_start3A_660, %dma_start3A_668] : memref<2x20x32xi32, #tpu.memory_space<vmem>> -> memref<1x1x32xi32, #tpu.memory_space<vmem>>
    %dma_start3A_670 = tpu.memref_squeeze %dma_start3A_669 : memref<1x1x32xi32, #tpu.memory_space<vmem>> -> memref<32xi32, #tpu.memory_space<vmem>>
    %dma_start3A_671 = arith.constant 0 : i32
    %dma_start3A_672 = arith.constant 0 : i32
    %dma_start3A_673 = tpu.memref_slice %arg3[%dma_start3A_671, %dma_start3A_672] : memref<1000000x64xf32, #tpu.memory_space<hbm>> -> memref<1000000x64xf32, #tpu.memory_space<hbm>>
    %dma_start3A_674 = tpu.memref_slice %arg18[%dma_start3A_663] : memref<2x!tpu.dma_semaphore, #tpu.memory_space<semaphore_mem>> -> memref<1x!tpu.dma_semaphore, #tpu.memory_space<semaphore_mem>>
    %dma_start3A_675 = tpu.memref_squeeze %dma_start3A_674 : memref<1x!tpu.dma_semaphore, #tpu.memory_space<semaphore_mem>> -> memref<!tpu.dma_semaphore, #tpu.memory_space<semaphore_mem>>
    tpu.enqueue_indirect_dma source(%dma_start3A_673 : memref<1000000x64xf32, #tpu.memory_space<hbm>>) target(%dma_start3A_667 : memref<32x64xf32, #tpu.memory_space<vmem>>) offsets(%dma_start3A_670 : memref<32xi32, #tpu.memory_space<vmem>>) semaphore(%dma_start3A_675 : memref<!tpu.dma_semaphore, #tpu.memory_space<semaphore_mem>>)
    %dma_start3A_676 = arith.constant 0 : i32
    %dma_start3A_677 = arith.constant 12 : i32
    %dma_start3A_678 = arith.constant 0 : i32
    %dma_start3A_679 = arith.constant 12 : i32
    %dma_start3A_680 = arith.constant 0 : i32
    %dma_start3A_681 = arith.constant 0 : i32
    %dma_start3A_682 = arith.constant 0 : i32
    %dma_start3A_683 = tpu.memref_slice %arg15[%dma_start3A_678, %dma_start3A_679, %dma_start3A_681, %dma_start3A_682] : memref<2x20x32x64xf32, #tpu.memory_space<vmem>> -> memref<1x1x32x64xf32, #tpu.memory_space<vmem>>
    %dma_start3A_684 = tpu.memref_squeeze %dma_start3A_683 : memref<1x1x32x64xf32, #tpu.memory_space<vmem>> -> memref<32x64xf32, #tpu.memory_space<vmem>>
    %dma_start3A_685 = arith.constant 0 : i32
    %dma_start3A_686 = tpu.memref_slice %arg12[%dma_start3A_676, %dma_start3A_677, %dma_start3A_685] : memref<2x20x32xi32, #tpu.memory_space<vmem>> -> memref<1x1x32xi32, #tpu.memory_space<vmem>>
    %dma_start3A_687 = tpu.memref_squeeze %dma_start3A_686 : memref<1x1x32xi32, #tpu.memory_space<vmem>> -> memref<32xi32, #tpu.memory_space<vmem>>
    %dma_start3A_688 = arith.constant 0 : i32
    %dma_start3A_689 = arith.constant 0 : i32
    %dma_start3A_690 = tpu.memref_slice %arg3[%dma_start3A_688, %dma_start3A_689] : memref<1000000x64xf32, #tpu.memory_space<hbm>> -> memref<1000000x64xf32, #tpu.memory_space<hbm>>
    %dma_start3A_691 = tpu.memref_slice %arg18[%dma_start3A_680] : memref<2x!tpu.dma_semaphore, #tpu.memory_space<semaphore_mem>> -> memref<1x!tpu.dma_semaphore, #tpu.memory_space<semaphore_mem>>
    %dma_start3A_692 = tpu.memref_squeeze %dma_start3A_691 : memref<1x!tpu.dma_semaphore, #tpu.memory_space<semaphore_mem>> -> memref<!tpu.dma_semaphore, #tpu.memory_space<semaphore_mem>>
    tpu.enqueue_indirect_dma source(%dma_start3A_690 : memref<1000000x64xf32, #tpu.memory_space<hbm>>) target(%dma_start3A_684 : memref<32x64xf32, #tpu.memory_space<vmem>>) offsets(%dma_start3A_687 : memref<32xi32, #tpu.memory_space<vmem>>) semaphore(%dma_start3A_692 : memref<!tpu.dma_semaphore, #tpu.memory_space<semaphore_mem>>)
    %dma_start3A_693 = arith.constant 0 : i32
    %dma_start3A_694 = arith.constant 13 : i32
    %dma_start3A_695 = arith.constant 0 : i32
    %dma_start3A_696 = arith.constant 13 : i32
    %dma_start3A_697 = arith.constant 0 : i32
    %dma_start3A_698 = arith.constant 0 : i32
    %dma_start3A_699 = arith.constant 0 : i32
    %dma_start3A_700 = tpu.memref_slice %arg15[%dma_start3A_695, %dma_start3A_696, %dma_start3A_698, %dma_start3A_699] : memref<2x20x32x64xf32, #tpu.memory_space<vmem>> -> memref<1x1x32x64xf32, #tpu.memory_space<vmem>>
    %dma_start3A_701 = tpu.memref_squeeze %dma_start3A_700 : memref<1x1x32x64xf32, #tpu.memory_space<vmem>> -> memref<32x64xf32, #tpu.memory_space<vmem>>
    %dma_start3A_702 = arith.constant 0 : i32
    %dma_start3A_703 = tpu.memref_slice %arg12[%dma_start3A_693, %dma_start3A_694, %dma_start3A_702] : memref<2x20x32xi32, #tpu.memory_space<vmem>> -> memref<1x1x32xi32, #tpu.memory_space<vmem>>
    %dma_start3A_704 = tpu.memref_squeeze %dma_start3A_703 : memref<1x1x32xi32, #tpu.memory_space<vmem>> -> memref<32xi32, #tpu.memory_space<vmem>>
    %dma_start3A_705 = arith.constant 0 : i32
    %dma_start3A_706 = arith.constant 0 : i32
    %dma_start3A_707 = tpu.memref_slice %arg3[%dma_start3A_705, %dma_start3A_706] : memref<1000000x64xf32, #tpu.memory_space<hbm>> -> memref<1000000x64xf32, #tpu.memory_space<hbm>>
    %dma_start3A_708 = tpu.memref_slice %arg18[%dma_start3A_697] : memref<2x!tpu.dma_semaphore, #tpu.memory_space<semaphore_mem>> -> memref<1x!tpu.dma_semaphore, #tpu.memory_space<semaphore_mem>>
    %dma_start3A_709 = tpu.memref_squeeze %dma_start3A_708 : memref<1x!tpu.dma_semaphore, #tpu.memory_space<semaphore_mem>> -> memref<!tpu.dma_semaphore, #tpu.memory_space<semaphore_mem>>
    tpu.enqueue_indirect_dma source(%dma_start3A_707 : memref<1000000x64xf32, #tpu.memory_space<hbm>>) target(%dma_start3A_701 : memref<32x64xf32, #tpu.memory_space<vmem>>) offsets(%dma_start3A_704 : memref<32xi32, #tpu.memory_space<vmem>>) semaphore(%dma_start3A_709 : memref<!tpu.dma_semaphore, #tpu.memory_space<semaphore_mem>>)
    %dma_start3A_710 = arith.constant 0 : i32
    %dma_start3A_711 = arith.constant 14 : i32
    %dma_start3A_712 = arith.constant 0 : i32
    %dma_start3A_713 = arith.constant 14 : i32
    %dma_start3A_714 = arith.constant 0 : i32
    %dma_start3A_715 = arith.constant 0 : i32
    %dma_start3A_716 = arith.constant 0 : i32
    %dma_start3A_717 = tpu.memref_slice %arg15[%dma_start3A_712, %dma_start3A_713, %dma_start3A_715, %dma_start3A_716] : memref<2x20x32x64xf32, #tpu.memory_space<vmem>> -> memref<1x1x32x64xf32, #tpu.memory_space<vmem>>
    %dma_start3A_718 = tpu.memref_squeeze %dma_start3A_717 : memref<1x1x32x64xf32, #tpu.memory_space<vmem>> -> memref<32x64xf32, #tpu.memory_space<vmem>>
    %dma_start3A_719 = arith.constant 0 : i32
    %dma_start3A_720 = tpu.memref_slice %arg12[%dma_start3A_710, %dma_start3A_711, %dma_start3A_719] : memref<2x20x32xi32, #tpu.memory_space<vmem>> -> memref<1x1x32xi32, #tpu.memory_space<vmem>>
    %dma_start3A_721 = tpu.memref_squeeze %dma_start3A_720 : memref<1x1x32xi32, #tpu.memory_space<vmem>> -> memref<32xi32, #tpu.memory_space<vmem>>
    %dma_start3A_722 = arith.constant 0 : i32
    %dma_start3A_723 = arith.constant 0 : i32
    %dma_start3A_724 = tpu.memref_slice %arg3[%dma_start3A_722, %dma_start3A_723] : memref<1000000x64xf32, #tpu.memory_space<hbm>> -> memref<1000000x64xf32, #tpu.memory_space<hbm>>
    %dma_start3A_725 = tpu.memref_slice %arg18[%dma_start3A_714] : memref<2x!tpu.dma_semaphore, #tpu.memory_space<semaphore_mem>> -> memref<1x!tpu.dma_semaphore, #tpu.memory_space<semaphore_mem>>
    %dma_start3A_726 = tpu.memref_squeeze %dma_start3A_725 : memref<1x!tpu.dma_semaphore, #tpu.memory_space<semaphore_mem>> -> memref<!tpu.dma_semaphore, #tpu.memory_space<semaphore_mem>>
    tpu.enqueue_indirect_dma source(%dma_start3A_724 : memref<1000000x64xf32, #tpu.memory_space<hbm>>) target(%dma_start3A_718 : memref<32x64xf32, #tpu.memory_space<vmem>>) offsets(%dma_start3A_721 : memref<32xi32, #tpu.memory_space<vmem>>) semaphore(%dma_start3A_726 : memref<!tpu.dma_semaphore, #tpu.memory_space<semaphore_mem>>)
    %dma_start3A_727 = arith.constant 0 : i32
    %dma_start3A_728 = arith.constant 15 : i32
    %dma_start3A_729 = arith.constant 0 : i32
    %dma_start3A_730 = arith.constant 15 : i32
    %dma_start3A_731 = arith.constant 0 : i32
    %dma_start3A_732 = arith.constant 0 : i32
    %dma_start3A_733 = arith.constant 0 : i32
    %dma_start3A_734 = tpu.memref_slice %arg15[%dma_start3A_729, %dma_start3A_730, %dma_start3A_732, %dma_start3A_733] : memref<2x20x32x64xf32, #tpu.memory_space<vmem>> -> memref<1x1x32x64xf32, #tpu.memory_space<vmem>>
    %dma_start3A_735 = tpu.memref_squeeze %dma_start3A_734 : memref<1x1x32x64xf32, #tpu.memory_space<vmem>> -> memref<32x64xf32, #tpu.memory_space<vmem>>
    %dma_start3A_736 = arith.constant 0 : i32
    %dma_start3A_737 = tpu.memref_slice %arg12[%dma_start3A_727, %dma_start3A_728, %dma_start3A_736] : memref<2x20x32xi32, #tpu.memory_space<vmem>> -> memref<1x1x32xi32, #tpu.memory_space<vmem>>
    %dma_start3A_738 = tpu.memref_squeeze %dma_start3A_737 : memref<1x1x32xi32, #tpu.memory_space<vmem>> -> memref<32xi32, #tpu.memory_space<vmem>>
    %dma_start3A_739 = arith.constant 0 : i32
    %dma_start3A_740 = arith.constant 0 : i32
    %dma_start3A_741 = tpu.memref_slice %arg3[%dma_start3A_739, %dma_start3A_740] : memref<1000000x64xf32, #tpu.memory_space<hbm>> -> memref<1000000x64xf32, #tpu.memory_space<hbm>>
    %dma_start3A_742 = tpu.memref_slice %arg18[%dma_start3A_731] : memref<2x!tpu.dma_semaphore, #tpu.memory_space<semaphore_mem>> -> memref<1x!tpu.dma_semaphore, #tpu.memory_space<semaphore_mem>>
    %dma_start3A_743 = tpu.memref_squeeze %dma_start3A_742 : memref<1x!tpu.dma_semaphore, #tpu.memory_space<semaphore_mem>> -> memref<!tpu.dma_semaphore, #tpu.memory_space<semaphore_mem>>
    tpu.enqueue_indirect_dma source(%dma_start3A_741 : memref<1000000x64xf32, #tpu.memory_space<hbm>>) target(%dma_start3A_735 : memref<32x64xf32, #tpu.memory_space<vmem>>) offsets(%dma_start3A_738 : memref<32xi32, #tpu.memory_space<vmem>>) semaphore(%dma_start3A_743 : memref<!tpu.dma_semaphore, #tpu.memory_space<semaphore_mem>>)
    %dma_start3A_744 = arith.constant 0 : i32
    %dma_start3A_745 = arith.constant 16 : i32
    %dma_start3A_746 = arith.constant 0 : i32
    %dma_start3A_747 = arith.constant 16 : i32
    %dma_start3A_748 = arith.constant 0 : i32
    %dma_start3A_749 = arith.constant 0 : i32
    %dma_start3A_750 = arith.constant 0 : i32
    %dma_start3A_751 = tpu.memref_slice %arg15[%dma_start3A_746, %dma_start3A_747, %dma_start3A_749, %dma_start3A_750] : memref<2x20x32x64xf32, #tpu.memory_space<vmem>> -> memref<1x1x32x64xf32, #tpu.memory_space<vmem>>
    %dma_start3A_752 = tpu.memref_squeeze %dma_start3A_751 : memref<1x1x32x64xf32, #tpu.memory_space<vmem>> -> memref<32x64xf32, #tpu.memory_space<vmem>>
    %dma_start3A_753 = arith.constant 0 : i32
    %dma_start3A_754 = tpu.memref_slice %arg12[%dma_start3A_744, %dma_start3A_745, %dma_start3A_753] : memref<2x20x32xi32, #tpu.memory_space<vmem>> -> memref<1x1x32xi32, #tpu.memory_space<vmem>>
    %dma_start3A_755 = tpu.memref_squeeze %dma_start3A_754 : memref<1x1x32xi32, #tpu.memory_space<vmem>> -> memref<32xi32, #tpu.memory_space<vmem>>
    %dma_start3A_756 = arith.constant 0 : i32
    %dma_start3A_757 = arith.constant 0 : i32
    %dma_start3A_758 = tpu.memref_slice %arg3[%dma_start3A_756, %dma_start3A_757] : memref<1000000x64xf32, #tpu.memory_space<hbm>> -> memref<1000000x64xf32, #tpu.memory_space<hbm>>
    %dma_start3A_759 = tpu.memref_slice %arg18[%dma_start3A_748] : memref<2x!tpu.dma_semaphore, #tpu.memory_space<semaphore_mem>> -> memref<1x!tpu.dma_semaphore, #tpu.memory_space<semaphore_mem>>
    %dma_start3A_760 = tpu.memref_squeeze %dma_start3A_759 : memref<1x!tpu.dma_semaphore, #tpu.memory_space<semaphore_mem>> -> memref<!tpu.dma_semaphore, #tpu.memory_space<semaphore_mem>>
    tpu.enqueue_indirect_dma source(%dma_start3A_758 : memref<1000000x64xf32, #tpu.memory_space<hbm>>) target(%dma_start3A_752 : memref<32x64xf32, #tpu.memory_space<vmem>>) offsets(%dma_start3A_755 : memref<32xi32, #tpu.memory_space<vmem>>) semaphore(%dma_start3A_760 : memref<!tpu.dma_semaphore, #tpu.memory_space<semaphore_mem>>)
    %dma_start3A_761 = arith.constant 0 : i32
    %dma_start3A_762 = arith.constant 17 : i32
    %dma_start3A_763 = arith.constant 0 : i32
    %dma_start3A_764 = arith.constant 17 : i32
    %dma_start3A_765 = arith.constant 0 : i32
    %dma_start3A_766 = arith.constant 0 : i32
    %dma_start3A_767 = arith.constant 0 : i32
    %dma_start3A_768 = tpu.memref_slice %arg15[%dma_start3A_763, %dma_start3A_764, %dma_start3A_766, %dma_start3A_767] : memref<2x20x32x64xf32, #tpu.memory_space<vmem>> -> memref<1x1x32x64xf32, #tpu.memory_space<vmem>>
    %dma_start3A_769 = tpu.memref_squeeze %dma_start3A_768 : memref<1x1x32x64xf32, #tpu.memory_space<vmem>> -> memref<32x64xf32, #tpu.memory_space<vmem>>
    %dma_start3A_770 = arith.constant 0 : i32
    %dma_start3A_771 = tpu.memref_slice %arg12[%dma_start3A_761, %dma_start3A_762, %dma_start3A_770] : memref<2x20x32xi32, #tpu.memory_space<vmem>> -> memref<1x1x32xi32, #tpu.memory_space<vmem>>
    %dma_start3A_772 = tpu.memref_squeeze %dma_start3A_771 : memref<1x1x32xi32, #tpu.memory_space<vmem>> -> memref<32xi32, #tpu.memory_space<vmem>>
    %dma_start3A_773 = arith.constant 0 : i32
    %dma_start3A_774 = arith.constant 0 : i32
    %dma_start3A_775 = tpu.memref_slice %arg3[%dma_start3A_773, %dma_start3A_774] : memref<1000000x64xf32, #tpu.memory_space<hbm>> -> memref<1000000x64xf32, #tpu.memory_space<hbm>>
    %dma_start3A_776 = tpu.memref_slice %arg18[%dma_start3A_765] : memref<2x!tpu.dma_semaphore, #tpu.memory_space<semaphore_mem>> -> memref<1x!tpu.dma_semaphore, #tpu.memory_space<semaphore_mem>>
    %dma_start3A_777 = tpu.memref_squeeze %dma_start3A_776 : memref<1x!tpu.dma_semaphore, #tpu.memory_space<semaphore_mem>> -> memref<!tpu.dma_semaphore, #tpu.memory_space<semaphore_mem>>
    tpu.enqueue_indirect_dma source(%dma_start3A_775 : memref<1000000x64xf32, #tpu.memory_space<hbm>>) target(%dma_start3A_769 : memref<32x64xf32, #tpu.memory_space<vmem>>) offsets(%dma_start3A_772 : memref<32xi32, #tpu.memory_space<vmem>>) semaphore(%dma_start3A_777 : memref<!tpu.dma_semaphore, #tpu.memory_space<semaphore_mem>>)
    %dma_start3A_778 = arith.constant 0 : i32
    %dma_start3A_779 = arith.constant 18 : i32
    %dma_start3A_780 = arith.constant 0 : i32
    %dma_start3A_781 = arith.constant 18 : i32
    %dma_start3A_782 = arith.constant 0 : i32
    %dma_start3A_783 = arith.constant 0 : i32
    %dma_start3A_784 = arith.constant 0 : i32
    %dma_start3A_785 = tpu.memref_slice %arg15[%dma_start3A_780, %dma_start3A_781, %dma_start3A_783, %dma_start3A_784] : memref<2x20x32x64xf32, #tpu.memory_space<vmem>> -> memref<1x1x32x64xf32, #tpu.memory_space<vmem>>
    %dma_start3A_786 = tpu.memref_squeeze %dma_start3A_785 : memref<1x1x32x64xf32, #tpu.memory_space<vmem>> -> memref<32x64xf32, #tpu.memory_space<vmem>>
    %dma_start3A_787 = arith.constant 0 : i32
    %dma_start3A_788 = tpu.memref_slice %arg12[%dma_start3A_778, %dma_start3A_779, %dma_start3A_787] : memref<2x20x32xi32, #tpu.memory_space<vmem>> -> memref<1x1x32xi32, #tpu.memory_space<vmem>>
    %dma_start3A_789 = tpu.memref_squeeze %dma_start3A_788 : memref<1x1x32xi32, #tpu.memory_space<vmem>> -> memref<32xi32, #tpu.memory_space<vmem>>
    %dma_start3A_790 = arith.constant 0 : i32
    %dma_start3A_791 = arith.constant 0 : i32
    %dma_start3A_792 = tpu.memref_slice %arg3[%dma_start3A_790, %dma_start3A_791] : memref<1000000x64xf32, #tpu.memory_space<hbm>> -> memref<1000000x64xf32, #tpu.memory_space<hbm>>
    %dma_start3A_793 = tpu.memref_slice %arg18[%dma_start3A_782] : memref<2x!tpu.dma_semaphore, #tpu.memory_space<semaphore_mem>> -> memref<1x!tpu.dma_semaphore, #tpu.memory_space<semaphore_mem>>
    %dma_start3A_794 = tpu.memref_squeeze %dma_start3A_793 : memref<1x!tpu.dma_semaphore, #tpu.memory_space<semaphore_mem>> -> memref<!tpu.dma_semaphore, #tpu.memory_space<semaphore_mem>>
    tpu.enqueue_indirect_dma source(%dma_start3A_792 : memref<1000000x64xf32, #tpu.memory_space<hbm>>) target(%dma_start3A_786 : memref<32x64xf32, #tpu.memory_space<vmem>>) offsets(%dma_start3A_789 : memref<32xi32, #tpu.memory_space<vmem>>) semaphore(%dma_start3A_794 : memref<!tpu.dma_semaphore, #tpu.memory_space<semaphore_mem>>)
    %dma_start3A_795 = arith.constant 0 : i32
    %dma_start3A_796 = arith.constant 19 : i32
    %dma_start3A_797 = arith.constant 0 : i32
    %dma_start3A_798 = arith.constant 19 : i32
    %dma_start3A_799 = arith.constant 0 : i32
    %dma_start3A_800 = arith.constant 0 : i32
    %dma_start3A_801 = arith.constant 0 : i32
    %dma_start3A_802 = tpu.memref_slice %arg15[%dma_start3A_797, %dma_start3A_798, %dma_start3A_800, %dma_start3A_801] : memref<2x20x32x64xf32, #tpu.memory_space<vmem>> -> memref<1x1x32x64xf32, #tpu.memory_space<vmem>>
    %dma_start3A_803 = tpu.memref_squeeze %dma_start3A_802 : memref<1x1x32x64xf32, #tpu.memory_space<vmem>> -> memref<32x64xf32, #tpu.memory_space<vmem>>
    %dma_start3A_804 = arith.constant 0 : i32
    %dma_start3A_805 = tpu.memref_slice %arg12[%dma_start3A_795, %dma_start3A_796, %dma_start3A_804] : memref<2x20x32xi32, #tpu.memory_space<vmem>> -> memref<1x1x32xi32, #tpu.memory_space<vmem>>
    %dma_start3A_806 = tpu.memref_squeeze %dma_start3A_805 : memref<1x1x32xi32, #tpu.memory_space<vmem>> -> memref<32xi32, #tpu.memory_space<vmem>>
    %dma_start3A_807 = arith.constant 0 : i32
    %dma_start3A_808 = arith.constant 0 : i32
    %dma_start3A_809 = tpu.memref_slice %arg3[%dma_start3A_807, %dma_start3A_808] : memref<1000000x64xf32, #tpu.memory_space<hbm>> -> memref<1000000x64xf32, #tpu.memory_space<hbm>>
    %dma_start3A_810 = tpu.memref_slice %arg18[%dma_start3A_799] : memref<2x!tpu.dma_semaphore, #tpu.memory_space<semaphore_mem>> -> memref<1x!tpu.dma_semaphore, #tpu.memory_space<semaphore_mem>>
    %dma_start3A_811 = tpu.memref_squeeze %dma_start3A_810 : memref<1x!tpu.dma_semaphore, #tpu.memory_space<semaphore_mem>> -> memref<!tpu.dma_semaphore, #tpu.memory_space<semaphore_mem>>
    tpu.enqueue_indirect_dma source(%dma_start3A_809 : memref<1000000x64xf32, #tpu.memory_space<hbm>>) target(%dma_start3A_803 : memref<32x64xf32, #tpu.memory_space<vmem>>) offsets(%dma_start3A_806 : memref<32xi32, #tpu.memory_space<vmem>>) semaphore(%dma_start3A_811 : memref<!tpu.dma_semaphore, #tpu.memory_space<semaphore_mem>>)
    %scan3A = arith.constant 0 : i32
    %scan3A_812 = arith.constant 0 : i32
    %scan3A_813 = arith.constant 16 : i32
    %scan3A_814 = arith.addi %scan3A_812, %scan3A_813 : i32
    %scan3A_815 = arith.constant 1 : i32
    scf.for %scan3A_817 = %scan3A_812 to %scan3A_814 step %scan3A_815  : i32 {
      %and3A = arith.constant 1 : i32
      %and3A_818 = arith.andi %scan3A_817, %and3A : i32
      %dma_wait3A = arith.constant 0 : i32
      %dma_wait3A_819 = arith.constant 0 : i32
      %dma_wait3A_820 = arith.constant 0 : i32
      %dma_wait3A_821 = tpu.memref_slice %arg13[%and3A_818, %dma_wait3A_819, %dma_wait3A_820] : memref<2x32x64xf32, #tpu.memory_space<vmem>> -> memref<1x32x64xf32, #tpu.memory_space<vmem>>
      %dma_wait3A_822 = tpu.memref_squeeze %dma_wait3A_821 : memref<1x32x64xf32, #tpu.memory_space<vmem>> -> memref<32x64xf32, #tpu.memory_space<vmem>>
      %dma_wait3A_823 = arith.constant 0 : i32
      %dma_wait3A_824 = tpu.memref_slice %arg9[%dma_wait3A, %dma_wait3A_823] : memref<16x32xi32, #tpu.memory_space<vmem>> -> memref<1x32xi32, #tpu.memory_space<vmem>>
      %dma_wait3A_825 = tpu.memref_squeeze %dma_wait3A_824 : memref<1x32xi32, #tpu.memory_space<vmem>> -> memref<32xi32, #tpu.memory_space<vmem>>
      %dma_wait3A_826 = arith.constant 0 : i32
      %dma_wait3A_827 = arith.constant 0 : i32
      %dma_wait3A_828 = tpu.memref_slice %arg2[%dma_wait3A_826, %dma_wait3A_827] : memref<1000000x64xf32, #tpu.memory_space<hbm>> -> memref<1000000x64xf32, #tpu.memory_space<hbm>>
      %dma_wait3A_829 = tpu.memref_slice %arg18[%and3A_818] : memref<2x!tpu.dma_semaphore, #tpu.memory_space<semaphore_mem>> -> memref<1x!tpu.dma_semaphore, #tpu.memory_space<semaphore_mem>>
      %dma_wait3A_830 = tpu.memref_squeeze %dma_wait3A_829 : memref<1x!tpu.dma_semaphore, #tpu.memory_space<semaphore_mem>> -> memref<!tpu.dma_semaphore, #tpu.memory_space<semaphore_mem>>
      tpu.wait_indirect_dma semaphore(%dma_wait3A_830 : memref<!tpu.dma_semaphore, #tpu.memory_space<semaphore_mem>>) src(%dma_wait3A_828 : memref<1000000x64xf32, #tpu.memory_space<hbm>>) dst(%dma_wait3A_822 : memref<32x64xf32, #tpu.memory_space<vmem>>)
      %dma_wait3A_831 = arith.constant 0 : i32
      %dma_wait3A_832 = arith.constant 0 : i32
      %dma_wait3A_833 = arith.constant 0 : i32
      %dma_wait3A_834 = tpu.memref_slice %arg14[%and3A_818, %dma_wait3A_832, %dma_wait3A_833] : memref<2x32x64xf32, #tpu.memory_space<vmem>> -> memref<1x32x64xf32, #tpu.memory_space<vmem>>
      %dma_wait3A_835 = tpu.memref_squeeze %dma_wait3A_834 : memref<1x32x64xf32, #tpu.memory_space<vmem>> -> memref<32x64xf32, #tpu.memory_space<vmem>>
      %dma_wait3A_836 = arith.constant 0 : i32
      %dma_wait3A_837 = tpu.memref_slice %arg10[%dma_wait3A_831, %dma_wait3A_836] : memref<16x32xi32, #tpu.memory_space<vmem>> -> memref<1x32xi32, #tpu.memory_space<vmem>>
      %dma_wait3A_838 = tpu.memref_squeeze %dma_wait3A_837 : memref<1x32xi32, #tpu.memory_space<vmem>> -> memref<32xi32, #tpu.memory_space<vmem>>
      %dma_wait3A_839 = arith.constant 0 : i32
      %dma_wait3A_840 = arith.constant 0 : i32
      %dma_wait3A_841 = tpu.memref_slice %arg3[%dma_wait3A_839, %dma_wait3A_840] : memref<1000000x64xf32, #tpu.memory_space<hbm>> -> memref<1000000x64xf32, #tpu.memory_space<hbm>>
      %dma_wait3A_842 = tpu.memref_slice %arg18[%and3A_818] : memref<2x!tpu.dma_semaphore, #tpu.memory_space<semaphore_mem>> -> memref<1x!tpu.dma_semaphore, #tpu.memory_space<semaphore_mem>>
      %dma_wait3A_843 = tpu.memref_squeeze %dma_wait3A_842 : memref<1x!tpu.dma_semaphore, #tpu.memory_space<semaphore_mem>> -> memref<!tpu.dma_semaphore, #tpu.memory_space<semaphore_mem>>
      tpu.wait_indirect_dma semaphore(%dma_wait3A_843 : memref<!tpu.dma_semaphore, #tpu.memory_space<semaphore_mem>>) src(%dma_wait3A_841 : memref<1000000x64xf32, #tpu.memory_space<hbm>>) dst(%dma_wait3A_835 : memref<32x64xf32, #tpu.memory_space<vmem>>)
      %dma_wait3A_844 = arith.constant 0 : i32
      %dma_wait3A_845 = arith.constant 0 : i32
      %dma_wait3A_846 = arith.constant 0 : i32
      %dma_wait3A_847 = arith.constant 0 : i32
      %dma_wait3A_848 = tpu.memref_slice %arg15[%and3A_818, %dma_wait3A_845, %dma_wait3A_846, %dma_wait3A_847] : memref<2x20x32x64xf32, #tpu.memory_space<vmem>> -> memref<1x1x32x64xf32, #tpu.memory_space<vmem>>
      %dma_wait3A_849 = tpu.memref_squeeze %dma_wait3A_848 : memref<1x1x32x64xf32, #tpu.memory_space<vmem>> -> memref<32x64xf32, #tpu.memory_space<vmem>>
      %dma_wait3A_850 = arith.constant 0 : i32
      %dma_wait3A_851 = tpu.memref_slice %arg12[%and3A_818, %dma_wait3A_844, %dma_wait3A_850] : memref<2x20x32xi32, #tpu.memory_space<vmem>> -> memref<1x1x32xi32, #tpu.memory_space<vmem>>
      %dma_wait3A_852 = tpu.memref_squeeze %dma_wait3A_851 : memref<1x1x32xi32, #tpu.memory_space<vmem>> -> memref<32xi32, #tpu.memory_space<vmem>>
      %dma_wait3A_853 = arith.constant 0 : i32
      %dma_wait3A_854 = arith.constant 0 : i32
      %dma_wait3A_855 = tpu.memref_slice %arg3[%dma_wait3A_853, %dma_wait3A_854] : memref<1000000x64xf32, #tpu.memory_space<hbm>> -> memref<1000000x64xf32, #tpu.memory_space<hbm>>
      %dma_wait3A_856 = tpu.memref_slice %arg18[%and3A_818] : memref<2x!tpu.dma_semaphore, #tpu.memory_space<semaphore_mem>> -> memref<1x!tpu.dma_semaphore, #tpu.memory_space<semaphore_mem>>
      %dma_wait3A_857 = tpu.memref_squeeze %dma_wait3A_856 : memref<1x!tpu.dma_semaphore, #tpu.memory_space<semaphore_mem>> -> memref<!tpu.dma_semaphore, #tpu.memory_space<semaphore_mem>>
      tpu.wait_indirect_dma semaphore(%dma_wait3A_857 : memref<!tpu.dma_semaphore, #tpu.memory_space<semaphore_mem>>) src(%dma_wait3A_855 : memref<1000000x64xf32, #tpu.memory_space<hbm>>) dst(%dma_wait3A_849 : memref<32x64xf32, #tpu.memory_space<vmem>>)
      %dma_wait3A_858 = arith.constant 1 : i32
      %dma_wait3A_859 = arith.constant 1 : i32
      %dma_wait3A_860 = arith.constant 0 : i32
      %dma_wait3A_861 = arith.constant 0 : i32
      %dma_wait3A_862 = tpu.memref_slice %arg15[%and3A_818, %dma_wait3A_859, %dma_wait3A_860, %dma_wait3A_861] : memref<2x20x32x64xf32, #tpu.memory_space<vmem>> -> memref<1x1x32x64xf32, #tpu.memory_space<vmem>>
      %dma_wait3A_863 = tpu.memref_squeeze %dma_wait3A_862 : memref<1x1x32x64xf32, #tpu.memory_space<vmem>> -> memref<32x64xf32, #tpu.memory_space<vmem>>
      %dma_wait3A_864 = arith.constant 0 : i32
      %dma_wait3A_865 = tpu.memref_slice %arg12[%and3A_818, %dma_wait3A_858, %dma_wait3A_864] : memref<2x20x32xi32, #tpu.memory_space<vmem>> -> memref<1x1x32xi32, #tpu.memory_space<vmem>>
      %dma_wait3A_866 = tpu.memref_squeeze %dma_wait3A_865 : memref<1x1x32xi32, #tpu.memory_space<vmem>> -> memref<32xi32, #tpu.memory_space<vmem>>
      %dma_wait3A_867 = arith.constant 0 : i32
      %dma_wait3A_868 = arith.constant 0 : i32
      %dma_wait3A_869 = tpu.memref_slice %arg3[%dma_wait3A_867, %dma_wait3A_868] : memref<1000000x64xf32, #tpu.memory_space<hbm>> -> memref<1000000x64xf32, #tpu.memory_space<hbm>>
      %dma_wait3A_870 = tpu.memref_slice %arg18[%and3A_818] : memref<2x!tpu.dma_semaphore, #tpu.memory_space<semaphore_mem>> -> memref<1x!tpu.dma_semaphore, #tpu.memory_space<semaphore_mem>>
      %dma_wait3A_871 = tpu.memref_squeeze %dma_wait3A_870 : memref<1x!tpu.dma_semaphore, #tpu.memory_space<semaphore_mem>> -> memref<!tpu.dma_semaphore, #tpu.memory_space<semaphore_mem>>
      tpu.wait_indirect_dma semaphore(%dma_wait3A_871 : memref<!tpu.dma_semaphore, #tpu.memory_space<semaphore_mem>>) src(%dma_wait3A_869 : memref<1000000x64xf32, #tpu.memory_space<hbm>>) dst(%dma_wait3A_863 : memref<32x64xf32, #tpu.memory_space<vmem>>)
      %dma_wait3A_872 = arith.constant 2 : i32
      %dma_wait3A_873 = arith.constant 2 : i32
      %dma_wait3A_874 = arith.constant 0 : i32
      %dma_wait3A_875 = arith.constant 0 : i32
      %dma_wait3A_876 = tpu.memref_slice %arg15[%and3A_818, %dma_wait3A_873, %dma_wait3A_874, %dma_wait3A_875] : memref<2x20x32x64xf32, #tpu.memory_space<vmem>> -> memref<1x1x32x64xf32, #tpu.memory_space<vmem>>
      %dma_wait3A_877 = tpu.memref_squeeze %dma_wait3A_876 : memref<1x1x32x64xf32, #tpu.memory_space<vmem>> -> memref<32x64xf32, #tpu.memory_space<vmem>>
      %dma_wait3A_878 = arith.constant 0 : i32
      %dma_wait3A_879 = tpu.memref_slice %arg12[%and3A_818, %dma_wait3A_872, %dma_wait3A_878] : memref<2x20x32xi32, #tpu.memory_space<vmem>> -> memref<1x1x32xi32, #tpu.memory_space<vmem>>
      %dma_wait3A_880 = tpu.memref_squeeze %dma_wait3A_879 : memref<1x1x32xi32, #tpu.memory_space<vmem>> -> memref<32xi32, #tpu.memory_space<vmem>>
      %dma_wait3A_881 = arith.constant 0 : i32
      %dma_wait3A_882 = arith.constant 0 : i32
      %dma_wait3A_883 = tpu.memref_slice %arg3[%dma_wait3A_881, %dma_wait3A_882] : memref<1000000x64xf32, #tpu.memory_space<hbm>> -> memref<1000000x64xf32, #tpu.memory_space<hbm>>
      %dma_wait3A_884 = tpu.memref_slice %arg18[%and3A_818] : memref<2x!tpu.dma_semaphore, #tpu.memory_space<semaphore_mem>> -> memref<1x!tpu.dma_semaphore, #tpu.memory_space<semaphore_mem>>
      %dma_wait3A_885 = tpu.memref_squeeze %dma_wait3A_884 : memref<1x!tpu.dma_semaphore, #tpu.memory_space<semaphore_mem>> -> memref<!tpu.dma_semaphore, #tpu.memory_space<semaphore_mem>>
      tpu.wait_indirect_dma semaphore(%dma_wait3A_885 : memref<!tpu.dma_semaphore, #tpu.memory_space<semaphore_mem>>) src(%dma_wait3A_883 : memref<1000000x64xf32, #tpu.memory_space<hbm>>) dst(%dma_wait3A_877 : memref<32x64xf32, #tpu.memory_space<vmem>>)
      %dma_wait3A_886 = arith.constant 3 : i32
      %dma_wait3A_887 = arith.constant 3 : i32
      %dma_wait3A_888 = arith.constant 0 : i32
      %dma_wait3A_889 = arith.constant 0 : i32
      %dma_wait3A_890 = tpu.memref_slice %arg15[%and3A_818, %dma_wait3A_887, %dma_wait3A_888, %dma_wait3A_889] : memref<2x20x32x64xf32, #tpu.memory_space<vmem>> -> memref<1x1x32x64xf32, #tpu.memory_space<vmem>>
      %dma_wait3A_891 = tpu.memref_squeeze %dma_wait3A_890 : memref<1x1x32x64xf32, #tpu.memory_space<vmem>> -> memref<32x64xf32, #tpu.memory_space<vmem>>
      %dma_wait3A_892 = arith.constant 0 : i32
      %dma_wait3A_893 = tpu.memref_slice %arg12[%and3A_818, %dma_wait3A_886, %dma_wait3A_892] : memref<2x20x32xi32, #tpu.memory_space<vmem>> -> memref<1x1x32xi32, #tpu.memory_space<vmem>>
      %dma_wait3A_894 = tpu.memref_squeeze %dma_wait3A_893 : memref<1x1x32xi32, #tpu.memory_space<vmem>> -> memref<32xi32, #tpu.memory_space<vmem>>
      %dma_wait3A_895 = arith.constant 0 : i32
      %dma_wait3A_896 = arith.constant 0 : i32
      %dma_wait3A_897 = tpu.memref_slice %arg3[%dma_wait3A_895, %dma_wait3A_896] : memref<1000000x64xf32, #tpu.memory_space<hbm>> -> memref<1000000x64xf32, #tpu.memory_space<hbm>>
      %dma_wait3A_898 = tpu.memref_slice %arg18[%and3A_818] : memref<2x!tpu.dma_semaphore, #tpu.memory_space<semaphore_mem>> -> memref<1x!tpu.dma_semaphore, #tpu.memory_space<semaphore_mem>>
      %dma_wait3A_899 = tpu.memref_squeeze %dma_wait3A_898 : memref<1x!tpu.dma_semaphore, #tpu.memory_space<semaphore_mem>> -> memref<!tpu.dma_semaphore, #tpu.memory_space<semaphore_mem>>
      tpu.wait_indirect_dma semaphore(%dma_wait3A_899 : memref<!tpu.dma_semaphore, #tpu.memory_space<semaphore_mem>>) src(%dma_wait3A_897 : memref<1000000x64xf32, #tpu.memory_space<hbm>>) dst(%dma_wait3A_891 : memref<32x64xf32, #tpu.memory_space<vmem>>)
      %dma_wait3A_900 = arith.constant 4 : i32
      %dma_wait3A_901 = arith.constant 4 : i32
      %dma_wait3A_902 = arith.constant 0 : i32
      %dma_wait3A_903 = arith.constant 0 : i32
      %dma_wait3A_904 = tpu.memref_slice %arg15[%and3A_818, %dma_wait3A_901, %dma_wait3A_902, %dma_wait3A_903] : memref<2x20x32x64xf32, #tpu.memory_space<vmem>> -> memref<1x1x32x64xf32, #tpu.memory_space<vmem>>
      %dma_wait3A_905 = tpu.memref_squeeze %dma_wait3A_904 : memref<1x1x32x64xf32, #tpu.memory_space<vmem>> -> memref<32x64xf32, #tpu.memory_space<vmem>>
      %dma_wait3A_906 = arith.constant 0 : i32
      %dma_wait3A_907 = tpu.memref_slice %arg12[%and3A_818, %dma_wait3A_900, %dma_wait3A_906] : memref<2x20x32xi32, #tpu.memory_space<vmem>> -> memref<1x1x32xi32, #tpu.memory_space<vmem>>
      %dma_wait3A_908 = tpu.memref_squeeze %dma_wait3A_907 : memref<1x1x32xi32, #tpu.memory_space<vmem>> -> memref<32xi32, #tpu.memory_space<vmem>>
      %dma_wait3A_909 = arith.constant 0 : i32
      %dma_wait3A_910 = arith.constant 0 : i32
      %dma_wait3A_911 = tpu.memref_slice %arg3[%dma_wait3A_909, %dma_wait3A_910] : memref<1000000x64xf32, #tpu.memory_space<hbm>> -> memref<1000000x64xf32, #tpu.memory_space<hbm>>
      %dma_wait3A_912 = tpu.memref_slice %arg18[%and3A_818] : memref<2x!tpu.dma_semaphore, #tpu.memory_space<semaphore_mem>> -> memref<1x!tpu.dma_semaphore, #tpu.memory_space<semaphore_mem>>
      %dma_wait3A_913 = tpu.memref_squeeze %dma_wait3A_912 : memref<1x!tpu.dma_semaphore, #tpu.memory_space<semaphore_mem>> -> memref<!tpu.dma_semaphore, #tpu.memory_space<semaphore_mem>>
      tpu.wait_indirect_dma semaphore(%dma_wait3A_913 : memref<!tpu.dma_semaphore, #tpu.memory_space<semaphore_mem>>) src(%dma_wait3A_911 : memref<1000000x64xf32, #tpu.memory_space<hbm>>) dst(%dma_wait3A_905 : memref<32x64xf32, #tpu.memory_space<vmem>>)
      %dma_wait3A_914 = arith.constant 5 : i32
      %dma_wait3A_915 = arith.constant 5 : i32
      %dma_wait3A_916 = arith.constant 0 : i32
      %dma_wait3A_917 = arith.constant 0 : i32
      %dma_wait3A_918 = tpu.memref_slice %arg15[%and3A_818, %dma_wait3A_915, %dma_wait3A_916, %dma_wait3A_917] : memref<2x20x32x64xf32, #tpu.memory_space<vmem>> -> memref<1x1x32x64xf32, #tpu.memory_space<vmem>>
      %dma_wait3A_919 = tpu.memref_squeeze %dma_wait3A_918 : memref<1x1x32x64xf32, #tpu.memory_space<vmem>> -> memref<32x64xf32, #tpu.memory_space<vmem>>
      %dma_wait3A_920 = arith.constant 0 : i32
      %dma_wait3A_921 = tpu.memref_slice %arg12[%and3A_818, %dma_wait3A_914, %dma_wait3A_920] : memref<2x20x32xi32, #tpu.memory_space<vmem>> -> memref<1x1x32xi32, #tpu.memory_space<vmem>>
      %dma_wait3A_922 = tpu.memref_squeeze %dma_wait3A_921 : memref<1x1x32xi32, #tpu.memory_space<vmem>> -> memref<32xi32, #tpu.memory_space<vmem>>
      %dma_wait3A_923 = arith.constant 0 : i32
      %dma_wait3A_924 = arith.constant 0 : i32
      %dma_wait3A_925 = tpu.memref_slice %arg3[%dma_wait3A_923, %dma_wait3A_924] : memref<1000000x64xf32, #tpu.memory_space<hbm>> -> memref<1000000x64xf32, #tpu.memory_space<hbm>>
      %dma_wait3A_926 = tpu.memref_slice %arg18[%and3A_818] : memref<2x!tpu.dma_semaphore, #tpu.memory_space<semaphore_mem>> -> memref<1x!tpu.dma_semaphore, #tpu.memory_space<semaphore_mem>>
      %dma_wait3A_927 = tpu.memref_squeeze %dma_wait3A_926 : memref<1x!tpu.dma_semaphore, #tpu.memory_space<semaphore_mem>> -> memref<!tpu.dma_semaphore, #tpu.memory_space<semaphore_mem>>
      tpu.wait_indirect_dma semaphore(%dma_wait3A_927 : memref<!tpu.dma_semaphore, #tpu.memory_space<semaphore_mem>>) src(%dma_wait3A_925 : memref<1000000x64xf32, #tpu.memory_space<hbm>>) dst(%dma_wait3A_919 : memref<32x64xf32, #tpu.memory_space<vmem>>)
      %dma_wait3A_928 = arith.constant 6 : i32
      %dma_wait3A_929 = arith.constant 6 : i32
      %dma_wait3A_930 = arith.constant 0 : i32
      %dma_wait3A_931 = arith.constant 0 : i32
      %dma_wait3A_932 = tpu.memref_slice %arg15[%and3A_818, %dma_wait3A_929, %dma_wait3A_930, %dma_wait3A_931] : memref<2x20x32x64xf32, #tpu.memory_space<vmem>> -> memref<1x1x32x64xf32, #tpu.memory_space<vmem>>
      %dma_wait3A_933 = tpu.memref_squeeze %dma_wait3A_932 : memref<1x1x32x64xf32, #tpu.memory_space<vmem>> -> memref<32x64xf32, #tpu.memory_space<vmem>>
      %dma_wait3A_934 = arith.constant 0 : i32
      %dma_wait3A_935 = tpu.memref_slice %arg12[%and3A_818, %dma_wait3A_928, %dma_wait3A_934] : memref<2x20x32xi32, #tpu.memory_space<vmem>> -> memref<1x1x32xi32, #tpu.memory_space<vmem>>
      %dma_wait3A_936 = tpu.memref_squeeze %dma_wait3A_935 : memref<1x1x32xi32, #tpu.memory_space<vmem>> -> memref<32xi32, #tpu.memory_space<vmem>>
      %dma_wait3A_937 = arith.constant 0 : i32
      %dma_wait3A_938 = arith.constant 0 : i32
      %dma_wait3A_939 = tpu.memref_slice %arg3[%dma_wait3A_937, %dma_wait3A_938] : memref<1000000x64xf32, #tpu.memory_space<hbm>> -> memref<1000000x64xf32, #tpu.memory_space<hbm>>
      %dma_wait3A_940 = tpu.memref_slice %arg18[%and3A_818] : memref<2x!tpu.dma_semaphore, #tpu.memory_space<semaphore_mem>> -> memref<1x!tpu.dma_semaphore, #tpu.memory_space<semaphore_mem>>
      %dma_wait3A_941 = tpu.memref_squeeze %dma_wait3A_940 : memref<1x!tpu.dma_semaphore, #tpu.memory_space<semaphore_mem>> -> memref<!tpu.dma_semaphore, #tpu.memory_space<semaphore_mem>>
      tpu.wait_indirect_dma semaphore(%dma_wait3A_941 : memref<!tpu.dma_semaphore, #tpu.memory_space<semaphore_mem>>) src(%dma_wait3A_939 : memref<1000000x64xf32, #tpu.memory_space<hbm>>) dst(%dma_wait3A_933 : memref<32x64xf32, #tpu.memory_space<vmem>>)
      %dma_wait3A_942 = arith.constant 7 : i32
      %dma_wait3A_943 = arith.constant 7 : i32
      %dma_wait3A_944 = arith.constant 0 : i32
      %dma_wait3A_945 = arith.constant 0 : i32
      %dma_wait3A_946 = tpu.memref_slice %arg15[%and3A_818, %dma_wait3A_943, %dma_wait3A_944, %dma_wait3A_945] : memref<2x20x32x64xf32, #tpu.memory_space<vmem>> -> memref<1x1x32x64xf32, #tpu.memory_space<vmem>>
      %dma_wait3A_947 = tpu.memref_squeeze %dma_wait3A_946 : memref<1x1x32x64xf32, #tpu.memory_space<vmem>> -> memref<32x64xf32, #tpu.memory_space<vmem>>
      %dma_wait3A_948 = arith.constant 0 : i32
      %dma_wait3A_949 = tpu.memref_slice %arg12[%and3A_818, %dma_wait3A_942, %dma_wait3A_948] : memref<2x20x32xi32, #tpu.memory_space<vmem>> -> memref<1x1x32xi32, #tpu.memory_space<vmem>>
      %dma_wait3A_950 = tpu.memref_squeeze %dma_wait3A_949 : memref<1x1x32xi32, #tpu.memory_space<vmem>> -> memref<32xi32, #tpu.memory_space<vmem>>
      %dma_wait3A_951 = arith.constant 0 : i32
      %dma_wait3A_952 = arith.constant 0 : i32
      %dma_wait3A_953 = tpu.memref_slice %arg3[%dma_wait3A_951, %dma_wait3A_952] : memref<1000000x64xf32, #tpu.memory_space<hbm>> -> memref<1000000x64xf32, #tpu.memory_space<hbm>>
      %dma_wait3A_954 = tpu.memref_slice %arg18[%and3A_818] : memref<2x!tpu.dma_semaphore, #tpu.memory_space<semaphore_mem>> -> memref<1x!tpu.dma_semaphore, #tpu.memory_space<semaphore_mem>>
      %dma_wait3A_955 = tpu.memref_squeeze %dma_wait3A_954 : memref<1x!tpu.dma_semaphore, #tpu.memory_space<semaphore_mem>> -> memref<!tpu.dma_semaphore, #tpu.memory_space<semaphore_mem>>
      tpu.wait_indirect_dma semaphore(%dma_wait3A_955 : memref<!tpu.dma_semaphore, #tpu.memory_space<semaphore_mem>>) src(%dma_wait3A_953 : memref<1000000x64xf32, #tpu.memory_space<hbm>>) dst(%dma_wait3A_947 : memref<32x64xf32, #tpu.memory_space<vmem>>)
      %dma_wait3A_956 = arith.constant 8 : i32
      %dma_wait3A_957 = arith.constant 8 : i32
      %dma_wait3A_958 = arith.constant 0 : i32
      %dma_wait3A_959 = arith.constant 0 : i32
      %dma_wait3A_960 = tpu.memref_slice %arg15[%and3A_818, %dma_wait3A_957, %dma_wait3A_958, %dma_wait3A_959] : memref<2x20x32x64xf32, #tpu.memory_space<vmem>> -> memref<1x1x32x64xf32, #tpu.memory_space<vmem>>
      %dma_wait3A_961 = tpu.memref_squeeze %dma_wait3A_960 : memref<1x1x32x64xf32, #tpu.memory_space<vmem>> -> memref<32x64xf32, #tpu.memory_space<vmem>>
      %dma_wait3A_962 = arith.constant 0 : i32
      %dma_wait3A_963 = tpu.memref_slice %arg12[%and3A_818, %dma_wait3A_956, %dma_wait3A_962] : memref<2x20x32xi32, #tpu.memory_space<vmem>> -> memref<1x1x32xi32, #tpu.memory_space<vmem>>
      %dma_wait3A_964 = tpu.memref_squeeze %dma_wait3A_963 : memref<1x1x32xi32, #tpu.memory_space<vmem>> -> memref<32xi32, #tpu.memory_space<vmem>>
      %dma_wait3A_965 = arith.constant 0 : i32
      %dma_wait3A_966 = arith.constant 0 : i32
      %dma_wait3A_967 = tpu.memref_slice %arg3[%dma_wait3A_965, %dma_wait3A_966] : memref<1000000x64xf32, #tpu.memory_space<hbm>> -> memref<1000000x64xf32, #tpu.memory_space<hbm>>
      %dma_wait3A_968 = tpu.memref_slice %arg18[%and3A_818] : memref<2x!tpu.dma_semaphore, #tpu.memory_space<semaphore_mem>> -> memref<1x!tpu.dma_semaphore, #tpu.memory_space<semaphore_mem>>
      %dma_wait3A_969 = tpu.memref_squeeze %dma_wait3A_968 : memref<1x!tpu.dma_semaphore, #tpu.memory_space<semaphore_mem>> -> memref<!tpu.dma_semaphore, #tpu.memory_space<semaphore_mem>>
      tpu.wait_indirect_dma semaphore(%dma_wait3A_969 : memref<!tpu.dma_semaphore, #tpu.memory_space<semaphore_mem>>) src(%dma_wait3A_967 : memref<1000000x64xf32, #tpu.memory_space<hbm>>) dst(%dma_wait3A_961 : memref<32x64xf32, #tpu.memory_space<vmem>>)
      %dma_wait3A_970 = arith.constant 9 : i32
      %dma_wait3A_971 = arith.constant 9 : i32
      %dma_wait3A_972 = arith.constant 0 : i32
      %dma_wait3A_973 = arith.constant 0 : i32
      %dma_wait3A_974 = tpu.memref_slice %arg15[%and3A_818, %dma_wait3A_971, %dma_wait3A_972, %dma_wait3A_973] : memref<2x20x32x64xf32, #tpu.memory_space<vmem>> -> memref<1x1x32x64xf32, #tpu.memory_space<vmem>>
      %dma_wait3A_975 = tpu.memref_squeeze %dma_wait3A_974 : memref<1x1x32x64xf32, #tpu.memory_space<vmem>> -> memref<32x64xf32, #tpu.memory_space<vmem>>
      %dma_wait3A_976 = arith.constant 0 : i32
      %dma_wait3A_977 = tpu.memref_slice %arg12[%and3A_818, %dma_wait3A_970, %dma_wait3A_976] : memref<2x20x32xi32, #tpu.memory_space<vmem>> -> memref<1x1x32xi32, #tpu.memory_space<vmem>>
      %dma_wait3A_978 = tpu.memref_squeeze %dma_wait3A_977 : memref<1x1x32xi32, #tpu.memory_space<vmem>> -> memref<32xi32, #tpu.memory_space<vmem>>
      %dma_wait3A_979 = arith.constant 0 : i32
      %dma_wait3A_980 = arith.constant 0 : i32
      %dma_wait3A_981 = tpu.memref_slice %arg3[%dma_wait3A_979, %dma_wait3A_980] : memref<1000000x64xf32, #tpu.memory_space<hbm>> -> memref<1000000x64xf32, #tpu.memory_space<hbm>>
      %dma_wait3A_982 = tpu.memref_slice %arg18[%and3A_818] : memref<2x!tpu.dma_semaphore, #tpu.memory_space<semaphore_mem>> -> memref<1x!tpu.dma_semaphore, #tpu.memory_space<semaphore_mem>>
      %dma_wait3A_983 = tpu.memref_squeeze %dma_wait3A_982 : memref<1x!tpu.dma_semaphore, #tpu.memory_space<semaphore_mem>> -> memref<!tpu.dma_semaphore, #tpu.memory_space<semaphore_mem>>
      tpu.wait_indirect_dma semaphore(%dma_wait3A_983 : memref<!tpu.dma_semaphore, #tpu.memory_space<semaphore_mem>>) src(%dma_wait3A_981 : memref<1000000x64xf32, #tpu.memory_space<hbm>>) dst(%dma_wait3A_975 : memref<32x64xf32, #tpu.memory_space<vmem>>)
      %dma_wait3A_984 = arith.constant 10 : i32
      %dma_wait3A_985 = arith.constant 10 : i32
      %dma_wait3A_986 = arith.constant 0 : i32
      %dma_wait3A_987 = arith.constant 0 : i32
      %dma_wait3A_988 = tpu.memref_slice %arg15[%and3A_818, %dma_wait3A_985, %dma_wait3A_986, %dma_wait3A_987] : memref<2x20x32x64xf32, #tpu.memory_space<vmem>> -> memref<1x1x32x64xf32, #tpu.memory_space<vmem>>
      %dma_wait3A_989 = tpu.memref_squeeze %dma_wait3A_988 : memref<1x1x32x64xf32, #tpu.memory_space<vmem>> -> memref<32x64xf32, #tpu.memory_space<vmem>>
      %dma_wait3A_990 = arith.constant 0 : i32
      %dma_wait3A_991 = tpu.memref_slice %arg12[%and3A_818, %dma_wait3A_984, %dma_wait3A_990] : memref<2x20x32xi32, #tpu.memory_space<vmem>> -> memref<1x1x32xi32, #tpu.memory_space<vmem>>
      %dma_wait3A_992 = tpu.memref_squeeze %dma_wait3A_991 : memref<1x1x32xi32, #tpu.memory_space<vmem>> -> memref<32xi32, #tpu.memory_space<vmem>>
      %dma_wait3A_993 = arith.constant 0 : i32
      %dma_wait3A_994 = arith.constant 0 : i32
      %dma_wait3A_995 = tpu.memref_slice %arg3[%dma_wait3A_993, %dma_wait3A_994] : memref<1000000x64xf32, #tpu.memory_space<hbm>> -> memref<1000000x64xf32, #tpu.memory_space<hbm>>
      %dma_wait3A_996 = tpu.memref_slice %arg18[%and3A_818] : memref<2x!tpu.dma_semaphore, #tpu.memory_space<semaphore_mem>> -> memref<1x!tpu.dma_semaphore, #tpu.memory_space<semaphore_mem>>
      %dma_wait3A_997 = tpu.memref_squeeze %dma_wait3A_996 : memref<1x!tpu.dma_semaphore, #tpu.memory_space<semaphore_mem>> -> memref<!tpu.dma_semaphore, #tpu.memory_space<semaphore_mem>>
      tpu.wait_indirect_dma semaphore(%dma_wait3A_997 : memref<!tpu.dma_semaphore, #tpu.memory_space<semaphore_mem>>) src(%dma_wait3A_995 : memref<1000000x64xf32, #tpu.memory_space<hbm>>) dst(%dma_wait3A_989 : memref<32x64xf32, #tpu.memory_space<vmem>>)
      %dma_wait3A_998 = arith.constant 11 : i32
      %dma_wait3A_999 = arith.constant 11 : i32
      %dma_wait3A_1000 = arith.constant 0 : i32
      %dma_wait3A_1001 = arith.constant 0 : i32
      %dma_wait3A_1002 = tpu.memref_slice %arg15[%and3A_818, %dma_wait3A_999, %dma_wait3A_1000, %dma_wait3A_1001] : memref<2x20x32x64xf32, #tpu.memory_space<vmem>> -> memref<1x1x32x64xf32, #tpu.memory_space<vmem>>
      %dma_wait3A_1003 = tpu.memref_squeeze %dma_wait3A_1002 : memref<1x1x32x64xf32, #tpu.memory_space<vmem>> -> memref<32x64xf32, #tpu.memory_space<vmem>>
      %dma_wait3A_1004 = arith.constant 0 : i32
      %dma_wait3A_1005 = tpu.memref_slice %arg12[%and3A_818, %dma_wait3A_998, %dma_wait3A_1004] : memref<2x20x32xi32, #tpu.memory_space<vmem>> -> memref<1x1x32xi32, #tpu.memory_space<vmem>>
      %dma_wait3A_1006 = tpu.memref_squeeze %dma_wait3A_1005 : memref<1x1x32xi32, #tpu.memory_space<vmem>> -> memref<32xi32, #tpu.memory_space<vmem>>
      %dma_wait3A_1007 = arith.constant 0 : i32
      %dma_wait3A_1008 = arith.constant 0 : i32
      %dma_wait3A_1009 = tpu.memref_slice %arg3[%dma_wait3A_1007, %dma_wait3A_1008] : memref<1000000x64xf32, #tpu.memory_space<hbm>> -> memref<1000000x64xf32, #tpu.memory_space<hbm>>
      %dma_wait3A_1010 = tpu.memref_slice %arg18[%and3A_818] : memref<2x!tpu.dma_semaphore, #tpu.memory_space<semaphore_mem>> -> memref<1x!tpu.dma_semaphore, #tpu.memory_space<semaphore_mem>>
      %dma_wait3A_1011 = tpu.memref_squeeze %dma_wait3A_1010 : memref<1x!tpu.dma_semaphore, #tpu.memory_space<semaphore_mem>> -> memref<!tpu.dma_semaphore, #tpu.memory_space<semaphore_mem>>
      tpu.wait_indirect_dma semaphore(%dma_wait3A_1011 : memref<!tpu.dma_semaphore, #tpu.memory_space<semaphore_mem>>) src(%dma_wait3A_1009 : memref<1000000x64xf32, #tpu.memory_space<hbm>>) dst(%dma_wait3A_1003 : memref<32x64xf32, #tpu.memory_space<vmem>>)
      %dma_wait3A_1012 = arith.constant 12 : i32
      %dma_wait3A_1013 = arith.constant 12 : i32
      %dma_wait3A_1014 = arith.constant 0 : i32
      %dma_wait3A_1015 = arith.constant 0 : i32
      %dma_wait3A_1016 = tpu.memref_slice %arg15[%and3A_818, %dma_wait3A_1013, %dma_wait3A_1014, %dma_wait3A_1015] : memref<2x20x32x64xf32, #tpu.memory_space<vmem>> -> memref<1x1x32x64xf32, #tpu.memory_space<vmem>>
      %dma_wait3A_1017 = tpu.memref_squeeze %dma_wait3A_1016 : memref<1x1x32x64xf32, #tpu.memory_space<vmem>> -> memref<32x64xf32, #tpu.memory_space<vmem>>
      %dma_wait3A_1018 = arith.constant 0 : i32
      %dma_wait3A_1019 = tpu.memref_slice %arg12[%and3A_818, %dma_wait3A_1012, %dma_wait3A_1018] : memref<2x20x32xi32, #tpu.memory_space<vmem>> -> memref<1x1x32xi32, #tpu.memory_space<vmem>>
      %dma_wait3A_1020 = tpu.memref_squeeze %dma_wait3A_1019 : memref<1x1x32xi32, #tpu.memory_space<vmem>> -> memref<32xi32, #tpu.memory_space<vmem>>
      %dma_wait3A_1021 = arith.constant 0 : i32
      %dma_wait3A_1022 = arith.constant 0 : i32
      %dma_wait3A_1023 = tpu.memref_slice %arg3[%dma_wait3A_1021, %dma_wait3A_1022] : memref<1000000x64xf32, #tpu.memory_space<hbm>> -> memref<1000000x64xf32, #tpu.memory_space<hbm>>
      %dma_wait3A_1024 = tpu.memref_slice %arg18[%and3A_818] : memref<2x!tpu.dma_semaphore, #tpu.memory_space<semaphore_mem>> -> memref<1x!tpu.dma_semaphore, #tpu.memory_space<semaphore_mem>>
      %dma_wait3A_1025 = tpu.memref_squeeze %dma_wait3A_1024 : memref<1x!tpu.dma_semaphore, #tpu.memory_space<semaphore_mem>> -> memref<!tpu.dma_semaphore, #tpu.memory_space<semaphore_mem>>
      tpu.wait_indirect_dma semaphore(%dma_wait3A_1025 : memref<!tpu.dma_semaphore, #tpu.memory_space<semaphore_mem>>) src(%dma_wait3A_1023 : memref<1000000x64xf32, #tpu.memory_space<hbm>>) dst(%dma_wait3A_1017 : memref<32x64xf32, #tpu.memory_space<vmem>>)
      %dma_wait3A_1026 = arith.constant 13 : i32
      %dma_wait3A_1027 = arith.constant 13 : i32
      %dma_wait3A_1028 = arith.constant 0 : i32
      %dma_wait3A_1029 = arith.constant 0 : i32
      %dma_wait3A_1030 = tpu.memref_slice %arg15[%and3A_818, %dma_wait3A_1027, %dma_wait3A_1028, %dma_wait3A_1029] : memref<2x20x32x64xf32, #tpu.memory_space<vmem>> -> memref<1x1x32x64xf32, #tpu.memory_space<vmem>>
      %dma_wait3A_1031 = tpu.memref_squeeze %dma_wait3A_1030 : memref<1x1x32x64xf32, #tpu.memory_space<vmem>> -> memref<32x64xf32, #tpu.memory_space<vmem>>
      %dma_wait3A_1032 = arith.constant 0 : i32
      %dma_wait3A_1033 = tpu.memref_slice %arg12[%and3A_818, %dma_wait3A_1026, %dma_wait3A_1032] : memref<2x20x32xi32, #tpu.memory_space<vmem>> -> memref<1x1x32xi32, #tpu.memory_space<vmem>>
      %dma_wait3A_1034 = tpu.memref_squeeze %dma_wait3A_1033 : memref<1x1x32xi32, #tpu.memory_space<vmem>> -> memref<32xi32, #tpu.memory_space<vmem>>
      %dma_wait3A_1035 = arith.constant 0 : i32
      %dma_wait3A_1036 = arith.constant 0 : i32
      %dma_wait3A_1037 = tpu.memref_slice %arg3[%dma_wait3A_1035, %dma_wait3A_1036] : memref<1000000x64xf32, #tpu.memory_space<hbm>> -> memref<1000000x64xf32, #tpu.memory_space<hbm>>
      %dma_wait3A_1038 = tpu.memref_slice %arg18[%and3A_818] : memref<2x!tpu.dma_semaphore, #tpu.memory_space<semaphore_mem>> -> memref<1x!tpu.dma_semaphore, #tpu.memory_space<semaphore_mem>>
      %dma_wait3A_1039 = tpu.memref_squeeze %dma_wait3A_1038 : memref<1x!tpu.dma_semaphore, #tpu.memory_space<semaphore_mem>> -> memref<!tpu.dma_semaphore, #tpu.memory_space<semaphore_mem>>
      tpu.wait_indirect_dma semaphore(%dma_wait3A_1039 : memref<!tpu.dma_semaphore, #tpu.memory_space<semaphore_mem>>) src(%dma_wait3A_1037 : memref<1000000x64xf32, #tpu.memory_space<hbm>>) dst(%dma_wait3A_1031 : memref<32x64xf32, #tpu.memory_space<vmem>>)
      %dma_wait3A_1040 = arith.constant 14 : i32
      %dma_wait3A_1041 = arith.constant 14 : i32
      %dma_wait3A_1042 = arith.constant 0 : i32
      %dma_wait3A_1043 = arith.constant 0 : i32
      %dma_wait3A_1044 = tpu.memref_slice %arg15[%and3A_818, %dma_wait3A_1041, %dma_wait3A_1042, %dma_wait3A_1043] : memref<2x20x32x64xf32, #tpu.memory_space<vmem>> -> memref<1x1x32x64xf32, #tpu.memory_space<vmem>>
      %dma_wait3A_1045 = tpu.memref_squeeze %dma_wait3A_1044 : memref<1x1x32x64xf32, #tpu.memory_space<vmem>> -> memref<32x64xf32, #tpu.memory_space<vmem>>
      %dma_wait3A_1046 = arith.constant 0 : i32
      %dma_wait3A_1047 = tpu.memref_slice %arg12[%and3A_818, %dma_wait3A_1040, %dma_wait3A_1046] : memref<2x20x32xi32, #tpu.memory_space<vmem>> -> memref<1x1x32xi32, #tpu.memory_space<vmem>>
      %dma_wait3A_1048 = tpu.memref_squeeze %dma_wait3A_1047 : memref<1x1x32xi32, #tpu.memory_space<vmem>> -> memref<32xi32, #tpu.memory_space<vmem>>
      %dma_wait3A_1049 = arith.constant 0 : i32
      %dma_wait3A_1050 = arith.constant 0 : i32
      %dma_wait3A_1051 = tpu.memref_slice %arg3[%dma_wait3A_1049, %dma_wait3A_1050] : memref<1000000x64xf32, #tpu.memory_space<hbm>> -> memref<1000000x64xf32, #tpu.memory_space<hbm>>
      %dma_wait3A_1052 = tpu.memref_slice %arg18[%and3A_818] : memref<2x!tpu.dma_semaphore, #tpu.memory_space<semaphore_mem>> -> memref<1x!tpu.dma_semaphore, #tpu.memory_space<semaphore_mem>>
      %dma_wait3A_1053 = tpu.memref_squeeze %dma_wait3A_1052 : memref<1x!tpu.dma_semaphore, #tpu.memory_space<semaphore_mem>> -> memref<!tpu.dma_semaphore, #tpu.memory_space<semaphore_mem>>
      tpu.wait_indirect_dma semaphore(%dma_wait3A_1053 : memref<!tpu.dma_semaphore, #tpu.memory_space<semaphore_mem>>) src(%dma_wait3A_1051 : memref<1000000x64xf32, #tpu.memory_space<hbm>>) dst(%dma_wait3A_1045 : memref<32x64xf32, #tpu.memory_space<vmem>>)
      %dma_wait3A_1054 = arith.constant 15 : i32
      %dma_wait3A_1055 = arith.constant 15 : i32
      %dma_wait3A_1056 = arith.constant 0 : i32
      %dma_wait3A_1057 = arith.constant 0 : i32
      %dma_wait3A_1058 = tpu.memref_slice %arg15[%and3A_818, %dma_wait3A_1055, %dma_wait3A_1056, %dma_wait3A_1057] : memref<2x20x32x64xf32, #tpu.memory_space<vmem>> -> memref<1x1x32x64xf32, #tpu.memory_space<vmem>>
      %dma_wait3A_1059 = tpu.memref_squeeze %dma_wait3A_1058 : memref<1x1x32x64xf32, #tpu.memory_space<vmem>> -> memref<32x64xf32, #tpu.memory_space<vmem>>
      %dma_wait3A_1060 = arith.constant 0 : i32
      %dma_wait3A_1061 = tpu.memref_slice %arg12[%and3A_818, %dma_wait3A_1054, %dma_wait3A_1060] : memref<2x20x32xi32, #tpu.memory_space<vmem>> -> memref<1x1x32xi32, #tpu.memory_space<vmem>>
      %dma_wait3A_1062 = tpu.memref_squeeze %dma_wait3A_1061 : memref<1x1x32xi32, #tpu.memory_space<vmem>> -> memref<32xi32, #tpu.memory_space<vmem>>
      %dma_wait3A_1063 = arith.constant 0 : i32
      %dma_wait3A_1064 = arith.constant 0 : i32
      %dma_wait3A_1065 = tpu.memref_slice %arg3[%dma_wait3A_1063, %dma_wait3A_1064] : memref<1000000x64xf32, #tpu.memory_space<hbm>> -> memref<1000000x64xf32, #tpu.memory_space<hbm>>
      %dma_wait3A_1066 = tpu.memref_slice %arg18[%and3A_818] : memref<2x!tpu.dma_semaphore, #tpu.memory_space<semaphore_mem>> -> memref<1x!tpu.dma_semaphore, #tpu.memory_space<semaphore_mem>>
      %dma_wait3A_1067 = tpu.memref_squeeze %dma_wait3A_1066 : memref<1x!tpu.dma_semaphore, #tpu.memory_space<semaphore_mem>> -> memref<!tpu.dma_semaphore, #tpu.memory_space<semaphore_mem>>
      tpu.wait_indirect_dma semaphore(%dma_wait3A_1067 : memref<!tpu.dma_semaphore, #tpu.memory_space<semaphore_mem>>) src(%dma_wait3A_1065 : memref<1000000x64xf32, #tpu.memory_space<hbm>>) dst(%dma_wait3A_1059 : memref<32x64xf32, #tpu.memory_space<vmem>>)
      %dma_wait3A_1068 = arith.constant 16 : i32
      %dma_wait3A_1069 = arith.constant 16 : i32
      %dma_wait3A_1070 = arith.constant 0 : i32
      %dma_wait3A_1071 = arith.constant 0 : i32
      %dma_wait3A_1072 = tpu.memref_slice %arg15[%and3A_818, %dma_wait3A_1069, %dma_wait3A_1070, %dma_wait3A_1071] : memref<2x20x32x64xf32, #tpu.memory_space<vmem>> -> memref<1x1x32x64xf32, #tpu.memory_space<vmem>>
      %dma_wait3A_1073 = tpu.memref_squeeze %dma_wait3A_1072 : memref<1x1x32x64xf32, #tpu.memory_space<vmem>> -> memref<32x64xf32, #tpu.memory_space<vmem>>
      %dma_wait3A_1074 = arith.constant 0 : i32
      %dma_wait3A_1075 = tpu.memref_slice %arg12[%and3A_818, %dma_wait3A_1068, %dma_wait3A_1074] : memref<2x20x32xi32, #tpu.memory_space<vmem>> -> memref<1x1x32xi32, #tpu.memory_space<vmem>>
      %dma_wait3A_1076 = tpu.memref_squeeze %dma_wait3A_1075 : memref<1x1x32xi32, #tpu.memory_space<vmem>> -> memref<32xi32, #tpu.memory_space<vmem>>
      %dma_wait3A_1077 = arith.constant 0 : i32
      %dma_wait3A_1078 = arith.constant 0 : i32
      %dma_wait3A_1079 = tpu.memref_slice %arg3[%dma_wait3A_1077, %dma_wait3A_1078] : memref<1000000x64xf32, #tpu.memory_space<hbm>> -> memref<1000000x64xf32, #tpu.memory_space<hbm>>
      %dma_wait3A_1080 = tpu.memref_slice %arg18[%and3A_818] : memref<2x!tpu.dma_semaphore, #tpu.memory_space<semaphore_mem>> -> memref<1x!tpu.dma_semaphore, #tpu.memory_space<semaphore_mem>>
      %dma_wait3A_1081 = tpu.memref_squeeze %dma_wait3A_1080 : memref<1x!tpu.dma_semaphore, #tpu.memory_space<semaphore_mem>> -> memref<!tpu.dma_semaphore, #tpu.memory_space<semaphore_mem>>
      tpu.wait_indirect_dma semaphore(%dma_wait3A_1081 : memref<!tpu.dma_semaphore, #tpu.memory_space<semaphore_mem>>) src(%dma_wait3A_1079 : memref<1000000x64xf32, #tpu.memory_space<hbm>>) dst(%dma_wait3A_1073 : memref<32x64xf32, #tpu.memory_space<vmem>>)
      %dma_wait3A_1082 = arith.constant 17 : i32
      %dma_wait3A_1083 = arith.constant 17 : i32
      %dma_wait3A_1084 = arith.constant 0 : i32
      %dma_wait3A_1085 = arith.constant 0 : i32
      %dma_wait3A_1086 = tpu.memref_slice %arg15[%and3A_818, %dma_wait3A_1083, %dma_wait3A_1084, %dma_wait3A_1085] : memref<2x20x32x64xf32, #tpu.memory_space<vmem>> -> memref<1x1x32x64xf32, #tpu.memory_space<vmem>>
      %dma_wait3A_1087 = tpu.memref_squeeze %dma_wait3A_1086 : memref<1x1x32x64xf32, #tpu.memory_space<vmem>> -> memref<32x64xf32, #tpu.memory_space<vmem>>
      %dma_wait3A_1088 = arith.constant 0 : i32
      %dma_wait3A_1089 = tpu.memref_slice %arg12[%and3A_818, %dma_wait3A_1082, %dma_wait3A_1088] : memref<2x20x32xi32, #tpu.memory_space<vmem>> -> memref<1x1x32xi32, #tpu.memory_space<vmem>>
      %dma_wait3A_1090 = tpu.memref_squeeze %dma_wait3A_1089 : memref<1x1x32xi32, #tpu.memory_space<vmem>> -> memref<32xi32, #tpu.memory_space<vmem>>
      %dma_wait3A_1091 = arith.constant 0 : i32
      %dma_wait3A_1092 = arith.constant 0 : i32
      %dma_wait3A_1093 = tpu.memref_slice %arg3[%dma_wait3A_1091, %dma_wait3A_1092] : memref<1000000x64xf32, #tpu.memory_space<hbm>> -> memref<1000000x64xf32, #tpu.memory_space<hbm>>
      %dma_wait3A_1094 = tpu.memref_slice %arg18[%and3A_818] : memref<2x!tpu.dma_semaphore, #tpu.memory_space<semaphore_mem>> -> memref<1x!tpu.dma_semaphore, #tpu.memory_space<semaphore_mem>>
      %dma_wait3A_1095 = tpu.memref_squeeze %dma_wait3A_1094 : memref<1x!tpu.dma_semaphore, #tpu.memory_space<semaphore_mem>> -> memref<!tpu.dma_semaphore, #tpu.memory_space<semaphore_mem>>
      tpu.wait_indirect_dma semaphore(%dma_wait3A_1095 : memref<!tpu.dma_semaphore, #tpu.memory_space<semaphore_mem>>) src(%dma_wait3A_1093 : memref<1000000x64xf32, #tpu.memory_space<hbm>>) dst(%dma_wait3A_1087 : memref<32x64xf32, #tpu.memory_space<vmem>>)
      %dma_wait3A_1096 = arith.constant 18 : i32
      %dma_wait3A_1097 = arith.constant 18 : i32
      %dma_wait3A_1098 = arith.constant 0 : i32
      %dma_wait3A_1099 = arith.constant 0 : i32
      %dma_wait3A_1100 = tpu.memref_slice %arg15[%and3A_818, %dma_wait3A_1097, %dma_wait3A_1098, %dma_wait3A_1099] : memref<2x20x32x64xf32, #tpu.memory_space<vmem>> -> memref<1x1x32x64xf32, #tpu.memory_space<vmem>>
      %dma_wait3A_1101 = tpu.memref_squeeze %dma_wait3A_1100 : memref<1x1x32x64xf32, #tpu.memory_space<vmem>> -> memref<32x64xf32, #tpu.memory_space<vmem>>
      %dma_wait3A_1102 = arith.constant 0 : i32
      %dma_wait3A_1103 = tpu.memref_slice %arg12[%and3A_818, %dma_wait3A_1096, %dma_wait3A_1102] : memref<2x20x32xi32, #tpu.memory_space<vmem>> -> memref<1x1x32xi32, #tpu.memory_space<vmem>>
      %dma_wait3A_1104 = tpu.memref_squeeze %dma_wait3A_1103 : memref<1x1x32xi32, #tpu.memory_space<vmem>> -> memref<32xi32, #tpu.memory_space<vmem>>
      %dma_wait3A_1105 = arith.constant 0 : i32
      %dma_wait3A_1106 = arith.constant 0 : i32
      %dma_wait3A_1107 = tpu.memref_slice %arg3[%dma_wait3A_1105, %dma_wait3A_1106] : memref<1000000x64xf32, #tpu.memory_space<hbm>> -> memref<1000000x64xf32, #tpu.memory_space<hbm>>
      %dma_wait3A_1108 = tpu.memref_slice %arg18[%and3A_818] : memref<2x!tpu.dma_semaphore, #tpu.memory_space<semaphore_mem>> -> memref<1x!tpu.dma_semaphore, #tpu.memory_space<semaphore_mem>>
      %dma_wait3A_1109 = tpu.memref_squeeze %dma_wait3A_1108 : memref<1x!tpu.dma_semaphore, #tpu.memory_space<semaphore_mem>> -> memref<!tpu.dma_semaphore, #tpu.memory_space<semaphore_mem>>
      tpu.wait_indirect_dma semaphore(%dma_wait3A_1109 : memref<!tpu.dma_semaphore, #tpu.memory_space<semaphore_mem>>) src(%dma_wait3A_1107 : memref<1000000x64xf32, #tpu.memory_space<hbm>>) dst(%dma_wait3A_1101 : memref<32x64xf32, #tpu.memory_space<vmem>>)
      %dma_wait3A_1110 = arith.constant 19 : i32
      %dma_wait3A_1111 = arith.constant 19 : i32
      %dma_wait3A_1112 = arith.constant 0 : i32
      %dma_wait3A_1113 = arith.constant 0 : i32
      %dma_wait3A_1114 = tpu.memref_slice %arg15[%and3A_818, %dma_wait3A_1111, %dma_wait3A_1112, %dma_wait3A_1113] : memref<2x20x32x64xf32, #tpu.memory_space<vmem>> -> memref<1x1x32x64xf32, #tpu.memory_space<vmem>>
      %dma_wait3A_1115 = tpu.memref_squeeze %dma_wait3A_1114 : memref<1x1x32x64xf32, #tpu.memory_space<vmem>> -> memref<32x64xf32, #tpu.memory_space<vmem>>
      %dma_wait3A_1116 = arith.constant 0 : i32
      %dma_wait3A_1117 = tpu.memref_slice %arg12[%and3A_818, %dma_wait3A_1110, %dma_wait3A_1116] : memref<2x20x32xi32, #tpu.memory_space<vmem>> -> memref<1x1x32xi32, #tpu.memory_space<vmem>>
      %dma_wait3A_1118 = tpu.memref_squeeze %dma_wait3A_1117 : memref<1x1x32xi32, #tpu.memory_space<vmem>> -> memref<32xi32, #tpu.memory_space<vmem>>
      %dma_wait3A_1119 = arith.constant 0 : i32
      %dma_wait3A_1120 = arith.constant 0 : i32
      %dma_wait3A_1121 = tpu.memref_slice %arg3[%dma_wait3A_1119, %dma_wait3A_1120] : memref<1000000x64xf32, #tpu.memory_space<hbm>> -> memref<1000000x64xf32, #tpu.memory_space<hbm>>
      %dma_wait3A_1122 = tpu.memref_slice %arg18[%and3A_818] : memref<2x!tpu.dma_semaphore, #tpu.memory_space<semaphore_mem>> -> memref<1x!tpu.dma_semaphore, #tpu.memory_space<semaphore_mem>>
      %dma_wait3A_1123 = tpu.memref_squeeze %dma_wait3A_1122 : memref<1x!tpu.dma_semaphore, #tpu.memory_space<semaphore_mem>> -> memref<!tpu.dma_semaphore, #tpu.memory_space<semaphore_mem>>
      tpu.wait_indirect_dma semaphore(%dma_wait3A_1123 : memref<!tpu.dma_semaphore, #tpu.memory_space<semaphore_mem>>) src(%dma_wait3A_1121 : memref<1000000x64xf32, #tpu.memory_space<hbm>>) dst(%dma_wait3A_1115 : memref<32x64xf32, #tpu.memory_space<vmem>>)
      %add3A_1124 = arith.constant 1 : i32
      %add3A_1125 = arith.addi %scan3A_817, %add3A_1124 : i32
      %lt3A = arith.constant 16 : i32
      %lt3A_1126 = arith.cmpi slt, %add3A_1125, %lt3A : i32
      %convert_element_type3A = arith.extui %lt3A_1126 : i1 to i32
      %cond3A = arith.constant 0 : i32
      %cond3A_1127 = arith.cmpi ne, %convert_element_type3A, %cond3A : i32
      scf.if %cond3A_1127 {
        %add3A_1330 = arith.constant 1 : i32
        %add3A_1331 = arith.addi %scan3A_817, %add3A_1330 : i32
        %sub3A = arith.constant 1 : i32
        %sub3A_1332 = arith.subi %sub3A, %and3A_818 : i32
        %broadcast_in_dim3A_1333 = arith.constant 0 : i32
        %broadcast_in_dim3A_1334 = vector.broadcast %broadcast_in_dim3A_1333 : i32 to vector<16xi32>
        %add3A_1335 = vector.broadcast %add3A_1331 : i32 to vector<16xi32>
        %add3A_1336 = arith.addi %broadcast_in_dim3A_1334, %add3A_1335 : vector<16xi32>
        %broadcast_in_dim3A_1337 = arith.constant 0 : i32
        %broadcast_in_dim3A_1338 = vector.broadcast %broadcast_in_dim3A_1337 : i32 to vector<16xi32>
        %add3A_1339 = arith.constant 0 : i32
        %add3A_1340 = vector.broadcast %add3A_1339 : i32 to vector<16xi32>
        %add3A_1341 = arith.addi %iota3A, %add3A_1340 : vector<16xi32>
        %gather3A_1342 = tpu.vector_load_idx %arg11[%add3A_1336, %add3A_1341, %broadcast_in_dim3A_1338] : memref<16x32x20xi32, #tpu.memory_space<vmem>>[vector<16xi32>, vector<16xi32>, vector<16xi32>], vector<16xi32>,
        %swap3A_1343 = arith.constant 0 : i32
        %swap3A_1344 = arith.index_cast %sub3A_1332 : i32 to index
        %swap3A_1345 = arith.index_cast %swap3A_1343 : i32 to index
        %swap3A_1346 = arith.constant 0 : index
        %swap3A_1347 = tpu.vector_load %arg12[%swap3A_1344, %swap3A_1345, %swap3A_1346] {strides = array<i32>} : memref<2x20x32xi32, #tpu.memory_space<vmem>>, vector<16xi32>,
        tpu.vector_store %arg12[%swap3A_1344, %swap3A_1345, %swap3A_1346], %gather3A_1342 {strides = array<i32>} : memref<2x20x32xi32, #tpu.memory_space<vmem>>, vector<16xi32>,
        %add3A_1348 = arith.constant 16 : i32
        %add3A_1349 = vector.broadcast %add3A_1348 : i32 to vector<16xi32>
        %add3A_1350 = arith.addi %iota3A, %add3A_1349 : vector<16xi32>
        %gather3A_1351 = tpu.vector_load_idx %arg11[%add3A_1336, %add3A_1350, %broadcast_in_dim3A_1338] : memref<16x32x20xi32, #tpu.memory_space<vmem>>[vector<16xi32>, vector<16xi32>, vector<16xi32>], vector<16xi32>,
        %swap3A_1352 = arith.constant 0 : i32
        %swap3A_1353 = arith.index_cast %sub3A_1332 : i32 to index
        %swap3A_1354 = arith.index_cast %swap3A_1352 : i32 to index
        %swap3A_1355 = arith.constant 16 : index
        %swap3A_1356 = tpu.vector_load %arg12[%swap3A_1353, %swap3A_1354, %swap3A_1355] {strides = array<i32>} : memref<2x20x32xi32, #tpu.memory_space<vmem>>, vector<16xi32>,
        tpu.vector_store %arg12[%swap3A_1353, %swap3A_1354, %swap3A_1355], %gather3A_1351 {strides = array<i32>} : memref<2x20x32xi32, #tpu.memory_space<vmem>>, vector<16xi32>,
        %broadcast_in_dim3A_1357 = arith.constant 1 : i32
        %broadcast_in_dim3A_1358 = vector.broadcast %broadcast_in_dim3A_1357 : i32 to vector<16xi32>
        %add3A_1359 = arith.constant 0 : i32
        %add3A_1360 = vector.broadcast %add3A_1359 : i32 to vector<16xi32>
        %add3A_1361 = arith.addi %iota3A, %add3A_1360 : vector<16xi32>
        %gather3A_1362 = tpu.vector_load_idx %arg11[%add3A_1336, %add3A_1361, %broadcast_in_dim3A_1358] : memref<16x32x20xi32, #tpu.memory_space<vmem>>[vector<16xi32>, vector<16xi32>, vector<16xi32>], vector<16xi32>,
        %swap3A_1363 = arith.constant 1 : i32
        %swap3A_1364 = arith.index_cast %sub3A_1332 : i32 to index
        %swap3A_1365 = arith.index_cast %swap3A_1363 : i32 to index
        %swap3A_1366 = arith.constant 0 : index
        %swap3A_1367 = tpu.vector_load %arg12[%swap3A_1364, %swap3A_1365, %swap3A_1366] {strides = array<i32>} : memref<2x20x32xi32, #tpu.memory_space<vmem>>, vector<16xi32>,
        tpu.vector_store %arg12[%swap3A_1364, %swap3A_1365, %swap3A_1366], %gather3A_1362 {strides = array<i32>} : memref<2x20x32xi32, #tpu.memory_space<vmem>>, vector<16xi32>,
        %add3A_1368 = arith.constant 16 : i32
        %add3A_1369 = vector.broadcast %add3A_1368 : i32 to vector<16xi32>
        %add3A_1370 = arith.addi %iota3A, %add3A_1369 : vector<16xi32>
        %gather3A_1371 = tpu.vector_load_idx %arg11[%add3A_1336, %add3A_1370, %broadcast_in_dim3A_1358] : memref<16x32x20xi32, #tpu.memory_space<vmem>>[vector<16xi32>, vector<16xi32>, vector<16xi32>], vector<16xi32>,
        %swap3A_1372 = arith.constant 1 : i32
        %swap3A_1373 = arith.index_cast %sub3A_1332 : i32 to index
        %swap3A_1374 = arith.index_cast %swap3A_1372 : i32 to index
        %swap3A_1375 = arith.constant 16 : index
        %swap3A_1376 = tpu.vector_load %arg12[%swap3A_1373, %swap3A_1374, %swap3A_1375] {strides = array<i32>} : memref<2x20x32xi32, #tpu.memory_space<vmem>>, vector<16xi32>,
        tpu.vector_store %arg12[%swap3A_1373, %swap3A_1374, %swap3A_1375], %gather3A_1371 {strides = array<i32>} : memref<2x20x32xi32, #tpu.memory_space<vmem>>, vector<16xi32>,
        %broadcast_in_dim3A_1377 = arith.constant 2 : i32
        %broadcast_in_dim3A_1378 = vector.broadcast %broadcast_in_dim3A_1377 : i32 to vector<16xi32>
        %add3A_1379 = arith.constant 0 : i32
        %add3A_1380 = vector.broadcast %add3A_1379 : i32 to vector<16xi32>
        %add3A_1381 = arith.addi %iota3A, %add3A_1380 : vector<16xi32>
        %gather3A_1382 = tpu.vector_load_idx %arg11[%add3A_1336, %add3A_1381, %broadcast_in_dim3A_1378] : memref<16x32x20xi32, #tpu.memory_space<vmem>>[vector<16xi32>, vector<16xi32>, vector<16xi32>], vector<16xi32>,
        %swap3A_1383 = arith.constant 2 : i32
        %swap3A_1384 = arith.index_cast %sub3A_1332 : i32 to index
        %swap3A_1385 = arith.index_cast %swap3A_1383 : i32 to index
        %swap3A_1386 = arith.constant 0 : index
        %swap3A_1387 = tpu.vector_load %arg12[%swap3A_1384, %swap3A_1385, %swap3A_1386] {strides = array<i32>} : memref<2x20x32xi32, #tpu.memory_space<vmem>>, vector<16xi32>,
        tpu.vector_store %arg12[%swap3A_1384, %swap3A_1385, %swap3A_1386], %gather3A_1382 {strides = array<i32>} : memref<2x20x32xi32, #tpu.memory_space<vmem>>, vector<16xi32>,
        %add3A_1388 = arith.constant 16 : i32
        %add3A_1389 = vector.broadcast %add3A_1388 : i32 to vector<16xi32>
        %add3A_1390 = arith.addi %iota3A, %add3A_1389 : vector<16xi32>
        %gather3A_1391 = tpu.vector_load_idx %arg11[%add3A_1336, %add3A_1390, %broadcast_in_dim3A_1378] : memref<16x32x20xi32, #tpu.memory_space<vmem>>[vector<16xi32>, vector<16xi32>, vector<16xi32>], vector<16xi32>,
        %swap3A_1392 = arith.constant 2 : i32
        %swap3A_1393 = arith.index_cast %sub3A_1332 : i32 to index
        %swap3A_1394 = arith.index_cast %swap3A_1392 : i32 to index
        %swap3A_1395 = arith.constant 16 : index
        %swap3A_1396 = tpu.vector_load %arg12[%swap3A_1393, %swap3A_1394, %swap3A_1395] {strides = array<i32>} : memref<2x20x32xi32, #tpu.memory_space<vmem>>, vector<16xi32>,
        tpu.vector_store %arg12[%swap3A_1393, %swap3A_1394, %swap3A_1395], %gather3A_1391 {strides = array<i32>} : memref<2x20x32xi32, #tpu.memory_space<vmem>>, vector<16xi32>,
        %broadcast_in_dim3A_1397 = arith.constant 3 : i32
        %broadcast_in_dim3A_1398 = vector.broadcast %broadcast_in_dim3A_1397 : i32 to vector<16xi32>
        %add3A_1399 = arith.constant 0 : i32
        %add3A_1400 = vector.broadcast %add3A_1399 : i32 to vector<16xi32>
        %add3A_1401 = arith.addi %iota3A, %add3A_1400 : vector<16xi32>
        %gather3A_1402 = tpu.vector_load_idx %arg11[%add3A_1336, %add3A_1401, %broadcast_in_dim3A_1398] : memref<16x32x20xi32, #tpu.memory_space<vmem>>[vector<16xi32>, vector<16xi32>, vector<16xi32>], vector<16xi32>,
        %swap3A_1403 = arith.constant 3 : i32
        %swap3A_1404 = arith.index_cast %sub3A_1332 : i32 to index
        %swap3A_1405 = arith.index_cast %swap3A_1403 : i32 to index
        %swap3A_1406 = arith.constant 0 : index
        %swap3A_1407 = tpu.vector_load %arg12[%swap3A_1404, %swap3A_1405, %swap3A_1406] {strides = array<i32>} : memref<2x20x32xi32, #tpu.memory_space<vmem>>, vector<16xi32>,
        tpu.vector_store %arg12[%swap3A_1404, %swap3A_1405, %swap3A_1406], %gather3A_1402 {strides = array<i32>} : memref<2x20x32xi32, #tpu.memory_space<vmem>>, vector<16xi32>,
        %add3A_1408 = arith.constant 16 : i32
        %add3A_1409 = vector.broadcast %add3A_1408 : i32 to vector<16xi32>
        %add3A_1410 = arith.addi %iota3A, %add3A_1409 : vector<16xi32>
        %gather3A_1411 = tpu.vector_load_idx %arg11[%add3A_1336, %add3A_1410, %broadcast_in_dim3A_1398] : memref<16x32x20xi32, #tpu.memory_space<vmem>>[vector<16xi32>, vector<16xi32>, vector<16xi32>], vector<16xi32>,
        %swap3A_1412 = arith.constant 3 : i32
        %swap3A_1413 = arith.index_cast %sub3A_1332 : i32 to index
        %swap3A_1414 = arith.index_cast %swap3A_1412 : i32 to index
        %swap3A_1415 = arith.constant 16 : index
        %swap3A_1416 = tpu.vector_load %arg12[%swap3A_1413, %swap3A_1414, %swap3A_1415] {strides = array<i32>} : memref<2x20x32xi32, #tpu.memory_space<vmem>>, vector<16xi32>,
        tpu.vector_store %arg12[%swap3A_1413, %swap3A_1414, %swap3A_1415], %gather3A_1411 {strides = array<i32>} : memref<2x20x32xi32, #tpu.memory_space<vmem>>, vector<16xi32>,
        %broadcast_in_dim3A_1417 = arith.constant 4 : i32
        %broadcast_in_dim3A_1418 = vector.broadcast %broadcast_in_dim3A_1417 : i32 to vector<16xi32>
        %add3A_1419 = arith.constant 0 : i32
        %add3A_1420 = vector.broadcast %add3A_1419 : i32 to vector<16xi32>
        %add3A_1421 = arith.addi %iota3A, %add3A_1420 : vector<16xi32>
        %gather3A_1422 = tpu.vector_load_idx %arg11[%add3A_1336, %add3A_1421, %broadcast_in_dim3A_1418] : memref<16x32x20xi32, #tpu.memory_space<vmem>>[vector<16xi32>, vector<16xi32>, vector<16xi32>], vector<16xi32>,
        %swap3A_1423 = arith.constant 4 : i32
        %swap3A_1424 = arith.index_cast %sub3A_1332 : i32 to index
        %swap3A_1425 = arith.index_cast %swap3A_1423 : i32 to index
        %swap3A_1426 = arith.constant 0 : index
        %swap3A_1427 = tpu.vector_load %arg12[%swap3A_1424, %swap3A_1425, %swap3A_1426] {strides = array<i32>} : memref<2x20x32xi32, #tpu.memory_space<vmem>>, vector<16xi32>,
        tpu.vector_store %arg12[%swap3A_1424, %swap3A_1425, %swap3A_1426], %gather3A_1422 {strides = array<i32>} : memref<2x20x32xi32, #tpu.memory_space<vmem>>, vector<16xi32>,
        %add3A_1428 = arith.constant 16 : i32
        %add3A_1429 = vector.broadcast %add3A_1428 : i32 to vector<16xi32>
        %add3A_1430 = arith.addi %iota3A, %add3A_1429 : vector<16xi32>
        %gather3A_1431 = tpu.vector_load_idx %arg11[%add3A_1336, %add3A_1430, %broadcast_in_dim3A_1418] : memref<16x32x20xi32, #tpu.memory_space<vmem>>[vector<16xi32>, vector<16xi32>, vector<16xi32>], vector<16xi32>,
        %swap3A_1432 = arith.constant 4 : i32
        %swap3A_1433 = arith.index_cast %sub3A_1332 : i32 to index
        %swap3A_1434 = arith.index_cast %swap3A_1432 : i32 to index
        %swap3A_1435 = arith.constant 16 : index
        %swap3A_1436 = tpu.vector_load %arg12[%swap3A_1433, %swap3A_1434, %swap3A_1435] {strides = array<i32>} : memref<2x20x32xi32, #tpu.memory_space<vmem>>, vector<16xi32>,
        tpu.vector_store %arg12[%swap3A_1433, %swap3A_1434, %swap3A_1435], %gather3A_1431 {strides = array<i32>} : memref<2x20x32xi32, #tpu.memory_space<vmem>>, vector<16xi32>,
        %broadcast_in_dim3A_1437 = arith.constant 5 : i32
        %broadcast_in_dim3A_1438 = vector.broadcast %broadcast_in_dim3A_1437 : i32 to vector<16xi32>
        %add3A_1439 = arith.constant 0 : i32
        %add3A_1440 = vector.broadcast %add3A_1439 : i32 to vector<16xi32>
        %add3A_1441 = arith.addi %iota3A, %add3A_1440 : vector<16xi32>
        %gather3A_1442 = tpu.vector_load_idx %arg11[%add3A_1336, %add3A_1441, %broadcast_in_dim3A_1438] : memref<16x32x20xi32, #tpu.memory_space<vmem>>[vector<16xi32>, vector<16xi32>, vector<16xi32>], vector<16xi32>,
        %swap3A_1443 = arith.constant 5 : i32
        %swap3A_1444 = arith.index_cast %sub3A_1332 : i32 to index
        %swap3A_1445 = arith.index_cast %swap3A_1443 : i32 to index
        %swap3A_1446 = arith.constant 0 : index
        %swap3A_1447 = tpu.vector_load %arg12[%swap3A_1444, %swap3A_1445, %swap3A_1446] {strides = array<i32>} : memref<2x20x32xi32, #tpu.memory_space<vmem>>, vector<16xi32>,
        tpu.vector_store %arg12[%swap3A_1444, %swap3A_1445, %swap3A_1446], %gather3A_1442 {strides = array<i32>} : memref<2x20x32xi32, #tpu.memory_space<vmem>>, vector<16xi32>,
        %add3A_1448 = arith.constant 16 : i32
        %add3A_1449 = vector.broadcast %add3A_1448 : i32 to vector<16xi32>
        %add3A_1450 = arith.addi %iota3A, %add3A_1449 : vector<16xi32>
        %gather3A_1451 = tpu.vector_load_idx %arg11[%add3A_1336, %add3A_1450, %broadcast_in_dim3A_1438] : memref<16x32x20xi32, #tpu.memory_space<vmem>>[vector<16xi32>, vector<16xi32>, vector<16xi32>], vector<16xi32>,
        %swap3A_1452 = arith.constant 5 : i32
        %swap3A_1453 = arith.index_cast %sub3A_1332 : i32 to index
        %swap3A_1454 = arith.index_cast %swap3A_1452 : i32 to index
        %swap3A_1455 = arith.constant 16 : index
        %swap3A_1456 = tpu.vector_load %arg12[%swap3A_1453, %swap3A_1454, %swap3A_1455] {strides = array<i32>} : memref<2x20x32xi32, #tpu.memory_space<vmem>>, vector<16xi32>,
        tpu.vector_store %arg12[%swap3A_1453, %swap3A_1454, %swap3A_1455], %gather3A_1451 {strides = array<i32>} : memref<2x20x32xi32, #tpu.memory_space<vmem>>, vector<16xi32>,
        %broadcast_in_dim3A_1457 = arith.constant 6 : i32
        %broadcast_in_dim3A_1458 = vector.broadcast %broadcast_in_dim3A_1457 : i32 to vector<16xi32>
        %add3A_1459 = arith.constant 0 : i32
        %add3A_1460 = vector.broadcast %add3A_1459 : i32 to vector<16xi32>
        %add3A_1461 = arith.addi %iota3A, %add3A_1460 : vector<16xi32>
        %gather3A_1462 = tpu.vector_load_idx %arg11[%add3A_1336, %add3A_1461, %broadcast_in_dim3A_1458] : memref<16x32x20xi32, #tpu.memory_space<vmem>>[vector<16xi32>, vector<16xi32>, vector<16xi32>], vector<16xi32>,
        %swap3A_1463 = arith.constant 6 : i32
        %swap3A_1464 = arith.index_cast %sub3A_1332 : i32 to index
        %swap3A_1465 = arith.index_cast %swap3A_1463 : i32 to index
        %swap3A_1466 = arith.constant 0 : index
        %swap3A_1467 = tpu.vector_load %arg12[%swap3A_1464, %swap3A_1465, %swap3A_1466] {strides = array<i32>} : memref<2x20x32xi32, #tpu.memory_space<vmem>>, vector<16xi32>,
        tpu.vector_store %arg12[%swap3A_1464, %swap3A_1465, %swap3A_1466], %gather3A_1462 {strides = array<i32>} : memref<2x20x32xi32, #tpu.memory_space<vmem>>, vector<16xi32>,
        %add3A_1468 = arith.constant 16 : i32
        %add3A_1469 = vector.broadcast %add3A_1468 : i32 to vector<16xi32>
        %add3A_1470 = arith.addi %iota3A, %add3A_1469 : vector<16xi32>
        %gather3A_1471 = tpu.vector_load_idx %arg11[%add3A_1336, %add3A_1470, %broadcast_in_dim3A_1458] : memref<16x32x20xi32, #tpu.memory_space<vmem>>[vector<16xi32>, vector<16xi32>, vector<16xi32>], vector<16xi32>,
        %swap3A_1472 = arith.constant 6 : i32
        %swap3A_1473 = arith.index_cast %sub3A_1332 : i32 to index
        %swap3A_1474 = arith.index_cast %swap3A_1472 : i32 to index
        %swap3A_1475 = arith.constant 16 : index
        %swap3A_1476 = tpu.vector_load %arg12[%swap3A_1473, %swap3A_1474, %swap3A_1475] {strides = array<i32>} : memref<2x20x32xi32, #tpu.memory_space<vmem>>, vector<16xi32>,
        tpu.vector_store %arg12[%swap3A_1473, %swap3A_1474, %swap3A_1475], %gather3A_1471 {strides = array<i32>} : memref<2x20x32xi32, #tpu.memory_space<vmem>>, vector<16xi32>,
        %broadcast_in_dim3A_1477 = arith.constant 7 : i32
        %broadcast_in_dim3A_1478 = vector.broadcast %broadcast_in_dim3A_1477 : i32 to vector<16xi32>
        %add3A_1479 = arith.constant 0 : i32
        %add3A_1480 = vector.broadcast %add3A_1479 : i32 to vector<16xi32>
        %add3A_1481 = arith.addi %iota3A, %add3A_1480 : vector<16xi32>
        %gather3A_1482 = tpu.vector_load_idx %arg11[%add3A_1336, %add3A_1481, %broadcast_in_dim3A_1478] : memref<16x32x20xi32, #tpu.memory_space<vmem>>[vector<16xi32>, vector<16xi32>, vector<16xi32>], vector<16xi32>,
        %swap3A_1483 = arith.constant 7 : i32
        %swap3A_1484 = arith.index_cast %sub3A_1332 : i32 to index
        %swap3A_1485 = arith.index_cast %swap3A_1483 : i32 to index
        %swap3A_1486 = arith.constant 0 : index
        %swap3A_1487 = tpu.vector_load %arg12[%swap3A_1484, %swap3A_1485, %swap3A_1486] {strides = array<i32>} : memref<2x20x32xi32, #tpu.memory_space<vmem>>, vector<16xi32>,
        tpu.vector_store %arg12[%swap3A_1484, %swap3A_1485, %swap3A_1486], %gather3A_1482 {strides = array<i32>} : memref<2x20x32xi32, #tpu.memory_space<vmem>>, vector<16xi32>,
        %add3A_1488 = arith.constant 16 : i32
        %add3A_1489 = vector.broadcast %add3A_1488 : i32 to vector<16xi32>
        %add3A_1490 = arith.addi %iota3A, %add3A_1489 : vector<16xi32>
        %gather3A_1491 = tpu.vector_load_idx %arg11[%add3A_1336, %add3A_1490, %broadcast_in_dim3A_1478] : memref<16x32x20xi32, #tpu.memory_space<vmem>>[vector<16xi32>, vector<16xi32>, vector<16xi32>], vector<16xi32>,
        %swap3A_1492 = arith.constant 7 : i32
        %swap3A_1493 = arith.index_cast %sub3A_1332 : i32 to index
        %swap3A_1494 = arith.index_cast %swap3A_1492 : i32 to index
        %swap3A_1495 = arith.constant 16 : index
        %swap3A_1496 = tpu.vector_load %arg12[%swap3A_1493, %swap3A_1494, %swap3A_1495] {strides = array<i32>} : memref<2x20x32xi32, #tpu.memory_space<vmem>>, vector<16xi32>,
        tpu.vector_store %arg12[%swap3A_1493, %swap3A_1494, %swap3A_1495], %gather3A_1491 {strides = array<i32>} : memref<2x20x32xi32, #tpu.memory_space<vmem>>, vector<16xi32>,
        %broadcast_in_dim3A_1497 = arith.constant 8 : i32
        %broadcast_in_dim3A_1498 = vector.broadcast %broadcast_in_dim3A_1497 : i32 to vector<16xi32>
        %add3A_1499 = arith.constant 0 : i32
        %add3A_1500 = vector.broadcast %add3A_1499 : i32 to vector<16xi32>
        %add3A_1501 = arith.addi %iota3A, %add3A_1500 : vector<16xi32>
        %gather3A_1502 = tpu.vector_load_idx %arg11[%add3A_1336, %add3A_1501, %broadcast_in_dim3A_1498] : memref<16x32x20xi32, #tpu.memory_space<vmem>>[vector<16xi32>, vector<16xi32>, vector<16xi32>], vector<16xi32>,
        %swap3A_1503 = arith.constant 8 : i32
        %swap3A_1504 = arith.index_cast %sub3A_1332 : i32 to index
        %swap3A_1505 = arith.index_cast %swap3A_1503 : i32 to index
        %swap3A_1506 = arith.constant 0 : index
        %swap3A_1507 = tpu.vector_load %arg12[%swap3A_1504, %swap3A_1505, %swap3A_1506] {strides = array<i32>} : memref<2x20x32xi32, #tpu.memory_space<vmem>>, vector<16xi32>,
        tpu.vector_store %arg12[%swap3A_1504, %swap3A_1505, %swap3A_1506], %gather3A_1502 {strides = array<i32>} : memref<2x20x32xi32, #tpu.memory_space<vmem>>, vector<16xi32>,
        %add3A_1508 = arith.constant 16 : i32
        %add3A_1509 = vector.broadcast %add3A_1508 : i32 to vector<16xi32>
        %add3A_1510 = arith.addi %iota3A, %add3A_1509 : vector<16xi32>
        %gather3A_1511 = tpu.vector_load_idx %arg11[%add3A_1336, %add3A_1510, %broadcast_in_dim3A_1498] : memref<16x32x20xi32, #tpu.memory_space<vmem>>[vector<16xi32>, vector<16xi32>, vector<16xi32>], vector<16xi32>,
        %swap3A_1512 = arith.constant 8 : i32
        %swap3A_1513 = arith.index_cast %sub3A_1332 : i32 to index
        %swap3A_1514 = arith.index_cast %swap3A_1512 : i32 to index
        %swap3A_1515 = arith.constant 16 : index
        %swap3A_1516 = tpu.vector_load %arg12[%swap3A_1513, %swap3A_1514, %swap3A_1515] {strides = array<i32>} : memref<2x20x32xi32, #tpu.memory_space<vmem>>, vector<16xi32>,
        tpu.vector_store %arg12[%swap3A_1513, %swap3A_1514, %swap3A_1515], %gather3A_1511 {strides = array<i32>} : memref<2x20x32xi32, #tpu.memory_space<vmem>>, vector<16xi32>,
        %broadcast_in_dim3A_1517 = arith.constant 9 : i32
        %broadcast_in_dim3A_1518 = vector.broadcast %broadcast_in_dim3A_1517 : i32 to vector<16xi32>
        %add3A_1519 = arith.constant 0 : i32
        %add3A_1520 = vector.broadcast %add3A_1519 : i32 to vector<16xi32>
        %add3A_1521 = arith.addi %iota3A, %add3A_1520 : vector<16xi32>
        %gather3A_1522 = tpu.vector_load_idx %arg11[%add3A_1336, %add3A_1521, %broadcast_in_dim3A_1518] : memref<16x32x20xi32, #tpu.memory_space<vmem>>[vector<16xi32>, vector<16xi32>, vector<16xi32>], vector<16xi32>,
        %swap3A_1523 = arith.constant 9 : i32
        %swap3A_1524 = arith.index_cast %sub3A_1332 : i32 to index
        %swap3A_1525 = arith.index_cast %swap3A_1523 : i32 to index
        %swap3A_1526 = arith.constant 0 : index
        %swap3A_1527 = tpu.vector_load %arg12[%swap3A_1524, %swap3A_1525, %swap3A_1526] {strides = array<i32>} : memref<2x20x32xi32, #tpu.memory_space<vmem>>, vector<16xi32>,
        tpu.vector_store %arg12[%swap3A_1524, %swap3A_1525, %swap3A_1526], %gather3A_1522 {strides = array<i32>} : memref<2x20x32xi32, #tpu.memory_space<vmem>>, vector<16xi32>,
        %add3A_1528 = arith.constant 16 : i32
        %add3A_1529 = vector.broadcast %add3A_1528 : i32 to vector<16xi32>
        %add3A_1530 = arith.addi %iota3A, %add3A_1529 : vector<16xi32>
        %gather3A_1531 = tpu.vector_load_idx %arg11[%add3A_1336, %add3A_1530, %broadcast_in_dim3A_1518] : memref<16x32x20xi32, #tpu.memory_space<vmem>>[vector<16xi32>, vector<16xi32>, vector<16xi32>], vector<16xi32>,
        %swap3A_1532 = arith.constant 9 : i32
        %swap3A_1533 = arith.index_cast %sub3A_1332 : i32 to index
        %swap3A_1534 = arith.index_cast %swap3A_1532 : i32 to index
        %swap3A_1535 = arith.constant 16 : index
        %swap3A_1536 = tpu.vector_load %arg12[%swap3A_1533, %swap3A_1534, %swap3A_1535] {strides = array<i32>} : memref<2x20x32xi32, #tpu.memory_space<vmem>>, vector<16xi32>,
        tpu.vector_store %arg12[%swap3A_1533, %swap3A_1534, %swap3A_1535], %gather3A_1531 {strides = array<i32>} : memref<2x20x32xi32, #tpu.memory_space<vmem>>, vector<16xi32>,
        %broadcast_in_dim3A_1537 = arith.constant 10 : i32
        %broadcast_in_dim3A_1538 = vector.broadcast %broadcast_in_dim3A_1537 : i32 to vector<16xi32>
        %add3A_1539 = arith.constant 0 : i32
        %add3A_1540 = vector.broadcast %add3A_1539 : i32 to vector<16xi32>
        %add3A_1541 = arith.addi %iota3A, %add3A_1540 : vector<16xi32>
        %gather3A_1542 = tpu.vector_load_idx %arg11[%add3A_1336, %add3A_1541, %broadcast_in_dim3A_1538] : memref<16x32x20xi32, #tpu.memory_space<vmem>>[vector<16xi32>, vector<16xi32>, vector<16xi32>], vector<16xi32>,
        %swap3A_1543 = arith.constant 10 : i32
        %swap3A_1544 = arith.index_cast %sub3A_1332 : i32 to index
        %swap3A_1545 = arith.index_cast %swap3A_1543 : i32 to index
        %swap3A_1546 = arith.constant 0 : index
        %swap3A_1547 = tpu.vector_load %arg12[%swap3A_1544, %swap3A_1545, %swap3A_1546] {strides = array<i32>} : memref<2x20x32xi32, #tpu.memory_space<vmem>>, vector<16xi32>,
        tpu.vector_store %arg12[%swap3A_1544, %swap3A_1545, %swap3A_1546], %gather3A_1542 {strides = array<i32>} : memref<2x20x32xi32, #tpu.memory_space<vmem>>, vector<16xi32>,
        %add3A_1548 = arith.constant 16 : i32
        %add3A_1549 = vector.broadcast %add3A_1548 : i32 to vector<16xi32>
        %add3A_1550 = arith.addi %iota3A, %add3A_1549 : vector<16xi32>
        %gather3A_1551 = tpu.vector_load_idx %arg11[%add3A_1336, %add3A_1550, %broadcast_in_dim3A_1538] : memref<16x32x20xi32, #tpu.memory_space<vmem>>[vector<16xi32>, vector<16xi32>, vector<16xi32>], vector<16xi32>,
        %swap3A_1552 = arith.constant 10 : i32
        %swap3A_1553 = arith.index_cast %sub3A_1332 : i32 to index
        %swap3A_1554 = arith.index_cast %swap3A_1552 : i32 to index
        %swap3A_1555 = arith.constant 16 : index
        %swap3A_1556 = tpu.vector_load %arg12[%swap3A_1553, %swap3A_1554, %swap3A_1555] {strides = array<i32>} : memref<2x20x32xi32, #tpu.memory_space<vmem>>, vector<16xi32>,
        tpu.vector_store %arg12[%swap3A_1553, %swap3A_1554, %swap3A_1555], %gather3A_1551 {strides = array<i32>} : memref<2x20x32xi32, #tpu.memory_space<vmem>>, vector<16xi32>,
        %broadcast_in_dim3A_1557 = arith.constant 11 : i32
        %broadcast_in_dim3A_1558 = vector.broadcast %broadcast_in_dim3A_1557 : i32 to vector<16xi32>
        %add3A_1559 = arith.constant 0 : i32
        %add3A_1560 = vector.broadcast %add3A_1559 : i32 to vector<16xi32>
        %add3A_1561 = arith.addi %iota3A, %add3A_1560 : vector<16xi32>
        %gather3A_1562 = tpu.vector_load_idx %arg11[%add3A_1336, %add3A_1561, %broadcast_in_dim3A_1558] : memref<16x32x20xi32, #tpu.memory_space<vmem>>[vector<16xi32>, vector<16xi32>, vector<16xi32>], vector<16xi32>,
        %swap3A_1563 = arith.constant 11 : i32
        %swap3A_1564 = arith.index_cast %sub3A_1332 : i32 to index
        %swap3A_1565 = arith.index_cast %swap3A_1563 : i32 to index
        %swap3A_1566 = arith.constant 0 : index
        %swap3A_1567 = tpu.vector_load %arg12[%swap3A_1564, %swap3A_1565, %swap3A_1566] {strides = array<i32>} : memref<2x20x32xi32, #tpu.memory_space<vmem>>, vector<16xi32>,
        tpu.vector_store %arg12[%swap3A_1564, %swap3A_1565, %swap3A_1566], %gather3A_1562 {strides = array<i32>} : memref<2x20x32xi32, #tpu.memory_space<vmem>>, vector<16xi32>,
        %add3A_1568 = arith.constant 16 : i32
        %add3A_1569 = vector.broadcast %add3A_1568 : i32 to vector<16xi32>
        %add3A_1570 = arith.addi %iota3A, %add3A_1569 : vector<16xi32>
        %gather3A_1571 = tpu.vector_load_idx %arg11[%add3A_1336, %add3A_1570, %broadcast_in_dim3A_1558] : memref<16x32x20xi32, #tpu.memory_space<vmem>>[vector<16xi32>, vector<16xi32>, vector<16xi32>], vector<16xi32>,
        %swap3A_1572 = arith.constant 11 : i32
        %swap3A_1573 = arith.index_cast %sub3A_1332 : i32 to index
        %swap3A_1574 = arith.index_cast %swap3A_1572 : i32 to index
        %swap3A_1575 = arith.constant 16 : index
        %swap3A_1576 = tpu.vector_load %arg12[%swap3A_1573, %swap3A_1574, %swap3A_1575] {strides = array<i32>} : memref<2x20x32xi32, #tpu.memory_space<vmem>>, vector<16xi32>,
        tpu.vector_store %arg12[%swap3A_1573, %swap3A_1574, %swap3A_1575], %gather3A_1571 {strides = array<i32>} : memref<2x20x32xi32, #tpu.memory_space<vmem>>, vector<16xi32>,
        %broadcast_in_dim3A_1577 = arith.constant 12 : i32
        %broadcast_in_dim3A_1578 = vector.broadcast %broadcast_in_dim3A_1577 : i32 to vector<16xi32>
        %add3A_1579 = arith.constant 0 : i32
        %add3A_1580 = vector.broadcast %add3A_1579 : i32 to vector<16xi32>
        %add3A_1581 = arith.addi %iota3A, %add3A_1580 : vector<16xi32>
        %gather3A_1582 = tpu.vector_load_idx %arg11[%add3A_1336, %add3A_1581, %broadcast_in_dim3A_1578] : memref<16x32x20xi32, #tpu.memory_space<vmem>>[vector<16xi32>, vector<16xi32>, vector<16xi32>], vector<16xi32>,
        %swap3A_1583 = arith.constant 12 : i32
        %swap3A_1584 = arith.index_cast %sub3A_1332 : i32 to index
        %swap3A_1585 = arith.index_cast %swap3A_1583 : i32 to index
        %swap3A_1586 = arith.constant 0 : index
        %swap3A_1587 = tpu.vector_load %arg12[%swap3A_1584, %swap3A_1585, %swap3A_1586] {strides = array<i32>} : memref<2x20x32xi32, #tpu.memory_space<vmem>>, vector<16xi32>,
        tpu.vector_store %arg12[%swap3A_1584, %swap3A_1585, %swap3A_1586], %gather3A_1582 {strides = array<i32>} : memref<2x20x32xi32, #tpu.memory_space<vmem>>, vector<16xi32>,
        %add3A_1588 = arith.constant 16 : i32
        %add3A_1589 = vector.broadcast %add3A_1588 : i32 to vector<16xi32>
        %add3A_1590 = arith.addi %iota3A, %add3A_1589 : vector<16xi32>
        %gather3A_1591 = tpu.vector_load_idx %arg11[%add3A_1336, %add3A_1590, %broadcast_in_dim3A_1578] : memref<16x32x20xi32, #tpu.memory_space<vmem>>[vector<16xi32>, vector<16xi32>, vector<16xi32>], vector<16xi32>,
        %swap3A_1592 = arith.constant 12 : i32
        %swap3A_1593 = arith.index_cast %sub3A_1332 : i32 to index
        %swap3A_1594 = arith.index_cast %swap3A_1592 : i32 to index
        %swap3A_1595 = arith.constant 16 : index
        %swap3A_1596 = tpu.vector_load %arg12[%swap3A_1593, %swap3A_1594, %swap3A_1595] {strides = array<i32>} : memref<2x20x32xi32, #tpu.memory_space<vmem>>, vector<16xi32>,
        tpu.vector_store %arg12[%swap3A_1593, %swap3A_1594, %swap3A_1595], %gather3A_1591 {strides = array<i32>} : memref<2x20x32xi32, #tpu.memory_space<vmem>>, vector<16xi32>,
        %broadcast_in_dim3A_1597 = arith.constant 13 : i32
        %broadcast_in_dim3A_1598 = vector.broadcast %broadcast_in_dim3A_1597 : i32 to vector<16xi32>
        %add3A_1599 = arith.constant 0 : i32
        %add3A_1600 = vector.broadcast %add3A_1599 : i32 to vector<16xi32>
        %add3A_1601 = arith.addi %iota3A, %add3A_1600 : vector<16xi32>
        %gather3A_1602 = tpu.vector_load_idx %arg11[%add3A_1336, %add3A_1601, %broadcast_in_dim3A_1598] : memref<16x32x20xi32, #tpu.memory_space<vmem>>[vector<16xi32>, vector<16xi32>, vector<16xi32>], vector<16xi32>,
        %swap3A_1603 = arith.constant 13 : i32
        %swap3A_1604 = arith.index_cast %sub3A_1332 : i32 to index
        %swap3A_1605 = arith.index_cast %swap3A_1603 : i32 to index
        %swap3A_1606 = arith.constant 0 : index
        %swap3A_1607 = tpu.vector_load %arg12[%swap3A_1604, %swap3A_1605, %swap3A_1606] {strides = array<i32>} : memref<2x20x32xi32, #tpu.memory_space<vmem>>, vector<16xi32>,
        tpu.vector_store %arg12[%swap3A_1604, %swap3A_1605, %swap3A_1606], %gather3A_1602 {strides = array<i32>} : memref<2x20x32xi32, #tpu.memory_space<vmem>>, vector<16xi32>,
        %add3A_1608 = arith.constant 16 : i32
        %add3A_1609 = vector.broadcast %add3A_1608 : i32 to vector<16xi32>
        %add3A_1610 = arith.addi %iota3A, %add3A_1609 : vector<16xi32>
        %gather3A_1611 = tpu.vector_load_idx %arg11[%add3A_1336, %add3A_1610, %broadcast_in_dim3A_1598] : memref<16x32x20xi32, #tpu.memory_space<vmem>>[vector<16xi32>, vector<16xi32>, vector<16xi32>], vector<16xi32>,
        %swap3A_1612 = arith.constant 13 : i32
        %swap3A_1613 = arith.index_cast %sub3A_1332 : i32 to index
        %swap3A_1614 = arith.index_cast %swap3A_1612 : i32 to index
        %swap3A_1615 = arith.constant 16 : index
        %swap3A_1616 = tpu.vector_load %arg12[%swap3A_1613, %swap3A_1614, %swap3A_1615] {strides = array<i32>} : memref<2x20x32xi32, #tpu.memory_space<vmem>>, vector<16xi32>,
        tpu.vector_store %arg12[%swap3A_1613, %swap3A_1614, %swap3A_1615], %gather3A_1611 {strides = array<i32>} : memref<2x20x32xi32, #tpu.memory_space<vmem>>, vector<16xi32>,
        %broadcast_in_dim3A_1617 = arith.constant 14 : i32
        %broadcast_in_dim3A_1618 = vector.broadcast %broadcast_in_dim3A_1617 : i32 to vector<16xi32>
        %add3A_1619 = arith.constant 0 : i32
        %add3A_1620 = vector.broadcast %add3A_1619 : i32 to vector<16xi32>
        %add3A_1621 = arith.addi %iota3A, %add3A_1620 : vector<16xi32>
        %gather3A_1622 = tpu.vector_load_idx %arg11[%add3A_1336, %add3A_1621, %broadcast_in_dim3A_1618] : memref<16x32x20xi32, #tpu.memory_space<vmem>>[vector<16xi32>, vector<16xi32>, vector<16xi32>], vector<16xi32>,
        %swap3A_1623 = arith.constant 14 : i32
        %swap3A_1624 = arith.index_cast %sub3A_1332 : i32 to index
        %swap3A_1625 = arith.index_cast %swap3A_1623 : i32 to index
        %swap3A_1626 = arith.constant 0 : index
        %swap3A_1627 = tpu.vector_load %arg12[%swap3A_1624, %swap3A_1625, %swap3A_1626] {strides = array<i32>} : memref<2x20x32xi32, #tpu.memory_space<vmem>>, vector<16xi32>,
        tpu.vector_store %arg12[%swap3A_1624, %swap3A_1625, %swap3A_1626], %gather3A_1622 {strides = array<i32>} : memref<2x20x32xi32, #tpu.memory_space<vmem>>, vector<16xi32>,
        %add3A_1628 = arith.constant 16 : i32
        %add3A_1629 = vector.broadcast %add3A_1628 : i32 to vector<16xi32>
        %add3A_1630 = arith.addi %iota3A, %add3A_1629 : vector<16xi32>
        %gather3A_1631 = tpu.vector_load_idx %arg11[%add3A_1336, %add3A_1630, %broadcast_in_dim3A_1618] : memref<16x32x20xi32, #tpu.memory_space<vmem>>[vector<16xi32>, vector<16xi32>, vector<16xi32>], vector<16xi32>,
        %swap3A_1632 = arith.constant 14 : i32
        %swap3A_1633 = arith.index_cast %sub3A_1332 : i32 to index
        %swap3A_1634 = arith.index_cast %swap3A_1632 : i32 to index
        %swap3A_1635 = arith.constant 16 : index
        %swap3A_1636 = tpu.vector_load %arg12[%swap3A_1633, %swap3A_1634, %swap3A_1635] {strides = array<i32>} : memref<2x20x32xi32, #tpu.memory_space<vmem>>, vector<16xi32>,
        tpu.vector_store %arg12[%swap3A_1633, %swap3A_1634, %swap3A_1635], %gather3A_1631 {strides = array<i32>} : memref<2x20x32xi32, #tpu.memory_space<vmem>>, vector<16xi32>,
        %broadcast_in_dim3A_1637 = arith.constant 15 : i32
        %broadcast_in_dim3A_1638 = vector.broadcast %broadcast_in_dim3A_1637 : i32 to vector<16xi32>
        %add3A_1639 = arith.constant 0 : i32
        %add3A_1640 = vector.broadcast %add3A_1639 : i32 to vector<16xi32>
        %add3A_1641 = arith.addi %iota3A, %add3A_1640 : vector<16xi32>
        %gather3A_1642 = tpu.vector_load_idx %arg11[%add3A_1336, %add3A_1641, %broadcast_in_dim3A_1638] : memref<16x32x20xi32, #tpu.memory_space<vmem>>[vector<16xi32>, vector<16xi32>, vector<16xi32>], vector<16xi32>,
        %swap3A_1643 = arith.constant 15 : i32
        %swap3A_1644 = arith.index_cast %sub3A_1332 : i32 to index
        %swap3A_1645 = arith.index_cast %swap3A_1643 : i32 to index
        %swap3A_1646 = arith.constant 0 : index
        %swap3A_1647 = tpu.vector_load %arg12[%swap3A_1644, %swap3A_1645, %swap3A_1646] {strides = array<i32>} : memref<2x20x32xi32, #tpu.memory_space<vmem>>, vector<16xi32>,
        tpu.vector_store %arg12[%swap3A_1644, %swap3A_1645, %swap3A_1646], %gather3A_1642 {strides = array<i32>} : memref<2x20x32xi32, #tpu.memory_space<vmem>>, vector<16xi32>,
        %add3A_1648 = arith.constant 16 : i32
        %add3A_1649 = vector.broadcast %add3A_1648 : i32 to vector<16xi32>
        %add3A_1650 = arith.addi %iota3A, %add3A_1649 : vector<16xi32>
        %gather3A_1651 = tpu.vector_load_idx %arg11[%add3A_1336, %add3A_1650, %broadcast_in_dim3A_1638] : memref<16x32x20xi32, #tpu.memory_space<vmem>>[vector<16xi32>, vector<16xi32>, vector<16xi32>], vector<16xi32>,
        %swap3A_1652 = arith.constant 15 : i32
        %swap3A_1653 = arith.index_cast %sub3A_1332 : i32 to index
        %swap3A_1654 = arith.index_cast %swap3A_1652 : i32 to index
        %swap3A_1655 = arith.constant 16 : index
        %swap3A_1656 = tpu.vector_load %arg12[%swap3A_1653, %swap3A_1654, %swap3A_1655] {strides = array<i32>} : memref<2x20x32xi32, #tpu.memory_space<vmem>>, vector<16xi32>,
        tpu.vector_store %arg12[%swap3A_1653, %swap3A_1654, %swap3A_1655], %gather3A_1651 {strides = array<i32>} : memref<2x20x32xi32, #tpu.memory_space<vmem>>, vector<16xi32>,
        %broadcast_in_dim3A_1657 = arith.constant 16 : i32
        %broadcast_in_dim3A_1658 = vector.broadcast %broadcast_in_dim3A_1657 : i32 to vector<16xi32>
        %add3A_1659 = arith.constant 0 : i32
        %add3A_1660 = vector.broadcast %add3A_1659 : i32 to vector<16xi32>
        %add3A_1661 = arith.addi %iota3A, %add3A_1660 : vector<16xi32>
        %gather3A_1662 = tpu.vector_load_idx %arg11[%add3A_1336, %add3A_1661, %broadcast_in_dim3A_1658] : memref<16x32x20xi32, #tpu.memory_space<vmem>>[vector<16xi32>, vector<16xi32>, vector<16xi32>], vector<16xi32>,
        %swap3A_1663 = arith.constant 16 : i32
        %swap3A_1664 = arith.index_cast %sub3A_1332 : i32 to index
        %swap3A_1665 = arith.index_cast %swap3A_1663 : i32 to index
        %swap3A_1666 = arith.constant 0 : index
        %swap3A_1667 = tpu.vector_load %arg12[%swap3A_1664, %swap3A_1665, %swap3A_1666] {strides = array<i32>} : memref<2x20x32xi32, #tpu.memory_space<vmem>>, vector<16xi32>,
        tpu.vector_store %arg12[%swap3A_1664, %swap3A_1665, %swap3A_1666], %gather3A_1662 {strides = array<i32>} : memref<2x20x32xi32, #tpu.memory_space<vmem>>, vector<16xi32>,
        %add3A_1668 = arith.constant 16 : i32
        %add3A_1669 = vector.broadcast %add3A_1668 : i32 to vector<16xi32>
        %add3A_1670 = arith.addi %iota3A, %add3A_1669 : vector<16xi32>
        %gather3A_1671 = tpu.vector_load_idx %arg11[%add3A_1336, %add3A_1670, %broadcast_in_dim3A_1658] : memref<16x32x20xi32, #tpu.memory_space<vmem>>[vector<16xi32>, vector<16xi32>, vector<16xi32>], vector<16xi32>,
        %swap3A_1672 = arith.constant 16 : i32
        %swap3A_1673 = arith.index_cast %sub3A_1332 : i32 to index
        %swap3A_1674 = arith.index_cast %swap3A_1672 : i32 to index
        %swap3A_1675 = arith.constant 16 : index
        %swap3A_1676 = tpu.vector_load %arg12[%swap3A_1673, %swap3A_1674, %swap3A_1675] {strides = array<i32>} : memref<2x20x32xi32, #tpu.memory_space<vmem>>, vector<16xi32>,
        tpu.vector_store %arg12[%swap3A_1673, %swap3A_1674, %swap3A_1675], %gather3A_1671 {strides = array<i32>} : memref<2x20x32xi32, #tpu.memory_space<vmem>>, vector<16xi32>,
        %broadcast_in_dim3A_1677 = arith.constant 17 : i32
        %broadcast_in_dim3A_1678 = vector.broadcast %broadcast_in_dim3A_1677 : i32 to vector<16xi32>
        %add3A_1679 = arith.constant 0 : i32
        %add3A_1680 = vector.broadcast %add3A_1679 : i32 to vector<16xi32>
        %add3A_1681 = arith.addi %iota3A, %add3A_1680 : vector<16xi32>
        %gather3A_1682 = tpu.vector_load_idx %arg11[%add3A_1336, %add3A_1681, %broadcast_in_dim3A_1678] : memref<16x32x20xi32, #tpu.memory_space<vmem>>[vector<16xi32>, vector<16xi32>, vector<16xi32>], vector<16xi32>,
        %swap3A_1683 = arith.constant 17 : i32
        %swap3A_1684 = arith.index_cast %sub3A_1332 : i32 to index
        %swap3A_1685 = arith.index_cast %swap3A_1683 : i32 to index
        %swap3A_1686 = arith.constant 0 : index
        %swap3A_1687 = tpu.vector_load %arg12[%swap3A_1684, %swap3A_1685, %swap3A_1686] {strides = array<i32>} : memref<2x20x32xi32, #tpu.memory_space<vmem>>, vector<16xi32>,
        tpu.vector_store %arg12[%swap3A_1684, %swap3A_1685, %swap3A_1686], %gather3A_1682 {strides = array<i32>} : memref<2x20x32xi32, #tpu.memory_space<vmem>>, vector<16xi32>,
        %add3A_1688 = arith.constant 16 : i32
        %add3A_1689 = vector.broadcast %add3A_1688 : i32 to vector<16xi32>
        %add3A_1690 = arith.addi %iota3A, %add3A_1689 : vector<16xi32>
        %gather3A_1691 = tpu.vector_load_idx %arg11[%add3A_1336, %add3A_1690, %broadcast_in_dim3A_1678] : memref<16x32x20xi32, #tpu.memory_space<vmem>>[vector<16xi32>, vector<16xi32>, vector<16xi32>], vector<16xi32>,
        %swap3A_1692 = arith.constant 17 : i32
        %swap3A_1693 = arith.index_cast %sub3A_1332 : i32 to index
        %swap3A_1694 = arith.index_cast %swap3A_1692 : i32 to index
        %swap3A_1695 = arith.constant 16 : index
        %swap3A_1696 = tpu.vector_load %arg12[%swap3A_1693, %swap3A_1694, %swap3A_1695] {strides = array<i32>} : memref<2x20x32xi32, #tpu.memory_space<vmem>>, vector<16xi32>,
        tpu.vector_store %arg12[%swap3A_1693, %swap3A_1694, %swap3A_1695], %gather3A_1691 {strides = array<i32>} : memref<2x20x32xi32, #tpu.memory_space<vmem>>, vector<16xi32>,
        %broadcast_in_dim3A_1697 = arith.constant 18 : i32
        %broadcast_in_dim3A_1698 = vector.broadcast %broadcast_in_dim3A_1697 : i32 to vector<16xi32>
        %add3A_1699 = arith.constant 0 : i32
        %add3A_1700 = vector.broadcast %add3A_1699 : i32 to vector<16xi32>
        %add3A_1701 = arith.addi %iota3A, %add3A_1700 : vector<16xi32>
        %gather3A_1702 = tpu.vector_load_idx %arg11[%add3A_1336, %add3A_1701, %broadcast_in_dim3A_1698] : memref<16x32x20xi32, #tpu.memory_space<vmem>>[vector<16xi32>, vector<16xi32>, vector<16xi32>], vector<16xi32>,
        %swap3A_1703 = arith.constant 18 : i32
        %swap3A_1704 = arith.index_cast %sub3A_1332 : i32 to index
        %swap3A_1705 = arith.index_cast %swap3A_1703 : i32 to index
        %swap3A_1706 = arith.constant 0 : index
        %swap3A_1707 = tpu.vector_load %arg12[%swap3A_1704, %swap3A_1705, %swap3A_1706] {strides = array<i32>} : memref<2x20x32xi32, #tpu.memory_space<vmem>>, vector<16xi32>,
        tpu.vector_store %arg12[%swap3A_1704, %swap3A_1705, %swap3A_1706], %gather3A_1702 {strides = array<i32>} : memref<2x20x32xi32, #tpu.memory_space<vmem>>, vector<16xi32>,
        %add3A_1708 = arith.constant 16 : i32
        %add3A_1709 = vector.broadcast %add3A_1708 : i32 to vector<16xi32>
        %add3A_1710 = arith.addi %iota3A, %add3A_1709 : vector<16xi32>
        %gather3A_1711 = tpu.vector_load_idx %arg11[%add3A_1336, %add3A_1710, %broadcast_in_dim3A_1698] : memref<16x32x20xi32, #tpu.memory_space<vmem>>[vector<16xi32>, vector<16xi32>, vector<16xi32>], vector<16xi32>,
        %swap3A_1712 = arith.constant 18 : i32
        %swap3A_1713 = arith.index_cast %sub3A_1332 : i32 to index
        %swap3A_1714 = arith.index_cast %swap3A_1712 : i32 to index
        %swap3A_1715 = arith.constant 16 : index
        %swap3A_1716 = tpu.vector_load %arg12[%swap3A_1713, %swap3A_1714, %swap3A_1715] {strides = array<i32>} : memref<2x20x32xi32, #tpu.memory_space<vmem>>, vector<16xi32>,
        tpu.vector_store %arg12[%swap3A_1713, %swap3A_1714, %swap3A_1715], %gather3A_1711 {strides = array<i32>} : memref<2x20x32xi32, #tpu.memory_space<vmem>>, vector<16xi32>,
        %broadcast_in_dim3A_1717 = arith.constant 19 : i32
        %broadcast_in_dim3A_1718 = vector.broadcast %broadcast_in_dim3A_1717 : i32 to vector<16xi32>
        %add3A_1719 = arith.constant 0 : i32
        %add3A_1720 = vector.broadcast %add3A_1719 : i32 to vector<16xi32>
        %add3A_1721 = arith.addi %iota3A, %add3A_1720 : vector<16xi32>
        %gather3A_1722 = tpu.vector_load_idx %arg11[%add3A_1336, %add3A_1721, %broadcast_in_dim3A_1718] : memref<16x32x20xi32, #tpu.memory_space<vmem>>[vector<16xi32>, vector<16xi32>, vector<16xi32>], vector<16xi32>,
        %swap3A_1723 = arith.constant 19 : i32
        %swap3A_1724 = arith.index_cast %sub3A_1332 : i32 to index
        %swap3A_1725 = arith.index_cast %swap3A_1723 : i32 to index
        %swap3A_1726 = arith.constant 0 : index
        %swap3A_1727 = tpu.vector_load %arg12[%swap3A_1724, %swap3A_1725, %swap3A_1726] {strides = array<i32>} : memref<2x20x32xi32, #tpu.memory_space<vmem>>, vector<16xi32>,
        tpu.vector_store %arg12[%swap3A_1724, %swap3A_1725, %swap3A_1726], %gather3A_1722 {strides = array<i32>} : memref<2x20x32xi32, #tpu.memory_space<vmem>>, vector<16xi32>,
        %add3A_1728 = arith.constant 16 : i32
        %add3A_1729 = vector.broadcast %add3A_1728 : i32 to vector<16xi32>
        %add3A_1730 = arith.addi %iota3A, %add3A_1729 : vector<16xi32>
        %gather3A_1731 = tpu.vector_load_idx %arg11[%add3A_1336, %add3A_1730, %broadcast_in_dim3A_1718] : memref<16x32x20xi32, #tpu.memory_space<vmem>>[vector<16xi32>, vector<16xi32>, vector<16xi32>], vector<16xi32>,
        %swap3A_1732 = arith.constant 19 : i32
        %swap3A_1733 = arith.index_cast %sub3A_1332 : i32 to index
        %swap3A_1734 = arith.index_cast %swap3A_1732 : i32 to index
        %swap3A_1735 = arith.constant 16 : index
        %swap3A_1736 = tpu.vector_load %arg12[%swap3A_1733, %swap3A_1734, %swap3A_1735] {strides = array<i32>} : memref<2x20x32xi32, #tpu.memory_space<vmem>>, vector<16xi32>,
        tpu.vector_store %arg12[%swap3A_1733, %swap3A_1734, %swap3A_1735], %gather3A_1731 {strides = array<i32>} : memref<2x20x32xi32, #tpu.memory_space<vmem>>, vector<16xi32>,
        %dma_start3A_1737 = arith.constant 0 : i32
        %dma_start3A_1738 = arith.constant 0 : i32
        %dma_start3A_1739 = tpu.memref_slice %arg13[%sub3A_1332, %dma_start3A_1737, %dma_start3A_1738] : memref<2x32x64xf32, #tpu.memory_space<vmem>> -> memref<1x32x64xf32, #tpu.memory_space<vmem>>
        %dma_start3A_1740 = tpu.memref_squeeze %dma_start3A_1739 : memref<1x32x64xf32, #tpu.memory_space<vmem>> -> memref<32x64xf32, #tpu.memory_space<vmem>>
        %dma_start3A_1741 = arith.constant 0 : i32
        %dma_start3A_1742 = tpu.memref_slice %arg9[%add3A_1331, %dma_start3A_1741] : memref<16x32xi32, #tpu.memory_space<vmem>> -> memref<1x32xi32, #tpu.memory_space<vmem>>
        %dma_start3A_1743 = tpu.memref_squeeze %dma_start3A_1742 : memref<1x32xi32, #tpu.memory_space<vmem>> -> memref<32xi32, #tpu.memory_space<vmem>>
        %dma_start3A_1744 = arith.constant 0 : i32
        %dma_start3A_1745 = arith.constant 0 : i32
        %dma_start3A_1746 = tpu.memref_slice %arg2[%dma_start3A_1744, %dma_start3A_1745] : memref<1000000x64xf32, #tpu.memory_space<hbm>> -> memref<1000000x64xf32, #tpu.memory_space<hbm>>
        %dma_start3A_1747 = tpu.memref_slice %arg18[%sub3A_1332] : memref<2x!tpu.dma_semaphore, #tpu.memory_space<semaphore_mem>> -> memref<1x!tpu.dma_semaphore, #tpu.memory_space<semaphore_mem>>
        %dma_start3A_1748 = tpu.memref_squeeze %dma_start3A_1747 : memref<1x!tpu.dma_semaphore, #tpu.memory_space<semaphore_mem>> -> memref<!tpu.dma_semaphore, #tpu.memory_space<semaphore_mem>>
        tpu.enqueue_indirect_dma source(%dma_start3A_1746 : memref<1000000x64xf32, #tpu.memory_space<hbm>>) target(%dma_start3A_1740 : memref<32x64xf32, #tpu.memory_space<vmem>>) offsets(%dma_start3A_1743 : memref<32xi32, #tpu.memory_space<vmem>>) semaphore(%dma_start3A_1748 : memref<!tpu.dma_semaphore, #tpu.memory_space<semaphore_mem>>)
        %dma_start3A_1749 = arith.constant 0 : i32
        %dma_start3A_1750 = arith.constant 0 : i32
        %dma_start3A_1751 = tpu.memref_slice %arg14[%sub3A_1332, %dma_start3A_1749, %dma_start3A_1750] : memref<2x32x64xf32, #tpu.memory_space<vmem>> -> memref<1x32x64xf32, #tpu.memory_space<vmem>>
        %dma_start3A_1752 = tpu.memref_squeeze %dma_start3A_1751 : memref<1x32x64xf32, #tpu.memory_space<vmem>> -> memref<32x64xf32, #tpu.memory_space<vmem>>
        %dma_start3A_1753 = arith.constant 0 : i32
        %dma_start3A_1754 = tpu.memref_slice %arg10[%add3A_1331, %dma_start3A_1753] : memref<16x32xi32, #tpu.memory_space<vmem>> -> memref<1x32xi32, #tpu.memory_space<vmem>>
        %dma_start3A_1755 = tpu.memref_squeeze %dma_start3A_1754 : memref<1x32xi32, #tpu.memory_space<vmem>> -> memref<32xi32, #tpu.memory_space<vmem>>
        %dma_start3A_1756 = arith.constant 0 : i32
        %dma_start3A_1757 = arith.constant 0 : i32
        %dma_start3A_1758 = tpu.memref_slice %arg3[%dma_start3A_1756, %dma_start3A_1757] : memref<1000000x64xf32, #tpu.memory_space<hbm>> -> memref<1000000x64xf32, #tpu.memory_space<hbm>>
        %dma_start3A_1759 = tpu.memref_slice %arg18[%sub3A_1332] : memref<2x!tpu.dma_semaphore, #tpu.memory_space<semaphore_mem>> -> memref<1x!tpu.dma_semaphore, #tpu.memory_space<semaphore_mem>>
        %dma_start3A_1760 = tpu.memref_squeeze %dma_start3A_1759 : memref<1x!tpu.dma_semaphore, #tpu.memory_space<semaphore_mem>> -> memref<!tpu.dma_semaphore, #tpu.memory_space<semaphore_mem>>
        tpu.enqueue_indirect_dma source(%dma_start3A_1758 : memref<1000000x64xf32, #tpu.memory_space<hbm>>) target(%dma_start3A_1752 : memref<32x64xf32, #tpu.memory_space<vmem>>) offsets(%dma_start3A_1755 : memref<32xi32, #tpu.memory_space<vmem>>) semaphore(%dma_start3A_1760 : memref<!tpu.dma_semaphore, #tpu.memory_space<semaphore_mem>>)
        %dma_start3A_1761 = arith.constant 0 : i32
        %dma_start3A_1762 = arith.constant 0 : i32
        %dma_start3A_1763 = arith.constant 0 : i32
        %dma_start3A_1764 = arith.constant 0 : i32
        %dma_start3A_1765 = tpu.memref_slice %arg15[%sub3A_1332, %dma_start3A_1762, %dma_start3A_1763, %dma_start3A_1764] : memref<2x20x32x64xf32, #tpu.memory_space<vmem>> -> memref<1x1x32x64xf32, #tpu.memory_space<vmem>>
        %dma_start3A_1766 = tpu.memref_squeeze %dma_start3A_1765 : memref<1x1x32x64xf32, #tpu.memory_space<vmem>> -> memref<32x64xf32, #tpu.memory_space<vmem>>
        %dma_start3A_1767 = arith.constant 0 : i32
        %dma_start3A_1768 = tpu.memref_slice %arg12[%sub3A_1332, %dma_start3A_1761, %dma_start3A_1767] : memref<2x20x32xi32, #tpu.memory_space<vmem>> -> memref<1x1x32xi32, #tpu.memory_space<vmem>>
        %dma_start3A_1769 = tpu.memref_squeeze %dma_start3A_1768 : memref<1x1x32xi32, #tpu.memory_space<vmem>> -> memref<32xi32, #tpu.memory_space<vmem>>
        %dma_start3A_1770 = arith.constant 0 : i32
        %dma_start3A_1771 = arith.constant 0 : i32
        %dma_start3A_1772 = tpu.memref_slice %arg3[%dma_start3A_1770, %dma_start3A_1771] : memref<1000000x64xf32, #tpu.memory_space<hbm>> -> memref<1000000x64xf32, #tpu.memory_space<hbm>>
        %dma_start3A_1773 = tpu.memref_slice %arg18[%sub3A_1332] : memref<2x!tpu.dma_semaphore, #tpu.memory_space<semaphore_mem>> -> memref<1x!tpu.dma_semaphore, #tpu.memory_space<semaphore_mem>>
        %dma_start3A_1774 = tpu.memref_squeeze %dma_start3A_1773 : memref<1x!tpu.dma_semaphore, #tpu.memory_space<semaphore_mem>> -> memref<!tpu.dma_semaphore, #tpu.memory_space<semaphore_mem>>
        tpu.enqueue_indirect_dma source(%dma_start3A_1772 : memref<1000000x64xf32, #tpu.memory_space<hbm>>) target(%dma_start3A_1766 : memref<32x64xf32, #tpu.memory_space<vmem>>) offsets(%dma_start3A_1769 : memref<32xi32, #tpu.memory_space<vmem>>) semaphore(%dma_start3A_1774 : memref<!tpu.dma_semaphore, #tpu.memory_space<semaphore_mem>>)
        %dma_start3A_1775 = arith.constant 1 : i32
        %dma_start3A_1776 = arith.constant 1 : i32
        %dma_start3A_1777 = arith.constant 0 : i32
        %dma_start3A_1778 = arith.constant 0 : i32
        %dma_start3A_1779 = tpu.memref_slice %arg15[%sub3A_1332, %dma_start3A_1776, %dma_start3A_1777, %dma_start3A_1778] : memref<2x20x32x64xf32, #tpu.memory_space<vmem>> -> memref<1x1x32x64xf32, #tpu.memory_space<vmem>>
        %dma_start3A_1780 = tpu.memref_squeeze %dma_start3A_1779 : memref<1x1x32x64xf32, #tpu.memory_space<vmem>> -> memref<32x64xf32, #tpu.memory_space<vmem>>
        %dma_start3A_1781 = arith.constant 0 : i32
        %dma_start3A_1782 = tpu.memref_slice %arg12[%sub3A_1332, %dma_start3A_1775, %dma_start3A_1781] : memref<2x20x32xi32, #tpu.memory_space<vmem>> -> memref<1x1x32xi32, #tpu.memory_space<vmem>>
        %dma_start3A_1783 = tpu.memref_squeeze %dma_start3A_1782 : memref<1x1x32xi32, #tpu.memory_space<vmem>> -> memref<32xi32, #tpu.memory_space<vmem>>
        %dma_start3A_1784 = arith.constant 0 : i32
        %dma_start3A_1785 = arith.constant 0 : i32
        %dma_start3A_1786 = tpu.memref_slice %arg3[%dma_start3A_1784, %dma_start3A_1785] : memref<1000000x64xf32, #tpu.memory_space<hbm>> -> memref<1000000x64xf32, #tpu.memory_space<hbm>>
        %dma_start3A_1787 = tpu.memref_slice %arg18[%sub3A_1332] : memref<2x!tpu.dma_semaphore, #tpu.memory_space<semaphore_mem>> -> memref<1x!tpu.dma_semaphore, #tpu.memory_space<semaphore_mem>>
        %dma_start3A_1788 = tpu.memref_squeeze %dma_start3A_1787 : memref<1x!tpu.dma_semaphore, #tpu.memory_space<semaphore_mem>> -> memref<!tpu.dma_semaphore, #tpu.memory_space<semaphore_mem>>
        tpu.enqueue_indirect_dma source(%dma_start3A_1786 : memref<1000000x64xf32, #tpu.memory_space<hbm>>) target(%dma_start3A_1780 : memref<32x64xf32, #tpu.memory_space<vmem>>) offsets(%dma_start3A_1783 : memref<32xi32, #tpu.memory_space<vmem>>) semaphore(%dma_start3A_1788 : memref<!tpu.dma_semaphore, #tpu.memory_space<semaphore_mem>>)
        %dma_start3A_1789 = arith.constant 2 : i32
        %dma_start3A_1790 = arith.constant 2 : i32
        %dma_start3A_1791 = arith.constant 0 : i32
        %dma_start3A_1792 = arith.constant 0 : i32
        %dma_start3A_1793 = tpu.memref_slice %arg15[%sub3A_1332, %dma_start3A_1790, %dma_start3A_1791, %dma_start3A_1792] : memref<2x20x32x64xf32, #tpu.memory_space<vmem>> -> memref<1x1x32x64xf32, #tpu.memory_space<vmem>>
        %dma_start3A_1794 = tpu.memref_squeeze %dma_start3A_1793 : memref<1x1x32x64xf32, #tpu.memory_space<vmem>> -> memref<32x64xf32, #tpu.memory_space<vmem>>
        %dma_start3A_1795 = arith.constant 0 : i32
        %dma_start3A_1796 = tpu.memref_slice %arg12[%sub3A_1332, %dma_start3A_1789, %dma_start3A_1795] : memref<2x20x32xi32, #tpu.memory_space<vmem>> -> memref<1x1x32xi32, #tpu.memory_space<vmem>>
        %dma_start3A_1797 = tpu.memref_squeeze %dma_start3A_1796 : memref<1x1x32xi32, #tpu.memory_space<vmem>> -> memref<32xi32, #tpu.memory_space<vmem>>
        %dma_start3A_1798 = arith.constant 0 : i32
        %dma_start3A_1799 = arith.constant 0 : i32
        %dma_start3A_1800 = tpu.memref_slice %arg3[%dma_start3A_1798, %dma_start3A_1799] : memref<1000000x64xf32, #tpu.memory_space<hbm>> -> memref<1000000x64xf32, #tpu.memory_space<hbm>>
        %dma_start3A_1801 = tpu.memref_slice %arg18[%sub3A_1332] : memref<2x!tpu.dma_semaphore, #tpu.memory_space<semaphore_mem>> -> memref<1x!tpu.dma_semaphore, #tpu.memory_space<semaphore_mem>>
        %dma_start3A_1802 = tpu.memref_squeeze %dma_start3A_1801 : memref<1x!tpu.dma_semaphore, #tpu.memory_space<semaphore_mem>> -> memref<!tpu.dma_semaphore, #tpu.memory_space<semaphore_mem>>
        tpu.enqueue_indirect_dma source(%dma_start3A_1800 : memref<1000000x64xf32, #tpu.memory_space<hbm>>) target(%dma_start3A_1794 : memref<32x64xf32, #tpu.memory_space<vmem>>) offsets(%dma_start3A_1797 : memref<32xi32, #tpu.memory_space<vmem>>) semaphore(%dma_start3A_1802 : memref<!tpu.dma_semaphore, #tpu.memory_space<semaphore_mem>>)
        %dma_start3A_1803 = arith.constant 3 : i32
        %dma_start3A_1804 = arith.constant 3 : i32
        %dma_start3A_1805 = arith.constant 0 : i32
        %dma_start3A_1806 = arith.constant 0 : i32
        %dma_start3A_1807 = tpu.memref_slice %arg15[%sub3A_1332, %dma_start3A_1804, %dma_start3A_1805, %dma_start3A_1806] : memref<2x20x32x64xf32, #tpu.memory_space<vmem>> -> memref<1x1x32x64xf32, #tpu.memory_space<vmem>>
        %dma_start3A_1808 = tpu.memref_squeeze %dma_start3A_1807 : memref<1x1x32x64xf32, #tpu.memory_space<vmem>> -> memref<32x64xf32, #tpu.memory_space<vmem>>
        %dma_start3A_1809 = arith.constant 0 : i32
        %dma_start3A_1810 = tpu.memref_slice %arg12[%sub3A_1332, %dma_start3A_1803, %dma_start3A_1809] : memref<2x20x32xi32, #tpu.memory_space<vmem>> -> memref<1x1x32xi32, #tpu.memory_space<vmem>>
        %dma_start3A_1811 = tpu.memref_squeeze %dma_start3A_1810 : memref<1x1x32xi32, #tpu.memory_space<vmem>> -> memref<32xi32, #tpu.memory_space<vmem>>
        %dma_start3A_1812 = arith.constant 0 : i32
        %dma_start3A_1813 = arith.constant 0 : i32
        %dma_start3A_1814 = tpu.memref_slice %arg3[%dma_start3A_1812, %dma_start3A_1813] : memref<1000000x64xf32, #tpu.memory_space<hbm>> -> memref<1000000x64xf32, #tpu.memory_space<hbm>>
        %dma_start3A_1815 = tpu.memref_slice %arg18[%sub3A_1332] : memref<2x!tpu.dma_semaphore, #tpu.memory_space<semaphore_mem>> -> memref<1x!tpu.dma_semaphore, #tpu.memory_space<semaphore_mem>>
        %dma_start3A_1816 = tpu.memref_squeeze %dma_start3A_1815 : memref<1x!tpu.dma_semaphore, #tpu.memory_space<semaphore_mem>> -> memref<!tpu.dma_semaphore, #tpu.memory_space<semaphore_mem>>
        tpu.enqueue_indirect_dma source(%dma_start3A_1814 : memref<1000000x64xf32, #tpu.memory_space<hbm>>) target(%dma_start3A_1808 : memref<32x64xf32, #tpu.memory_space<vmem>>) offsets(%dma_start3A_1811 : memref<32xi32, #tpu.memory_space<vmem>>) semaphore(%dma_start3A_1816 : memref<!tpu.dma_semaphore, #tpu.memory_space<semaphore_mem>>)
        %dma_start3A_1817 = arith.constant 4 : i32
        %dma_start3A_1818 = arith.constant 4 : i32
        %dma_start3A_1819 = arith.constant 0 : i32
        %dma_start3A_1820 = arith.constant 0 : i32
        %dma_start3A_1821 = tpu.memref_slice %arg15[%sub3A_1332, %dma_start3A_1818, %dma_start3A_1819, %dma_start3A_1820] : memref<2x20x32x64xf32, #tpu.memory_space<vmem>> -> memref<1x1x32x64xf32, #tpu.memory_space<vmem>>
        %dma_start3A_1822 = tpu.memref_squeeze %dma_start3A_1821 : memref<1x1x32x64xf32, #tpu.memory_space<vmem>> -> memref<32x64xf32, #tpu.memory_space<vmem>>
        %dma_start3A_1823 = arith.constant 0 : i32
        %dma_start3A_1824 = tpu.memref_slice %arg12[%sub3A_1332, %dma_start3A_1817, %dma_start3A_1823] : memref<2x20x32xi32, #tpu.memory_space<vmem>> -> memref<1x1x32xi32, #tpu.memory_space<vmem>>
        %dma_start3A_1825 = tpu.memref_squeeze %dma_start3A_1824 : memref<1x1x32xi32, #tpu.memory_space<vmem>> -> memref<32xi32, #tpu.memory_space<vmem>>
        %dma_start3A_1826 = arith.constant 0 : i32
        %dma_start3A_1827 = arith.constant 0 : i32
        %dma_start3A_1828 = tpu.memref_slice %arg3[%dma_start3A_1826, %dma_start3A_1827] : memref<1000000x64xf32, #tpu.memory_space<hbm>> -> memref<1000000x64xf32, #tpu.memory_space<hbm>>
        %dma_start3A_1829 = tpu.memref_slice %arg18[%sub3A_1332] : memref<2x!tpu.dma_semaphore, #tpu.memory_space<semaphore_mem>> -> memref<1x!tpu.dma_semaphore, #tpu.memory_space<semaphore_mem>>
        %dma_start3A_1830 = tpu.memref_squeeze %dma_start3A_1829 : memref<1x!tpu.dma_semaphore, #tpu.memory_space<semaphore_mem>> -> memref<!tpu.dma_semaphore, #tpu.memory_space<semaphore_mem>>
        tpu.enqueue_indirect_dma source(%dma_start3A_1828 : memref<1000000x64xf32, #tpu.memory_space<hbm>>) target(%dma_start3A_1822 : memref<32x64xf32, #tpu.memory_space<vmem>>) offsets(%dma_start3A_1825 : memref<32xi32, #tpu.memory_space<vmem>>) semaphore(%dma_start3A_1830 : memref<!tpu.dma_semaphore, #tpu.memory_space<semaphore_mem>>)
        %dma_start3A_1831 = arith.constant 5 : i32
        %dma_start3A_1832 = arith.constant 5 : i32
        %dma_start3A_1833 = arith.constant 0 : i32
        %dma_start3A_1834 = arith.constant 0 : i32
        %dma_start3A_1835 = tpu.memref_slice %arg15[%sub3A_1332, %dma_start3A_1832, %dma_start3A_1833, %dma_start3A_1834] : memref<2x20x32x64xf32, #tpu.memory_space<vmem>> -> memref<1x1x32x64xf32, #tpu.memory_space<vmem>>
        %dma_start3A_1836 = tpu.memref_squeeze %dma_start3A_1835 : memref<1x1x32x64xf32, #tpu.memory_space<vmem>> -> memref<32x64xf32, #tpu.memory_space<vmem>>
        %dma_start3A_1837 = arith.constant 0 : i32
        %dma_start3A_1838 = tpu.memref_slice %arg12[%sub3A_1332, %dma_start3A_1831, %dma_start3A_1837] : memref<2x20x32xi32, #tpu.memory_space<vmem>> -> memref<1x1x32xi32, #tpu.memory_space<vmem>>
        %dma_start3A_1839 = tpu.memref_squeeze %dma_start3A_1838 : memref<1x1x32xi32, #tpu.memory_space<vmem>> -> memref<32xi32, #tpu.memory_space<vmem>>
        %dma_start3A_1840 = arith.constant 0 : i32
        %dma_start3A_1841 = arith.constant 0 : i32
        %dma_start3A_1842 = tpu.memref_slice %arg3[%dma_start3A_1840, %dma_start3A_1841] : memref<1000000x64xf32, #tpu.memory_space<hbm>> -> memref<1000000x64xf32, #tpu.memory_space<hbm>>
        %dma_start3A_1843 = tpu.memref_slice %arg18[%sub3A_1332] : memref<2x!tpu.dma_semaphore, #tpu.memory_space<semaphore_mem>> -> memref<1x!tpu.dma_semaphore, #tpu.memory_space<semaphore_mem>>
        %dma_start3A_1844 = tpu.memref_squeeze %dma_start3A_1843 : memref<1x!tpu.dma_semaphore, #tpu.memory_space<semaphore_mem>> -> memref<!tpu.dma_semaphore, #tpu.memory_space<semaphore_mem>>
        tpu.enqueue_indirect_dma source(%dma_start3A_1842 : memref<1000000x64xf32, #tpu.memory_space<hbm>>) target(%dma_start3A_1836 : memref<32x64xf32, #tpu.memory_space<vmem>>) offsets(%dma_start3A_1839 : memref<32xi32, #tpu.memory_space<vmem>>) semaphore(%dma_start3A_1844 : memref<!tpu.dma_semaphore, #tpu.memory_space<semaphore_mem>>)
        %dma_start3A_1845 = arith.constant 6 : i32
        %dma_start3A_1846 = arith.constant 6 : i32
        %dma_start3A_1847 = arith.constant 0 : i32
        %dma_start3A_1848 = arith.constant 0 : i32
        %dma_start3A_1849 = tpu.memref_slice %arg15[%sub3A_1332, %dma_start3A_1846, %dma_start3A_1847, %dma_start3A_1848] : memref<2x20x32x64xf32, #tpu.memory_space<vmem>> -> memref<1x1x32x64xf32, #tpu.memory_space<vmem>>
        %dma_start3A_1850 = tpu.memref_squeeze %dma_start3A_1849 : memref<1x1x32x64xf32, #tpu.memory_space<vmem>> -> memref<32x64xf32, #tpu.memory_space<vmem>>
        %dma_start3A_1851 = arith.constant 0 : i32
        %dma_start3A_1852 = tpu.memref_slice %arg12[%sub3A_1332, %dma_start3A_1845, %dma_start3A_1851] : memref<2x20x32xi32, #tpu.memory_space<vmem>> -> memref<1x1x32xi32, #tpu.memory_space<vmem>>
        %dma_start3A_1853 = tpu.memref_squeeze %dma_start3A_1852 : memref<1x1x32xi32, #tpu.memory_space<vmem>> -> memref<32xi32, #tpu.memory_space<vmem>>
        %dma_start3A_1854 = arith.constant 0 : i32
        %dma_start3A_1855 = arith.constant 0 : i32
        %dma_start3A_1856 = tpu.memref_slice %arg3[%dma_start3A_1854, %dma_start3A_1855] : memref<1000000x64xf32, #tpu.memory_space<hbm>> -> memref<1000000x64xf32, #tpu.memory_space<hbm>>
        %dma_start3A_1857 = tpu.memref_slice %arg18[%sub3A_1332] : memref<2x!tpu.dma_semaphore, #tpu.memory_space<semaphore_mem>> -> memref<1x!tpu.dma_semaphore, #tpu.memory_space<semaphore_mem>>
        %dma_start3A_1858 = tpu.memref_squeeze %dma_start3A_1857 : memref<1x!tpu.dma_semaphore, #tpu.memory_space<semaphore_mem>> -> memref<!tpu.dma_semaphore, #tpu.memory_space<semaphore_mem>>
        tpu.enqueue_indirect_dma source(%dma_start3A_1856 : memref<1000000x64xf32, #tpu.memory_space<hbm>>) target(%dma_start3A_1850 : memref<32x64xf32, #tpu.memory_space<vmem>>) offsets(%dma_start3A_1853 : memref<32xi32, #tpu.memory_space<vmem>>) semaphore(%dma_start3A_1858 : memref<!tpu.dma_semaphore, #tpu.memory_space<semaphore_mem>>)
        %dma_start3A_1859 = arith.constant 7 : i32
        %dma_start3A_1860 = arith.constant 7 : i32
        %dma_start3A_1861 = arith.constant 0 : i32
        %dma_start3A_1862 = arith.constant 0 : i32
        %dma_start3A_1863 = tpu.memref_slice %arg15[%sub3A_1332, %dma_start3A_1860, %dma_start3A_1861, %dma_start3A_1862] : memref<2x20x32x64xf32, #tpu.memory_space<vmem>> -> memref<1x1x32x64xf32, #tpu.memory_space<vmem>>
        %dma_start3A_1864 = tpu.memref_squeeze %dma_start3A_1863 : memref<1x1x32x64xf32, #tpu.memory_space<vmem>> -> memref<32x64xf32, #tpu.memory_space<vmem>>
        %dma_start3A_1865 = arith.constant 0 : i32
        %dma_start3A_1866 = tpu.memref_slice %arg12[%sub3A_1332, %dma_start3A_1859, %dma_start3A_1865] : memref<2x20x32xi32, #tpu.memory_space<vmem>> -> memref<1x1x32xi32, #tpu.memory_space<vmem>>
        %dma_start3A_1867 = tpu.memref_squeeze %dma_start3A_1866 : memref<1x1x32xi32, #tpu.memory_space<vmem>> -> memref<32xi32, #tpu.memory_space<vmem>>
        %dma_start3A_1868 = arith.constant 0 : i32
        %dma_start3A_1869 = arith.constant 0 : i32
        %dma_start3A_1870 = tpu.memref_slice %arg3[%dma_start3A_1868, %dma_start3A_1869] : memref<1000000x64xf32, #tpu.memory_space<hbm>> -> memref<1000000x64xf32, #tpu.memory_space<hbm>>
        %dma_start3A_1871 = tpu.memref_slice %arg18[%sub3A_1332] : memref<2x!tpu.dma_semaphore, #tpu.memory_space<semaphore_mem>> -> memref<1x!tpu.dma_semaphore, #tpu.memory_space<semaphore_mem>>
        %dma_start3A_1872 = tpu.memref_squeeze %dma_start3A_1871 : memref<1x!tpu.dma_semaphore, #tpu.memory_space<semaphore_mem>> -> memref<!tpu.dma_semaphore, #tpu.memory_space<semaphore_mem>>
        tpu.enqueue_indirect_dma source(%dma_start3A_1870 : memref<1000000x64xf32, #tpu.memory_space<hbm>>) target(%dma_start3A_1864 : memref<32x64xf32, #tpu.memory_space<vmem>>) offsets(%dma_start3A_1867 : memref<32xi32, #tpu.memory_space<vmem>>) semaphore(%dma_start3A_1872 : memref<!tpu.dma_semaphore, #tpu.memory_space<semaphore_mem>>)
        %dma_start3A_1873 = arith.constant 8 : i32
        %dma_start3A_1874 = arith.constant 8 : i32
        %dma_start3A_1875 = arith.constant 0 : i32
        %dma_start3A_1876 = arith.constant 0 : i32
        %dma_start3A_1877 = tpu.memref_slice %arg15[%sub3A_1332, %dma_start3A_1874, %dma_start3A_1875, %dma_start3A_1876] : memref<2x20x32x64xf32, #tpu.memory_space<vmem>> -> memref<1x1x32x64xf32, #tpu.memory_space<vmem>>
        %dma_start3A_1878 = tpu.memref_squeeze %dma_start3A_1877 : memref<1x1x32x64xf32, #tpu.memory_space<vmem>> -> memref<32x64xf32, #tpu.memory_space<vmem>>
        %dma_start3A_1879 = arith.constant 0 : i32
        %dma_start3A_1880 = tpu.memref_slice %arg12[%sub3A_1332, %dma_start3A_1873, %dma_start3A_1879] : memref<2x20x32xi32, #tpu.memory_space<vmem>> -> memref<1x1x32xi32, #tpu.memory_space<vmem>>
        %dma_start3A_1881 = tpu.memref_squeeze %dma_start3A_1880 : memref<1x1x32xi32, #tpu.memory_space<vmem>> -> memref<32xi32, #tpu.memory_space<vmem>>
        %dma_start3A_1882 = arith.constant 0 : i32
        %dma_start3A_1883 = arith.constant 0 : i32
        %dma_start3A_1884 = tpu.memref_slice %arg3[%dma_start3A_1882, %dma_start3A_1883] : memref<1000000x64xf32, #tpu.memory_space<hbm>> -> memref<1000000x64xf32, #tpu.memory_space<hbm>>
        %dma_start3A_1885 = tpu.memref_slice %arg18[%sub3A_1332] : memref<2x!tpu.dma_semaphore, #tpu.memory_space<semaphore_mem>> -> memref<1x!tpu.dma_semaphore, #tpu.memory_space<semaphore_mem>>
        %dma_start3A_1886 = tpu.memref_squeeze %dma_start3A_1885 : memref<1x!tpu.dma_semaphore, #tpu.memory_space<semaphore_mem>> -> memref<!tpu.dma_semaphore, #tpu.memory_space<semaphore_mem>>
        tpu.enqueue_indirect_dma source(%dma_start3A_1884 : memref<1000000x64xf32, #tpu.memory_space<hbm>>) target(%dma_start3A_1878 : memref<32x64xf32, #tpu.memory_space<vmem>>) offsets(%dma_start3A_1881 : memref<32xi32, #tpu.memory_space<vmem>>) semaphore(%dma_start3A_1886 : memref<!tpu.dma_semaphore, #tpu.memory_space<semaphore_mem>>)
        %dma_start3A_1887 = arith.constant 9 : i32
        %dma_start3A_1888 = arith.constant 9 : i32
        %dma_start3A_1889 = arith.constant 0 : i32
        %dma_start3A_1890 = arith.constant 0 : i32
        %dma_start3A_1891 = tpu.memref_slice %arg15[%sub3A_1332, %dma_start3A_1888, %dma_start3A_1889, %dma_start3A_1890] : memref<2x20x32x64xf32, #tpu.memory_space<vmem>> -> memref<1x1x32x64xf32, #tpu.memory_space<vmem>>
        %dma_start3A_1892 = tpu.memref_squeeze %dma_start3A_1891 : memref<1x1x32x64xf32, #tpu.memory_space<vmem>> -> memref<32x64xf32, #tpu.memory_space<vmem>>
        %dma_start3A_1893 = arith.constant 0 : i32
        %dma_start3A_1894 = tpu.memref_slice %arg12[%sub3A_1332, %dma_start3A_1887, %dma_start3A_1893] : memref<2x20x32xi32, #tpu.memory_space<vmem>> -> memref<1x1x32xi32, #tpu.memory_space<vmem>>
        %dma_start3A_1895 = tpu.memref_squeeze %dma_start3A_1894 : memref<1x1x32xi32, #tpu.memory_space<vmem>> -> memref<32xi32, #tpu.memory_space<vmem>>
        %dma_start3A_1896 = arith.constant 0 : i32
        %dma_start3A_1897 = arith.constant 0 : i32
        %dma_start3A_1898 = tpu.memref_slice %arg3[%dma_start3A_1896, %dma_start3A_1897] : memref<1000000x64xf32, #tpu.memory_space<hbm>> -> memref<1000000x64xf32, #tpu.memory_space<hbm>>
        %dma_start3A_1899 = tpu.memref_slice %arg18[%sub3A_1332] : memref<2x!tpu.dma_semaphore, #tpu.memory_space<semaphore_mem>> -> memref<1x!tpu.dma_semaphore, #tpu.memory_space<semaphore_mem>>
        %dma_start3A_1900 = tpu.memref_squeeze %dma_start3A_1899 : memref<1x!tpu.dma_semaphore, #tpu.memory_space<semaphore_mem>> -> memref<!tpu.dma_semaphore, #tpu.memory_space<semaphore_mem>>
        tpu.enqueue_indirect_dma source(%dma_start3A_1898 : memref<1000000x64xf32, #tpu.memory_space<hbm>>) target(%dma_start3A_1892 : memref<32x64xf32, #tpu.memory_space<vmem>>) offsets(%dma_start3A_1895 : memref<32xi32, #tpu.memory_space<vmem>>) semaphore(%dma_start3A_1900 : memref<!tpu.dma_semaphore, #tpu.memory_space<semaphore_mem>>)
        %dma_start3A_1901 = arith.constant 10 : i32
        %dma_start3A_1902 = arith.constant 10 : i32
        %dma_start3A_1903 = arith.constant 0 : i32
        %dma_start3A_1904 = arith.constant 0 : i32
        %dma_start3A_1905 = tpu.memref_slice %arg15[%sub3A_1332, %dma_start3A_1902, %dma_start3A_1903, %dma_start3A_1904] : memref<2x20x32x64xf32, #tpu.memory_space<vmem>> -> memref<1x1x32x64xf32, #tpu.memory_space<vmem>>
        %dma_start3A_1906 = tpu.memref_squeeze %dma_start3A_1905 : memref<1x1x32x64xf32, #tpu.memory_space<vmem>> -> memref<32x64xf32, #tpu.memory_space<vmem>>
        %dma_start3A_1907 = arith.constant 0 : i32
        %dma_start3A_1908 = tpu.memref_slice %arg12[%sub3A_1332, %dma_start3A_1901, %dma_start3A_1907] : memref<2x20x32xi32, #tpu.memory_space<vmem>> -> memref<1x1x32xi32, #tpu.memory_space<vmem>>
        %dma_start3A_1909 = tpu.memref_squeeze %dma_start3A_1908 : memref<1x1x32xi32, #tpu.memory_space<vmem>> -> memref<32xi32, #tpu.memory_space<vmem>>
        %dma_start3A_1910 = arith.constant 0 : i32
        %dma_start3A_1911 = arith.constant 0 : i32
        %dma_start3A_1912 = tpu.memref_slice %arg3[%dma_start3A_1910, %dma_start3A_1911] : memref<1000000x64xf32, #tpu.memory_space<hbm>> -> memref<1000000x64xf32, #tpu.memory_space<hbm>>
        %dma_start3A_1913 = tpu.memref_slice %arg18[%sub3A_1332] : memref<2x!tpu.dma_semaphore, #tpu.memory_space<semaphore_mem>> -> memref<1x!tpu.dma_semaphore, #tpu.memory_space<semaphore_mem>>
        %dma_start3A_1914 = tpu.memref_squeeze %dma_start3A_1913 : memref<1x!tpu.dma_semaphore, #tpu.memory_space<semaphore_mem>> -> memref<!tpu.dma_semaphore, #tpu.memory_space<semaphore_mem>>
        tpu.enqueue_indirect_dma source(%dma_start3A_1912 : memref<1000000x64xf32, #tpu.memory_space<hbm>>) target(%dma_start3A_1906 : memref<32x64xf32, #tpu.memory_space<vmem>>) offsets(%dma_start3A_1909 : memref<32xi32, #tpu.memory_space<vmem>>) semaphore(%dma_start3A_1914 : memref<!tpu.dma_semaphore, #tpu.memory_space<semaphore_mem>>)
        %dma_start3A_1915 = arith.constant 11 : i32
        %dma_start3A_1916 = arith.constant 11 : i32
        %dma_start3A_1917 = arith.constant 0 : i32
        %dma_start3A_1918 = arith.constant 0 : i32
        %dma_start3A_1919 = tpu.memref_slice %arg15[%sub3A_1332, %dma_start3A_1916, %dma_start3A_1917, %dma_start3A_1918] : memref<2x20x32x64xf32, #tpu.memory_space<vmem>> -> memref<1x1x32x64xf32, #tpu.memory_space<vmem>>
        %dma_start3A_1920 = tpu.memref_squeeze %dma_start3A_1919 : memref<1x1x32x64xf32, #tpu.memory_space<vmem>> -> memref<32x64xf32, #tpu.memory_space<vmem>>
        %dma_start3A_1921 = arith.constant 0 : i32
        %dma_start3A_1922 = tpu.memref_slice %arg12[%sub3A_1332, %dma_start3A_1915, %dma_start3A_1921] : memref<2x20x32xi32, #tpu.memory_space<vmem>> -> memref<1x1x32xi32, #tpu.memory_space<vmem>>
        %dma_start3A_1923 = tpu.memref_squeeze %dma_start3A_1922 : memref<1x1x32xi32, #tpu.memory_space<vmem>> -> memref<32xi32, #tpu.memory_space<vmem>>
        %dma_start3A_1924 = arith.constant 0 : i32
        %dma_start3A_1925 = arith.constant 0 : i32
        %dma_start3A_1926 = tpu.memref_slice %arg3[%dma_start3A_1924, %dma_start3A_1925] : memref<1000000x64xf32, #tpu.memory_space<hbm>> -> memref<1000000x64xf32, #tpu.memory_space<hbm>>
        %dma_start3A_1927 = tpu.memref_slice %arg18[%sub3A_1332] : memref<2x!tpu.dma_semaphore, #tpu.memory_space<semaphore_mem>> -> memref<1x!tpu.dma_semaphore, #tpu.memory_space<semaphore_mem>>
        %dma_start3A_1928 = tpu.memref_squeeze %dma_start3A_1927 : memref<1x!tpu.dma_semaphore, #tpu.memory_space<semaphore_mem>> -> memref<!tpu.dma_semaphore, #tpu.memory_space<semaphore_mem>>
        tpu.enqueue_indirect_dma source(%dma_start3A_1926 : memref<1000000x64xf32, #tpu.memory_space<hbm>>) target(%dma_start3A_1920 : memref<32x64xf32, #tpu.memory_space<vmem>>) offsets(%dma_start3A_1923 : memref<32xi32, #tpu.memory_space<vmem>>) semaphore(%dma_start3A_1928 : memref<!tpu.dma_semaphore, #tpu.memory_space<semaphore_mem>>)
        %dma_start3A_1929 = arith.constant 12 : i32
        %dma_start3A_1930 = arith.constant 12 : i32
        %dma_start3A_1931 = arith.constant 0 : i32
        %dma_start3A_1932 = arith.constant 0 : i32
        %dma_start3A_1933 = tpu.memref_slice %arg15[%sub3A_1332, %dma_start3A_1930, %dma_start3A_1931, %dma_start3A_1932] : memref<2x20x32x64xf32, #tpu.memory_space<vmem>> -> memref<1x1x32x64xf32, #tpu.memory_space<vmem>>
        %dma_start3A_1934 = tpu.memref_squeeze %dma_start3A_1933 : memref<1x1x32x64xf32, #tpu.memory_space<vmem>> -> memref<32x64xf32, #tpu.memory_space<vmem>>
        %dma_start3A_1935 = arith.constant 0 : i32
        %dma_start3A_1936 = tpu.memref_slice %arg12[%sub3A_1332, %dma_start3A_1929, %dma_start3A_1935] : memref<2x20x32xi32, #tpu.memory_space<vmem>> -> memref<1x1x32xi32, #tpu.memory_space<vmem>>
        %dma_start3A_1937 = tpu.memref_squeeze %dma_start3A_1936 : memref<1x1x32xi32, #tpu.memory_space<vmem>> -> memref<32xi32, #tpu.memory_space<vmem>>
        %dma_start3A_1938 = arith.constant 0 : i32
        %dma_start3A_1939 = arith.constant 0 : i32
        %dma_start3A_1940 = tpu.memref_slice %arg3[%dma_start3A_1938, %dma_start3A_1939] : memref<1000000x64xf32, #tpu.memory_space<hbm>> -> memref<1000000x64xf32, #tpu.memory_space<hbm>>
        %dma_start3A_1941 = tpu.memref_slice %arg18[%sub3A_1332] : memref<2x!tpu.dma_semaphore, #tpu.memory_space<semaphore_mem>> -> memref<1x!tpu.dma_semaphore, #tpu.memory_space<semaphore_mem>>
        %dma_start3A_1942 = tpu.memref_squeeze %dma_start3A_1941 : memref<1x!tpu.dma_semaphore, #tpu.memory_space<semaphore_mem>> -> memref<!tpu.dma_semaphore, #tpu.memory_space<semaphore_mem>>
        tpu.enqueue_indirect_dma source(%dma_start3A_1940 : memref<1000000x64xf32, #tpu.memory_space<hbm>>) target(%dma_start3A_1934 : memref<32x64xf32, #tpu.memory_space<vmem>>) offsets(%dma_start3A_1937 : memref<32xi32, #tpu.memory_space<vmem>>) semaphore(%dma_start3A_1942 : memref<!tpu.dma_semaphore, #tpu.memory_space<semaphore_mem>>)
        %dma_start3A_1943 = arith.constant 13 : i32
        %dma_start3A_1944 = arith.constant 13 : i32
        %dma_start3A_1945 = arith.constant 0 : i32
        %dma_start3A_1946 = arith.constant 0 : i32
        %dma_start3A_1947 = tpu.memref_slice %arg15[%sub3A_1332, %dma_start3A_1944, %dma_start3A_1945, %dma_start3A_1946] : memref<2x20x32x64xf32, #tpu.memory_space<vmem>> -> memref<1x1x32x64xf32, #tpu.memory_space<vmem>>
        %dma_start3A_1948 = tpu.memref_squeeze %dma_start3A_1947 : memref<1x1x32x64xf32, #tpu.memory_space<vmem>> -> memref<32x64xf32, #tpu.memory_space<vmem>>
        %dma_start3A_1949 = arith.constant 0 : i32
        %dma_start3A_1950 = tpu.memref_slice %arg12[%sub3A_1332, %dma_start3A_1943, %dma_start3A_1949] : memref<2x20x32xi32, #tpu.memory_space<vmem>> -> memref<1x1x32xi32, #tpu.memory_space<vmem>>
        %dma_start3A_1951 = tpu.memref_squeeze %dma_start3A_1950 : memref<1x1x32xi32, #tpu.memory_space<vmem>> -> memref<32xi32, #tpu.memory_space<vmem>>
        %dma_start3A_1952 = arith.constant 0 : i32
        %dma_start3A_1953 = arith.constant 0 : i32
        %dma_start3A_1954 = tpu.memref_slice %arg3[%dma_start3A_1952, %dma_start3A_1953] : memref<1000000x64xf32, #tpu.memory_space<hbm>> -> memref<1000000x64xf32, #tpu.memory_space<hbm>>
        %dma_start3A_1955 = tpu.memref_slice %arg18[%sub3A_1332] : memref<2x!tpu.dma_semaphore, #tpu.memory_space<semaphore_mem>> -> memref<1x!tpu.dma_semaphore, #tpu.memory_space<semaphore_mem>>
        %dma_start3A_1956 = tpu.memref_squeeze %dma_start3A_1955 : memref<1x!tpu.dma_semaphore, #tpu.memory_space<semaphore_mem>> -> memref<!tpu.dma_semaphore, #tpu.memory_space<semaphore_mem>>
        tpu.enqueue_indirect_dma source(%dma_start3A_1954 : memref<1000000x64xf32, #tpu.memory_space<hbm>>) target(%dma_start3A_1948 : memref<32x64xf32, #tpu.memory_space<vmem>>) offsets(%dma_start3A_1951 : memref<32xi32, #tpu.memory_space<vmem>>) semaphore(%dma_start3A_1956 : memref<!tpu.dma_semaphore, #tpu.memory_space<semaphore_mem>>)
        %dma_start3A_1957 = arith.constant 14 : i32
        %dma_start3A_1958 = arith.constant 14 : i32
        %dma_start3A_1959 = arith.constant 0 : i32
        %dma_start3A_1960 = arith.constant 0 : i32
        %dma_start3A_1961 = tpu.memref_slice %arg15[%sub3A_1332, %dma_start3A_1958, %dma_start3A_1959, %dma_start3A_1960] : memref<2x20x32x64xf32, #tpu.memory_space<vmem>> -> memref<1x1x32x64xf32, #tpu.memory_space<vmem>>
        %dma_start3A_1962 = tpu.memref_squeeze %dma_start3A_1961 : memref<1x1x32x64xf32, #tpu.memory_space<vmem>> -> memref<32x64xf32, #tpu.memory_space<vmem>>
        %dma_start3A_1963 = arith.constant 0 : i32
        %dma_start3A_1964 = tpu.memref_slice %arg12[%sub3A_1332, %dma_start3A_1957, %dma_start3A_1963] : memref<2x20x32xi32, #tpu.memory_space<vmem>> -> memref<1x1x32xi32, #tpu.memory_space<vmem>>
        %dma_start3A_1965 = tpu.memref_squeeze %dma_start3A_1964 : memref<1x1x32xi32, #tpu.memory_space<vmem>> -> memref<32xi32, #tpu.memory_space<vmem>>
        %dma_start3A_1966 = arith.constant 0 : i32
        %dma_start3A_1967 = arith.constant 0 : i32
        %dma_start3A_1968 = tpu.memref_slice %arg3[%dma_start3A_1966, %dma_start3A_1967] : memref<1000000x64xf32, #tpu.memory_space<hbm>> -> memref<1000000x64xf32, #tpu.memory_space<hbm>>
        %dma_start3A_1969 = tpu.memref_slice %arg18[%sub3A_1332] : memref<2x!tpu.dma_semaphore, #tpu.memory_space<semaphore_mem>> -> memref<1x!tpu.dma_semaphore, #tpu.memory_space<semaphore_mem>>
        %dma_start3A_1970 = tpu.memref_squeeze %dma_start3A_1969 : memref<1x!tpu.dma_semaphore, #tpu.memory_space<semaphore_mem>> -> memref<!tpu.dma_semaphore, #tpu.memory_space<semaphore_mem>>
        tpu.enqueue_indirect_dma source(%dma_start3A_1968 : memref<1000000x64xf32, #tpu.memory_space<hbm>>) target(%dma_start3A_1962 : memref<32x64xf32, #tpu.memory_space<vmem>>) offsets(%dma_start3A_1965 : memref<32xi32, #tpu.memory_space<vmem>>) semaphore(%dma_start3A_1970 : memref<!tpu.dma_semaphore, #tpu.memory_space<semaphore_mem>>)
        %dma_start3A_1971 = arith.constant 15 : i32
        %dma_start3A_1972 = arith.constant 15 : i32
        %dma_start3A_1973 = arith.constant 0 : i32
        %dma_start3A_1974 = arith.constant 0 : i32
        %dma_start3A_1975 = tpu.memref_slice %arg15[%sub3A_1332, %dma_start3A_1972, %dma_start3A_1973, %dma_start3A_1974] : memref<2x20x32x64xf32, #tpu.memory_space<vmem>> -> memref<1x1x32x64xf32, #tpu.memory_space<vmem>>
        %dma_start3A_1976 = tpu.memref_squeeze %dma_start3A_1975 : memref<1x1x32x64xf32, #tpu.memory_space<vmem>> -> memref<32x64xf32, #tpu.memory_space<vmem>>
        %dma_start3A_1977 = arith.constant 0 : i32
        %dma_start3A_1978 = tpu.memref_slice %arg12[%sub3A_1332, %dma_start3A_1971, %dma_start3A_1977] : memref<2x20x32xi32, #tpu.memory_space<vmem>> -> memref<1x1x32xi32, #tpu.memory_space<vmem>>
        %dma_start3A_1979 = tpu.memref_squeeze %dma_start3A_1978 : memref<1x1x32xi32, #tpu.memory_space<vmem>> -> memref<32xi32, #tpu.memory_space<vmem>>
        %dma_start3A_1980 = arith.constant 0 : i32
        %dma_start3A_1981 = arith.constant 0 : i32
        %dma_start3A_1982 = tpu.memref_slice %arg3[%dma_start3A_1980, %dma_start3A_1981] : memref<1000000x64xf32, #tpu.memory_space<hbm>> -> memref<1000000x64xf32, #tpu.memory_space<hbm>>
        %dma_start3A_1983 = tpu.memref_slice %arg18[%sub3A_1332] : memref<2x!tpu.dma_semaphore, #tpu.memory_space<semaphore_mem>> -> memref<1x!tpu.dma_semaphore, #tpu.memory_space<semaphore_mem>>
        %dma_start3A_1984 = tpu.memref_squeeze %dma_start3A_1983 : memref<1x!tpu.dma_semaphore, #tpu.memory_space<semaphore_mem>> -> memref<!tpu.dma_semaphore, #tpu.memory_space<semaphore_mem>>
        tpu.enqueue_indirect_dma source(%dma_start3A_1982 : memref<1000000x64xf32, #tpu.memory_space<hbm>>) target(%dma_start3A_1976 : memref<32x64xf32, #tpu.memory_space<vmem>>) offsets(%dma_start3A_1979 : memref<32xi32, #tpu.memory_space<vmem>>) semaphore(%dma_start3A_1984 : memref<!tpu.dma_semaphore, #tpu.memory_space<semaphore_mem>>)
        %dma_start3A_1985 = arith.constant 16 : i32
        %dma_start3A_1986 = arith.constant 16 : i32
        %dma_start3A_1987 = arith.constant 0 : i32
        %dma_start3A_1988 = arith.constant 0 : i32
        %dma_start3A_1989 = tpu.memref_slice %arg15[%sub3A_1332, %dma_start3A_1986, %dma_start3A_1987, %dma_start3A_1988] : memref<2x20x32x64xf32, #tpu.memory_space<vmem>> -> memref<1x1x32x64xf32, #tpu.memory_space<vmem>>
        %dma_start3A_1990 = tpu.memref_squeeze %dma_start3A_1989 : memref<1x1x32x64xf32, #tpu.memory_space<vmem>> -> memref<32x64xf32, #tpu.memory_space<vmem>>
        %dma_start3A_1991 = arith.constant 0 : i32
        %dma_start3A_1992 = tpu.memref_slice %arg12[%sub3A_1332, %dma_start3A_1985, %dma_start3A_1991] : memref<2x20x32xi32, #tpu.memory_space<vmem>> -> memref<1x1x32xi32, #tpu.memory_space<vmem>>
        %dma_start3A_1993 = tpu.memref_squeeze %dma_start3A_1992 : memref<1x1x32xi32, #tpu.memory_space<vmem>> -> memref<32xi32, #tpu.memory_space<vmem>>
        %dma_start3A_1994 = arith.constant 0 : i32
        %dma_start3A_1995 = arith.constant 0 : i32
        %dma_start3A_1996 = tpu.memref_slice %arg3[%dma_start3A_1994, %dma_start3A_1995] : memref<1000000x64xf32, #tpu.memory_space<hbm>> -> memref<1000000x64xf32, #tpu.memory_space<hbm>>
        %dma_start3A_1997 = tpu.memref_slice %arg18[%sub3A_1332] : memref<2x!tpu.dma_semaphore, #tpu.memory_space<semaphore_mem>> -> memref<1x!tpu.dma_semaphore, #tpu.memory_space<semaphore_mem>>
        %dma_start3A_1998 = tpu.memref_squeeze %dma_start3A_1997 : memref<1x!tpu.dma_semaphore, #tpu.memory_space<semaphore_mem>> -> memref<!tpu.dma_semaphore, #tpu.memory_space<semaphore_mem>>
        tpu.enqueue_indirect_dma source(%dma_start3A_1996 : memref<1000000x64xf32, #tpu.memory_space<hbm>>) target(%dma_start3A_1990 : memref<32x64xf32, #tpu.memory_space<vmem>>) offsets(%dma_start3A_1993 : memref<32xi32, #tpu.memory_space<vmem>>) semaphore(%dma_start3A_1998 : memref<!tpu.dma_semaphore, #tpu.memory_space<semaphore_mem>>)
        %dma_start3A_1999 = arith.constant 17 : i32
        %dma_start3A_2000 = arith.constant 17 : i32
        %dma_start3A_2001 = arith.constant 0 : i32
        %dma_start3A_2002 = arith.constant 0 : i32
        %dma_start3A_2003 = tpu.memref_slice %arg15[%sub3A_1332, %dma_start3A_2000, %dma_start3A_2001, %dma_start3A_2002] : memref<2x20x32x64xf32, #tpu.memory_space<vmem>> -> memref<1x1x32x64xf32, #tpu.memory_space<vmem>>
        %dma_start3A_2004 = tpu.memref_squeeze %dma_start3A_2003 : memref<1x1x32x64xf32, #tpu.memory_space<vmem>> -> memref<32x64xf32, #tpu.memory_space<vmem>>
        %dma_start3A_2005 = arith.constant 0 : i32
        %dma_start3A_2006 = tpu.memref_slice %arg12[%sub3A_1332, %dma_start3A_1999, %dma_start3A_2005] : memref<2x20x32xi32, #tpu.memory_space<vmem>> -> memref<1x1x32xi32, #tpu.memory_space<vmem>>
        %dma_start3A_2007 = tpu.memref_squeeze %dma_start3A_2006 : memref<1x1x32xi32, #tpu.memory_space<vmem>> -> memref<32xi32, #tpu.memory_space<vmem>>
        %dma_start3A_2008 = arith.constant 0 : i32
        %dma_start3A_2009 = arith.constant 0 : i32
        %dma_start3A_2010 = tpu.memref_slice %arg3[%dma_start3A_2008, %dma_start3A_2009] : memref<1000000x64xf32, #tpu.memory_space<hbm>> -> memref<1000000x64xf32, #tpu.memory_space<hbm>>
        %dma_start3A_2011 = tpu.memref_slice %arg18[%sub3A_1332] : memref<2x!tpu.dma_semaphore, #tpu.memory_space<semaphore_mem>> -> memref<1x!tpu.dma_semaphore, #tpu.memory_space<semaphore_mem>>
        %dma_start3A_2012 = tpu.memref_squeeze %dma_start3A_2011 : memref<1x!tpu.dma_semaphore, #tpu.memory_space<semaphore_mem>> -> memref<!tpu.dma_semaphore, #tpu.memory_space<semaphore_mem>>
        tpu.enqueue_indirect_dma source(%dma_start3A_2010 : memref<1000000x64xf32, #tpu.memory_space<hbm>>) target(%dma_start3A_2004 : memref<32x64xf32, #tpu.memory_space<vmem>>) offsets(%dma_start3A_2007 : memref<32xi32, #tpu.memory_space<vmem>>) semaphore(%dma_start3A_2012 : memref<!tpu.dma_semaphore, #tpu.memory_space<semaphore_mem>>)
        %dma_start3A_2013 = arith.constant 18 : i32
        %dma_start3A_2014 = arith.constant 18 : i32
        %dma_start3A_2015 = arith.constant 0 : i32
        %dma_start3A_2016 = arith.constant 0 : i32
        %dma_start3A_2017 = tpu.memref_slice %arg15[%sub3A_1332, %dma_start3A_2014, %dma_start3A_2015, %dma_start3A_2016] : memref<2x20x32x64xf32, #tpu.memory_space<vmem>> -> memref<1x1x32x64xf32, #tpu.memory_space<vmem>>
        %dma_start3A_2018 = tpu.memref_squeeze %dma_start3A_2017 : memref<1x1x32x64xf32, #tpu.memory_space<vmem>> -> memref<32x64xf32, #tpu.memory_space<vmem>>
        %dma_start3A_2019 = arith.constant 0 : i32
        %dma_start3A_2020 = tpu.memref_slice %arg12[%sub3A_1332, %dma_start3A_2013, %dma_start3A_2019] : memref<2x20x32xi32, #tpu.memory_space<vmem>> -> memref<1x1x32xi32, #tpu.memory_space<vmem>>
        %dma_start3A_2021 = tpu.memref_squeeze %dma_start3A_2020 : memref<1x1x32xi32, #tpu.memory_space<vmem>> -> memref<32xi32, #tpu.memory_space<vmem>>
        %dma_start3A_2022 = arith.constant 0 : i32
        %dma_start3A_2023 = arith.constant 0 : i32
        %dma_start3A_2024 = tpu.memref_slice %arg3[%dma_start3A_2022, %dma_start3A_2023] : memref<1000000x64xf32, #tpu.memory_space<hbm>> -> memref<1000000x64xf32, #tpu.memory_space<hbm>>
        %dma_start3A_2025 = tpu.memref_slice %arg18[%sub3A_1332] : memref<2x!tpu.dma_semaphore, #tpu.memory_space<semaphore_mem>> -> memref<1x!tpu.dma_semaphore, #tpu.memory_space<semaphore_mem>>
        %dma_start3A_2026 = tpu.memref_squeeze %dma_start3A_2025 : memref<1x!tpu.dma_semaphore, #tpu.memory_space<semaphore_mem>> -> memref<!tpu.dma_semaphore, #tpu.memory_space<semaphore_mem>>
        tpu.enqueue_indirect_dma source(%dma_start3A_2024 : memref<1000000x64xf32, #tpu.memory_space<hbm>>) target(%dma_start3A_2018 : memref<32x64xf32, #tpu.memory_space<vmem>>) offsets(%dma_start3A_2021 : memref<32xi32, #tpu.memory_space<vmem>>) semaphore(%dma_start3A_2026 : memref<!tpu.dma_semaphore, #tpu.memory_space<semaphore_mem>>)
        %dma_start3A_2027 = arith.constant 19 : i32
        %dma_start3A_2028 = arith.constant 19 : i32
        %dma_start3A_2029 = arith.constant 0 : i32
        %dma_start3A_2030 = arith.constant 0 : i32
        %dma_start3A_2031 = tpu.memref_slice %arg15[%sub3A_1332, %dma_start3A_2028, %dma_start3A_2029, %dma_start3A_2030] : memref<2x20x32x64xf32, #tpu.memory_space<vmem>> -> memref<1x1x32x64xf32, #tpu.memory_space<vmem>>
        %dma_start3A_2032 = tpu.memref_squeeze %dma_start3A_2031 : memref<1x1x32x64xf32, #tpu.memory_space<vmem>> -> memref<32x64xf32, #tpu.memory_space<vmem>>
        %dma_start3A_2033 = arith.constant 0 : i32
        %dma_start3A_2034 = tpu.memref_slice %arg12[%sub3A_1332, %dma_start3A_2027, %dma_start3A_2033] : memref<2x20x32xi32, #tpu.memory_space<vmem>> -> memref<1x1x32xi32, #tpu.memory_space<vmem>>
        %dma_start3A_2035 = tpu.memref_squeeze %dma_start3A_2034 : memref<1x1x32xi32, #tpu.memory_space<vmem>> -> memref<32xi32, #tpu.memory_space<vmem>>
        %dma_start3A_2036 = arith.constant 0 : i32
        %dma_start3A_2037 = arith.constant 0 : i32
        %dma_start3A_2038 = tpu.memref_slice %arg3[%dma_start3A_2036, %dma_start3A_2037] : memref<1000000x64xf32, #tpu.memory_space<hbm>> -> memref<1000000x64xf32, #tpu.memory_space<hbm>>
        %dma_start3A_2039 = tpu.memref_slice %arg18[%sub3A_1332] : memref<2x!tpu.dma_semaphore, #tpu.memory_space<semaphore_mem>> -> memref<1x!tpu.dma_semaphore, #tpu.memory_space<semaphore_mem>>
        %dma_start3A_2040 = tpu.memref_squeeze %dma_start3A_2039 : memref<1x!tpu.dma_semaphore, #tpu.memory_space<semaphore_mem>> -> memref<!tpu.dma_semaphore, #tpu.memory_space<semaphore_mem>>
        tpu.enqueue_indirect_dma source(%dma_start3A_2038 : memref<1000000x64xf32, #tpu.memory_space<hbm>>) target(%dma_start3A_2032 : memref<32x64xf32, #tpu.memory_space<vmem>>) offsets(%dma_start3A_2035 : memref<32xi32, #tpu.memory_space<vmem>>) semaphore(%dma_start3A_2040 : memref<!tpu.dma_semaphore, #tpu.memory_space<semaphore_mem>>)
      } else {
      }
      %broadcast_in_dim3A_1128 = arith.constant 0 : i32
      %broadcast_in_dim3A_1129 = vector.broadcast %broadcast_in_dim3A_1128 : i32 to vector<16xi32>
      %add3A_1130 = vector.broadcast %and3A_818 : i32 to vector<16xi32>
      %add3A_1131 = arith.addi %broadcast_in_dim3A_1129, %add3A_1130 : vector<16xi32>
      %add3A_1132 = arith.constant 0 : i32
      %add3A_1133 = vector.broadcast %add3A_1132 : i32 to vector<16xi32>
      %add3A_1134 = arith.addi %iota3A, %add3A_1133 : vector<16xi32>
      %broadcast_in_dim3A_1135 = arith.constant 0.000000e+00 : f32
      %broadcast_in_dim3A_1136 = vector.broadcast %broadcast_in_dim3A_1135 : f32 to vector<16xf32>
      %broadcast_in_dim3A_1137 = arith.constant 0.000000e+00 : f32
      %broadcast_in_dim3A_1138 = vector.broadcast %broadcast_in_dim3A_1137 : f32 to vector<16xf32>
      %broadcast_in_dim3A_1139 = arith.constant 0.000000e+00 : f32
      %broadcast_in_dim3A_1140 = vector.broadcast %broadcast_in_dim3A_1139 : f32 to vector<16xf32>
      %broadcast_in_dim3A_1141 = arith.constant 0.000000e+00 : f32
      %broadcast_in_dim3A_1142 = vector.broadcast %broadcast_in_dim3A_1141 : f32 to vector<16xf32>
      %broadcast_in_dim3A_1143 = arith.constant 0.000000e+00 : f32
      %broadcast_in_dim3A_1144 = vector.broadcast %broadcast_in_dim3A_1143 : f32 to vector<16xf32>
      %broadcast_in_dim3A_1145 = arith.constant 0.000000e+00 : f32
      %broadcast_in_dim3A_1146 = vector.broadcast %broadcast_in_dim3A_1145 : f32 to vector<16xf32>
      %broadcast_in_dim3A_1147 = arith.constant 0.000000e+00 : f32
      %broadcast_in_dim3A_1148 = vector.broadcast %broadcast_in_dim3A_1147 : f32 to vector<16xf32>
      %broadcast_in_dim3A_1149 = arith.constant 0.000000e+00 : f32
      %broadcast_in_dim3A_1150 = vector.broadcast %broadcast_in_dim3A_1149 : f32 to vector<16xf32>
      %broadcast_in_dim3A_1151 = arith.constant 0.000000e+00 : f32
      %broadcast_in_dim3A_1152 = vector.broadcast %broadcast_in_dim3A_1151 : f32 to vector<16xf32>
      %broadcast_in_dim3A_1153 = arith.constant 0.000000e+00 : f32
      %broadcast_in_dim3A_1154 = vector.broadcast %broadcast_in_dim3A_1153 : f32 to vector<16xf32>
      %broadcast_in_dim3A_1155 = arith.constant 0.000000e+00 : f32
      %broadcast_in_dim3A_1156 = vector.broadcast %broadcast_in_dim3A_1155 : f32 to vector<16xf32>
      %broadcast_in_dim3A_1157 = arith.constant 0.000000e+00 : f32
      %broadcast_in_dim3A_1158 = vector.broadcast %broadcast_in_dim3A_1157 : f32 to vector<16xf32>
      %broadcast_in_dim3A_1159 = arith.constant 0.000000e+00 : f32
      %broadcast_in_dim3A_1160 = vector.broadcast %broadcast_in_dim3A_1159 : f32 to vector<16xf32>
      %broadcast_in_dim3A_1161 = arith.constant 0.000000e+00 : f32
      %broadcast_in_dim3A_1162 = vector.broadcast %broadcast_in_dim3A_1161 : f32 to vector<16xf32>
      %broadcast_in_dim3A_1163 = arith.constant 0.000000e+00 : f32
      %broadcast_in_dim3A_1164 = vector.broadcast %broadcast_in_dim3A_1163 : f32 to vector<16xf32>
      %broadcast_in_dim3A_1165 = arith.constant 0.000000e+00 : f32
      %broadcast_in_dim3A_1166 = vector.broadcast %broadcast_in_dim3A_1165 : f32 to vector<16xf32>
      %broadcast_in_dim3A_1167 = arith.constant 0.000000e+00 : f32
      %broadcast_in_dim3A_1168 = vector.broadcast %broadcast_in_dim3A_1167 : f32 to vector<16xf32>
      %broadcast_in_dim3A_1169 = arith.constant 0.000000e+00 : f32
      %broadcast_in_dim3A_1170 = vector.broadcast %broadcast_in_dim3A_1169 : f32 to vector<16xf32>
      %broadcast_in_dim3A_1171 = arith.constant 0.000000e+00 : f32
      %broadcast_in_dim3A_1172 = vector.broadcast %broadcast_in_dim3A_1171 : f32 to vector<16xf32>
      %broadcast_in_dim3A_1173 = arith.constant 0.000000e+00 : f32
      %broadcast_in_dim3A_1174 = vector.broadcast %broadcast_in_dim3A_1173 : f32 to vector<16xf32>
      %broadcast_in_dim3A_1175 = arith.constant 0.000000e+00 : f32
      %broadcast_in_dim3A_1176 = vector.broadcast %broadcast_in_dim3A_1175 : f32 to vector<16xf32>
      %scan3A_1177 = arith.constant 0 : i32
      %scan3A_1178 = arith.constant 64 : i32
      %scan3A_1179 = arith.addi %scan3A_1177, %scan3A_1178 : i32
      %scan3A_1180 = arith.constant 1 : i32
      %scan3A_1181:21 = scf.for %scan3A_1330 = %scan3A_1177 to %scan3A_1179 step %scan3A_1180 iter_args(%scan3A_1331 = %broadcast_in_dim3A_1136, %scan3A_1332 = %broadcast_in_dim3A_1138, %scan3A_1333 = %broadcast_in_dim3A_1140, %scan3A_1334 = %broadcast_in_dim3A_1142, %scan3A_1335 = %broadcast_in_dim3A_1144, %scan3A_1336 = %broadcast_in_dim3A_1146, %scan3A_1337 = %broadcast_in_dim3A_1148, %scan3A_1338 = %broadcast_in_dim3A_1150, %scan3A_1339 = %broadcast_in_dim3A_1152, %scan3A_1340 = %broadcast_in_dim3A_1154, %scan3A_1341 = %broadcast_in_dim3A_1156, %scan3A_1342 = %broadcast_in_dim3A_1158, %scan3A_1343 = %broadcast_in_dim3A_1160, %scan3A_1344 = %broadcast_in_dim3A_1162, %scan3A_1345 = %broadcast_in_dim3A_1164, %scan3A_1346 = %broadcast_in_dim3A_1166, %scan3A_1347 = %broadcast_in_dim3A_1168, %scan3A_1348 = %broadcast_in_dim3A_1170, %scan3A_1349 = %broadcast_in_dim3A_1172, %scan3A_1350 = %broadcast_in_dim3A_1174, %scan3A_1351 = %broadcast_in_dim3A_1176) -> (vector<16xf32>, vector<16xf32>, vector<16xf32>, vector<16xf32>, vector<16xf32>, vector<16xf32>, vector<16xf32>, vector<16xf32>, vector<16xf32>, vector<16xf32>, vector<16xf32>, vector<16xf32>, vector<16xf32>, vector<16xf32>, vector<16xf32>, vector<16xf32>, vector<16xf32>, vector<16xf32>, vector<16xf32>, vector<16xf32>, vector<16xf32>)  : i32 {
        %add3A_1352 = vector.broadcast %scan3A_1330 : i32 to vector<16xi32>
        %add3A_1353 = arith.addi %iota3A, %add3A_1352 : vector<16xi32>
        %and3A_1354 = arith.constant 63 : i32
        %and3A_1355 = vector.broadcast %and3A_1354 : i32 to vector<16xi32>
        %and3A_1356 = arith.andi %add3A_1353, %and3A_1355 : vector<16xi32>
        %gather3A_1357 = tpu.vector_load_idx %arg13[%add3A_1131, %add3A_1134, %and3A_1356] : memref<2x32x64xf32, #tpu.memory_space<vmem>>[vector<16xi32>, vector<16xi32>, vector<16xi32>], vector<16xf32>,
        %gather3A_1358 = tpu.vector_load_idx %arg14[%add3A_1131, %add3A_1134, %and3A_1356] : memref<2x32x64xf32, #tpu.memory_space<vmem>>[vector<16xi32>, vector<16xi32>, vector<16xi32>], vector<16xf32>,
        %mul3A_1359 = arith.mulf %gather3A_1357, %gather3A_1358 : vector<16xf32>
        %add3A_1360 = arith.addf %scan3A_1331, %mul3A_1359 : vector<16xf32>
        %broadcast_in_dim3A_1361 = arith.constant 0 : i32
        %broadcast_in_dim3A_1362 = vector.broadcast %broadcast_in_dim3A_1361 : i32 to vector<16xi32>
        %gather3A_1363 = tpu.vector_load_idx %arg15[%add3A_1131, %broadcast_in_dim3A_1362, %add3A_1134, %and3A_1356] : memref<2x20x32x64xf32, #tpu.memory_space<vmem>>[vector<16xi32>, vector<16xi32>, vector<16xi32>, vector<16xi32>], vector<16xf32>,
        %mul3A_1364 = arith.mulf %gather3A_1357, %gather3A_1363 : vector<16xf32>
        %add3A_1365 = arith.addf %scan3A_1332, %mul3A_1364 : vector<16xf32>
        %broadcast_in_dim3A_1366 = arith.constant 1 : i32
        %broadcast_in_dim3A_1367 = vector.broadcast %broadcast_in_dim3A_1366 : i32 to vector<16xi32>
        %gather3A_1368 = tpu.vector_load_idx %arg15[%add3A_1131, %broadcast_in_dim3A_1367, %add3A_1134, %and3A_1356] : memref<2x20x32x64xf32, #tpu.memory_space<vmem>>[vector<16xi32>, vector<16xi32>, vector<16xi32>, vector<16xi32>], vector<16xf32>,
        %mul3A_1369 = arith.mulf %gather3A_1357, %gather3A_1368 : vector<16xf32>
        %add3A_1370 = arith.addf %scan3A_1333, %mul3A_1369 : vector<16xf32>
        %broadcast_in_dim3A_1371 = arith.constant 2 : i32
        %broadcast_in_dim3A_1372 = vector.broadcast %broadcast_in_dim3A_1371 : i32 to vector<16xi32>
        %gather3A_1373 = tpu.vector_load_idx %arg15[%add3A_1131, %broadcast_in_dim3A_1372, %add3A_1134, %and3A_1356] : memref<2x20x32x64xf32, #tpu.memory_space<vmem>>[vector<16xi32>, vector<16xi32>, vector<16xi32>, vector<16xi32>], vector<16xf32>,
        %mul3A_1374 = arith.mulf %gather3A_1357, %gather3A_1373 : vector<16xf32>
        %add3A_1375 = arith.addf %scan3A_1334, %mul3A_1374 : vector<16xf32>
        %broadcast_in_dim3A_1376 = arith.constant 3 : i32
        %broadcast_in_dim3A_1377 = vector.broadcast %broadcast_in_dim3A_1376 : i32 to vector<16xi32>
        %gather3A_1378 = tpu.vector_load_idx %arg15[%add3A_1131, %broadcast_in_dim3A_1377, %add3A_1134, %and3A_1356] : memref<2x20x32x64xf32, #tpu.memory_space<vmem>>[vector<16xi32>, vector<16xi32>, vector<16xi32>, vector<16xi32>], vector<16xf32>,
        %mul3A_1379 = arith.mulf %gather3A_1357, %gather3A_1378 : vector<16xf32>
        %add3A_1380 = arith.addf %scan3A_1335, %mul3A_1379 : vector<16xf32>
        %broadcast_in_dim3A_1381 = arith.constant 4 : i32
        %broadcast_in_dim3A_1382 = vector.broadcast %broadcast_in_dim3A_1381 : i32 to vector<16xi32>
        %gather3A_1383 = tpu.vector_load_idx %arg15[%add3A_1131, %broadcast_in_dim3A_1382, %add3A_1134, %and3A_1356] : memref<2x20x32x64xf32, #tpu.memory_space<vmem>>[vector<16xi32>, vector<16xi32>, vector<16xi32>, vector<16xi32>], vector<16xf32>,
        %mul3A_1384 = arith.mulf %gather3A_1357, %gather3A_1383 : vector<16xf32>
        %add3A_1385 = arith.addf %scan3A_1336, %mul3A_1384 : vector<16xf32>
        %broadcast_in_dim3A_1386 = arith.constant 5 : i32
        %broadcast_in_dim3A_1387 = vector.broadcast %broadcast_in_dim3A_1386 : i32 to vector<16xi32>
        %gather3A_1388 = tpu.vector_load_idx %arg15[%add3A_1131, %broadcast_in_dim3A_1387, %add3A_1134, %and3A_1356] : memref<2x20x32x64xf32, #tpu.memory_space<vmem>>[vector<16xi32>, vector<16xi32>, vector<16xi32>, vector<16xi32>], vector<16xf32>,
        %mul3A_1389 = arith.mulf %gather3A_1357, %gather3A_1388 : vector<16xf32>
        %add3A_1390 = arith.addf %scan3A_1337, %mul3A_1389 : vector<16xf32>
        %broadcast_in_dim3A_1391 = arith.constant 6 : i32
        %broadcast_in_dim3A_1392 = vector.broadcast %broadcast_in_dim3A_1391 : i32 to vector<16xi32>
        %gather3A_1393 = tpu.vector_load_idx %arg15[%add3A_1131, %broadcast_in_dim3A_1392, %add3A_1134, %and3A_1356] : memref<2x20x32x64xf32, #tpu.memory_space<vmem>>[vector<16xi32>, vector<16xi32>, vector<16xi32>, vector<16xi32>], vector<16xf32>,
        %mul3A_1394 = arith.mulf %gather3A_1357, %gather3A_1393 : vector<16xf32>
        %add3A_1395 = arith.addf %scan3A_1338, %mul3A_1394 : vector<16xf32>
        %broadcast_in_dim3A_1396 = arith.constant 7 : i32
        %broadcast_in_dim3A_1397 = vector.broadcast %broadcast_in_dim3A_1396 : i32 to vector<16xi32>
        %gather3A_1398 = tpu.vector_load_idx %arg15[%add3A_1131, %broadcast_in_dim3A_1397, %add3A_1134, %and3A_1356] : memref<2x20x32x64xf32, #tpu.memory_space<vmem>>[vector<16xi32>, vector<16xi32>, vector<16xi32>, vector<16xi32>], vector<16xf32>,
        %mul3A_1399 = arith.mulf %gather3A_1357, %gather3A_1398 : vector<16xf32>
        %add3A_1400 = arith.addf %scan3A_1339, %mul3A_1399 : vector<16xf32>
        %broadcast_in_dim3A_1401 = arith.constant 8 : i32
        %broadcast_in_dim3A_1402 = vector.broadcast %broadcast_in_dim3A_1401 : i32 to vector<16xi32>
        %gather3A_1403 = tpu.vector_load_idx %arg15[%add3A_1131, %broadcast_in_dim3A_1402, %add3A_1134, %and3A_1356] : memref<2x20x32x64xf32, #tpu.memory_space<vmem>>[vector<16xi32>, vector<16xi32>, vector<16xi32>, vector<16xi32>], vector<16xf32>,
        %mul3A_1404 = arith.mulf %gather3A_1357, %gather3A_1403 : vector<16xf32>
        %add3A_1405 = arith.addf %scan3A_1340, %mul3A_1404 : vector<16xf32>
        %broadcast_in_dim3A_1406 = arith.constant 9 : i32
        %broadcast_in_dim3A_1407 = vector.broadcast %broadcast_in_dim3A_1406 : i32 to vector<16xi32>
        %gather3A_1408 = tpu.vector_load_idx %arg15[%add3A_1131, %broadcast_in_dim3A_1407, %add3A_1134, %and3A_1356] : memref<2x20x32x64xf32, #tpu.memory_space<vmem>>[vector<16xi32>, vector<16xi32>, vector<16xi32>, vector<16xi32>], vector<16xf32>,
        %mul3A_1409 = arith.mulf %gather3A_1357, %gather3A_1408 : vector<16xf32>
        %add3A_1410 = arith.addf %scan3A_1341, %mul3A_1409 : vector<16xf32>
        %broadcast_in_dim3A_1411 = arith.constant 10 : i32
        %broadcast_in_dim3A_1412 = vector.broadcast %broadcast_in_dim3A_1411 : i32 to vector<16xi32>
        %gather3A_1413 = tpu.vector_load_idx %arg15[%add3A_1131, %broadcast_in_dim3A_1412, %add3A_1134, %and3A_1356] : memref<2x20x32x64xf32, #tpu.memory_space<vmem>>[vector<16xi32>, vector<16xi32>, vector<16xi32>, vector<16xi32>], vector<16xf32>,
        %mul3A_1414 = arith.mulf %gather3A_1357, %gather3A_1413 : vector<16xf32>
        %add3A_1415 = arith.addf %scan3A_1342, %mul3A_1414 : vector<16xf32>
        %broadcast_in_dim3A_1416 = arith.constant 11 : i32
        %broadcast_in_dim3A_1417 = vector.broadcast %broadcast_in_dim3A_1416 : i32 to vector<16xi32>
        %gather3A_1418 = tpu.vector_load_idx %arg15[%add3A_1131, %broadcast_in_dim3A_1417, %add3A_1134, %and3A_1356] : memref<2x20x32x64xf32, #tpu.memory_space<vmem>>[vector<16xi32>, vector<16xi32>, vector<16xi32>, vector<16xi32>], vector<16xf32>,
        %mul3A_1419 = arith.mulf %gather3A_1357, %gather3A_1418 : vector<16xf32>
        %add3A_1420 = arith.addf %scan3A_1343, %mul3A_1419 : vector<16xf32>
        %broadcast_in_dim3A_1421 = arith.constant 12 : i32
        %broadcast_in_dim3A_1422 = vector.broadcast %broadcast_in_dim3A_1421 : i32 to vector<16xi32>
        %gather3A_1423 = tpu.vector_load_idx %arg15[%add3A_1131, %broadcast_in_dim3A_1422, %add3A_1134, %and3A_1356] : memref<2x20x32x64xf32, #tpu.memory_space<vmem>>[vector<16xi32>, vector<16xi32>, vector<16xi32>, vector<16xi32>], vector<16xf32>,
        %mul3A_1424 = arith.mulf %gather3A_1357, %gather3A_1423 : vector<16xf32>
        %add3A_1425 = arith.addf %scan3A_1344, %mul3A_1424 : vector<16xf32>
        %broadcast_in_dim3A_1426 = arith.constant 13 : i32
        %broadcast_in_dim3A_1427 = vector.broadcast %broadcast_in_dim3A_1426 : i32 to vector<16xi32>
        %gather3A_1428 = tpu.vector_load_idx %arg15[%add3A_1131, %broadcast_in_dim3A_1427, %add3A_1134, %and3A_1356] : memref<2x20x32x64xf32, #tpu.memory_space<vmem>>[vector<16xi32>, vector<16xi32>, vector<16xi32>, vector<16xi32>], vector<16xf32>,
        %mul3A_1429 = arith.mulf %gather3A_1357, %gather3A_1428 : vector<16xf32>
        %add3A_1430 = arith.addf %scan3A_1345, %mul3A_1429 : vector<16xf32>
        %broadcast_in_dim3A_1431 = arith.constant 14 : i32
        %broadcast_in_dim3A_1432 = vector.broadcast %broadcast_in_dim3A_1431 : i32 to vector<16xi32>
        %gather3A_1433 = tpu.vector_load_idx %arg15[%add3A_1131, %broadcast_in_dim3A_1432, %add3A_1134, %and3A_1356] : memref<2x20x32x64xf32, #tpu.memory_space<vmem>>[vector<16xi32>, vector<16xi32>, vector<16xi32>, vector<16xi32>], vector<16xf32>,
        %mul3A_1434 = arith.mulf %gather3A_1357, %gather3A_1433 : vector<16xf32>
        %add3A_1435 = arith.addf %scan3A_1346, %mul3A_1434 : vector<16xf32>
        %broadcast_in_dim3A_1436 = arith.constant 15 : i32
        %broadcast_in_dim3A_1437 = vector.broadcast %broadcast_in_dim3A_1436 : i32 to vector<16xi32>
        %gather3A_1438 = tpu.vector_load_idx %arg15[%add3A_1131, %broadcast_in_dim3A_1437, %add3A_1134, %and3A_1356] : memref<2x20x32x64xf32, #tpu.memory_space<vmem>>[vector<16xi32>, vector<16xi32>, vector<16xi32>, vector<16xi32>], vector<16xf32>,
        %mul3A_1439 = arith.mulf %gather3A_1357, %gather3A_1438 : vector<16xf32>
        %add3A_1440 = arith.addf %scan3A_1347, %mul3A_1439 : vector<16xf32>
        %broadcast_in_dim3A_1441 = arith.constant 16 : i32
        %broadcast_in_dim3A_1442 = vector.broadcast %broadcast_in_dim3A_1441 : i32 to vector<16xi32>
        %gather3A_1443 = tpu.vector_load_idx %arg15[%add3A_1131, %broadcast_in_dim3A_1442, %add3A_1134, %and3A_1356] : memref<2x20x32x64xf32, #tpu.memory_space<vmem>>[vector<16xi32>, vector<16xi32>, vector<16xi32>, vector<16xi32>], vector<16xf32>,
        %mul3A_1444 = arith.mulf %gather3A_1357, %gather3A_1443 : vector<16xf32>
        %add3A_1445 = arith.addf %scan3A_1348, %mul3A_1444 : vector<16xf32>
        %broadcast_in_dim3A_1446 = arith.constant 17 : i32
        %broadcast_in_dim3A_1447 = vector.broadcast %broadcast_in_dim3A_1446 : i32 to vector<16xi32>
        %gather3A_1448 = tpu.vector_load_idx %arg15[%add3A_1131, %broadcast_in_dim3A_1447, %add3A_1134, %and3A_1356] : memref<2x20x32x64xf32, #tpu.memory_space<vmem>>[vector<16xi32>, vector<16xi32>, vector<16xi32>, vector<16xi32>], vector<16xf32>,
        %mul3A_1449 = arith.mulf %gather3A_1357, %gather3A_1448 : vector<16xf32>
        %add3A_1450 = arith.addf %scan3A_1349, %mul3A_1449 : vector<16xf32>
        %broadcast_in_dim3A_1451 = arith.constant 18 : i32
        %broadcast_in_dim3A_1452 = vector.broadcast %broadcast_in_dim3A_1451 : i32 to vector<16xi32>
        %gather3A_1453 = tpu.vector_load_idx %arg15[%add3A_1131, %broadcast_in_dim3A_1452, %add3A_1134, %and3A_1356] : memref<2x20x32x64xf32, #tpu.memory_space<vmem>>[vector<16xi32>, vector<16xi32>, vector<16xi32>, vector<16xi32>], vector<16xf32>,
        %mul3A_1454 = arith.mulf %gather3A_1357, %gather3A_1453 : vector<16xf32>
        %add3A_1455 = arith.addf %scan3A_1350, %mul3A_1454 : vector<16xf32>
        %broadcast_in_dim3A_1456 = arith.constant 19 : i32
        %broadcast_in_dim3A_1457 = vector.broadcast %broadcast_in_dim3A_1456 : i32 to vector<16xi32>
        %gather3A_1458 = tpu.vector_load_idx %arg15[%add3A_1131, %broadcast_in_dim3A_1457, %add3A_1134, %and3A_1356] : memref<2x20x32x64xf32, #tpu.memory_space<vmem>>[vector<16xi32>, vector<16xi32>, vector<16xi32>, vector<16xi32>], vector<16xf32>,
        %mul3A_1459 = arith.mulf %gather3A_1357, %gather3A_1458 : vector<16xf32>
        %add3A_1460 = arith.addf %scan3A_1351, %mul3A_1459 : vector<16xf32>
        scf.yield %add3A_1360, %add3A_1365, %add3A_1370, %add3A_1375, %add3A_1380, %add3A_1385, %add3A_1390, %add3A_1395, %add3A_1400, %add3A_1405, %add3A_1410, %add3A_1415, %add3A_1420, %add3A_1425, %add3A_1430, %add3A_1435, %add3A_1440, %add3A_1445, %add3A_1450, %add3A_1455, %add3A_1460 : vector<16xf32>, vector<16xf32>, vector<16xf32>, vector<16xf32>, vector<16xf32>, vector<16xf32>, vector<16xf32>, vector<16xf32>, vector<16xf32>, vector<16xf32>, vector<16xf32>, vector<16xf32>, vector<16xf32>, vector<16xf32>, vector<16xf32>, vector<16xf32>, vector<16xf32>, vector<16xf32>, vector<16xf32>, vector<16xf32>, vector<16xf32>
      }
      %scan3A_1182 = arith.constant 64 : i32
      %mul3A_1183 = arith.constant 32 : i32
      %mul3A_1184 = arith.muli %scan3A_817, %mul3A_1183 : i32
      %add3A_1185 = arith.constant 0 : i32
      %add3A_1186 = arith.addi %mul3A_1184, %add3A_1185 : i32
      %swap3A_1187 = arith.index_cast %add3A_1186 : i32 to index
      %swap3A_1188 = tpu.vector_load %arg16[%swap3A_1187] {strides = array<i32>} : memref<512xf32, #tpu.memory_space<vmem>>, vector<16xf32>,
      tpu.vector_store %arg16[%swap3A_1187], %scan3A_1181#0 {strides = array<i32>} : memref<512xf32, #tpu.memory_space<vmem>>, vector<16xf32>,
      %add3A_1189 = vector.broadcast %add3A_1186 : i32 to vector<16xi32>
      %add3A_1190 = arith.addi %iota3A, %add3A_1189 : vector<16xi32>
      %broadcast_in_dim3A_1191 = arith.constant 0 : i32
      %broadcast_in_dim3A_1192 = vector.broadcast %broadcast_in_dim3A_1191 : i32 to vector<16xi32>
      tpu.vector_store_idx %arg17[%add3A_1190, %broadcast_in_dim3A_1192], %scan3A_1181#1 : memref<512x20xf32, #tpu.memory_space<vmem>>[vector<16xi32>, vector<16xi32>], vector<16xf32>,
      %broadcast_in_dim3A_1193 = arith.constant 1 : i32
      %broadcast_in_dim3A_1194 = vector.broadcast %broadcast_in_dim3A_1193 : i32 to vector<16xi32>
      tpu.vector_store_idx %arg17[%add3A_1190, %broadcast_in_dim3A_1194], %scan3A_1181#2 : memref<512x20xf32, #tpu.memory_space<vmem>>[vector<16xi32>, vector<16xi32>], vector<16xf32>,
      %broadcast_in_dim3A_1195 = arith.constant 2 : i32
      %broadcast_in_dim3A_1196 = vector.broadcast %broadcast_in_dim3A_1195 : i32 to vector<16xi32>
      tpu.vector_store_idx %arg17[%add3A_1190, %broadcast_in_dim3A_1196], %scan3A_1181#3 : memref<512x20xf32, #tpu.memory_space<vmem>>[vector<16xi32>, vector<16xi32>], vector<16xf32>,
      %broadcast_in_dim3A_1197 = arith.constant 3 : i32
      %broadcast_in_dim3A_1198 = vector.broadcast %broadcast_in_dim3A_1197 : i32 to vector<16xi32>
      tpu.vector_store_idx %arg17[%add3A_1190, %broadcast_in_dim3A_1198], %scan3A_1181#4 : memref<512x20xf32, #tpu.memory_space<vmem>>[vector<16xi32>, vector<16xi32>], vector<16xf32>,
      %broadcast_in_dim3A_1199 = arith.constant 4 : i32
      %broadcast_in_dim3A_1200 = vector.broadcast %broadcast_in_dim3A_1199 : i32 to vector<16xi32>
      tpu.vector_store_idx %arg17[%add3A_1190, %broadcast_in_dim3A_1200], %scan3A_1181#5 : memref<512x20xf32, #tpu.memory_space<vmem>>[vector<16xi32>, vector<16xi32>], vector<16xf32>,
      %broadcast_in_dim3A_1201 = arith.constant 5 : i32
      %broadcast_in_dim3A_1202 = vector.broadcast %broadcast_in_dim3A_1201 : i32 to vector<16xi32>
      tpu.vector_store_idx %arg17[%add3A_1190, %broadcast_in_dim3A_1202], %scan3A_1181#6 : memref<512x20xf32, #tpu.memory_space<vmem>>[vector<16xi32>, vector<16xi32>], vector<16xf32>,
      %broadcast_in_dim3A_1203 = arith.constant 6 : i32
      %broadcast_in_dim3A_1204 = vector.broadcast %broadcast_in_dim3A_1203 : i32 to vector<16xi32>
      tpu.vector_store_idx %arg17[%add3A_1190, %broadcast_in_dim3A_1204], %scan3A_1181#7 : memref<512x20xf32, #tpu.memory_space<vmem>>[vector<16xi32>, vector<16xi32>], vector<16xf32>,
      %broadcast_in_dim3A_1205 = arith.constant 7 : i32
      %broadcast_in_dim3A_1206 = vector.broadcast %broadcast_in_dim3A_1205 : i32 to vector<16xi32>
      tpu.vector_store_idx %arg17[%add3A_1190, %broadcast_in_dim3A_1206], %scan3A_1181#8 : memref<512x20xf32, #tpu.memory_space<vmem>>[vector<16xi32>, vector<16xi32>], vector<16xf32>,
      %broadcast_in_dim3A_1207 = arith.constant 8 : i32
      %broadcast_in_dim3A_1208 = vector.broadcast %broadcast_in_dim3A_1207 : i32 to vector<16xi32>
      tpu.vector_store_idx %arg17[%add3A_1190, %broadcast_in_dim3A_1208], %scan3A_1181#9 : memref<512x20xf32, #tpu.memory_space<vmem>>[vector<16xi32>, vector<16xi32>], vector<16xf32>,
      %broadcast_in_dim3A_1209 = arith.constant 9 : i32
      %broadcast_in_dim3A_1210 = vector.broadcast %broadcast_in_dim3A_1209 : i32 to vector<16xi32>
      tpu.vector_store_idx %arg17[%add3A_1190, %broadcast_in_dim3A_1210], %scan3A_1181#10 : memref<512x20xf32, #tpu.memory_space<vmem>>[vector<16xi32>, vector<16xi32>], vector<16xf32>,
      %broadcast_in_dim3A_1211 = arith.constant 10 : i32
      %broadcast_in_dim3A_1212 = vector.broadcast %broadcast_in_dim3A_1211 : i32 to vector<16xi32>
      tpu.vector_store_idx %arg17[%add3A_1190, %broadcast_in_dim3A_1212], %scan3A_1181#11 : memref<512x20xf32, #tpu.memory_space<vmem>>[vector<16xi32>, vector<16xi32>], vector<16xf32>,
      %broadcast_in_dim3A_1213 = arith.constant 11 : i32
      %broadcast_in_dim3A_1214 = vector.broadcast %broadcast_in_dim3A_1213 : i32 to vector<16xi32>
      tpu.vector_store_idx %arg17[%add3A_1190, %broadcast_in_dim3A_1214], %scan3A_1181#12 : memref<512x20xf32, #tpu.memory_space<vmem>>[vector<16xi32>, vector<16xi32>], vector<16xf32>,
      %broadcast_in_dim3A_1215 = arith.constant 12 : i32
      %broadcast_in_dim3A_1216 = vector.broadcast %broadcast_in_dim3A_1215 : i32 to vector<16xi32>
      tpu.vector_store_idx %arg17[%add3A_1190, %broadcast_in_dim3A_1216], %scan3A_1181#13 : memref<512x20xf32, #tpu.memory_space<vmem>>[vector<16xi32>, vector<16xi32>], vector<16xf32>,
      %broadcast_in_dim3A_1217 = arith.constant 13 : i32
      %broadcast_in_dim3A_1218 = vector.broadcast %broadcast_in_dim3A_1217 : i32 to vector<16xi32>
      tpu.vector_store_idx %arg17[%add3A_1190, %broadcast_in_dim3A_1218], %scan3A_1181#14 : memref<512x20xf32, #tpu.memory_space<vmem>>[vector<16xi32>, vector<16xi32>], vector<16xf32>,
      %broadcast_in_dim3A_1219 = arith.constant 14 : i32
      %broadcast_in_dim3A_1220 = vector.broadcast %broadcast_in_dim3A_1219 : i32 to vector<16xi32>
      tpu.vector_store_idx %arg17[%add3A_1190, %broadcast_in_dim3A_1220], %scan3A_1181#15 : memref<512x20xf32, #tpu.memory_space<vmem>>[vector<16xi32>, vector<16xi32>], vector<16xf32>,
      %broadcast_in_dim3A_1221 = arith.constant 15 : i32
      %broadcast_in_dim3A_1222 = vector.broadcast %broadcast_in_dim3A_1221 : i32 to vector<16xi32>
      tpu.vector_store_idx %arg17[%add3A_1190, %broadcast_in_dim3A_1222], %scan3A_1181#16 : memref<512x20xf32, #tpu.memory_space<vmem>>[vector<16xi32>, vector<16xi32>], vector<16xf32>,
      %broadcast_in_dim3A_1223 = arith.constant 16 : i32
      %broadcast_in_dim3A_1224 = vector.broadcast %broadcast_in_dim3A_1223 : i32 to vector<16xi32>
      tpu.vector_store_idx %arg17[%add3A_1190, %broadcast_in_dim3A_1224], %scan3A_1181#17 : memref<512x20xf32, #tpu.memory_space<vmem>>[vector<16xi32>, vector<16xi32>], vector<16xf32>,
      %broadcast_in_dim3A_1225 = arith.constant 17 : i32
      %broadcast_in_dim3A_1226 = vector.broadcast %broadcast_in_dim3A_1225 : i32 to vector<16xi32>
      tpu.vector_store_idx %arg17[%add3A_1190, %broadcast_in_dim3A_1226], %scan3A_1181#18 : memref<512x20xf32, #tpu.memory_space<vmem>>[vector<16xi32>, vector<16xi32>], vector<16xf32>,
      %broadcast_in_dim3A_1227 = arith.constant 18 : i32
      %broadcast_in_dim3A_1228 = vector.broadcast %broadcast_in_dim3A_1227 : i32 to vector<16xi32>
      tpu.vector_store_idx %arg17[%add3A_1190, %broadcast_in_dim3A_1228], %scan3A_1181#19 : memref<512x20xf32, #tpu.memory_space<vmem>>[vector<16xi32>, vector<16xi32>], vector<16xf32>,
      %broadcast_in_dim3A_1229 = arith.constant 19 : i32
      %broadcast_in_dim3A_1230 = vector.broadcast %broadcast_in_dim3A_1229 : i32 to vector<16xi32>
      tpu.vector_store_idx %arg17[%add3A_1190, %broadcast_in_dim3A_1230], %scan3A_1181#20 : memref<512x20xf32, #tpu.memory_space<vmem>>[vector<16xi32>, vector<16xi32>], vector<16xf32>,
      %add3A_1231 = arith.constant 16 : i32
      %add3A_1232 = vector.broadcast %add3A_1231 : i32 to vector<16xi32>
      %add3A_1233 = arith.addi %iota3A, %add3A_1232 : vector<16xi32>
      %broadcast_in_dim3A_1234 = arith.constant 0.000000e+00 : f32
      %broadcast_in_dim3A_1235 = vector.broadcast %broadcast_in_dim3A_1234 : f32 to vector<16xf32>
      %broadcast_in_dim3A_1236 = arith.constant 0.000000e+00 : f32
      %broadcast_in_dim3A_1237 = vector.broadcast %broadcast_in_dim3A_1236 : f32 to vector<16xf32>
      %broadcast_in_dim3A_1238 = arith.constant 0.000000e+00 : f32
      %broadcast_in_dim3A_1239 = vector.broadcast %broadcast_in_dim3A_1238 : f32 to vector<16xf32>
      %broadcast_in_dim3A_1240 = arith.constant 0.000000e+00 : f32
      %broadcast_in_dim3A_1241 = vector.broadcast %broadcast_in_dim3A_1240 : f32 to vector<16xf32>
      %broadcast_in_dim3A_1242 = arith.constant 0.000000e+00 : f32
      %broadcast_in_dim3A_1243 = vector.broadcast %broadcast_in_dim3A_1242 : f32 to vector<16xf32>
      %broadcast_in_dim3A_1244 = arith.constant 0.000000e+00 : f32
      %broadcast_in_dim3A_1245 = vector.broadcast %broadcast_in_dim3A_1244 : f32 to vector<16xf32>
      %broadcast_in_dim3A_1246 = arith.constant 0.000000e+00 : f32
      %broadcast_in_dim3A_1247 = vector.broadcast %broadcast_in_dim3A_1246 : f32 to vector<16xf32>
      %broadcast_in_dim3A_1248 = arith.constant 0.000000e+00 : f32
      %broadcast_in_dim3A_1249 = vector.broadcast %broadcast_in_dim3A_1248 : f32 to vector<16xf32>
      %broadcast_in_dim3A_1250 = arith.constant 0.000000e+00 : f32
      %broadcast_in_dim3A_1251 = vector.broadcast %broadcast_in_dim3A_1250 : f32 to vector<16xf32>
      %broadcast_in_dim3A_1252 = arith.constant 0.000000e+00 : f32
      %broadcast_in_dim3A_1253 = vector.broadcast %broadcast_in_dim3A_1252 : f32 to vector<16xf32>
      %broadcast_in_dim3A_1254 = arith.constant 0.000000e+00 : f32
      %broadcast_in_dim3A_1255 = vector.broadcast %broadcast_in_dim3A_1254 : f32 to vector<16xf32>
      %broadcast_in_dim3A_1256 = arith.constant 0.000000e+00 : f32
      %broadcast_in_dim3A_1257 = vector.broadcast %broadcast_in_dim3A_1256 : f32 to vector<16xf32>
      %broadcast_in_dim3A_1258 = arith.constant 0.000000e+00 : f32
      %broadcast_in_dim3A_1259 = vector.broadcast %broadcast_in_dim3A_1258 : f32 to vector<16xf32>
      %broadcast_in_dim3A_1260 = arith.constant 0.000000e+00 : f32
      %broadcast_in_dim3A_1261 = vector.broadcast %broadcast_in_dim3A_1260 : f32 to vector<16xf32>
      %broadcast_in_dim3A_1262 = arith.constant 0.000000e+00 : f32
      %broadcast_in_dim3A_1263 = vector.broadcast %broadcast_in_dim3A_1262 : f32 to vector<16xf32>
      %broadcast_in_dim3A_1264 = arith.constant 0.000000e+00 : f32
      %broadcast_in_dim3A_1265 = vector.broadcast %broadcast_in_dim3A_1264 : f32 to vector<16xf32>
      %broadcast_in_dim3A_1266 = arith.constant 0.000000e+00 : f32
      %broadcast_in_dim3A_1267 = vector.broadcast %broadcast_in_dim3A_1266 : f32 to vector<16xf32>
      %broadcast_in_dim3A_1268 = arith.constant 0.000000e+00 : f32
      %broadcast_in_dim3A_1269 = vector.broadcast %broadcast_in_dim3A_1268 : f32 to vector<16xf32>
      %broadcast_in_dim3A_1270 = arith.constant 0.000000e+00 : f32
      %broadcast_in_dim3A_1271 = vector.broadcast %broadcast_in_dim3A_1270 : f32 to vector<16xf32>
      %broadcast_in_dim3A_1272 = arith.constant 0.000000e+00 : f32
      %broadcast_in_dim3A_1273 = vector.broadcast %broadcast_in_dim3A_1272 : f32 to vector<16xf32>
      %broadcast_in_dim3A_1274 = arith.constant 0.000000e+00 : f32
      %broadcast_in_dim3A_1275 = vector.broadcast %broadcast_in_dim3A_1274 : f32 to vector<16xf32>
      %scan3A_1276 = arith.constant 0 : i32
      %scan3A_1277 = arith.constant 64 : i32
      %scan3A_1278 = arith.addi %scan3A_1276, %scan3A_1277 : i32
      %scan3A_1279 = arith.constant 1 : i32
      %scan3A_1280:21 = scf.for %scan3A_1330 = %scan3A_1276 to %scan3A_1278 step %scan3A_1279 iter_args(%scan3A_1331 = %broadcast_in_dim3A_1235, %scan3A_1332 = %broadcast_in_dim3A_1237, %scan3A_1333 = %broadcast_in_dim3A_1239, %scan3A_1334 = %broadcast_in_dim3A_1241, %scan3A_1335 = %broadcast_in_dim3A_1243, %scan3A_1336 = %broadcast_in_dim3A_1245, %scan3A_1337 = %broadcast_in_dim3A_1247, %scan3A_1338 = %broadcast_in_dim3A_1249, %scan3A_1339 = %broadcast_in_dim3A_1251, %scan3A_1340 = %broadcast_in_dim3A_1253, %scan3A_1341 = %broadcast_in_dim3A_1255, %scan3A_1342 = %broadcast_in_dim3A_1257, %scan3A_1343 = %broadcast_in_dim3A_1259, %scan3A_1344 = %broadcast_in_dim3A_1261, %scan3A_1345 = %broadcast_in_dim3A_1263, %scan3A_1346 = %broadcast_in_dim3A_1265, %scan3A_1347 = %broadcast_in_dim3A_1267, %scan3A_1348 = %broadcast_in_dim3A_1269, %scan3A_1349 = %broadcast_in_dim3A_1271, %scan3A_1350 = %broadcast_in_dim3A_1273, %scan3A_1351 = %broadcast_in_dim3A_1275) -> (vector<16xf32>, vector<16xf32>, vector<16xf32>, vector<16xf32>, vector<16xf32>, vector<16xf32>, vector<16xf32>, vector<16xf32>, vector<16xf32>, vector<16xf32>, vector<16xf32>, vector<16xf32>, vector<16xf32>, vector<16xf32>, vector<16xf32>, vector<16xf32>, vector<16xf32>, vector<16xf32>, vector<16xf32>, vector<16xf32>, vector<16xf32>)  : i32 {
        %add3A_1352 = vector.broadcast %scan3A_1330 : i32 to vector<16xi32>
        %add3A_1353 = arith.addi %iota3A, %add3A_1352 : vector<16xi32>
        %and3A_1354 = arith.constant 63 : i32
        %and3A_1355 = vector.broadcast %and3A_1354 : i32 to vector<16xi32>
        %and3A_1356 = arith.andi %add3A_1353, %and3A_1355 : vector<16xi32>
        %gather3A_1357 = tpu.vector_load_idx %arg13[%add3A_1131, %add3A_1233, %and3A_1356] : memref<2x32x64xf32, #tpu.memory_space<vmem>>[vector<16xi32>, vector<16xi32>, vector<16xi32>], vector<16xf32>,
        %gather3A_1358 = tpu.vector_load_idx %arg14[%add3A_1131, %add3A_1233, %and3A_1356] : memref<2x32x64xf32, #tpu.memory_space<vmem>>[vector<16xi32>, vector<16xi32>, vector<16xi32>], vector<16xf32>,
        %mul3A_1359 = arith.mulf %gather3A_1357, %gather3A_1358 : vector<16xf32>
        %add3A_1360 = arith.addf %scan3A_1331, %mul3A_1359 : vector<16xf32>
        %broadcast_in_dim3A_1361 = arith.constant 0 : i32
        %broadcast_in_dim3A_1362 = vector.broadcast %broadcast_in_dim3A_1361 : i32 to vector<16xi32>
        %gather3A_1363 = tpu.vector_load_idx %arg15[%add3A_1131, %broadcast_in_dim3A_1362, %add3A_1233, %and3A_1356] : memref<2x20x32x64xf32, #tpu.memory_space<vmem>>[vector<16xi32>, vector<16xi32>, vector<16xi32>, vector<16xi32>], vector<16xf32>,
        %mul3A_1364 = arith.mulf %gather3A_1357, %gather3A_1363 : vector<16xf32>
        %add3A_1365 = arith.addf %scan3A_1332, %mul3A_1364 : vector<16xf32>
        %broadcast_in_dim3A_1366 = arith.constant 1 : i32
        %broadcast_in_dim3A_1367 = vector.broadcast %broadcast_in_dim3A_1366 : i32 to vector<16xi32>
        %gather3A_1368 = tpu.vector_load_idx %arg15[%add3A_1131, %broadcast_in_dim3A_1367, %add3A_1233, %and3A_1356] : memref<2x20x32x64xf32, #tpu.memory_space<vmem>>[vector<16xi32>, vector<16xi32>, vector<16xi32>, vector<16xi32>], vector<16xf32>,
        %mul3A_1369 = arith.mulf %gather3A_1357, %gather3A_1368 : vector<16xf32>
        %add3A_1370 = arith.addf %scan3A_1333, %mul3A_1369 : vector<16xf32>
        %broadcast_in_dim3A_1371 = arith.constant 2 : i32
        %broadcast_in_dim3A_1372 = vector.broadcast %broadcast_in_dim3A_1371 : i32 to vector<16xi32>
        %gather3A_1373 = tpu.vector_load_idx %arg15[%add3A_1131, %broadcast_in_dim3A_1372, %add3A_1233, %and3A_1356] : memref<2x20x32x64xf32, #tpu.memory_space<vmem>>[vector<16xi32>, vector<16xi32>, vector<16xi32>, vector<16xi32>], vector<16xf32>,
        %mul3A_1374 = arith.mulf %gather3A_1357, %gather3A_1373 : vector<16xf32>
        %add3A_1375 = arith.addf %scan3A_1334, %mul3A_1374 : vector<16xf32>
        %broadcast_in_dim3A_1376 = arith.constant 3 : i32
        %broadcast_in_dim3A_1377 = vector.broadcast %broadcast_in_dim3A_1376 : i32 to vector<16xi32>
        %gather3A_1378 = tpu.vector_load_idx %arg15[%add3A_1131, %broadcast_in_dim3A_1377, %add3A_1233, %and3A_1356] : memref<2x20x32x64xf32, #tpu.memory_space<vmem>>[vector<16xi32>, vector<16xi32>, vector<16xi32>, vector<16xi32>], vector<16xf32>,
        %mul3A_1379 = arith.mulf %gather3A_1357, %gather3A_1378 : vector<16xf32>
        %add3A_1380 = arith.addf %scan3A_1335, %mul3A_1379 : vector<16xf32>
        %broadcast_in_dim3A_1381 = arith.constant 4 : i32
        %broadcast_in_dim3A_1382 = vector.broadcast %broadcast_in_dim3A_1381 : i32 to vector<16xi32>
        %gather3A_1383 = tpu.vector_load_idx %arg15[%add3A_1131, %broadcast_in_dim3A_1382, %add3A_1233, %and3A_1356] : memref<2x20x32x64xf32, #tpu.memory_space<vmem>>[vector<16xi32>, vector<16xi32>, vector<16xi32>, vector<16xi32>], vector<16xf32>,
        %mul3A_1384 = arith.mulf %gather3A_1357, %gather3A_1383 : vector<16xf32>
        %add3A_1385 = arith.addf %scan3A_1336, %mul3A_1384 : vector<16xf32>
        %broadcast_in_dim3A_1386 = arith.constant 5 : i32
        %broadcast_in_dim3A_1387 = vector.broadcast %broadcast_in_dim3A_1386 : i32 to vector<16xi32>
        %gather3A_1388 = tpu.vector_load_idx %arg15[%add3A_1131, %broadcast_in_dim3A_1387, %add3A_1233, %and3A_1356] : memref<2x20x32x64xf32, #tpu.memory_space<vmem>>[vector<16xi32>, vector<16xi32>, vector<16xi32>, vector<16xi32>], vector<16xf32>,
        %mul3A_1389 = arith.mulf %gather3A_1357, %gather3A_1388 : vector<16xf32>
        %add3A_1390 = arith.addf %scan3A_1337, %mul3A_1389 : vector<16xf32>
        %broadcast_in_dim3A_1391 = arith.constant 6 : i32
        %broadcast_in_dim3A_1392 = vector.broadcast %broadcast_in_dim3A_1391 : i32 to vector<16xi32>
        %gather3A_1393 = tpu.vector_load_idx %arg15[%add3A_1131, %broadcast_in_dim3A_1392, %add3A_1233, %and3A_1356] : memref<2x20x32x64xf32, #tpu.memory_space<vmem>>[vector<16xi32>, vector<16xi32>, vector<16xi32>, vector<16xi32>], vector<16xf32>,
        %mul3A_1394 = arith.mulf %gather3A_1357, %gather3A_1393 : vector<16xf32>
        %add3A_1395 = arith.addf %scan3A_1338, %mul3A_1394 : vector<16xf32>
        %broadcast_in_dim3A_1396 = arith.constant 7 : i32
        %broadcast_in_dim3A_1397 = vector.broadcast %broadcast_in_dim3A_1396 : i32 to vector<16xi32>
        %gather3A_1398 = tpu.vector_load_idx %arg15[%add3A_1131, %broadcast_in_dim3A_1397, %add3A_1233, %and3A_1356] : memref<2x20x32x64xf32, #tpu.memory_space<vmem>>[vector<16xi32>, vector<16xi32>, vector<16xi32>, vector<16xi32>], vector<16xf32>,
        %mul3A_1399 = arith.mulf %gather3A_1357, %gather3A_1398 : vector<16xf32>
        %add3A_1400 = arith.addf %scan3A_1339, %mul3A_1399 : vector<16xf32>
        %broadcast_in_dim3A_1401 = arith.constant 8 : i32
        %broadcast_in_dim3A_1402 = vector.broadcast %broadcast_in_dim3A_1401 : i32 to vector<16xi32>
        %gather3A_1403 = tpu.vector_load_idx %arg15[%add3A_1131, %broadcast_in_dim3A_1402, %add3A_1233, %and3A_1356] : memref<2x20x32x64xf32, #tpu.memory_space<vmem>>[vector<16xi32>, vector<16xi32>, vector<16xi32>, vector<16xi32>], vector<16xf32>,
        %mul3A_1404 = arith.mulf %gather3A_1357, %gather3A_1403 : vector<16xf32>
        %add3A_1405 = arith.addf %scan3A_1340, %mul3A_1404 : vector<16xf32>
        %broadcast_in_dim3A_1406 = arith.constant 9 : i32
        %broadcast_in_dim3A_1407 = vector.broadcast %broadcast_in_dim3A_1406 : i32 to vector<16xi32>
        %gather3A_1408 = tpu.vector_load_idx %arg15[%add3A_1131, %broadcast_in_dim3A_1407, %add3A_1233, %and3A_1356] : memref<2x20x32x64xf32, #tpu.memory_space<vmem>>[vector<16xi32>, vector<16xi32>, vector<16xi32>, vector<16xi32>], vector<16xf32>,
        %mul3A_1409 = arith.mulf %gather3A_1357, %gather3A_1408 : vector<16xf32>
        %add3A_1410 = arith.addf %scan3A_1341, %mul3A_1409 : vector<16xf32>
        %broadcast_in_dim3A_1411 = arith.constant 10 : i32
        %broadcast_in_dim3A_1412 = vector.broadcast %broadcast_in_dim3A_1411 : i32 to vector<16xi32>
        %gather3A_1413 = tpu.vector_load_idx %arg15[%add3A_1131, %broadcast_in_dim3A_1412, %add3A_1233, %and3A_1356] : memref<2x20x32x64xf32, #tpu.memory_space<vmem>>[vector<16xi32>, vector<16xi32>, vector<16xi32>, vector<16xi32>], vector<16xf32>,
        %mul3A_1414 = arith.mulf %gather3A_1357, %gather3A_1413 : vector<16xf32>
        %add3A_1415 = arith.addf %scan3A_1342, %mul3A_1414 : vector<16xf32>
        %broadcast_in_dim3A_1416 = arith.constant 11 : i32
        %broadcast_in_dim3A_1417 = vector.broadcast %broadcast_in_dim3A_1416 : i32 to vector<16xi32>
        %gather3A_1418 = tpu.vector_load_idx %arg15[%add3A_1131, %broadcast_in_dim3A_1417, %add3A_1233, %and3A_1356] : memref<2x20x32x64xf32, #tpu.memory_space<vmem>>[vector<16xi32>, vector<16xi32>, vector<16xi32>, vector<16xi32>], vector<16xf32>,
        %mul3A_1419 = arith.mulf %gather3A_1357, %gather3A_1418 : vector<16xf32>
        %add3A_1420 = arith.addf %scan3A_1343, %mul3A_1419 : vector<16xf32>
        %broadcast_in_dim3A_1421 = arith.constant 12 : i32
        %broadcast_in_dim3A_1422 = vector.broadcast %broadcast_in_dim3A_1421 : i32 to vector<16xi32>
        %gather3A_1423 = tpu.vector_load_idx %arg15[%add3A_1131, %broadcast_in_dim3A_1422, %add3A_1233, %and3A_1356] : memref<2x20x32x64xf32, #tpu.memory_space<vmem>>[vector<16xi32>, vector<16xi32>, vector<16xi32>, vector<16xi32>], vector<16xf32>,
        %mul3A_1424 = arith.mulf %gather3A_1357, %gather3A_1423 : vector<16xf32>
        %add3A_1425 = arith.addf %scan3A_1344, %mul3A_1424 : vector<16xf32>
        %broadcast_in_dim3A_1426 = arith.constant 13 : i32
        %broadcast_in_dim3A_1427 = vector.broadcast %broadcast_in_dim3A_1426 : i32 to vector<16xi32>
        %gather3A_1428 = tpu.vector_load_idx %arg15[%add3A_1131, %broadcast_in_dim3A_1427, %add3A_1233, %and3A_1356] : memref<2x20x32x64xf32, #tpu.memory_space<vmem>>[vector<16xi32>, vector<16xi32>, vector<16xi32>, vector<16xi32>], vector<16xf32>,
        %mul3A_1429 = arith.mulf %gather3A_1357, %gather3A_1428 : vector<16xf32>
        %add3A_1430 = arith.addf %scan3A_1345, %mul3A_1429 : vector<16xf32>
        %broadcast_in_dim3A_1431 = arith.constant 14 : i32
        %broadcast_in_dim3A_1432 = vector.broadcast %broadcast_in_dim3A_1431 : i32 to vector<16xi32>
        %gather3A_1433 = tpu.vector_load_idx %arg15[%add3A_1131, %broadcast_in_dim3A_1432, %add3A_1233, %and3A_1356] : memref<2x20x32x64xf32, #tpu.memory_space<vmem>>[vector<16xi32>, vector<16xi32>, vector<16xi32>, vector<16xi32>], vector<16xf32>,
        %mul3A_1434 = arith.mulf %gather3A_1357, %gather3A_1433 : vector<16xf32>
        %add3A_1435 = arith.addf %scan3A_1346, %mul3A_1434 : vector<16xf32>
        %broadcast_in_dim3A_1436 = arith.constant 15 : i32
        %broadcast_in_dim3A_1437 = vector.broadcast %broadcast_in_dim3A_1436 : i32 to vector<16xi32>
        %gather3A_1438 = tpu.vector_load_idx %arg15[%add3A_1131, %broadcast_in_dim3A_1437, %add3A_1233, %and3A_1356] : memref<2x20x32x64xf32, #tpu.memory_space<vmem>>[vector<16xi32>, vector<16xi32>, vector<16xi32>, vector<16xi32>], vector<16xf32>,
        %mul3A_1439 = arith.mulf %gather3A_1357, %gather3A_1438 : vector<16xf32>
        %add3A_1440 = arith.addf %scan3A_1347, %mul3A_1439 : vector<16xf32>
        %broadcast_in_dim3A_1441 = arith.constant 16 : i32
        %broadcast_in_dim3A_1442 = vector.broadcast %broadcast_in_dim3A_1441 : i32 to vector<16xi32>
        %gather3A_1443 = tpu.vector_load_idx %arg15[%add3A_1131, %broadcast_in_dim3A_1442, %add3A_1233, %and3A_1356] : memref<2x20x32x64xf32, #tpu.memory_space<vmem>>[vector<16xi32>, vector<16xi32>, vector<16xi32>, vector<16xi32>], vector<16xf32>,
        %mul3A_1444 = arith.mulf %gather3A_1357, %gather3A_1443 : vector<16xf32>
        %add3A_1445 = arith.addf %scan3A_1348, %mul3A_1444 : vector<16xf32>
        %broadcast_in_dim3A_1446 = arith.constant 17 : i32
        %broadcast_in_dim3A_1447 = vector.broadcast %broadcast_in_dim3A_1446 : i32 to vector<16xi32>
        %gather3A_1448 = tpu.vector_load_idx %arg15[%add3A_1131, %broadcast_in_dim3A_1447, %add3A_1233, %and3A_1356] : memref<2x20x32x64xf32, #tpu.memory_space<vmem>>[vector<16xi32>, vector<16xi32>, vector<16xi32>, vector<16xi32>], vector<16xf32>,
        %mul3A_1449 = arith.mulf %gather3A_1357, %gather3A_1448 : vector<16xf32>
        %add3A_1450 = arith.addf %scan3A_1349, %mul3A_1449 : vector<16xf32>
        %broadcast_in_dim3A_1451 = arith.constant 18 : i32
        %broadcast_in_dim3A_1452 = vector.broadcast %broadcast_in_dim3A_1451 : i32 to vector<16xi32>
        %gather3A_1453 = tpu.vector_load_idx %arg15[%add3A_1131, %broadcast_in_dim3A_1452, %add3A_1233, %and3A_1356] : memref<2x20x32x64xf32, #tpu.memory_space<vmem>>[vector<16xi32>, vector<16xi32>, vector<16xi32>, vector<16xi32>], vector<16xf32>,
        %mul3A_1454 = arith.mulf %gather3A_1357, %gather3A_1453 : vector<16xf32>
        %add3A_1455 = arith.addf %scan3A_1350, %mul3A_1454 : vector<16xf32>
        %broadcast_in_dim3A_1456 = arith.constant 19 : i32
        %broadcast_in_dim3A_1457 = vector.broadcast %broadcast_in_dim3A_1456 : i32 to vector<16xi32>
        %gather3A_1458 = tpu.vector_load_idx %arg15[%add3A_1131, %broadcast_in_dim3A_1457, %add3A_1233, %and3A_1356] : memref<2x20x32x64xf32, #tpu.memory_space<vmem>>[vector<16xi32>, vector<16xi32>, vector<16xi32>, vector<16xi32>], vector<16xf32>,
        %mul3A_1459 = arith.mulf %gather3A_1357, %gather3A_1458 : vector<16xf32>
        %add3A_1460 = arith.addf %scan3A_1351, %mul3A_1459 : vector<16xf32>
        scf.yield %add3A_1360, %add3A_1365, %add3A_1370, %add3A_1375, %add3A_1380, %add3A_1385, %add3A_1390, %add3A_1395, %add3A_1400, %add3A_1405, %add3A_1410, %add3A_1415, %add3A_1420, %add3A_1425, %add3A_1430, %add3A_1435, %add3A_1440, %add3A_1445, %add3A_1450, %add3A_1455, %add3A_1460 : vector<16xf32>, vector<16xf32>, vector<16xf32>, vector<16xf32>, vector<16xf32>, vector<16xf32>, vector<16xf32>, vector<16xf32>, vector<16xf32>, vector<16xf32>, vector<16xf32>, vector<16xf32>, vector<16xf32>, vector<16xf32>, vector<16xf32>, vector<16xf32>, vector<16xf32>, vector<16xf32>, vector<16xf32>, vector<16xf32>, vector<16xf32>
      }
      %scan3A_1281 = arith.constant 64 : i32
      %mul3A_1282 = arith.constant 32 : i32
      %mul3A_1283 = arith.muli %scan3A_817, %mul3A_1282 : i32
      %add3A_1284 = arith.constant 16 : i32
      %add3A_1285 = arith.addi %mul3A_1283, %add3A_1284 : i32
      %swap3A_1286 = arith.index_cast %add3A_1285 : i32 to index
      %swap3A_1287 = tpu.vector_load %arg16[%swap3A_1286] {strides = array<i32>} : memref<512xf32, #tpu.memory_space<vmem>>, vector<16xf32>,
      tpu.vector_store %arg16[%swap3A_1286], %scan3A_1280#0 {strides = array<i32>} : memref<512xf32, #tpu.memory_space<vmem>>, vector<16xf32>,
      %add3A_1288 = vector.broadcast %add3A_1285 : i32 to vector<16xi32>
      %add3A_1289 = arith.addi %iota3A, %add3A_1288 : vector<16xi32>
      %broadcast_in_dim3A_1290 = arith.constant 0 : i32
      %broadcast_in_dim3A_1291 = vector.broadcast %broadcast_in_dim3A_1290 : i32 to vector<16xi32>
      tpu.vector_store_idx %arg17[%add3A_1289, %broadcast_in_dim3A_1291], %scan3A_1280#1 : memref<512x20xf32, #tpu.memory_space<vmem>>[vector<16xi32>, vector<16xi32>], vector<16xf32>,
      %broadcast_in_dim3A_1292 = arith.constant 1 : i32
      %broadcast_in_dim3A_1293 = vector.broadcast %broadcast_in_dim3A_1292 : i32 to vector<16xi32>
      tpu.vector_store_idx %arg17[%add3A_1289, %broadcast_in_dim3A_1293], %scan3A_1280#2 : memref<512x20xf32, #tpu.memory_space<vmem>>[vector<16xi32>, vector<16xi32>], vector<16xf32>,
      %broadcast_in_dim3A_1294 = arith.constant 2 : i32
      %broadcast_in_dim3A_1295 = vector.broadcast %broadcast_in_dim3A_1294 : i32 to vector<16xi32>
      tpu.vector_store_idx %arg17[%add3A_1289, %broadcast_in_dim3A_1295], %scan3A_1280#3 : memref<512x20xf32, #tpu.memory_space<vmem>>[vector<16xi32>, vector<16xi32>], vector<16xf32>,
      %broadcast_in_dim3A_1296 = arith.constant 3 : i32
      %broadcast_in_dim3A_1297 = vector.broadcast %broadcast_in_dim3A_1296 : i32 to vector<16xi32>
      tpu.vector_store_idx %arg17[%add3A_1289, %broadcast_in_dim3A_1297], %scan3A_1280#4 : memref<512x20xf32, #tpu.memory_space<vmem>>[vector<16xi32>, vector<16xi32>], vector<16xf32>,
      %broadcast_in_dim3A_1298 = arith.constant 4 : i32
      %broadcast_in_dim3A_1299 = vector.broadcast %broadcast_in_dim3A_1298 : i32 to vector<16xi32>
      tpu.vector_store_idx %arg17[%add3A_1289, %broadcast_in_dim3A_1299], %scan3A_1280#5 : memref<512x20xf32, #tpu.memory_space<vmem>>[vector<16xi32>, vector<16xi32>], vector<16xf32>,
      %broadcast_in_dim3A_1300 = arith.constant 5 : i32
      %broadcast_in_dim3A_1301 = vector.broadcast %broadcast_in_dim3A_1300 : i32 to vector<16xi32>
      tpu.vector_store_idx %arg17[%add3A_1289, %broadcast_in_dim3A_1301], %scan3A_1280#6 : memref<512x20xf32, #tpu.memory_space<vmem>>[vector<16xi32>, vector<16xi32>], vector<16xf32>,
      %broadcast_in_dim3A_1302 = arith.constant 6 : i32
      %broadcast_in_dim3A_1303 = vector.broadcast %broadcast_in_dim3A_1302 : i32 to vector<16xi32>
      tpu.vector_store_idx %arg17[%add3A_1289, %broadcast_in_dim3A_1303], %scan3A_1280#7 : memref<512x20xf32, #tpu.memory_space<vmem>>[vector<16xi32>, vector<16xi32>], vector<16xf32>,
      %broadcast_in_dim3A_1304 = arith.constant 7 : i32
      %broadcast_in_dim3A_1305 = vector.broadcast %broadcast_in_dim3A_1304 : i32 to vector<16xi32>
      tpu.vector_store_idx %arg17[%add3A_1289, %broadcast_in_dim3A_1305], %scan3A_1280#8 : memref<512x20xf32, #tpu.memory_space<vmem>>[vector<16xi32>, vector<16xi32>], vector<16xf32>,
      %broadcast_in_dim3A_1306 = arith.constant 8 : i32
      %broadcast_in_dim3A_1307 = vector.broadcast %broadcast_in_dim3A_1306 : i32 to vector<16xi32>
      tpu.vector_store_idx %arg17[%add3A_1289, %broadcast_in_dim3A_1307], %scan3A_1280#9 : memref<512x20xf32, #tpu.memory_space<vmem>>[vector<16xi32>, vector<16xi32>], vector<16xf32>,
      %broadcast_in_dim3A_1308 = arith.constant 9 : i32
      %broadcast_in_dim3A_1309 = vector.broadcast %broadcast_in_dim3A_1308 : i32 to vector<16xi32>
      tpu.vector_store_idx %arg17[%add3A_1289, %broadcast_in_dim3A_1309], %scan3A_1280#10 : memref<512x20xf32, #tpu.memory_space<vmem>>[vector<16xi32>, vector<16xi32>], vector<16xf32>,
      %broadcast_in_dim3A_1310 = arith.constant 10 : i32
      %broadcast_in_dim3A_1311 = vector.broadcast %broadcast_in_dim3A_1310 : i32 to vector<16xi32>
      tpu.vector_store_idx %arg17[%add3A_1289, %broadcast_in_dim3A_1311], %scan3A_1280#11 : memref<512x20xf32, #tpu.memory_space<vmem>>[vector<16xi32>, vector<16xi32>], vector<16xf32>,
      %broadcast_in_dim3A_1312 = arith.constant 11 : i32
      %broadcast_in_dim3A_1313 = vector.broadcast %broadcast_in_dim3A_1312 : i32 to vector<16xi32>
      tpu.vector_store_idx %arg17[%add3A_1289, %broadcast_in_dim3A_1313], %scan3A_1280#12 : memref<512x20xf32, #tpu.memory_space<vmem>>[vector<16xi32>, vector<16xi32>], vector<16xf32>,
      %broadcast_in_dim3A_1314 = arith.constant 12 : i32
      %broadcast_in_dim3A_1315 = vector.broadcast %broadcast_in_dim3A_1314 : i32 to vector<16xi32>
      tpu.vector_store_idx %arg17[%add3A_1289, %broadcast_in_dim3A_1315], %scan3A_1280#13 : memref<512x20xf32, #tpu.memory_space<vmem>>[vector<16xi32>, vector<16xi32>], vector<16xf32>,
      %broadcast_in_dim3A_1316 = arith.constant 13 : i32
      %broadcast_in_dim3A_1317 = vector.broadcast %broadcast_in_dim3A_1316 : i32 to vector<16xi32>
      tpu.vector_store_idx %arg17[%add3A_1289, %broadcast_in_dim3A_1317], %scan3A_1280#14 : memref<512x20xf32, #tpu.memory_space<vmem>>[vector<16xi32>, vector<16xi32>], vector<16xf32>,
      %broadcast_in_dim3A_1318 = arith.constant 14 : i32
      %broadcast_in_dim3A_1319 = vector.broadcast %broadcast_in_dim3A_1318 : i32 to vector<16xi32>
      tpu.vector_store_idx %arg17[%add3A_1289, %broadcast_in_dim3A_1319], %scan3A_1280#15 : memref<512x20xf32, #tpu.memory_space<vmem>>[vector<16xi32>, vector<16xi32>], vector<16xf32>,
      %broadcast_in_dim3A_1320 = arith.constant 15 : i32
      %broadcast_in_dim3A_1321 = vector.broadcast %broadcast_in_dim3A_1320 : i32 to vector<16xi32>
      tpu.vector_store_idx %arg17[%add3A_1289, %broadcast_in_dim3A_1321], %scan3A_1280#16 : memref<512x20xf32, #tpu.memory_space<vmem>>[vector<16xi32>, vector<16xi32>], vector<16xf32>,
      %broadcast_in_dim3A_1322 = arith.constant 16 : i32
      %broadcast_in_dim3A_1323 = vector.broadcast %broadcast_in_dim3A_1322 : i32 to vector<16xi32>
      tpu.vector_store_idx %arg17[%add3A_1289, %broadcast_in_dim3A_1323], %scan3A_1280#17 : memref<512x20xf32, #tpu.memory_space<vmem>>[vector<16xi32>, vector<16xi32>], vector<16xf32>,
      %broadcast_in_dim3A_1324 = arith.constant 17 : i32
      %broadcast_in_dim3A_1325 = vector.broadcast %broadcast_in_dim3A_1324 : i32 to vector<16xi32>
      tpu.vector_store_idx %arg17[%add3A_1289, %broadcast_in_dim3A_1325], %scan3A_1280#18 : memref<512x20xf32, #tpu.memory_space<vmem>>[vector<16xi32>, vector<16xi32>], vector<16xf32>,
      %broadcast_in_dim3A_1326 = arith.constant 18 : i32
      %broadcast_in_dim3A_1327 = vector.broadcast %broadcast_in_dim3A_1326 : i32 to vector<16xi32>
      tpu.vector_store_idx %arg17[%add3A_1289, %broadcast_in_dim3A_1327], %scan3A_1280#19 : memref<512x20xf32, #tpu.memory_space<vmem>>[vector<16xi32>, vector<16xi32>], vector<16xf32>,
      %broadcast_in_dim3A_1328 = arith.constant 19 : i32
      %broadcast_in_dim3A_1329 = vector.broadcast %broadcast_in_dim3A_1328 : i32 to vector<16xi32>
      tpu.vector_store_idx %arg17[%add3A_1289, %broadcast_in_dim3A_1329], %scan3A_1280#20 : memref<512x20xf32, #tpu.memory_space<vmem>>[vector<16xi32>, vector<16xi32>], vector<16xf32>,
    }
    %scan3A_816 = arith.constant 16 : i32
    "tpu.region"() ({
      %run_scoped3A = tpu.sem_alloc : memref<!tpu.dma_semaphore, #tpu.memory_space<semaphore_mem>>
      %dma_start3A_817 = arith.constant 0 : i32
      %dma_start3A_818 = tpu.memref_slice %arg7[%add3A, %dma_start3A_817] : memref<32x512xf32, #tpu.memory_space<hbm>> -> memref<1x512xf32, #tpu.memory_space<hbm>>
      %dma_start3A_819 = tpu.memref_squeeze %dma_start3A_818 : memref<1x512xf32, #tpu.memory_space<hbm>> -> memref<512xf32, #tpu.memory_space<hbm>>
      %dma_start3A_820 = arith.constant 0 : i32
      %dma_start3A_821 = tpu.memref_slice %arg7[%add3A, %dma_start3A_820] : memref<32x512xf32, #tpu.memory_space<hbm>> -> memref<1x512xf32, #tpu.memory_space<hbm>>
      %dma_start3A_822 = tpu.memref_squeeze %dma_start3A_821 : memref<1x512xf32, #tpu.memory_space<hbm>> -> memref<512xf32, #tpu.memory_space<hbm>>
      tpu.enqueue_dma source(%arg16 : memref<512xf32, #tpu.memory_space<vmem>>) target(%dma_start3A_822 : memref<512xf32, #tpu.memory_space<hbm>>) target_semaphore(%run_scoped3A : memref<!tpu.dma_semaphore, #tpu.memory_space<semaphore_mem>>)
      %dma_wait3A = arith.constant 0 : i32
      %dma_wait3A_823 = tpu.memref_slice %arg7[%add3A, %dma_wait3A] : memref<32x512xf32, #tpu.memory_space<hbm>> -> memref<1x512xf32, #tpu.memory_space<hbm>>
      %dma_wait3A_824 = tpu.memref_squeeze %dma_wait3A_823 : memref<1x512xf32, #tpu.memory_space<hbm>> -> memref<512xf32, #tpu.memory_space<hbm>>
      %dma_wait3A_825 = arith.constant 0 : i32
      %dma_wait3A_826 = tpu.memref_slice %arg7[%add3A, %dma_wait3A_825] : memref<32x512xf32, #tpu.memory_space<hbm>> -> memref<1x512xf32, #tpu.memory_space<hbm>>
      %dma_wait3A_827 = tpu.memref_squeeze %dma_wait3A_826 : memref<1x512xf32, #tpu.memory_space<hbm>> -> memref<512xf32, #tpu.memory_space<hbm>>
      tpu.wait_dma2 semaphore(%run_scoped3A : memref<!tpu.dma_semaphore, #tpu.memory_space<semaphore_mem>>) src(%arg16 : memref<512xf32, #tpu.memory_space<vmem>>) dst(%dma_wait3A_827 : memref<512xf32, #tpu.memory_space<hbm>>)
      tpu.yield
    }) : () -> ()
    "tpu.region"() ({
      %run_scoped3A = tpu.sem_alloc : memref<!tpu.dma_semaphore, #tpu.memory_space<semaphore_mem>>
      %dma_start3A_817 = arith.constant 0 : i32
      %dma_start3A_818 = arith.constant 0 : i32
      %dma_start3A_819 = tpu.memref_slice %arg8[%add3A, %dma_start3A_817, %dma_start3A_818] : memref<32x512x20xf32, #tpu.memory_space<hbm>> -> memref<1x512x20xf32, #tpu.memory_space<hbm>>
      %dma_start3A_820 = tpu.memref_squeeze %dma_start3A_819 : memref<1x512x20xf32, #tpu.memory_space<hbm>> -> memref<512x20xf32, #tpu.memory_space<hbm>>
      %dma_start3A_821 = arith.constant 0 : i32
      %dma_start3A_822 = arith.constant 0 : i32
      %dma_start3A_823 = tpu.memref_slice %arg8[%add3A, %dma_start3A_821, %dma_start3A_822] : memref<32x512x20xf32, #tpu.memory_space<hbm>> -> memref<1x512x20xf32, #tpu.memory_space<hbm>>
      %dma_start3A_824 = tpu.memref_squeeze %dma_start3A_823 : memref<1x512x20xf32, #tpu.memory_space<hbm>> -> memref<512x20xf32, #tpu.memory_space<hbm>>
      tpu.enqueue_dma source(%arg17 : memref<512x20xf32, #tpu.memory_space<vmem>>) target(%dma_start3A_824 : memref<512x20xf32, #tpu.memory_space<hbm>>) target_semaphore(%run_scoped3A : memref<!tpu.dma_semaphore, #tpu.memory_space<semaphore_mem>>)
      %dma_wait3A = arith.constant 0 : i32
      %dma_wait3A_825 = arith.constant 0 : i32
      %dma_wait3A_826 = tpu.memref_slice %arg8[%add3A, %dma_wait3A, %dma_wait3A_825] : memref<32x512x20xf32, #tpu.memory_space<hbm>> -> memref<1x512x20xf32, #tpu.memory_space<hbm>>
      %dma_wait3A_827 = tpu.memref_squeeze %dma_wait3A_826 : memref<1x512x20xf32, #tpu.memory_space<hbm>> -> memref<512x20xf32, #tpu.memory_space<hbm>>
      %dma_wait3A_828 = arith.constant 0 : i32
      %dma_wait3A_829 = arith.constant 0 : i32
      %dma_wait3A_830 = tpu.memref_slice %arg8[%add3A, %dma_wait3A_828, %dma_wait3A_829] : memref<32x512x20xf32, #tpu.memory_space<hbm>> -> memref<1x512x20xf32, #tpu.memory_space<hbm>>
      %dma_wait3A_831 = tpu.memref_squeeze %dma_wait3A_830 : memref<1x512x20xf32, #tpu.memory_space<hbm>> -> memref<512x20xf32, #tpu.memory_space<hbm>>
      tpu.wait_dma2 semaphore(%run_scoped3A : memref<!tpu.dma_semaphore, #tpu.memory_space<semaphore_mem>>) src(%arg17 : memref<512x20xf32, #tpu.memory_space<vmem>>) dst(%dma_wait3A_831 : memref<512x20xf32, #tpu.memory_space<hbm>>)
      tpu.yield
    }) : () -> ()
    return
  }
}

</mosaic_0001>

<sc_bundles>
// kernel: _skipgram.3.cloned.1.call-start
scs
__scs_entry_jumppad:
0x0: {  	(pc) =	sbr.rel $0x88, $3  }
0x1: {  	(tag) =	ssettag $0x0;
	lr =	simm.s32 $0x1  }
0x2: {  	[smem:$0x3F9C] =	sst lr;
	_ =	strace $0xD0000000  }
0x3: {  	_ = 	snop  }
0x4: {  	_ = 	snop  }
0x5: {  	_ = 	snop  }
0x6: {  	_ = 	snop  }
0x7: {  	_ = 	snop  }
__scs_overlays_trampoline_lowered:
0x8: {  	[smem:$0x3FAB] =	sst s0  }
0x9: {  	[smem:$0x3FAC] =	sst s1  }
0xa: {  	[smem:$0x3FAD] =	sst s2  }
0xb: {  	[smem:$0x3FAE] =	sst s3  }
0xc: {  	[smem:$0x3FAF] =	sst s4  }
0xd: {  	[smem:$0x3FB0] =	sst s5  }
0xe: {  	[smem:$0x3FB1] =	sst s6  }
0xf: {  	[smem:$0x3FB2] =	sst s7  }
0x10: {  	[smem:$0x3FB3] =	sst s8  }
0x11: {  	[smem:$0x3FB4] =	sst s9;
	s0 =	simm.s32 @!p0 $0x0  }
0x12: {  	s1 =	sld [smem:$0x3F9A];
	s0 =	simm.s32 @p0 $0x1  }
0x13: {  	[smem:$0x3FB5] =	sst s0;
	s0 =	simm.s32 @!p1 $0x0  }
0x14: {  	s2 =	sld [smem:$0x3F99];
	s0 =	simm.s32 @p1 $0x1  }
0x15: {  	[smem:$0x3FB6] =	sst s0;
	s0 =	simm.s32 @!p2 $0x0  }
0x16: {  	s3 =	sld [smem:$0x3FDB];
	s0 =	simm.s32 @p2 $0x1  }
0x17: {  	s4 =	simm.s32 $0x1BF5;
	[smem:$0x3FB8] =	sst s0  }
0x18: {  	s0 =	sld [smem:$0x3F9B];
	_ =	swait.ge [sflag:s4], $0x0  }
0x19: {  	s7 =	sld [smem:$0x3F9C]  }
0x1a: {  	s8 =	sadd.s32 $0xFFFFE003, lr  }
0x1b: {  	s9 =	sadd.s32 $0xFFFFFEF7, lr;
	s5 =	simm.s32 $0xFFFFFFFF;
	p2 =	slt.u32 s8, $0xFFFFF086  }
0x1c: {  	p1 =	slt.u32 s9, $0xF7A;
	s5 =	simm.s32 @!p2 $0x0  }
0x1d: {  	s5 =	simm.s32 @p1 $0x1;
	p0 =	seq.s32 s7, s2  }
0x1e: {  	s7 =	smul.u32 @!p0 $0xF7A, s2;
	p2 =	seq.s32 @!p0 s5, $0x0  }
0x1f: {  	s9 =	smul.u32 $0xF7A, s1;
	s8 =	simm.s32 @!p0 $0x1BF5;
	p2 =	por !p2, p0  }
0x20: {  	[sflag:s8] =	ssyncset.s32 @!p0 $0xFFFFF086;
	s6 =	sadd.s32 @!p0 s3, s7;
	s7 =	simm.s32 @!p0 $0x108  }
0x21: {  	s3 =	sadd.s32 s3, s9;
	s6 =	sadd.s32 @!p0 $0x88, s6;
	s7 =	simm.s32 @p2 $0x1082  }
0x22: {  	[simem:s7], [sflag:s8] =	dma.local @!p0 [hbm:s6], $0xF7A  }
0x23: {  	s9 =	sor.u32 $0xD0000000, s2;
	s6 =	simm.s32 $0x108;
	_ =	swait.ge @!p0 [sflag:s8], $0x0  }
0x24: {  	s3 =	sadd.s32 $0x88, s3;
	s6 =	simm.s32 @!p1 $0x1082;
	[sflag:s4] =	ssyncset.s32 $0xFFFFF086  }
0x25: {  	[simem:s6], [sflag:s4] =	dma.local [hbm:s3], $0xF7A  }
0x26: {  	[smem:$0x3F9C] =	sst s1;
	(tag) =	ssettag s2;
	_ =	strace s9  }
0x27: {  	s1 =	sld [smem:$0x3FAC]  }
0x28: {  	s2 =	sld [smem:$0x3FAD]  }
0x29: {  	s4 =	sld [smem:$0x3FAF]  }
0x2a: {  	p0 =	seq.s32 s5, $0x0;
	s5 =	sld [smem:$0x3FB0]  }
0x2b: {  	s6 =	sld [smem:$0x3FB1]  }
0x2c: {  	s7 =	sld [smem:$0x3FB2]  }
0x2d: {  	s3 =	simm.s32 $0x108;
	s8 =	sld [smem:$0x3FB3]  }
0x2e: {  	s3 =	simm.s32 @!p0 $0x1082;
	s9 =	sld [smem:$0x3FB4]  }
0x2f: {  	lr =	sadd.s32 s0, s3;
	s0 =	sld [smem:$0x3FAB]  }
0x30: {  	s3 =	sld [smem:$0x3FAE]  }
0x31: {  	[smem:$0x3FB7] =	sst s10  }
0x32: {  	s10 =	sld [smem:$0x3FB5];
	_ =	sdelay $0x3  }
0x33: {  	p0 =	seq.s32 s10, $0x1;
	s10 =	sld [smem:$0x3FB7];
	_ =	sdelay $0x3  }
0x34: {  	[smem:$0x3FB7] =	sst s10  }
0x35: {  	s10 =	sld [smem:$0x3FB6];
	_ =	sdelay $0x3  }
0x36: {  	p1 =	seq.s32 s10, $0x1;
	s10 =	sld [smem:$0x3FB7];
	_ =	sdelay $0x3  }
0x37: {  	[smem:$0x3FB7] =	sst s10  }
0x38: {  	s10 =	sld [smem:$0x3FB8]  }
0x39: {  	_ = 	snop;
	(pc) =	sbr.ind lr, $3  }
0x3a: {  	_ = 	snop  }
0x3b: {  	_ = 	snop  }
0x3c: {  	p2 =	seq.s32 s10, $0x1;
	s10 =	sld [smem:$0x3FB7]  }
0x3d: {  	_ =	shalt  }
0x3e: {  	_ =	shalt  }
0x3f: {  	_ =	shalt  }
0x40: {  	_ =	shalt  }
0x41: {  	_ =	shalt  }
0x42: {  	_ =	shalt  }
0x43: {  	_ =	shalt  }
0x44: {  	_ =	shalt  }
0x45: {  	_ =	shalt  }
0x46: {  	_ =	shalt  }
0x47: {  	_ =	shalt  }
0x48: {  	_ =	shalt  }
0x49: {  	_ =	shalt  }
0x4a: {  	_ =	shalt  }
0x4b: {  	_ =	shalt  }
0x4c: {  	_ =	shalt  }
0x4d: {  	_ =	shalt  }
0x4e: {  	_ =	shalt  }
0x4f: {  	_ =	shalt  }
0x50: {  	_ =	shalt  }
0x51: {  	_ =	shalt  }
0x52: {  	_ =	shalt  }
0x53: {  	_ =	shalt  }
0x54: {  	_ =	shalt  }
0x55: {  	_ =	shalt  }
0x56: {  	_ =	shalt  }
0x57: {  	_ =	shalt  }
0x58: {  	_ =	shalt  }
0x59: {  	_ =	shalt  }
0x5a: {  	_ =	shalt  }
0x5b: {  	_ =	shalt  }
0x5c: {  	_ =	shalt  }
0x5d: {  	_ =	shalt  }
0x5e: {  	_ =	shalt  }
0x5f: {  	_ =	shalt  }
0x60: {  	_ =	shalt  }
0x61: {  	_ =	shalt  }
0x62: {  	_ =	shalt  }
0x63: {  	_ =	shalt  }
0x64: {  	_ =	shalt  }
0x65: {  	_ =	shalt  }
0x66: {  	_ =	shalt  }
0x67: {  	_ =	shalt  }
0x68: {  	_ =	shalt  }
0x69: {  	_ =	shalt  }
0x6a: {  	_ =	shalt  }
0x6b: {  	_ =	shalt  }
0x6c: {  	_ =	shalt  }
0x6d: {  	_ =	shalt  }
0x6e: {  	_ =	shalt  }
0x6f: {  	_ =	shalt  }
0x70: {  	_ =	shalt  }
0x71: {  	_ =	shalt  }
0x72: {  	_ =	shalt  }
0x73: {  	_ =	shalt  }
0x74: {  	_ =	shalt  }
0x75: {  	_ =	shalt  }
0x76: {  	_ =	shalt  }
0x77: {  	_ =	shalt  }
0x78: {  	_ =	shalt  }
0x79: {  	_ =	shalt  }
0x7a: {  	_ =	shalt  }
0x7b: {  	_ =	shalt  }
0x7c: {  	_ =	shalt  }
0x7d: {  	_ =	shalt  }
0x7e: {  	_ =	shalt  }
0x7f: {  	_ =	shalt  }
0x80: {  	_ =	shalt  }
0x81: {  	_ =	shalt  }
0x82: {  	_ =	shalt  }
0x83: {  	_ =	shalt  }
0x84: {  	_ =	shalt  }
0x85: {  	_ =	shalt  }
0x86: {  	_ =	shalt  }
0x87: {  	_ =	shalt  }
.Lfunc_end0:
.L_simem_size_0:
called_computation_lowered:
.L_overlay_start_0:
0x88: {  	s2 =	sld [smem:$0x3FD9]  }
0x89: {  	s3 =	sld [smem:$0x3FFE];
	_ =	sdelay $0x1  }
0x8a: {  	s1 =	srdreg.scid  }
0x8b: {  	s0 =	sand.u32 $0x1, s1  }
0x8c: {  	s14 =	sshll.u32 s0, $0xA;
	s2 =	sadd.s32 s3, s2  }
0x8d: {  	s2 =	sadd.s32 s2, s14  }
0x8e: {  	[smem:$0x3FC3] =	sst s2  }
0x8f: {  	_ = 	snop  }
0x90: {  	s2 =	sld [smem:$0x3FD0];
	_ =	sdelay $0x2  }
0x91: {  	s15 =	simm.s32 $0xA;
	s4 =	simm.s32 $0x10  }
0x92: {  	[smem:s4], [sflag:s15] =	dma.local [hbm:s2], $0x1  }
0x93: {  	_ =	swait.eq [sflag:s15], $0x1  }
0x94: {  	[sflag:s15] =	ssyncset.done $0x0  }
0x95: {  	s16 =	sld [smem:$0x10];
	[sflag:s15] =	ssyncadd.s32 $0xFFFFFFFF  }
0x96: {  	s17 =	sld [smem:$0x11];
	(tm) =	ssettm $0x1  }
0x97: {  	s18 =	sld [smem:$0x3FFB];
	_ =	sdelay $0x3  }
0x98: {  	_ =	strace s18  }
0x99: {  	s4 =	sld [smem:$0x3FFC];
	_ =	sdelay $0x3  }
0x9a: {  	_ =	strace s4  }
0x9b: {  	s4 =	sld [smem:$0x3FFD];
	_ =	sdelay $0x3  }
0x9c: {  	_ =	strace s4  }
0x9d: {  	_ =	strace $0x8FFFFFFF  }
0x9e: {  	s19 =	sld [smem:$0x3FDB];
	_ =	sdelay $0x1  }
0x9f: {  	s5 =	simm.s32 $_scs_section_size  }
0xa0: {  	s6 =	simm.s32 $_size__tile_overlayer_lowered;
	s7 =	simm.s32 $_tile_overlayer_lowered  }
0xa1: {  	s22 =	simm.s32 $0x1BFF;
	s21 =	sshll.u32 s7, $0x1;
	s4 =	sadd.s32 s5, s19  }
0xa2: {  	s8 =	simm.s32 $0x0;
	s20 =	sshll.u32 s6, $0x1;
	s6 =	sadd.s32 s21, s4  }
0xa3: {  	[timem:s8], [sflag:s22] =	dma.local [hbm:s6], s20  }
0xa4: {  	_ =	swait.ge [sflag:s22], s20  }
0xa5: {  	s5 =	ssub.s32 $0x0, s20;
	[sflag:s22] =	ssyncset.done $0x0  }
0xa6: {  	[sflag:s22] =	ssyncadd.s32 s5;
	_ =	sdelay $0x1  }
0xa7: {  	s23 =	simm.s32 $0x1B8B  }
0xa8: {  	_ =	swait.ge [sflag:s23], $0x1  }
0xa9: {  	[sflag:s23] =	ssyncset.done $0x0  }
0xaa: {  	s25 =	simm.s32 $0x1B8E;
	s24 =	sld [smem:$0x3FFE];
	[sflag:s23] =	ssyncadd.s32 $0xFFFFFFFF  }
0xab: {  	s26 =	simm.s32 $execute0_lowered;
	[smem:$0x3FD2] =	sst s25  }
0xac: {  	s6 =	sshll.u32 s26, $0x1;
	_ =	strace $0x80000046;
	[dreg:$0x1] =	wrdreg $0xFFFFFFFF  }
0xad: {  	s28 =	simm.s32 $_size_execute0_lowered;
	s4 =	sadd.s32 s4, s6;
	[dreg:$0x0] =	wrdreg $0x0  }
0xae: {  	s6 =	sshll.u32 s28, $0x1;
	[dreg:$0x2] =	wrdreg s4  }
0xaf: {  	[dreg:$0x3] =	wrdreg s6  }
0xb0: {  	[dreg:$0x4] =	wrdreg $0xC0  }
0xb1: {  	_ =	task [dreg:s8], $0x5FFFF  }
0xb2: {  	[dreg:$0x1] =	wrdreg $0xFFFFFFFF  }
0xb3: {  	[dreg:$0x0] =	wrdreg $0x60  }
0xb4: {  	[dreg:$0x2] =	wrdreg s24  }
0xb5: {  	[dreg:$0x3] =	wrdreg s16  }
0xb6: {  	[dreg:$0x4] =	wrdreg s17  }
0xb7: {  	[dreg:$0x5] =	wrdreg $0x9  }
0xb8: {  	_ =	task.clear_ibuf [dreg:s8], $0x6FFFF;
	_ =	strace $0x90000046  }
0xb9: {  	s29 =	simm.s32 $0x9;
	_ =	strace $0x80000048  }
0xba: {  	_ =	swait.ge [sflag:s29], $0x1  }
0xbb: {  	[sflag:s29] =	ssyncadd.s32 $0xFFFFFFFF  }
0xbc: {  	_ =	strace $0x90000048  }
0xbd: {  	_ =	sfence  }
0xbe: {  	s30 =	sld [smem:$0x0];
	_ =	sdelay $0x2  }
0xbf: {  	s31 =	sshll.u32 s1, $0xD;
	s1 =	sshrl.u32 s1, $0x2  }
0xc0: {  	s3 =	sand.u32 $0x4000, s31;
	s1 =	sadd.s32 s1, s30  }
0xc1: {  	s0 =	sor.u32 s3, s0;
	s1 =	sshll.u32 s1, $0x11  }
0xc2: {  	s0 =	sor.u32 s1, s0  }
0xc3: {  	s0 =	sadd.s32 $0x8F2B, s0  }
0xc4: {  	[sflag:s0] =	ssyncadd.remote.s32 $0x1  }
0xc5: {  	_ =	sfence.sel $0xFFFF  }
0xc6: {  	[dreg:$0x0] =	wrdreg $0xFFFFFFFF;
	(pc) =	sbr.abs _section_cstart, $3  }
0xc7: {  	[dreg:$0x1] =	wrdreg $0xFFFFFFFF  }
0xc8: {  	_ =	task.clear_ibuf [dreg:s8], $0x2FFFF;
	_ =	strace $0x9FFFFFFF  }
0xc9: {  	(tm) =	ssettm $0x7FFFFFFF  }
tec
execute0_lowered:
.L_overlay_start_1:
0x0: {  	(tag) =	ssettag $0x1  }
0x1: {  	s0 =	rddreg [dreg:$0x0];
	v0 =	vlaneseq.u32  }
0x2: {  	s1 =	rddreg [dreg:$0x1];
	s2 =	simm.s32 $0x0;
	v1 =	vmul.u32 $0x18, v0  }
0x3: {  	[smem:$0x7FF] =	sst s2  }
0x4: {  	s6 =	rddreg [dreg:$0x2];
	_ =	strace $0x80000047;
	v2 =	vadd.s32 $0x180, v1;
	[tilespmem:$0x1FE60] =	vst v1  }
0x5: {  	v3 =	vadd.s32 $0x12, v1;
	[tilespmem:$0x1FC00] =	vst v2  }
0x6: {  	v2 =	vor.u32 $0x1, v1;
	[tilespmem:$0x1FE30] =	vst v3  }
0x7: {  	v3 =	vadd.s32 $0x192, v1;
	[tilespmem:$0x1FC10] =	vst v2  }
0x8: {  	v2 =	vadd.s32 $0x181, v1;
	[tilespmem:$0x1FE40] =	vst v3  }
0x9: {  	v3 =	vadd.s32 $0x13, v1;
	[tilespmem:$0x1FC20] =	vst v2  }
0xa: {  	v2 =	vor.u32 $0x2, v1;
	[tilespmem:$0x1FE50] =	vst v3  }
0xb: {  	[tilespmem:$0x1FC30] =	vst v2;
	v2 =	vadd.s32 $0x182, v1  }
0xc: {  	[tilespmem:$0x1FC40] =	vst v2;
	v2 =	vor.u32 $0x3, v1  }
0xd: {  	[tilespmem:$0x1FC50] =	vst v2;
	v2 =	vadd.s32 $0x183, v1  }
0xe: {  	[tilespmem:$0x1FC60] =	vst v2;
	v2 =	vor.u32 $0x4, v1  }
0xf: {  	[tilespmem:$0x1FC70] =	vst v2;
	v2 =	vadd.s32 $0x184, v1  }
0x10: {  	[tilespmem:$0x1FC80] =	vst v2;
	v2 =	vor.u32 $0x5, v1  }
0x11: {  	[tilespmem:$0x1FC90] =	vst v2;
	v2 =	vadd.s32 $0x185, v1  }
0x12: {  	[tilespmem:$0x1FCA0] =	vst v2;
	v2 =	vor.u32 $0x6, v1  }
0x13: {  	[tilespmem:$0x1FCB0] =	vst v2;
	v2 =	vadd.s32 $0x186, v1  }
0x14: {  	[tilespmem:$0x1FCC0] =	vst v2;
	v2 =	vor.u32 $0x7, v1  }
0x15: {  	[tilespmem:$0x1FCD0] =	vst v2;
	v2 =	vadd.s32 $0x187, v1  }
0x16: {  	[tilespmem:$0x1FCE0] =	vst v2;
	v2 =	vadd.s32 $0x8, v1  }
0x17: {  	[tilespmem:$0x1FCF0] =	vst v2;
	v2 =	vadd.s32 $0x188, v1  }
0x18: {  	[tilespmem:$0x1FD00] =	vst v2;
	v2 =	vadd.s32 $0x9, v1  }
0x19: {  	[tilespmem:$0x1FD10] =	vst v2;
	v2 =	vadd.s32 $0x189, v1  }
0x1a: {  	[tilespmem:$0x1FD20] =	vst v2;
	v2 =	vadd.s32 $0xA, v1  }
0x1b: {  	[tilespmem:$0x1FD30] =	vst v2;
	v2 =	vadd.s32 $0x18A, v1  }
0x1c: {  	[tilespmem:$0x1FD40] =	vst v2;
	v2 =	vadd.s32 $0xB, v1  }
0x1d: {  	[tilespmem:$0x1FD50] =	vst v2;
	v2 =	vadd.s32 $0x18B, v1  }
0x1e: {  	[tilespmem:$0x1FD60] =	vst v2;
	v2 =	vadd.s32 $0xC, v1  }
0x1f: {  	[tilespmem:$0x1FD70] =	vst v2;
	v2 =	vadd.s32 $0x18C, v1  }
0x20: {  	[tilespmem:$0x1FD80] =	vst v2;
	v2 =	vadd.s32 $0xD, v1  }
0x21: {  	[tilespmem:$0x1FD90] =	vst v2;
	v2 =	vadd.s32 $0x18D, v1  }
0x22: {  	[tilespmem:$0x1FDA0] =	vst v2;
	v2 =	vadd.s32 $0xE, v1  }
0x23: {  	[tilespmem:$0x1FDB0] =	vst v2;
	v2 =	vadd.s32 $0x18E, v1  }
0x24: {  	[tilespmem:$0x1FDC0] =	vst v2;
	v2 =	vadd.s32 $0xF, v1  }
0x25: {  	[tilespmem:$0x1FDD0] =	vst v2;
	v2 =	vadd.s32 $0x18F, v1  }
0x26: {  	[tilespmem:$0x1FDE0] =	vst v2;
	v2 =	vadd.s32 $0x10, v1  }
0x27: {  	[tilespmem:$0x1FDF0] =	vst v2;
	v2 =	vadd.s32 $0x190, v1  }
0x28: {  	[tilespmem:$0x1FE00] =	vst v2;
	v2 =	vadd.s32 $0x11, v1  }
0x29: {  	[tilespmem:$0x1FE10] =	vst v2;
	v2 =	vadd.s32 $0x191, v1  }
0x2a: {  	v1 =	vadd.s32 $0x193, v1;
	[tilespmem:$0x1FE20] =	vst v2;
	v2 =	vmul.u32 $0x40, v0  }
0x2b: {  	[tilespmem:$0x1FE70] =	vst v1  }
0x2c: {  	v1 =	vor.u32 $0x800, v2;
	[tilespmem:$0x1FFE0] =	vst v2  }
0x2d: {  	[tilespmem:$0x1FE80] =	vst v1;
	v1 =	vor.u32 $0x1000, v2  }
0x2e: {  	[tilespmem:$0x1FE90] =	vst v1;
	v1 =	vor.u32 $0x1800, v2  }
0x2f: {  	[tilespmem:$0x1FEA0] =	vst v1;
	v1 =	vor.u32 $0x2000, v2  }
0x30: {  	[tilespmem:$0x1FEB0] =	vst v1;
	v1 =	vor.u32 $0x2800, v2  }
0x31: {  	[tilespmem:$0x1FEC0] =	vst v1;
	v1 =	vor.u32 $0x3000, v2  }
0x32: {  	[tilespmem:$0x1FED0] =	vst v1;
	v1 =	vor.u32 $0x3800, v2  }
0x33: {  	[tilespmem:$0x1FEE0] =	vst v1;
	v1 =	vor.u32 $0x4000, v2  }
0x34: {  	[tilespmem:$0x1FEF0] =	vst v1;
	v1 =	vor.u32 $0x4800, v2  }
0x35: {  	[tilespmem:$0x1FF00] =	vst v1;
	v1 =	vor.u32 $0x5000, v2  }
0x36: {  	[tilespmem:$0x1FF10] =	vst v1;
	v1 =	vor.u32 $0x5800, v2  }
0x37: {  	[tilespmem:$0x1FF20] =	vst v1;
	v1 =	vor.u32 $0x6000, v2  }
0x38: {  	[tilespmem:$0x1FF30] =	vst v1;
	v1 =	vor.u32 $0x6800, v2  }
0x39: {  	s3 =	srdreg.scid;
	s5 =	stileid.u32;
	s11 =	simm.s32 $0x3;
	[tilespmem:$0x1FF40] =	vst v1;
	v1 =	vor.u32 $0x7000, v2  }
0x3a: {  	s12 =	simm.s32 $0x200;
	s13 =	simm.s32 $0x400;
	s14 =	simm.s32 $0x20;
	[tilespmem:$0x1FF50] =	vst v1;
	v1 =	vor.u32 $0x7800, v2  }
0x3b: {  	s15 =	simm.s32 $0x3900;
	s16 =	simm.s32 $0x4900;
	s18 =	simm.s32 $0x5900;
	[tilespmem:$0x1FF60] =	vst v1;
	v1 =	vor.u32 $0x8000, v2  }
0x3c: {  	s24 =	simm.s32 $0xE900;
	s25 =	simm.s32 $0x3660;
	s26 =	simm.s32 $0xF100;
	[tilespmem:$0x1FF70] =	vst v1;
	v1 =	vor.u32 $0x8800, v2  }
0x3d: {  	s28 =	simm.s32 $0x19B00;
	s29 =	simm.s32 $0x19900;
	s30 =	simm.s32 $0x0;
	[tilespmem:$0x1FF80] =	vst v1;
	v1 =	vor.u32 $0x9000, v2  }
0x3e: {  	s4 =	sand.u32 $0x1, s3;
	s5 =	sshll.u32 s5, $0x1;
	s3 =	sadd.s32 $0x16E4600, s0;
	[tilespmem:$0x1FF90] =	vst v1;
	v1 =	vor.u32 $0x9800, v2  }
0x3f: {  	s5 =	sor.u32 s4, s5;
	s8 =	ssub.s32 $0x2, s4;
	s4 =	sadd.s32 $0xF43400, s0;
	[tilespmem:$0x1FFA0] =	vst v1;
	v1 =	vor.u32 $0x400, v2  }
0x40: {  	s7 =	sshll.u32 s5, $0x6;
	s5 =	smul.u32 $0x600, s5;
	s10 =	sshrl.u32 s8, $0x1;
	[tilespmem:$0x1FFB0] =	vst v1;
	v1 =	vor.u32 $0xC00, v2  }
0x41: {  	s9 =	sadd.s32 s7, s0;
	s10 =	ssub.s32 s8, s10;
	s6 =	sadd.s32 s6, s7;
	[tilespmem:$0x1FFC0] =	vst v1;
	v1 =	vor.u32 $0x1400, v2  }
0x42: {  	s0 =	sadd.s32 s5, s0;
	s5 =	sadd.s32 s1, s7;
	s8 =	sadd.s32 $0x19000, s9;
	[tilespmem:$0x1FFD0] =	vst v1;
	v1 =	vor.u32 $0x1C00, v2  }
0x43: {  	s10 =	smax.u32 s10, $0x1;
	s7 =	sadd.s32 $0x1000, s0;
	s9 =	sadd.s32 $0xD000, s0;
	[tilespmem:$0x1FFF0] =	vst v1  }
.LBB2_1:
0x44: {  	[tilespmem:s2], [sflag:$0x3] =	stream.linear.gather [hbm4b:s5+s2], $0x200, $0x38;
	[tilespmem:$0x1CB00] =	vst v63  }
0x45: {  	_ =	swait.ge [sflag:s11], $0x200  }
0x46: {  	[sflag:s11] =	ssyncset.done $0x0  }
0x47: {  	[sflag:s11] =	ssyncadd.s32 $0xFFFFFE00  }
0x48: {  	[tilespmem:s12], [sflag:$0x3] =	stream.linear.gather [hbm4b:s6+s2], $0x200, $0x38;
	[tilespmem:$0x1CB00] =	vst v63  }
0x49: {  	_ =	swait.ge [sflag:s11], $0x200  }
0x4a: {  	[sflag:s11] =	ssyncset.done $0x0  }
0x4b: {  	[sflag:s11] =	ssyncadd.s32 $0xFFFFFE00  }
0x4c: {  	[tilespmem:s13], [sflag:$0x3] =	stream.linear.gather [hbm4b:s7+s2], $0x3000, $0x38;
	[tilespmem:$0x1CB00] =	vst v63  }
0x4d: {  	_ =	swait.ge [sflag:s11], $0x3000  }
0x4e: {  	v1 =	vld [tilespmem:$0x1FE60];
	_ =	sdelay $0x5  }
0x4f: {  	[sflag:s11] =	ssyncset.done $0x0  }
0x50: {  	[sflag:s11] =	ssyncadd.s32 $0xFFFFD000  }
0x51: {  	v1 =	vld.idx.msk [tilespmem:v1+s13+$0x0], $0xffff;
	_ =	sdelay $0x4  }
0x52: {  	[tilespmem:$0x3400] =	vst v1;
	v1 =	vld [tilespmem:$0x1FC00];
	_ =	sdelay $0x7  }
0x53: {  	v1 =	vld.idx.msk [tilespmem:v1+s13+$0x0], $0xffff;
	_ =	sdelay $0x4  }
0x54: {  	[tilespmem:$0x3410] =	vst v1;
	v1 =	vld [tilespmem:$0x1FC10];
	_ =	sdelay $0x7  }
0x55: {  	v1 =	vld.idx.msk [tilespmem:v1+s13+$0x0], $0xffff;
	_ =	sdelay $0x4  }
0x56: {  	[tilespmem:$0x3420] =	vst v1;
	v1 =	vld [tilespmem:$0x1FC20];
	_ =	sdelay $0x7  }
0x57: {  	v1 =	vld.idx.msk [tilespmem:v1+s13+$0x0], $0xffff;
	_ =	sdelay $0x4  }
0x58: {  	[tilespmem:$0x3430] =	vst v1;
	v1 =	vld [tilespmem:$0x1FC30];
	_ =	sdelay $0x7  }
0x59: {  	v1 =	vld.idx.msk [tilespmem:v1+s13+$0x0], $0xffff;
	_ =	sdelay $0x4  }
0x5a: {  	[tilespmem:$0x3440] =	vst v1;
	v1 =	vld [tilespmem:$0x1FC40];
	_ =	sdelay $0x7  }
0x5b: {  	v1 =	vld.idx.msk [tilespmem:v1+s13+$0x0], $0xffff;
	_ =	sdelay $0x4  }
0x5c: {  	[tilespmem:$0x3450] =	vst v1;
	v1 =	vld [tilespmem:$0x1FC50];
	_ =	sdelay $0x7  }
0x5d: {  	v1 =	vld.idx.msk [tilespmem:v1+s13+$0x0], $0xffff;
	_ =	sdelay $0x4  }
0x5e: {  	[tilespmem:$0x3460] =	vst v1;
	v1 =	vld [tilespmem:$0x1FC60];
	_ =	sdelay $0x7  }
0x5f: {  	v1 =	vld.idx.msk [tilespmem:v1+s13+$0x0], $0xffff;
	_ =	sdelay $0x4  }
0x60: {  	[tilespmem:$0x3470] =	vst v1;
	v1 =	vld [tilespmem:$0x1FC70];
	_ =	sdelay $0x7  }
0x61: {  	v1 =	vld.idx.msk [tilespmem:v1+s13+$0x0], $0xffff;
	_ =	sdelay $0x4  }
0x62: {  	[tilespmem:$0x3480] =	vst v1;
	v1 =	vld [tilespmem:$0x1FC80];
	_ =	sdelay $0x7  }
0x63: {  	v1 =	vld.idx.msk [tilespmem:v1+s13+$0x0], $0xffff;
	_ =	sdelay $0x4  }
0x64: {  	[tilespmem:$0x3490] =	vst v1;
	v1 =	vld [tilespmem:$0x1FC90];
	_ =	sdelay $0x7  }
0x65: {  	v1 =	vld.idx.msk [tilespmem:v1+s13+$0x0], $0xffff;
	_ =	sdelay $0x4  }
0x66: {  	[tilespmem:$0x34A0] =	vst v1;
	v1 =	vld [tilespmem:$0x1FCA0];
	_ =	sdelay $0x7  }
0x67: {  	v1 =	vld.idx.msk [tilespmem:v1+s13+$0x0], $0xffff;
	_ =	sdelay $0x4  }
0x68: {  	[tilespmem:$0x34B0] =	vst v1;
	v1 =	vld [tilespmem:$0x1FCB0];
	_ =	sdelay $0x7  }
0x69: {  	v1 =	vld.idx.msk [tilespmem:v1+s13+$0x0], $0xffff;
	_ =	sdelay $0x4  }
0x6a: {  	[tilespmem:$0x34C0] =	vst v1;
	v1 =	vld [tilespmem:$0x1FCC0];
	_ =	sdelay $0x7  }
0x6b: {  	v1 =	vld.idx.msk [tilespmem:v1+s13+$0x0], $0xffff;
	_ =	sdelay $0x4  }
0x6c: {  	[tilespmem:$0x34D0] =	vst v1;
	v1 =	vld [tilespmem:$0x1FCD0];
	_ =	sdelay $0x7  }
0x6d: {  	v1 =	vld.idx.msk [tilespmem:v1+s13+$0x0], $0xffff;
	_ =	sdelay $0x4  }
0x6e: {  	[tilespmem:$0x34E0] =	vst v1;
	v1 =	vld [tilespmem:$0x1FCE0];
	_ =	sdelay $0x7  }
0x6f: {  	v1 =	vld.idx.msk [tilespmem:v1+s13+$0x0], $0xffff;
	_ =	sdelay $0x4  }
0x70: {  	[tilespmem:$0x34F0] =	vst v1;
	v1 =	vld [tilespmem:$0x1FCF0];
	_ =	sdelay $0x7  }
0x71: {  	v1 =	vld.idx.msk [tilespmem:v1+s13+$0x0], $0xffff;
	_ =	sdelay $0x4  }
0x72: {  	[tilespmem:$0x3500] =	vst v1;
	v1 =	vld [tilespmem:$0x1FD00];
	_ =	sdelay $0x7  }
0x73: {  	v1 =	vld.idx.msk [tilespmem:v1+s13+$0x0], $0xffff;
	_ =	sdelay $0x4  }
0x74: {  	[tilespmem:$0x3510] =	vst v1;
	v1 =	vld [tilespmem:$0x1FD10];
	_ =	sdelay $0x7  }
0x75: {  	v1 =	vld.idx.msk [tilespmem:v1+s13+$0x0], $0xffff;
	_ =	sdelay $0x4  }
0x76: {  	[tilespmem:$0x3520] =	vst v1;
	v1 =	vld [tilespmem:$0x1FD20];
	_ =	sdelay $0x7  }
0x77: {  	v1 =	vld.idx.msk [tilespmem:v1+s13+$0x0], $0xffff;
	_ =	sdelay $0x4  }
0x78: {  	[tilespmem:$0x3530] =	vst v1;
	v1 =	vld [tilespmem:$0x1FD30];
	_ =	sdelay $0x7  }
0x79: {  	v1 =	vld.idx.msk [tilespmem:v1+s13+$0x0], $0xffff;
	_ =	sdelay $0x4  }
0x7a: {  	[tilespmem:$0x3540] =	vst v1;
	v1 =	vld [tilespmem:$0x1FD40];
	_ =	sdelay $0x7  }
0x7b: {  	v1 =	vld.idx.msk [tilespmem:v1+s13+$0x0], $0xffff;
	_ =	sdelay $0x4  }
0x7c: {  	[tilespmem:$0x3550] =	vst v1;
	v1 =	vld [tilespmem:$0x1FD50];
	_ =	sdelay $0x7  }
0x7d: {  	v1 =	vld.idx.msk [tilespmem:v1+s13+$0x0], $0xffff;
	_ =	sdelay $0x4  }
0x7e: {  	[tilespmem:$0x3560] =	vst v1;
	v1 =	vld [tilespmem:$0x1FD60];
	_ =	sdelay $0x7  }
0x7f: {  	v1 =	vld.idx.msk [tilespmem:v1+s13+$0x0], $0xffff;
	_ =	sdelay $0x4  }
0x80: {  	[tilespmem:$0x3570] =	vst v1;
	v1 =	vld [tilespmem:$0x1FD70];
	_ =	sdelay $0x7  }
0x81: {  	v1 =	vld.idx.msk [tilespmem:v1+s13+$0x0], $0xffff;
	_ =	sdelay $0x4  }
0x82: {  	[tilespmem:$0x3580] =	vst v1;
	v1 =	vld [tilespmem:$0x1FD80];
	_ =	sdelay $0x7  }
0x83: {  	v1 =	vld.idx.msk [tilespmem:v1+s13+$0x0], $0xffff;
	_ =	sdelay $0x4  }
0x84: {  	[tilespmem:$0x3590] =	vst v1;
	v1 =	vld [tilespmem:$0x1FD90];
	_ =	sdelay $0x7  }
0x85: {  	v1 =	vld.idx.msk [tilespmem:v1+s13+$0x0], $0xffff;
	_ =	sdelay $0x4  }
0x86: {  	[tilespmem:$0x35A0] =	vst v1;
	v1 =	vld [tilespmem:$0x1FDA0];
	_ =	sdelay $0x7  }
0x87: {  	v1 =	vld.idx.msk [tilespmem:v1+s13+$0x0], $0xffff;
	_ =	sdelay $0x4  }
0x88: {  	[tilespmem:$0x35B0] =	vst v1;
	v1 =	vld [tilespmem:$0x1FDB0];
	_ =	sdelay $0x7  }
0x89: {  	v1 =	vld.idx.msk [tilespmem:v1+s13+$0x0], $0xffff;
	_ =	sdelay $0x4  }
0x8a: {  	[tilespmem:$0x35C0] =	vst v1;
	v1 =	vld [tilespmem:$0x1FDC0];
	_ =	sdelay $0x7  }
0x8b: {  	v1 =	vld.idx.msk [tilespmem:v1+s13+$0x0], $0xffff;
	_ =	sdelay $0x4  }
0x8c: {  	[tilespmem:$0x35D0] =	vst v1;
	v1 =	vld [tilespmem:$0x1FDD0];
	_ =	sdelay $0x7  }
0x8d: {  	v1 =	vld.idx.msk [tilespmem:v1+s13+$0x0], $0xffff;
	_ =	sdelay $0x4  }
0x8e: {  	[tilespmem:$0x35E0] =	vst v1;
	v1 =	vld [tilespmem:$0x1FDE0];
	_ =	sdelay $0x7  }
0x8f: {  	v1 =	vld.idx.msk [tilespmem:v1+s13+$0x0], $0xffff;
	_ =	sdelay $0x4  }
0x90: {  	[tilespmem:$0x35F0] =	vst v1;
	v1 =	vld [tilespmem:$0x1FDF0];
	_ =	sdelay $0x7  }
0x91: {  	v1 =	vld.idx.msk [tilespmem:v1+s13+$0x0], $0xffff;
	_ =	sdelay $0x4  }
0x92: {  	[tilespmem:$0x3600] =	vst v1;
	v1 =	vld [tilespmem:$0x1FE00];
	_ =	sdelay $0x7  }
0x93: {  	v1 =	vld.idx.msk [tilespmem:v1+s13+$0x0], $0xffff;
	_ =	sdelay $0x4  }
0x94: {  	[tilespmem:$0x3610] =	vst v1;
	v1 =	vld [tilespmem:$0x1FE10];
	_ =	sdelay $0x7  }
0x95: {  	v1 =	vld.idx.msk [tilespmem:v1+s13+$0x0], $0xffff;
	_ =	sdelay $0x4  }
0x96: {  	[tilespmem:$0x3620] =	vst v1;
	v1 =	vld [tilespmem:$0x1FE20];
	_ =	sdelay $0x7  }
0x97: {  	v1 =	vld.idx.msk [tilespmem:v1+s13+$0x0], $0xffff;
	_ =	sdelay $0x4  }
0x98: {  	[tilespmem:$0x3630] =	vst v1;
	v1 =	vld [tilespmem:$0x1FE30];
	_ =	sdelay $0x7  }
0x99: {  	v1 =	vld.idx.msk [tilespmem:v1+s13+$0x0], $0xffff;
	_ =	sdelay $0x4  }
0x9a: {  	[tilespmem:$0x3640] =	vst v1;
	v1 =	vld [tilespmem:$0x1FE40];
	_ =	sdelay $0x7  }
0x9b: {  	v1 =	vld.idx.msk [tilespmem:v1+s13+$0x0], $0xffff;
	_ =	sdelay $0x4  }
0x9c: {  	[tilespmem:$0x3650] =	vst v1;
	v1 =	vld [tilespmem:$0x1FE50];
	_ =	sdelay $0x7  }
0x9d: {  	v1 =	vld.idx.msk [tilespmem:v1+s13+$0x0], $0xffff;
	_ =	sdelay $0x4  }
0x9e: {  	[tilespmem:$0x3660] =	vst v1;
	v1 =	vld [tilespmem:$0x1FE70];
	_ =	sdelay $0x7  }
0x9f: {  	v1 =	vld.idx.msk [tilespmem:v1+s13+$0x0], $0xffff;
	_ =	sdelay $0x4  }
0xa0: {  	[tilespmem:$0x3670] =	vst v1  }
0xa1: {  	[tilespmem:s15], [sflag:$0x1] =	stream.indirect.gather [hbm4b:s3+s14], $0x40, s2, s14, $0xb8;
	[tilespmem:$0x1CB00] =	vst v63  }
0xa2: {  	_ = 	snop  }
0xa3: {  	[tilespmem:s16], [sflag:$0x1] =	stream.indirect.gather [hbm4b:s4+s14], $0x40, s12, s14, $0xb8;
	[tilespmem:$0x1CB00] =	vst v63  }
0xa4: {  	s0 =	simm.s32 $0x3400  }
0xa5: {  	[tilespmem:s18], [sflag:$0x1] =	stream.indirect.gather [hbm4b:s4+s14], $0x40, s0, s14, $0xb8;
	[tilespmem:$0x1CB00] =	vst v63  }
0xa6: {  	s21 =	simm.s32 $0x3420;
	s1 =	simm.s32 $0x6100  }
0xa7: {  	[tilespmem:s1], [sflag:$0x1] =	stream.indirect.gather [hbm4b:s4+s14], $0x40, s21, s14, $0xb8;
	[tilespmem:$0x1CB00] =	vst v63  }
0xa8: {  	s22 =	simm.s32 $0x3440;
	s23 =	simm.s32 $0x6900  }
0xa9: {  	[tilespmem:s23], [sflag:$0x1] =	stream.indirect.gather [hbm4b:s4+s14], $0x40, s22, s14, $0xb8;
	[tilespmem:$0x1CB00] =	vst v63  }
0xaa: {  	s17 =	simm.s32 $0x3460;
	s19 =	simm.s32 $0x7100  }
0xab: {  	[tilespmem:s19], [sflag:$0x1] =	stream.indirect.gather [hbm4b:s4+s14], $0x40, s17, s14, $0xb8;
	[tilespmem:$0x1CB00] =	vst v63  }
0xac: {  	s20 =	simm.s32 $0x3480;
	s21 =	simm.s32 $0x7900  }
0xad: {  	[tilespmem:s21], [sflag:$0x1] =	stream.indirect.gather [hbm4b:s4+s14], $0x40, s20, s14, $0xb8;
	[tilespmem:$0x1CB00] =	vst v63  }
0xae: {  	s22 =	simm.s32 $0x34A0;
	s23 =	simm.s32 $0x8100  }
0xaf: {  	[tilespmem:s23], [sflag:$0x1] =	stream.indirect.gather [hbm4b:s4+s14], $0x40, s22, s14, $0xb8;
	[tilespmem:$0x1CB00] =	vst v63  }
0xb0: {  	s17 =	simm.s32 $0x34C0;
	s19 =	simm.s32 $0x8900  }
0xb1: {  	[tilespmem:s19], [sflag:$0x1] =	stream.indirect.gather [hbm4b:s4+s14], $0x40, s17, s14, $0xb8;
	[tilespmem:$0x1CB00] =	vst v63  }
0xb2: {  	s20 =	simm.s32 $0x34E0;
	s21 =	simm.s32 $0x9100  }
0xb3: {  	[tilespmem:s21], [sflag:$0x1] =	stream.indirect.gather [hbm4b:s4+s14], $0x40, s20, s14, $0xb8;
	[tilespmem:$0x1CB00] =	vst v63  }
0xb4: {  	s22 =	simm.s32 $0x3500;
	s23 =	simm.s32 $0x9900  }
0xb5: {  	[tilespmem:s23], [sflag:$0x1] =	stream.indirect.gather [hbm4b:s4+s14], $0x40, s22, s14, $0xb8;
	[tilespmem:$0x1CB00] =	vst v63  }
0xb6: {  	s17 =	simm.s32 $0x3520;
	s19 =	simm.s32 $0xA100  }
0xb7: {  	[tilespmem:s19], [sflag:$0x1] =	stream.indirect.gather [hbm4b:s4+s14], $0x40, s17, s14, $0xb8;
	[tilespmem:$0x1CB00] =	vst v63  }
0xb8: {  	s20 =	simm.s32 $0x3540;
	s21 =	simm.s32 $0xA900  }
0xb9: {  	[tilespmem:s21], [sflag:$0x1] =	stream.indirect.gather [hbm4b:s4+s14], $0x40, s20, s14, $0xb8;
	[tilespmem:$0x1CB00] =	vst v63  }
0xba: {  	s22 =	simm.s32 $0x3560;
	s23 =	simm.s32 $0xB100  }
0xbb: {  	[tilespmem:s23], [sflag:$0x1] =	stream.indirect.gather [hbm4b:s4+s14], $0x40, s22, s14, $0xb8;
	[tilespmem:$0x1CB00] =	vst v63  }
0xbc: {  	s17 =	simm.s32 $0x3580;
	s19 =	simm.s32 $0xB900  }
0xbd: {  	[tilespmem:s19], [sflag:$0x1] =	stream.indirect.gather [hbm4b:s4+s14], $0x40, s17, s14, $0xb8;
	[tilespmem:$0x1CB00] =	vst v63  }
0xbe: {  	s20 =	simm.s32 $0x35A0;
	s21 =	simm.s32 $0xC100  }
0xbf: {  	[tilespmem:s21], [sflag:$0x1] =	stream.indirect.gather [hbm4b:s4+s14], $0x40, s20, s14, $0xb8;
	[tilespmem:$0x1CB00] =	vst v63  }
0xc0: {  	s22 =	simm.s32 $0x35C0;
	s23 =	simm.s32 $0xC900  }
0xc1: {  	[tilespmem:s23], [sflag:$0x1] =	stream.indirect.gather [hbm4b:s4+s14], $0x40, s22, s14, $0xb8;
	[tilespmem:$0x1CB00] =	vst v63  }
0xc2: {  	s1 =	simm.s32 $0x35E0;
	s17 =	simm.s32 $0xD100  }
0xc3: {  	[tilespmem:s17], [sflag:$0x1] =	stream.indirect.gather [hbm4b:s4+s14], $0x40, s1, s14, $0xb8;
	[tilespmem:$0x1CB00] =	vst v63  }
0xc4: {  	s19 =	simm.s32 $0x3600;
	s20 =	simm.s32 $0xD900  }
0xc5: {  	[tilespmem:s20], [sflag:$0x1] =	stream.indirect.gather [hbm4b:s4+s14], $0x40, s19, s14, $0xb8;
	[tilespmem:$0x1CB00] =	vst v63  }
0xc6: {  	s21 =	simm.s32 $0x3620;
	s22 =	simm.s32 $0xE100  }
0xc7: {  	[tilespmem:s22], [sflag:$0x1] =	stream.indirect.gather [hbm4b:s4+s14], $0x40, s21, s14, $0xb8;
	[tilespmem:$0x1CB00] =	vst v63  }
0xc8: {  	s23 =	simm.s32 $0x3640  }
0xc9: {  	[tilespmem:s24], [sflag:$0x1] =	stream.indirect.gather [hbm4b:s4+s14], $0x40, s23, s14, $0xb8;
	[tilespmem:$0x1CB00] =	vst v63  }
0xca: {  	s31 =	simm.s32 $0x0  }
0xcb: {  	[tilespmem:s26], [sflag:$0x1] =	stream.indirect.gather [hbm4b:s4+s14], $0x40, s25, s14, $0xb8;
	[tilespmem:$0x1CB00] =	vst v63  }
.LBB2_2:
0xcc: {  	s1 =	sand.u32 $0x1, s31  }
0xcd: {  	s0 =	sadd.s32 $0x1, s1  }
0xce: {  	_ =	swait.ge [sflag:s0], $0x800  }
0xcf: {  	[sflag:s0] =	ssyncset.done $0x0  }
0xd0: {  	[sflag:s0] =	ssyncadd.s32 $0xFFFFF800  }
0xd1: {  	_ =	swait.ge [sflag:s0], $0x800  }
0xd2: {  	[sflag:s0] =	ssyncset.done $0x0  }
0xd3: {  	[sflag:s0] =	ssyncadd.s32 $0xFFFFF800  }
0xd4: {  	_ =	swait.ge [sflag:s0], $0x800  }
0xd5: {  	[sflag:s0] =	ssyncset.done $0x0  }
0xd6: {  	[sflag:s0] =	ssyncadd.s32 $0xFFFFF800  }
0xd7: {  	_ =	swait.ge [sflag:s0], $0x800  }
0xd8: {  	[sflag:s0] =	ssyncset.done $0x0  }
0xd9: {  	[sflag:s0] =	ssyncadd.s32 $0xFFFFF800  }
0xda: {  	_ =	swait.ge [sflag:s0], $0x800  }
0xdb: {  	[sflag:s0] =	ssyncset.done $0x0  }
0xdc: {  	[sflag:s0] =	ssyncadd.s32 $0xFFFFF800  }
0xdd: {  	_ =	swait.ge [sflag:s0], $0x800  }
0xde: {  	[sflag:s0] =	ssyncset.done $0x0  }
0xdf: {  	[sflag:s0] =	ssyncadd.s32 $0xFFFFF800  }
0xe0: {  	_ =	swait.ge [sflag:s0], $0x800  }
0xe1: {  	[sflag:s0] =	ssyncset.done $0x0  }
0xe2: {  	[sflag:s0] =	ssyncadd.s32 $0xFFFFF800  }
0xe3: {  	_ =	swait.ge [sflag:s0], $0x800  }
0xe4: {  	[sflag:s0] =	ssyncset.done $0x0  }
0xe5: {  	[sflag:s0] =	ssyncadd.s32 $0xFFFFF800  }
0xe6: {  	_ =	swait.ge [sflag:s0], $0x800  }
0xe7: {  	[sflag:s0] =	ssyncset.done $0x0  }
0xe8: {  	[sflag:s0] =	ssyncadd.s32 $0xFFFFF800  }
0xe9: {  	_ =	swait.ge [sflag:s0], $0x800  }
0xea: {  	[sflag:s0] =	ssyncset.done $0x0  }
0xeb: {  	[sflag:s0] =	ssyncadd.s32 $0xFFFFF800  }
0xec: {  	_ =	swait.ge [sflag:s0], $0x800  }
0xed: {  	[sflag:s0] =	ssyncset.done $0x0  }
0xee: {  	[sflag:s0] =	ssyncadd.s32 $0xFFFFF800  }
0xef: {  	_ =	swait.ge [sflag:s0], $0x800  }
0xf0: {  	[sflag:s0] =	ssyncset.done $0x0  }
0xf1: {  	[sflag:s0] =	ssyncadd.s32 $0xFFFFF800  }
0xf2: {  	_ =	swait.ge [sflag:s0], $0x800  }
0xf3: {  	[sflag:s0] =	ssyncset.done $0x0  }
0xf4: {  	[sflag:s0] =	ssyncadd.s32 $0xFFFFF800  }
0xf5: {  	_ =	swait.ge [sflag:s0], $0x800  }
0xf6: {  	[sflag:s0] =	ssyncset.done $0x0  }
0xf7: {  	[sflag:s0] =	ssyncadd.s32 $0xFFFFF800  }
0xf8: {  	_ =	swait.ge [sflag:s0], $0x800  }
0xf9: {  	[sflag:s0] =	ssyncset.done $0x0  }
0xfa: {  	[sflag:s0] =	ssyncadd.s32 $0xFFFFF800  }
0xfb: {  	_ =	swait.ge [sflag:s0], $0x800  }
0xfc: {  	[sflag:s0] =	ssyncset.done $0x0  }
0xfd: {  	[sflag:s0] =	ssyncadd.s32 $0xFFFFF800  }
0xfe: {  	_ =	swait.ge [sflag:s0], $0x800  }
0xff: {  	[sflag:s0] =	ssyncset.done $0x0  }
0x100: {  	[sflag:s0] =	ssyncadd.s32 $0xFFFFF800  }
0x101: {  	_ =	swait.ge [sflag:s0], $0x800  }
0x102: {  	[sflag:s0] =	ssyncset.done $0x0  }
0x103: {  	[sflag:s0] =	ssyncadd.s32 $0xFFFFF800  }
0x104: {  	_ =	swait.ge [sflag:s0], $0x800  }
0x105: {  	[sflag:s0] =	ssyncset.done $0x0  }
0x106: {  	[sflag:s0] =	ssyncadd.s32 $0xFFFFF800  }
0x107: {  	_ =	swait.ge [sflag:s0], $0x800  }
0x108: {  	[sflag:s0] =	ssyncset.done $0x0  }
0x109: {  	[sflag:s0] =	ssyncadd.s32 $0xFFFFF800  }
0x10a: {  	p0 =	seq.s32 s31, $0xF;
	_ =	swait.ge [sflag:s0], $0x800  }
.Ltmp0:
0x10b: {  	[sflag:s0] =	ssyncset.done $0x0;
	(pc) =	sbr.rel @p0 .LBB2_4-.Ltmp0, $4  }
0x10c: {  	[sflag:s0] =	ssyncadd.s32 $0xFFFFF800  }
0x10d: {  	_ =	swait.ge [sflag:s0], $0x800  }
0x10e: {  	[sflag:s0] =	ssyncset.done $0x0  }
0x10f: {  	[sflag:s0] =	ssyncadd.s32 $0xFFFFF800;
	s0 =	sadd.s32 $0x1, s31  }
0x110: {  	v1 =	vmov s0;
	v2 =	vld [tilespmem:$0x1FE60]  }
0x111: {  	v1 =	vmul.u32 $0x300, v1;
	_ =	sdelay $0x1  }
0x112: {  	v1 =	vbroadcast v1, $0x0;
	_ =	sdelay $0x1  }
0x113: {  	v2 =	vadd.s32 v2, v1  }
0x114: {  	v3 =	vld [tilespmem:$0x1FC00];
	_ =	sdelay $0x3  }
0x115: {  	v2 =	vld.idx.msk [tilespmem:v2+s13+$0x0], $0xffff  }
0x116: {  	s19 =	sxor.u32 $0x1, s1;
	v3 =	vadd.s32 v3, v1  }
0x117: {  	s17 =	smul.u32 $0xA00, s19;
	_ =	sdelay $0x1  }
0x118: {  	s17 =	sshrl.u32 s17, $0x2  }
0x119: {  	[tilespmem:s17+$0x3400] =	vst v2  }
0x11a: {  	v2 =	vld.idx.msk [tilespmem:v3+s13+$0x0], $0xffff  }
0x11b: {  	v3 =	vld [tilespmem:$0x1FC10];
	_ =	sdelay $0x4  }
0x11c: {  	v3 =	vadd.s32 v3, v1;
	_ =	sdelay $0x3  }
0x11d: {  	[tilespmem:s17+$0x3410] =	vst v2  }
0x11e: {  	v2 =	vld.idx.msk [tilespmem:v3+s13+$0x0], $0xffff  }
0x11f: {  	v3 =	vld [tilespmem:$0x1FC20];
	_ =	sdelay $0x4  }
0x120: {  	v3 =	vadd.s32 v3, v1;
	_ =	sdelay $0x3  }
0x121: {  	[tilespmem:s17+$0x3420] =	vst v2  }
0x122: {  	v2 =	vld.idx.msk [tilespmem:v3+s13+$0x0], $0xffff  }
0x123: {  	v3 =	vld [tilespmem:$0x1FC30];
	_ =	sdelay $0x4  }
0x124: {  	v3 =	vadd.s32 v3, v1;
	_ =	sdelay $0x3  }
0x125: {  	[tilespmem:s17+$0x3430] =	vst v2  }
0x126: {  	v2 =	vld.idx.msk [tilespmem:v3+s13+$0x0], $0xffff  }
0x127: {  	v3 =	vld [tilespmem:$0x1FC40];
	_ =	sdelay $0x4  }
0x128: {  	v3 =	vadd.s32 v3, v1;
	_ =	sdelay $0x3  }
0x129: {  	[tilespmem:s17+$0x3440] =	vst v2  }
0x12a: {  	v2 =	vld.idx.msk [tilespmem:v3+s13+$0x0], $0xffff  }
0x12b: {  	v3 =	vld [tilespmem:$0x1FC50];
	_ =	sdelay $0x4  }
0x12c: {  	v3 =	vadd.s32 v3, v1;
	_ =	sdelay $0x3  }
0x12d: {  	[tilespmem:s17+$0x3450] =	vst v2  }
0x12e: {  	v2 =	vld.idx.msk [tilespmem:v3+s13+$0x0], $0xffff  }
0x12f: {  	v3 =	vld [tilespmem:$0x1FC60];
	_ =	sdelay $0x4  }
0x130: {  	v3 =	vadd.s32 v3, v1;
	_ =	sdelay $0x3  }
0x131: {  	[tilespmem:s17+$0x3460] =	vst v2  }
0x132: {  	v2 =	vld.idx.msk [tilespmem:v3+s13+$0x0], $0xffff  }
0x133: {  	v3 =	vld [tilespmem:$0x1FC70];
	_ =	sdelay $0x4  }
0x134: {  	v3 =	vadd.s32 v3, v1;
	_ =	sdelay $0x3  }
0x135: {  	[tilespmem:s17+$0x3470] =	vst v2  }
0x136: {  	v2 =	vld.idx.msk [tilespmem:v3+s13+$0x0], $0xffff  }
0x137: {  	v3 =	vld [tilespmem:$0x1FC80];
	_ =	sdelay $0x4  }
0x138: {  	v3 =	vadd.s32 v3, v1;
	_ =	sdelay $0x3  }
0x139: {  	[tilespmem:s17+$0x3480] =	vst v2  }
0x13a: {  	v2 =	vld.idx.msk [tilespmem:v3+s13+$0x0], $0xffff  }
0x13b: {  	v3 =	vld [tilespmem:$0x1FC90];
	_ =	sdelay $0x4  }
0x13c: {  	v3 =	vadd.s32 v3, v1;
	_ =	sdelay $0x3  }
0x13d: {  	[tilespmem:s17+$0x3490] =	vst v2  }
0x13e: {  	v2 =	vld.idx.msk [tilespmem:v3+s13+$0x0], $0xffff  }
0x13f: {  	v3 =	vld [tilespmem:$0x1FCA0];
	_ =	sdelay $0x4  }
0x140: {  	v3 =	vadd.s32 v3, v1;
	_ =	sdelay $0x3  }
0x141: {  	[tilespmem:s17+$0x34A0] =	vst v2  }
0x142: {  	v2 =	vld.idx.msk [tilespmem:v3+s13+$0x0], $0xffff  }
0x143: {  	v3 =	vld [tilespmem:$0x1FCB0];
	_ =	sdelay $0x4  }
0x144: {  	v3 =	vadd.s32 v3, v1;
	_ =	sdelay $0x3  }
0x145: {  	[tilespmem:s17+$0x34B0] =	vst v2  }
0x146: {  	v2 =	vld.idx.msk [tilespmem:v3+s13+$0x0], $0xffff  }
0x147: {  	v3 =	vld [tilespmem:$0x1FCC0];
	_ =	sdelay $0x4  }
0x148: {  	v3 =	vadd.s32 v3, v1;
	_ =	sdelay $0x3  }
0x149: {  	[tilespmem:s17+$0x34C0] =	vst v2  }
0x14a: {  	v2 =	vld.idx.msk [tilespmem:v3+s13+$0x0], $0xffff  }
0x14b: {  	v3 =	vld [tilespmem:$0x1FCD0];
	_ =	sdelay $0x4  }
0x14c: {  	v3 =	vadd.s32 v3, v1;
	_ =	sdelay $0x3  }
0x14d: {  	[tilespmem:s17+$0x34D0] =	vst v2  }
0x14e: {  	v2 =	vld.idx.msk [tilespmem:v3+s13+$0x0], $0xffff  }
0x14f: {  	v3 =	vld [tilespmem:$0x1FCE0];
	_ =	sdelay $0x4  }
0x150: {  	v3 =	vadd.s32 v3, v1;
	_ =	sdelay $0x3  }
0x151: {  	[tilespmem:s17+$0x34E0] =	vst v2  }
0x152: {  	v2 =	vld.idx.msk [tilespmem:v3+s13+$0x0], $0xffff  }
0x153: {  	v3 =	vld [tilespmem:$0x1FCF0];
	_ =	sdelay $0x4  }
0x154: {  	v3 =	vadd.s32 v3, v1;
	_ =	sdelay $0x3  }
0x155: {  	[tilespmem:s17+$0x34F0] =	vst v2  }
0x156: {  	v2 =	vld.idx.msk [tilespmem:v3+s13+$0x0], $0xffff  }
0x157: {  	v3 =	vld [tilespmem:$0x1FD00];
	_ =	sdelay $0x4  }
0x158: {  	v3 =	vadd.s32 v3, v1;
	_ =	sdelay $0x3  }
0x159: {  	[tilespmem:s17+$0x3500] =	vst v2  }
0x15a: {  	v2 =	vld.idx.msk [tilespmem:v3+s13+$0x0], $0xffff  }
0x15b: {  	v3 =	vld [tilespmem:$0x1FD10];
	_ =	sdelay $0x4  }
0x15c: {  	v3 =	vadd.s32 v3, v1;
	_ =	sdelay $0x3  }
0x15d: {  	[tilespmem:s17+$0x3510] =	vst v2  }
0x15e: {  	v2 =	vld.idx.msk [tilespmem:v3+s13+$0x0], $0xffff  }
0x15f: {  	v3 =	vld [tilespmem:$0x1FD20];
	_ =	sdelay $0x4  }
0x160: {  	v3 =	vadd.s32 v3, v1;
	_ =	sdelay $0x3  }
0x161: {  	[tilespmem:s17+$0x3520] =	vst v2  }
0x162: {  	v2 =	vld.idx.msk [tilespmem:v3+s13+$0x0], $0xffff  }
0x163: {  	v3 =	vld [tilespmem:$0x1FD30];
	_ =	sdelay $0x4  }
0x164: {  	v3 =	vadd.s32 v3, v1;
	_ =	sdelay $0x3  }
0x165: {  	[tilespmem:s17+$0x3530] =	vst v2  }
0x166: {  	v2 =	vld.idx.msk [tilespmem:v3+s13+$0x0], $0xffff  }
0x167: {  	v3 =	vld [tilespmem:$0x1FD40];
	_ =	sdelay $0x4  }
0x168: {  	v3 =	vadd.s32 v3, v1;
	_ =	sdelay $0x3  }
0x169: {  	[tilespmem:s17+$0x3540] =	vst v2  }
0x16a: {  	v2 =	vld.idx.msk [tilespmem:v3+s13+$0x0], $0xffff  }
0x16b: {  	v3 =	vld [tilespmem:$0x1FD50];
	_ =	sdelay $0x4  }
0x16c: {  	v3 =	vadd.s32 v3, v1;
	_ =	sdelay $0x3  }
0x16d: {  	[tilespmem:s17+$0x3550] =	vst v2  }
0x16e: {  	v2 =	vld.idx.msk [tilespmem:v3+s13+$0x0], $0xffff  }
0x16f: {  	v3 =	vld [tilespmem:$0x1FD60];
	_ =	sdelay $0x4  }
0x170: {  	v3 =	vadd.s32 v3, v1;
	_ =	sdelay $0x3  }
0x171: {  	[tilespmem:s17+$0x3560] =	vst v2  }
0x172: {  	v2 =	vld.idx.msk [tilespmem:v3+s13+$0x0], $0xffff  }
0x173: {  	v3 =	vld [tilespmem:$0x1FD70];
	_ =	sdelay $0x4  }
0x174: {  	v3 =	vadd.s32 v3, v1;
	_ =	sdelay $0x3  }
0x175: {  	[tilespmem:s17+$0x3570] =	vst v2  }
0x176: {  	v2 =	vld.idx.msk [tilespmem:v3+s13+$0x0], $0xffff  }
0x177: {  	v3 =	vld [tilespmem:$0x1FD80];
	_ =	sdelay $0x4  }
0x178: {  	v3 =	vadd.s32 v3, v1;
	_ =	sdelay $0x3  }
0x179: {  	[tilespmem:s17+$0x3580] =	vst v2  }
0x17a: {  	v2 =	vld.idx.msk [tilespmem:v3+s13+$0x0], $0xffff  }
0x17b: {  	v3 =	vld [tilespmem:$0x1FD90];
	_ =	sdelay $0x4  }
0x17c: {  	v3 =	vadd.s32 v3, v1;
	_ =	sdelay $0x3  }
0x17d: {  	[tilespmem:s17+$0x3590] =	vst v2  }
0x17e: {  	v2 =	vld.idx.msk [tilespmem:v3+s13+$0x0], $0xffff  }
0x17f: {  	v3 =	vld [tilespmem:$0x1FDA0];
	_ =	sdelay $0x4  }
0x180: {  	v3 =	vadd.s32 v3, v1;
	_ =	sdelay $0x3  }
0x181: {  	[tilespmem:s17+$0x35A0] =	vst v2  }
0x182: {  	v2 =	vld.idx.msk [tilespmem:v3+s13+$0x0], $0xffff  }
0x183: {  	v3 =	vld [tilespmem:$0x1FDB0];
	_ =	sdelay $0x4  }
0x184: {  	v3 =	vadd.s32 v3, v1;
	_ =	sdelay $0x3  }
0x185: {  	[tilespmem:s17+$0x35B0] =	vst v2  }
0x186: {  	v2 =	vld.idx.msk [tilespmem:v3+s13+$0x0], $0xffff  }
0x187: {  	v3 =	vld [tilespmem:$0x1FDC0];
	_ =	sdelay $0x4  }
0x188: {  	v3 =	vadd.s32 v3, v1;
	_ =	sdelay $0x3  }
0x189: {  	[tilespmem:s17+$0x35C0] =	vst v2  }
0x18a: {  	v2 =	vld.idx.msk [tilespmem:v3+s13+$0x0], $0xffff  }
0x18b: {  	v3 =	vld [tilespmem:$0x1FDD0];
	_ =	sdelay $0x4  }
0x18c: {  	v3 =	vadd.s32 v3, v1;
	_ =	sdelay $0x3  }
0x18d: {  	[tilespmem:s17+$0x35D0] =	vst v2  }
0x18e: {  	v2 =	vld.idx.msk [tilespmem:v3+s13+$0x0], $0xffff  }
0x18f: {  	v3 =	vld [tilespmem:$0x1FDE0];
	_ =	sdelay $0x4  }
0x190: {  	v3 =	vadd.s32 v3, v1;
	_ =	sdelay $0x3  }
0x191: {  	[tilespmem:s17+$0x35E0] =	vst v2  }
0x192: {  	v2 =	vld.idx.msk [tilespmem:v3+s13+$0x0], $0xffff  }
0x193: {  	v3 =	vld [tilespmem:$0x1FDF0];
	_ =	sdelay $0x4  }
0x194: {  	v3 =	vadd.s32 v3, v1;
	_ =	sdelay $0x3  }
0x195: {  	[tilespmem:s17+$0x35F0] =	vst v2  }
0x196: {  	v2 =	vld.idx.msk [tilespmem:v3+s13+$0x0], $0xffff  }
0x197: {  	v3 =	vld [tilespmem:$0x1FE00];
	_ =	sdelay $0x4  }
0x198: {  	v3 =	vadd.s32 v3, v1;
	_ =	sdelay $0x3  }
0x199: {  	[tilespmem:s17+$0x3600] =	vst v2  }
0x19a: {  	v2 =	vld.idx.msk [tilespmem:v3+s13+$0x0], $0xffff  }
0x19b: {  	v3 =	vld [tilespmem:$0x1FE10];
	_ =	sdelay $0x4  }
0x19c: {  	v3 =	vadd.s32 v3, v1;
	_ =	sdelay $0x3  }
0x19d: {  	[tilespmem:s17+$0x3610] =	vst v2  }
0x19e: {  	v2 =	vld.idx.msk [tilespmem:v3+s13+$0x0], $0xffff  }
0x19f: {  	v3 =	vld [tilespmem:$0x1FE20];
	_ =	sdelay $0x4  }
0x1a0: {  	v3 =	vadd.s32 v3, v1;
	_ =	sdelay $0x3  }
0x1a1: {  	[tilespmem:s17+$0x3620] =	vst v2  }
0x1a2: {  	v2 =	vld.idx.msk [tilespmem:v3+s13+$0x0], $0xffff  }
0x1a3: {  	v3 =	vld [tilespmem:$0x1FE30];
	_ =	sdelay $0x4  }
0x1a4: {  	v3 =	vadd.s32 v3, v1;
	_ =	sdelay $0x3  }
0x1a5: {  	[tilespmem:s17+$0x3630] =	vst v2  }
0x1a6: {  	v2 =	vld.idx.msk [tilespmem:v3+s13+$0x0], $0xffff  }
0x1a7: {  	v3 =	vld [tilespmem:$0x1FE40];
	_ =	sdelay $0x4  }
0x1a8: {  	v3 =	vadd.s32 v3, v1;
	_ =	sdelay $0x3  }
0x1a9: {  	[tilespmem:s17+$0x3640] =	vst v2  }
0x1aa: {  	v2 =	vld.idx.msk [tilespmem:v3+s13+$0x0], $0xffff  }
0x1ab: {  	v3 =	vld [tilespmem:$0x1FE50];
	_ =	sdelay $0x4  }
0x1ac: {  	v3 =	vadd.s32 v3, v1;
	_ =	sdelay $0x3  }
0x1ad: {  	[tilespmem:s17+$0x3650] =	vst v2  }
0x1ae: {  	v2 =	vld.idx.msk [tilespmem:v3+s13+$0x0], $0xffff  }
0x1af: {  	v3 =	vld [tilespmem:$0x1FE70];
	_ =	sdelay $0x4  }
0x1b0: {  	v1 =	vadd.s32 v3, v1;
	_ =	sdelay $0x3  }
0x1b1: {  	[tilespmem:s17+$0x3660] =	vst v2  }
0x1b2: {  	v1 =	vld.idx.msk [tilespmem:v1+s13+$0x0], $0xffff;
	_ =	sdelay $0x3  }
0x1b3: {  	s23 =	sshll.u32 s0, $0x5;
	s21 =	sshll.u32 s19, $0xB  }
0x1b4: {  	s20 =	sadd.s32 $0x1, s19;
	s19 =	smul.u32 $0x28000, s19;
	s22 =	sadd.s32 $0x3900, s21;
	[tilespmem:s17+$0x3670] =	vst v1  }
0x1b5: {  	[tilespmem:s22], [sflag:s20] =	stream.indirect.gather [hbm4b:s3+s14], $0x40, s23, s14, $0xb8;
	[tilespmem:$0x1CB00] =	vst v63  }
0x1b6: {  	s21 =	sadd.s32 $0x4900, s21;
	s19 =	sshrl.u32 s19, $0x2;
	s23 =	sadd.s32 $0x200, s23  }
0x1b7: {  	[tilespmem:s21], [sflag:s20] =	stream.indirect.gather [hbm4b:s4+s14], $0x40, s23, s14, $0xb8;
	[tilespmem:$0x1CB00] =	vst v63  }
0x1b8: {  	s22 =	sor.u32 $0x3400, s17;
	s23 =	sadd.s32 $0x5900, s19  }
0x1b9: {  	[tilespmem:s23], [sflag:s20] =	stream.indirect.gather [hbm4b:s4+s14], $0x40, s22, s14, $0xb8;
	[tilespmem:$0x1CB00] =	vst v63  }
0x1ba: {  	s22 =	sor.u32 $0x3420, s17;
	s23 =	sadd.s32 $0x6100, s19  }
0x1bb: {  	[tilespmem:s23], [sflag:s20] =	stream.indirect.gather [hbm4b:s4+s14], $0x40, s22, s14, $0xb8;
	[tilespmem:$0x1CB00] =	vst v63  }
0x1bc: {  	s22 =	sor.u32 $0x3440, s17;
	s23 =	sadd.s32 $0x6900, s19  }
0x1bd: {  	[tilespmem:s23], [sflag:s20] =	stream.indirect.gather [hbm4b:s4+s14], $0x40, s22, s14, $0xb8;
	[tilespmem:$0x1CB00] =	vst v63  }
0x1be: {  	s22 =	sor.u32 $0x3460, s17;
	s23 =	sadd.s32 $0x7100, s19  }
0x1bf: {  	[tilespmem:s23], [sflag:s20] =	stream.indirect.gather [hbm4b:s4+s14], $0x40, s22, s14, $0xb8;
	[tilespmem:$0x1CB00] =	vst v63  }
0x1c0: {  	s22 =	sadd.s32 $0x3480, s17;
	s23 =	sadd.s32 $0x7900, s19  }
0x1c1: {  	[tilespmem:s23], [sflag:s20] =	stream.indirect.gather [hbm4b:s4+s14], $0x40, s22, s14, $0xb8;
	[tilespmem:$0x1CB00] =	vst v63  }
0x1c2: {  	s22 =	sadd.s32 $0x34A0, s17;
	s23 =	sadd.s32 $0x8100, s19  }
0x1c3: {  	[tilespmem:s23], [sflag:s20] =	stream.indirect.gather [hbm4b:s4+s14], $0x40, s22, s14, $0xb8;
	[tilespmem:$0x1CB00] =	vst v63  }
0x1c4: {  	s22 =	sadd.s32 $0x34C0, s17;
	s23 =	sadd.s32 $0x8900, s19  }
0x1c5: {  	[tilespmem:s23], [sflag:s20] =	stream.indirect.gather [hbm4b:s4+s14], $0x40, s22, s14, $0xb8;
	[tilespmem:$0x1CB00] =	vst v63  }
0x1c6: {  	s22 =	sadd.s32 $0x34E0, s17;
	s23 =	sadd.s32 $0x9100, s19  }
0x1c7: {  	[tilespmem:s23], [sflag:s20] =	stream.indirect.gather [hbm4b:s4+s14], $0x40, s22, s14, $0xb8;
	[tilespmem:$0x1CB00] =	vst v63  }
0x1c8: {  	s22 =	sadd.s32 $0x3500, s17;
	s23 =	sadd.s32 $0x9900, s19  }
0x1c9: {  	[tilespmem:s23], [sflag:s20] =	stream.indirect.gather [hbm4b:s4+s14], $0x40, s22, s14, $0xb8;
	[tilespmem:$0x1CB00] =	vst v63  }
0x1ca: {  	s22 =	sadd.s32 $0x3520, s17;
	s23 =	sadd.s32 $0xA100, s19  }
0x1cb: {  	[tilespmem:s23], [sflag:s20] =	stream.indirect.gather [hbm4b:s4+s14], $0x40, s22, s14, $0xb8;
	[tilespmem:$0x1CB00] =	vst v63  }
0x1cc: {  	s22 =	sadd.s32 $0x3540, s17;
	s23 =	sadd.s32 $0xA900, s19  }
0x1cd: {  	[tilespmem:s23], [sflag:s20] =	stream.indirect.gather [hbm4b:s4+s14], $0x40, s22, s14, $0xb8;
	[tilespmem:$0x1CB00] =	vst v63  }
0x1ce: {  	s22 =	sadd.s32 $0x3560, s17;
	s23 =	sadd.s32 $0xB100, s19  }
0x1cf: {  	[tilespmem:s23], [sflag:s20] =	stream.indirect.gather [hbm4b:s4+s14], $0x40, s22, s14, $0xb8;
	[tilespmem:$0x1CB00] =	vst v63  }
0x1d0: {  	s22 =	sadd.s32 $0x3580, s17;
	s23 =	sadd.s32 $0xB900, s19  }
0x1d1: {  	[tilespmem:s23], [sflag:s20] =	stream.indirect.gather [hbm4b:s4+s14], $0x40, s22, s14, $0xb8;
	[tilespmem:$0x1CB00] =	vst v63  }
0x1d2: {  	s22 =	sadd.s32 $0x35A0, s17;
	s23 =	sadd.s32 $0xC100, s19  }
0x1d3: {  	[tilespmem:s23], [sflag:s20] =	stream.indirect.gather [hbm4b:s4+s14], $0x40, s22, s14, $0xb8;
	[tilespmem:$0x1CB00] =	vst v63  }
0x1d4: {  	s22 =	sadd.s32 $0x35C0, s17;
	s23 =	sadd.s32 $0xC900, s19  }
0x1d5: {  	[tilespmem:s23], [sflag:s20] =	stream.indirect.gather [hbm4b:s4+s14], $0x40, s22, s14, $0xb8;
	[tilespmem:$0x1CB00] =	vst v63  }
0x1d6: {  	s22 =	sadd.s32 $0x35E0, s17;
	s23 =	sadd.s32 $0xD100, s19  }
0x1d7: {  	[tilespmem:s23], [sflag:s20] =	stream.indirect.gather [hbm4b:s4+s14], $0x40, s22, s14, $0xb8;
	[tilespmem:$0x1CB00] =	vst v63  }
0x1d8: {  	s22 =	sadd.s32 $0x3600, s17;
	s23 =	sadd.s32 $0xD900, s19  }
0x1d9: {  	[tilespmem:s23], [sflag:s20] =	stream.indirect.gather [hbm4b:s4+s14], $0x40, s22, s14, $0xb8;
	[tilespmem:$0x1CB00] =	vst v63  }
0x1da: {  	s22 =	sadd.s32 $0x3620, s17;
	s23 =	sadd.s32 $0xE100, s19  }
0x1db: {  	[tilespmem:s23], [sflag:s20] =	stream.indirect.gather [hbm4b:s4+s14], $0x40, s22, s14, $0xb8;
	[tilespmem:$0x1CB00] =	vst v63  }
0x1dc: {  	s22 =	sadd.s32 $0x3640, s17;
	s23 =	sadd.s32 $0xE900, s19  }
0x1dd: {  	[tilespmem:s23], [sflag:s20] =	stream.indirect.gather [hbm4b:s4+s14], $0x40, s22, s14, $0xb8;
	[tilespmem:$0x1CB00] =	vst v63  }
0x1de: {  	s17 =	sadd.s32 $0x3660, s17;
	s19 =	sadd.s32 $0xF100, s19  }
0x1df: {  	[tilespmem:s19], [sflag:s20] =	stream.indirect.gather [hbm4b:s4+s14], $0x40, s17, s14, $0xb8;
	[tilespmem:$0x1CB00] =	vst v63  }
.LBB2_4:
0x1e0: {  	v1 =	vmov s1  }
0x1e1: {  	v2 =	vshll.u32 v1, $0xB;
	v4 =	vmul.u32 $0xA000, v1;
	v1 =	vld [tilespmem:$0x1FFE0];
	_ =	sdelay $0x4  }
0x1e2: {  	v7 =	vor.u32 v1, v2;
	v10 =	vor.u32 v1, v4;
	v1 =	vld [tilespmem:$0x1FE80];
	_ =	sdelay $0x4  }
0x1e3: {  	v12 =	vor.u32 v1, v4;
	v1 =	vld [tilespmem:$0x1FE90];
	_ =	sdelay $0x4  }
0x1e4: {  	v6 =	vor.u32 v1, v4;
	v1 =	vld [tilespmem:$0x1FEA0];
	_ =	sdelay $0x3  }
0x1e5: {  	[tilespmem:$0x1FB00] =	vst v2;
	v2 =	vld [tilespmem:$0x1FF20]  }
0x1e6: {  	v8 =	vor.u32 v1, v4;
	v1 =	vld [tilespmem:$0x1FEB0];
	_ =	sdelay $0x3  }
0x1e7: {  	v22 =	vadd.s32 v2, v4;
	v2 =	vld [tilespmem:$0x1FF30]  }
0x1e8: {  	v11 =	vadd.s32 v1, v4;
	v1 =	vld [tilespmem:$0x1FEC0];
	_ =	sdelay $0x3  }
0x1e9: {  	v24 =	vadd.s32 v2, v4;
	v2 =	vld [tilespmem:$0x1FFA0]  }
0x1ea: {  	v13 =	vadd.s32 v1, v4;
	v1 =	vld [tilespmem:$0x1FED0];
	_ =	sdelay $0x3  }
0x1eb: {  	v9 =	vadd.s32 v2, v4;
	v2 =	vld [tilespmem:$0x1FF40]  }
0x1ec: {  	v15 =	vadd.s32 v1, v4;
	v1 =	vld [tilespmem:$0x1FEE0];
	_ =	sdelay $0x3  }
0x1ed: {  	v26 =	vadd.s32 v2, v4;
	v2 =	vld [tilespmem:$0x1FF50]  }
0x1ee: {  	v17 =	vadd.s32 v1, v4;
	v1 =	vld [tilespmem:$0x1FEF0];
	_ =	sdelay $0x3  }
0x1ef: {  	v29 =	vadd.s32 v2, v4;
	v2 =	vld [tilespmem:$0x1FF60]  }
0x1f0: {  	v14 =	vadd.s32 v1, v4;
	v1 =	vld [tilespmem:$0x1FF00];
	_ =	sdelay $0x3  }
0x1f1: {  	v28 =	vadd.s32 v2, v4;
	v2 =	vld [tilespmem:$0x1FF70]  }
0x1f2: {  	v19 =	vadd.s32 v1, v4;
	v1 =	vld [tilespmem:$0x1FF10];
	_ =	sdelay $0x3  }
0x1f3: {  	s22 =	simm.s32 $0x0;
	v32 =	vadd.s32 v2, v4;
	v2 =	vld [tilespmem:$0x1FF80]  }
0x1f4: {  	v21 =	vadd.s32 v1, v4;
	v1 =	vadd.s32 s22, v0  }
0x1f5: {  	v3 =	vand.u32 $0x38, v1  }
0x1f6: {  	[tilespmem:$0x1FB10] =	vst v7;
	v5 =	vand.u32 $0x7, v1;
	v7 =	vor.u32 v7, v3  }
0x1f7: {  	[tilespmem:$0x1FB20] =	vst v9;
	v9 =	vor.u32 v9, v3;
	v7 =	vor.u32 v5, v7  }
0x1f8: {  	v30 =	vadd.s32 v2, v4;
	v2 =	vld [tilespmem:$0x1FF90];
	v9 =	vor.u32 v5, v9  }
0x1f9: {  	[tilespmem:$0x1FB30] =	vst v11;
	v11 =	vor.u32 v11, v3  }
0x1fa: {  	[tilespmem:$0x1FB50] =	vst v13;
	v13 =	vor.u32 v13, v3;
	v11 =	vor.u32 v5, v11  }
0x1fb: {  	[tilespmem:$0x1FB60] =	vst v15;
	v15 =	vor.u32 v15, v3;
	v13 =	vor.u32 v5, v13  }
0x1fc: {  	[tilespmem:$0x1FB70] =	vst v17;
	v17 =	vor.u32 v17, v3;
	v15 =	vor.u32 v5, v15;
	v20 =	vld.idx.msk [tilespmem:v7+s15+$0x0], $0xffff  }
0x1fd: {  	v2 =	vadd.s32 v2, v4;
	v18 =	vor.u32 v14, v3;
	v17 =	vor.u32 v5, v17;
	v9 =	vld.idx.msk [tilespmem:v9+s18+$0x0], $0xffff  }
0x1fe: {  	v44 =	vmov v29;
	[tilespmem:$0x1FB90] =	vst v19;
	v19 =	vor.u32 v19, v3;
	v18 =	vor.u32 v5, v18;
	v7 =	vld.idx.msk [tilespmem:v7+s16+$0x0], $0xffff  }
0x1ff: {  	v46 =	vmov v32;
	[tilespmem:$0x1FBA0] =	vst v21;
	v31 =	vor.u32 v28, v3;
	v19 =	vor.u32 v5, v19;
	v11 =	vld.idx.msk [tilespmem:v11+s18+$0x0], $0xffff  }
0x200: {  	v21 =	vor.u32 v21, v3;
	v32 =	vor.u32 v32, v3;
	v31 =	vor.u32 v5, v31;
	v13 =	vld.idx.msk [tilespmem:v13+s18+$0x0], $0xffff  }
0x201: {  	v23 =	vor.u32 v22, v3;
	v33 =	vor.u32 v30, v3;
	v54 =	vor.u32 v5, v32;
	v15 =	vld.idx.msk [tilespmem:v15+s18+$0x0], $0xffff  }
0x202: {  	v25 =	vor.u32 v24, v3;
	v27 =	vor.u32 v26, v3;
	v57 =	vor.u32 v5, v33;
	v42 =	vld.idx.msk [tilespmem:v17+s18+$0x0], $0xffff  }
0x203: {  	v29 =	vor.u32 v29, v3;
	v3 =	vor.u32 v2, v3;
	v21 =	vor.u32 v5, v21;
	v18 =	vld.idx.msk [tilespmem:v18+s18+$0x0], $0xffff  }
0x204: {  	v23 =	vor.u32 v5, v23;
	v60 =	vor.u32 v5, v3;
	v3 =	vld.idx.msk [tilespmem:v19+s18+$0x0], $0xffff  }
0x205: {  	v16 =	vimm.f32 $0.0e+00;
	v1 =	vand.u32 $0x3F, v1;
	v27 =	vor.u32 v5, v27;
	v61 =	vld.idx.msk [tilespmem:v31+s18+$0x0], $0xffff  }
0x206: {  	s23 =	simm.s32 $0x1;
	v58 =	vimm.f32 $0.0e+00;
	v56 =	vor.u32 v10, v1;
	v35 =	vor.u32 v12, v1;
	v62 =	vld.idx.msk [tilespmem:v54+s18+$0x0], $0xffff  }
0x207: {  	v25 =	vor.u32 v5, v25;
	v29 =	vor.u32 v5, v29;
	v33 =	vadd.s32 s23, v0;
	v63 =	vld.idx.msk [tilespmem:v57+s18+$0x0], $0xffff  }
0x208: {  	v17 =	vor.u32 v8, v1;
	v31 =	vand.u32 $0x38, v33;
	v5 =	vmul.f32 v9, v20;
	v9 =	vld.idx.msk [tilespmem:v21+s18+$0x0], $0xffff  }
0x209: {  	v7 =	vmul.f32 v7, v20;
	v21 =	vor.u32 v6, v1;
	v1 =	vmul.f32 v11, v20;
	v11 =	vld.idx.msk [tilespmem:v23+s18+$0x0], $0xffff  }
0x20a: {  	v57 =	vimm.f32 $0.0e+00;
	v54 =	vimm.f32 $0.0e+00;
	v15 =	vmul.f32 v15, v20;
	v23 =	vld.idx.msk [tilespmem:v27+s18+$0x0], $0xffff  }
0x20b: {  	v55 =	vadd.f32 v5, v16;
	v53 =	vadd.f32 v7, v16;
	v7 =	vmul.f32 v13, v20  }
0x20c: {  	v13 =	vld.idx.msk [tilespmem:v25+s18+$0x0], $0xffff;
	v5 =	vadd.f32 v1, v16;
	v1 =	vmul.f32 v42, v20;
	v52 =	vadd.f32 v15, v16  }
0x20d: {  	[tilespmem:$0x1FB40] =	vst v4;
	v25 =	vld.idx.msk [tilespmem:v29+s18+$0x0], $0xffff;
	v29 =	vand.u32 $0x3F, v33;
	v15 =	vimm.f32 $0.0e+00;
	v50 =	vadd.f32 v7, v16  }
0x20e: {  	[tilespmem:$0x1FBC0] =	vst v10;
	v7 =	vmul.f32 v18, v20;
	v18 =	vmul.f32 v3, v20;
	v3 =	vadd.f32 v1, v16  }
0x20f: {  	[tilespmem:$0x1FBB0] =	vst v22;
	v1 =	vmul.f32 v9, v20;
	v23 =	vmul.f32 v23, v20;
	v9 =	vimm.f32 $0.0e+00  }
0x210: {  	[tilespmem:$0x1FBD0] =	vst v12;
	v49 =	vadd.f32 v7, v16;
	v42 =	vadd.f32 v18, v16;
	v7 =	vmul.f32 v11, v20  }
0x211: {  	v47 =	vmovc v24;
	[tilespmem:$0x1FBE0] =	vst v6;
	v60 =	vld.idx.msk [tilespmem:v60+s18+$0x0], $0xffff;
	v11 =	vimm.f32 $0.0e+00;
	v32 =	vadd.f32 v1, v16;
	v19 =	vmul.f32 v13, v20  }
0x212: {  	[tilespmem:$0x1FBF0] =	vst v8;
	v45 =	vmovc v26;
	v48 =	vmovc v28;
	v27 =	vld.idx.msk [tilespmem:v35+s18+$0x0], $0xffff;
	v59 =	vmul.f32 v25, v20;
	v13 =	vimm.f32 $0.0e+00;
	v1 =	vimm.f32 $0.0e+00  }
0x213: {  	s1 =	simm.s32 $0x2;
	[tilespmem:$0x1FB80] =	vst v14;
	v43 =	vmovc v30;
	v51 =	vmovc v2;
	v25 =	vld.idx.msk [tilespmem:v56+s18+$0x0], $0xffff;
	v56 =	vimm.f32 $0.0e+00;
	v18 =	vadd.f32 v7, v16;
	v7 =	vimm.f32 $0.0e+00  }
.LBB2_5:
0x214: {  	v0 =	vld [tilespmem:$0x1FB10];
	_ =	sdelay $0x4  }
0x215: {  	v35 =	vor.u32 v0, v31;
	v0 =	vld [tilespmem:$0x1FB30];
	_ =	sdelay $0x4  }
0x216: {  	v38 =	vor.u32 v0, v31;
	v0 =	vld [tilespmem:$0x1FB50];
	_ =	sdelay $0x4  }
0x217: {  	v41 =	vor.u32 v0, v31;
	v0 =	vld [tilespmem:$0x1FB20];
	_ =	sdelay $0x1  }
0x218: {  	v2 =	vld [tilespmem:$0x1FB90];
	_ =	sdelay $0x2  }
0x219: {  	v6 =	vor.u32 v0, v31;
	v0 =	vld [tilespmem:$0x1FB60];
	_ =	sdelay $0x1  }
0x21a: {  	v33 =	vand.u32 $0x7, v33;
	v8 =	vor.u32 v2, v31;
	v2 =	vld [tilespmem:$0x1FBA0]  }
0x21b: {  	v40 =	vld.idx.msk [tilespmem:v21+s18+$0x0], $0xffff;
	v21 =	vor.u32 v33, v35  }
0x21c: {  	v37 =	vld.idx.msk [tilespmem:v17+s18+$0x0], $0xffff;
	v6 =	vor.u32 v33, v6  }
0x21d: {  	v17 =	vor.u32 v0, v31;
	v0 =	vld [tilespmem:$0x1FB70]  }
0x21e: {  	v34 =	vor.u32 v33, v17;
	v17 =	vld [tilespmem:$0x1FBC0]  }
0x21f: {  	v14 =	vor.u32 v47, v31;
	v10 =	vor.u32 v2, v31;
	v2 =	vld [tilespmem:$0x1FBB0]  }
0x220: {  	v14 =	vor.u32 v33, v14;
	v28 =	vld.idx.msk [tilespmem:v21+s15+$0x0], $0xffff  }
0x221: {  	v8 =	vor.u32 v33, v8;
	v6 =	vld.idx.msk [tilespmem:v6+s18+$0x0], $0xffff  }
0x222: {  	v38 =	vor.u32 v33, v38;
	v4 =	vor.u32 v0, v31;
	v0 =	vld [tilespmem:$0x1FB80]  }
0x223: {  	v22 =	vor.u32 v45, v31;
	v24 =	vor.u32 v44, v31;
	v39 =	vor.u32 v17, v29;
	v17 =	vld [tilespmem:$0x1FBD0]  }
0x224: {  	v26 =	vor.u32 v46, v31;
	v36 =	vld.idx.msk [tilespmem:v21+s16+$0x0], $0xffff;
	v10 =	vor.u32 v33, v10;
	v12 =	vor.u32 v2, v31  }
0x225: {  	v30 =	vor.u32 v43, v31;
	v14 =	vld.idx.msk [tilespmem:v14+s18+$0x0], $0xffff;
	v2 =	vor.u32 v48, v31;
	v12 =	vor.u32 v33, v12  }
0x226: {  	v22 =	vor.u32 v33, v22;
	v24 =	vor.u32 v33, v24;
	v8 =	vld.idx.msk [tilespmem:v8+s18+$0x0], $0xffff;
	v2 =	vor.u32 v33, v2  }
0x227: {  	v26 =	vor.u32 v33, v26;
	v16 =	vadd.f32 v19, v16;
	v35 =	vor.u32 v33, v41;
	v38 =	vld.idx.msk [tilespmem:v38+s18+$0x0], $0xffff  }
0x228: {  	v6 =	vmul.f32 v6, v28;
	v0 =	vor.u32 v0, v31;
	v41 =	vor.u32 v17, v29;
	v17 =	vld [tilespmem:$0x1FBE0]  }
0x229: {  	v58 =	vadd.f32 v23, v58;
	v19 =	vmul.f32 v36, v28;
	v10 =	vld.idx.msk [tilespmem:v10+s18+$0x0], $0xffff;
	v0 =	vor.u32 v33, v0  }
0x22a: {  	v12 =	vld.idx.msk [tilespmem:v12+s18+$0x0], $0xffff;
	v4 =	vor.u32 v33, v4;
	v55 =	vadd.f32 v6, v55;
	v6 =	vmul.f32 v40, v20  }
0x22b: {  	v25 =	vmul.f32 v25, v20;
	v53 =	vadd.f32 v19, v53;
	v19 =	vmul.f32 v61, v20;
	v61 =	vld.idx.msk [tilespmem:v2+s18+$0x0], $0xffff  }
0x22c: {  	v27 =	vmul.f32 v27, v20;
	v23 =	vmul.f32 v37, v20;
	v9 =	vadd.f32 v6, v9;
	v6 =	vld.idx.msk [tilespmem:v22+s18+$0x0], $0xffff  }
0x22d: {  	v15 =	vadd.f32 v25, v15;
	v25 =	vmul.f32 v63, v20;
	v21 =	vor.u32 v17, v29;
	v17 =	vld [tilespmem:$0x1FBF0]  }
0x22e: {  	v30 =	vor.u32 v33, v30;
	v1 =	vadd.f32 v59, v1;
	v13 =	vadd.f32 v27, v13;
	v0 =	vld.idx.msk [tilespmem:v0+s18+$0x0], $0xffff  }
0x22f: {  	v11 =	vadd.f32 v23, v11;
	v56 =	vadd.f32 v25, v56;
	v2 =	vmul.f32 v12, v28;
	v4 =	vld.idx.msk [tilespmem:v4+s18+$0x0], $0xffff  }
0x230: {  	v40 =	vmul.f32 v62, v20;
	v20 =	vmul.f32 v60, v20;
	v31 =	vor.u32 v51, v31;
	v22 =	vld.idx.msk [tilespmem:v24+s18+$0x0], $0xffff  }
0x231: {  	v7 =	vadd.f32 v19, v7;
	v62 =	vmul.f32 v38, v28;
	v31 =	vor.u32 v33, v31;
	v33 =	vld.idx.msk [tilespmem:v34+s18+$0x0], $0xffff  }
0x232: {  	v19 =	vmul.f32 v14, v28;
	v18 =	vadd.f32 v2, v18;
	v17 =	vor.u32 v17, v29;
	v29 =	vld.idx.msk [tilespmem:v35+s18+$0x0], $0xffff  }
0x233: {  	v5 =	vadd.f32 v62, v5;
	v57 =	vadd.f32 v40, v57;
	v0 =	vmul.f32 v0, v28  }
0x234: {  	p0 =	sne.s32 s1, $0x3F;
	v54 =	vadd.f32 v20, v54;
	v20 =	vmovc v28;
	v23 =	vmul.f32 v6, v28;
	v4 =	vmul.f32 v4, v28  }
.Ltmp1:
0x235: {  	v63 =	vld.idx.msk [tilespmem:v30+s18+$0x0], $0xffff;
	v59 =	vmul.f32 v22, v20;
	v49 =	vadd.f32 v0, v49;
	v0 =	vmul.f32 v10, v28;
	(pc) =	sbr.rel @p0 .LBB2_5-.Ltmp1, $4  }
0x236: {  	v62 =	vld.idx.msk [tilespmem:v26+s18+$0x0], $0xffff;
	v27 =	vmul.f32 v33, v28;
	v3 =	vadd.f32 v4, v3;
	v4 =	vmul.f32 v8, v28  }
0x237: {  	v25 =	vld.idx.msk [tilespmem:v39+s18+$0x0], $0xffff;
	v32 =	vadd.f32 v0, v32;
	v0 =	vlaneseq.u32;
	v29 =	vmul.f32 v29, v28  }
0x238: {  	v60 =	vld.idx.msk [tilespmem:v31+s18+$0x0], $0xffff;
	v52 =	vadd.f32 v27, v52;
	v42 =	vadd.f32 v4, v42;
	v33 =	vadd.s32 s1, v0  }
0x239: {  	v27 =	vld.idx.msk [tilespmem:v41+s18+$0x0], $0xffff;
	s1 =	sadd.s32 $0x1, s1;
	v31 =	vand.u32 $0x38, v33;
	v50 =	vadd.f32 v29, v50;
	v29 =	vand.u32 $0x3F, v33  }
0x23a: {  	v2 =	vld [tilespmem:$0x1FB10]  }
0x23b: {  	v4 =	vld [tilespmem:$0x1FB30]  }
0x23c: {  	v6 =	vld [tilespmem:$0x1FB50]  }
0x23d: {  	v8 =	vld [tilespmem:$0x1FB20]  }
0x23e: {  	v10 =	vld [tilespmem:$0x1FB60]  }
0x23f: {  	v12 =	vld [tilespmem:$0x1FB70]  }
0x240: {  	v0 =	vand.u32 $0x7, v33;
	v14 =	vld [tilespmem:$0x1FB80]  }
0x241: {  	v22 =	vld [tilespmem:$0x1FB90];
	v28 =	vor.u32 v47, v31;
	v30 =	vor.u32 v45, v31;
	v47 =	vor.u32 v44, v31  }
0x242: {  	v24 =	vld [tilespmem:$0x1FBA0];
	v34 =	vor.u32 v48, v31;
	v35 =	vor.u32 v46, v31;
	v36 =	vor.u32 v43, v31  }
0x243: {  	v26 =	vld [tilespmem:$0x1FBB0];
	v28 =	vor.u32 v0, v28;
	v30 =	vor.u32 v0, v30;
	v33 =	vor.u32 v0, v47  }
0x244: {  	v38 =	vld [tilespmem:$0x1FBD0];
	v34 =	vor.u32 v0, v34;
	v35 =	vor.u32 v0, v35;
	v36 =	vor.u32 v0, v36  }
0x245: {  	v27 =	vmul.f32 v27, v20;
	v2 =	vor.u32 v2, v31;
	v4 =	vor.u32 v4, v31  }
0x246: {  	v6 =	vor.u32 v6, v31;
	v8 =	vor.u32 v8, v31;
	v10 =	vor.u32 v10, v31  }
0x247: {  	v12 =	vor.u32 v12, v31;
	v14 =	vor.u32 v14, v31;
	v22 =	vor.u32 v22, v31  }
0x248: {  	v21 =	vld.idx.msk [tilespmem:v21+s18+$0x0], $0xffff;
	v24 =	vor.u32 v24, v31;
	v26 =	vor.u32 v26, v31;
	v31 =	vor.u32 v51, v31  }
0x249: {  	v17 =	vld.idx.msk [tilespmem:v17+s18+$0x0], $0xffff;
	v38 =	vor.u32 v38, v29;
	v2 =	vor.u32 v0, v2;
	v8 =	vor.u32 v0, v8  }
0x24a: {  	v39 =	vld [tilespmem:$0x1FBE0];
	v4 =	vor.u32 v0, v4;
	v6 =	vor.u32 v0, v6;
	v10 =	vor.u32 v0, v10  }
0x24b: {  	v40 =	vld [tilespmem:$0x1FBF0];
	v12 =	vor.u32 v0, v12;
	v14 =	vor.u32 v0, v14;
	v22 =	vor.u32 v0, v22  }
0x24c: {  	v24 =	vor.u32 v0, v24;
	v26 =	vor.u32 v0, v26;
	v0 =	vor.u32 v0, v31;
	v31 =	vld [tilespmem:$0x1FBC0]  }
0x24d: {  	v13 =	vadd.f32 v27, v13;
	v27 =	vld.idx.msk [tilespmem:v28+s18+$0x0], $0xffff  }
0x24e: {  	v28 =	vld.idx.msk [tilespmem:v38+s18+$0x0], $0xffff  }
0x24f: {  	v37 =	vld.idx.msk [tilespmem:v2+s15+$0x0], $0xffff  }
0x250: {  	v4 =	vld.idx.msk [tilespmem:v4+s18+$0x0], $0xffff  }
0x251: {  	v12 =	vld.idx.msk [tilespmem:v12+s18+$0x0], $0xffff  }
0x252: {  	v14 =	vld.idx.msk [tilespmem:v14+s18+$0x0], $0xffff  }
0x253: {  	v8 =	vld.idx.msk [tilespmem:v8+s18+$0x0], $0xffff  }
0x254: {  	v31 =	vor.u32 v31, v29;
	v26 =	vld.idx.msk [tilespmem:v26+s18+$0x0], $0xffff  }
0x255: {  	v39 =	vor.u32 v39, v29;
	v2 =	vld.idx.msk [tilespmem:v2+s16+$0x0], $0xffff;
	v29 =	vor.u32 v40, v29;
	v4 =	vmul.f32 v4, v37  }
0x256: {  	v21 =	vmul.f32 v21, v20;
	v6 =	vld.idx.msk [tilespmem:v6+s18+$0x0], $0xffff  }
0x257: {  	v10 =	vld.idx.msk [tilespmem:v10+s18+$0x0], $0xffff;
	v4 =	vadd.f32 v4, v5;
	v5 =	vmul.f32 v12, v37;
	v12 =	vmul.f32 v14, v37  }
0x258: {  	v9 =	vadd.f32 v21, v9;
	v24 =	vld.idx.msk [tilespmem:v24+s18+$0x0], $0xffff  }
0x259: {  	v8 =	vmul.f32 v8, v37;
	v26 =	vmul.f32 v26, v37;
	v21 =	vadd.f32 v12, v49;
	v12 =	vld.idx.msk [tilespmem:v31+s18+$0x0], $0xffff  }
0x25a: {  	v16 =	vadd.f32 v19, v16;
	v19 =	vmul.f32 v2, v37;
	v27 =	vmul.f32 v27, v37;
	v29 =	vld.idx.msk [tilespmem:v29+s18+$0x0], $0xffff  }
0x25b: {  	v2 =	vadd.f32 v8, v55;
	v8 =	vmul.f32 v17, v20;
	v55 =	vadd.f32 v26, v18;
	v26 =	vld [tilespmem:$0x1FE60]  }
0x25c: {  	s31 =	sshll.u32 s31, $0x5;
	v25 =	vmul.f32 v25, v20;
	v16 =	vadd.f32 v27, v16;
	v27 =	vld [tilespmem:$0x1FC10]  }
0x25d: {  	v8 =	vadd.f32 v8, v11;
	v11 =	vld.idx.msk [tilespmem:v30+s18+$0x0], $0xffff;
	v30 =	vmov s31  }
0x25e: {  	v15 =	vadd.f32 v25, v15;
	v31 =	vld.idx.msk [tilespmem:v39+s18+$0x0], $0xffff;
	v30 =	vmul.u32 $0x18, v30;
	v12 =	vmul.f32 v12, v37  }
0x25f: {  	v18 =	vmul.f32 v28, v37;
	v28 =	vmul.f32 v29, v37;
	v29 =	vld [tilespmem:$0x1FC30]  }
0x260: {  	v30 =	vbroadcast v30, $0x0;
	v12 =	vadd.f32 v12, v15;
	v15 =	vld [tilespmem:$0x1FC50]  }
0x261: {  	v23 =	vadd.f32 v23, v58;
	v25 =	vmul.f32 v63, v20;
	v0 =	vld.idx.msk [tilespmem:v0+s18+$0x0], $0xffff  }
0x262: {  	v51 =	vmul.f32 v62, v20;
	v17 =	vld.idx.msk [tilespmem:v22+s18+$0x0], $0xffff;
	v22 =	vmul.f32 v61, v20;
	v26 =	vadd.s32 v26, v30  }
0x263: {  	v19 =	vadd.f32 v19, v53;
	v14 =	vld.idx.msk [tilespmem:v33+s18+$0x0], $0xffff;
	v11 =	vmul.f32 v11, v37;
	v27 =	vadd.s32 v27, v30  }
0x264: {  	v20 =	vmul.f32 v60, v20;
	v53 =	vld.idx.msk [tilespmem:v35+s18+$0x0], $0xffff;
	v3 =	vadd.f32 v5, v3;
	v29 =	vadd.s32 v29, v30  }
0x265: {  	v5 =	vld.idx.msk [tilespmem:v34+s18+$0x0], $0xffff;
	v11 =	vadd.f32 v11, v23;
	v23 =	vmul.f32 v31, v37;
	v15 =	vadd.s32 v15, v30  }
0x266: {  	v20 =	vadd.f32 v20, v54;
	v54 =	vld.idx.msk [tilespmem:v36+s18+$0x0], $0xffff;
	v13 =	vadd.f32 v18, v13;
	[tilespmem:s31+$0x19900] =	vst v19  }
0x267: {  	v9 =	vadd.f32 v23, v9;
	[tilespmem:v26+s28+$0x0] =	vst.idx.msk $0xffff, v12  }
0x268: {  	v8 =	vadd.f32 v28, v8;
	[tilespmem:v27+s28+$0x0] =	vst.idx.msk $0xffff, v13  }
0x269: {  	[tilespmem:v29+s28+$0x0] =	vst.idx.msk $0xffff, v9  }
0x26a: {  	[tilespmem:v15+s28+$0x0] =	vst.idx.msk $0xffff, v8;
	v8 =	vld [tilespmem:$0x1FCB0];
	_ =	sdelay $0x4  }
0x26b: {  	v13 =	vadd.s32 v8, v30;
	v8 =	vld [tilespmem:$0x1FCD0];
	_ =	sdelay $0x4  }
0x26c: {  	v15 =	vadd.s32 v8, v30;
	v8 =	vld [tilespmem:$0x1FCF0];
	_ =	sdelay $0x4  }
0x26d: {  	v19 =	vadd.s32 v8, v30;
	v8 =	vld [tilespmem:$0x1FD10];
	_ =	sdelay $0x2  }
0x26e: {  	v0 =	vmul.f32 v0, v37;
	_ =	sdelay $0x1  }
0x26f: {  	v0 =	vadd.f32 v0, v20;
	v20 =	vadd.s32 v8, v30;
	v8 =	vld [tilespmem:$0x1FD30];
	_ =	sdelay $0x4  }
0x270: {  	v23 =	vadd.s32 v8, v30;
	v8 =	vld [tilespmem:$0x1FD50];
	_ =	sdelay $0x1  }
0x271: {  	v7 =	vadd.f32 v22, v7;
	v22 =	vmul.f32 v24, v37  }
0x272: {  	v24 =	vadd.f32 v51, v57;
	v5 =	vmul.f32 v5, v37;
	v31 =	vmul.f32 v53, v37;
	_ =	sdelay $0x1  }
0x273: {  	v5 =	vadd.f32 v5, v7;
	v7 =	vadd.f32 v31, v24;
	v24 =	vadd.s32 v8, v30;
	v8 =	vld [tilespmem:$0x1FD70];
	_ =	sdelay $0x2  }
0x274: {  	v25 =	vadd.f32 v25, v56;
	v56 =	vmul.f32 v54, v37;
	_ =	sdelay $0x1  }
0x275: {  	v9 =	vadd.f32 v56, v25;
	v25 =	vadd.s32 v8, v30;
	v8 =	vld [tilespmem:$0x1FD90];
	_ =	sdelay $0x4  }
0x276: {  	v27 =	vadd.s32 v8, v30;
	v8 =	vld [tilespmem:$0x1FDB0];
	_ =	sdelay $0x4  }
0x277: {  	v29 =	vadd.s32 v8, v30;
	v8 =	vld [tilespmem:$0x1FDD0];
	_ =	sdelay $0x4  }
0x278: {  	v31 =	vadd.s32 v8, v30;
	v8 =	vld [tilespmem:$0x1FDF0];
	_ =	sdelay $0x3  }
0x279: {  	v18 =	vld [tilespmem:$0x1FC70]  }
0x27a: {  	v57 =	vadd.s32 v8, v30;
	v8 =	vld [tilespmem:$0x1FE10];
	_ =	sdelay $0x3  }
0x27b: {  	v18 =	vadd.s32 v18, v30  }
0x27c: {  	v58 =	vadd.s32 v8, v30;
	v8 =	vld [tilespmem:$0x1FE30];
	_ =	sdelay $0x3  }
0x27d: {  	[tilespmem:v18+s28+$0x0] =	vst.idx.msk $0xffff, v4;
	v4 =	vld [tilespmem:$0x1FC90]  }
0x27e: {  	v1 =	vadd.f32 v59, v1;
	v59 =	vadd.s32 v8, v30;
	v8 =	vld [tilespmem:$0x1FE50];
	_ =	sdelay $0x3  }
0x27f: {  	v12 =	vld [tilespmem:$0x1FB00];
	v4 =	vadd.s32 v4, v30  }
0x280: {  	v6 =	vmul.f32 v6, v37;
	v60 =	vadd.s32 v8, v30;
	v8 =	vld [tilespmem:$0x1FFB0]  }
0x281: {  	v10 =	vmul.f32 v10, v37  }
0x282: {  	v6 =	vadd.f32 v6, v50  }
0x283: {  	v10 =	vadd.f32 v10, v52  }
0x284: {  	v17 =	vmul.f32 v17, v37;
	[tilespmem:v4+s28+$0x0] =	vst.idx.msk $0xffff, v6;
	v4 =	vld [tilespmem:$0x1FFC0]  }
0x285: {  	[tilespmem:v13+s28+$0x0] =	vst.idx.msk $0xffff, v10;
	v30 =	vor.u32 v8, v12;
	v12 =	vld [tilespmem:$0x1FB40]  }
0x286: {  	v17 =	vadd.f32 v17, v42;
	[tilespmem:v15+s28+$0x0] =	vst.idx.msk $0xffff, v3  }
0x287: {  	v22 =	vadd.f32 v22, v32;
	[tilespmem:v19+s28+$0x0] =	vst.idx.msk $0xffff, v21  }
0x288: {  	[tilespmem:v20+s28+$0x0] =	vst.idx.msk $0xffff, v17  }
0x289: {  	v14 =	vmul.f32 v14, v37;
	v6 =	vld [tilespmem:$0x1FFF0];
	[tilespmem:v23+s28+$0x0] =	vst.idx.msk $0xffff, v22  }
0x28a: {  	[tilespmem:v24+s28+$0x0] =	vst.idx.msk $0xffff, v55;
	v26 =	vor.u32 v4, v12;
	v4 =	vld [tilespmem:$0x1FFD0]  }
0x28b: {  	v1 =	vadd.f32 v14, v1;
	[tilespmem:v25+s28+$0x0] =	vst.idx.msk $0xffff, v16;
	v28 =	vor.u32 v8, v12;
	v8 =	vld [tilespmem:$0x1FFE0]  }
0x28c: {  	[tilespmem:v27+s28+$0x0] =	vst.idx.msk $0xffff, v11  }
0x28d: {  	s1 =	simm.s32 $0x0;
	v10 =	vlaneseq.u32;
	[tilespmem:v29+s28+$0x0] =	vst.idx.msk $0xffff, v1  }
0x28e: {  	[tilespmem:v31+s28+$0x0] =	vst.idx.msk $0xffff, v5;
	v18 =	vor.u32 v6, v12;
	v6 =	vadd.s32 s1, v10  }
0x28f: {  	[tilespmem:v57+s28+$0x0] =	vst.idx.msk $0xffff, v7;
	v11 =	vand.u32 $0x38, v6;
	v14 =	vor.u32 v4, v12  }
0x290: {  	[tilespmem:v58+s28+$0x0] =	vst.idx.msk $0xffff, v9;
	v4 =	vor.u32 $0x2400, v8;
	v3 =	vor.u32 $0x3400, v8;
	v1 =	vor.u32 $0x9C00, v8  }
0x291: {  	[tilespmem:v59+s28+$0x0] =	vst.idx.msk $0xffff, v0;
	v5 =	vor.u32 $0x8400, v8;
	v0 =	vor.u32 $0x9400, v8;
	v13 =	vadd.s32 v4, v12  }
0x292: {  	v4 =	vor.u32 $0x2C00, v8;
	v61 =	vadd.s32 v3, v12;
	v3 =	vor.u32 $0x4400, v8  }
0x293: {  	v16 =	vadd.s32 v1, v12;
	v1 =	vand.u32 $0x7, v6;
	v29 =	vadd.s32 v5, v12  }
0x294: {  	v5 =	vor.u32 $0x8C00, v8;
	v15 =	vadd.s32 v4, v12;
	v4 =	vor.u32 $0x3C00, v8  }
0x295: {  	[tilespmem:v60+s28+$0x0] =	vst.idx.msk $0xffff, v2;
	v17 =	vadd.s32 v3, v12;
	v3 =	vor.u32 $0x4C00, v8;
	v2 =	vor.u32 v61, v11  }
0x296: {  	[tilespmem:$0x1FAA0] =	vst v29;
	v29 =	vor.u32 v29, v11;
	v62 =	vadd.s32 v4, v12;
	v4 =	vor.u32 $0x5400, v8  }
0x297: {  	v63 =	vadd.s32 v3, v12;
	v3 =	vor.u32 $0x5C00, v8;
	v2 =	vor.u32 v1, v2  }
0x298: {  	v41 =	vor.u32 v1, v29;
	v21 =	vadd.s32 v3, v12;
	v3 =	vor.u32 $0x6400, v8  }
0x299: {  	v19 =	vadd.s32 v4, v12;
	v4 =	vor.u32 $0x6C00, v8;
	v23 =	vadd.s32 v3, v12  }
0x29a: {  	[tilespmem:$0x1FA20] =	vst v30;
	v20 =	vadd.s32 v4, v12;
	v4 =	vor.u32 v30, v11;
	v30 =	vadd.s32 v5, v12  }
0x29b: {  	v3 =	vor.u32 $0x7400, v8;
	v44 =	vmovc v19;
	v19 =	vor.u32 v19, v11;
	[tilespmem:$0x1FA50] =	vst v21;
	v21 =	vor.u32 v21, v11  }
0x29c: {  	v25 =	vadd.s32 v3, v12;
	v3 =	vor.u32 $0x7C00, v8;
	v7 =	vor.u32 v1, v4  }
0x29d: {  	[tilespmem:$0x1FA30] =	vst v15;
	v4 =	vor.u32 v16, v11;
	v8 =	vadd.s32 v0, v12;
	v0 =	vor.u32 v15, v11  }
0x29e: {  	v45 =	vmovc v17;
	v15 =	vor.u32 v17, v11;
	v17 =	vor.u32 v63, v11;
	v19 =	vor.u32 v1, v19  }
0x29f: {  	[tilespmem:$0x1FA60] =	vst v23;
	v23 =	vor.u32 v23, v11;
	v24 =	vor.u32 v20, v11;
	v9 =	vor.u32 v1, v4  }
0x2a0: {  	v31 =	vor.u32 v30, v11;
	v22 =	vadd.s32 v3, v12;
	v0 =	vor.u32 v1, v0;
	v2 =	vld.idx.msk [tilespmem:v2+s18+$0x0], $0xffff  }
0x2a1: {  	v51 =	vmovc v13;
	v4 =	vor.u32 v13, v11;
	v17 =	vor.u32 v1, v17;
	v3 =	vmov v16;
	v16 =	vld.idx.msk [tilespmem:v7+s15+$0x0], $0xffff  }
0x2a2: {  	v21 =	vor.u32 v1, v21;
	v13 =	vor.u32 v62, v11;
	v5 =	vor.u32 v1, v4;
	v7 =	vld.idx.msk [tilespmem:v7+s16+$0x0], $0xffff  }
0x2a3: {  	v15 =	vor.u32 v1, v15;
	[tilespmem:$0x1FA80] =	vst v25;
	v25 =	vor.u32 v25, v11;
	v29 =	vld.idx.msk [tilespmem:v19+s18+$0x0], $0xffff  }
0x2a4: {  	v40 =	vor.u32 v1, v23;
	v24 =	vor.u32 v1, v24;
	v13 =	vor.u32 v1, v13;
	v9 =	vld.idx.msk [tilespmem:v9+s18+$0x0], $0xffff  }
0x2a5: {  	v31 =	vor.u32 v1, v31;
	v27 =	vor.u32 v22, v11;
	v11 =	vor.u32 v8, v11;
	v0 =	vld.idx.msk [tilespmem:v0+s18+$0x0], $0xffff  }
0x2a6: {  	v25 =	vor.u32 v1, v25;
	v27 =	vor.u32 v1, v27;
	v1 =	vor.u32 v1, v11;
	v11 =	vld.idx.msk [tilespmem:v17+s18+$0x0], $0xffff  }
0x2a7: {  	v46 =	vimm.f32 $0.0e+00;
	v34 =	vimm.f32 $0.0e+00;
	v6 =	vand.u32 $0x3F, v6;
	v5 =	vld.idx.msk [tilespmem:v5+s18+$0x0], $0xffff  }
0x2a8: {  	v55 =	vimm.f32 $0.0e+00;
	v57 =	vimm.f32 $0.0e+00;
	v43 =	vor.u32 v28, v6;
	v15 =	vld.idx.msk [tilespmem:v15+s18+$0x0], $0xffff  }
0x2a9: {  	v23 =	vor.u32 v14, v6;
	v4 =	vimm.f32 $0.0e+00;
	v13 =	vld.idx.msk [tilespmem:v13+s18+$0x0], $0xffff;
	v7 =	vmul.f32 v7, v16  }
0x2aa: {  	[tilespmem:$0x1FA40] =	vst v63;
	v19 =	vor.u32 v18, v6;
	v2 =	vmul.f32 v2, v16;
	v9 =	vmul.f32 v9, v16  }
0x2ab: {  	v21 =	vld.idx.msk [tilespmem:v21+s18+$0x0], $0xffff;
	v17 =	vor.u32 v26, v6;
	v0 =	vmul.f32 v0, v16;
	v11 =	vmul.f32 v11, v16  }
0x2ac: {  	s23 =	simm.s32 $0x1;
	v59 =	vld.idx.msk [tilespmem:v27+s18+$0x0], $0xffff;
	v63 =	vmul.f32 v5, v16;
	v5 =	vadd.f32 v7, v4;
	v56 =	vadd.f32 v2, v4  }
0x2ad: {  	[tilespmem:$0x1FAD0] =	vst v26;
	v7 =	vld.idx.msk [tilespmem:v40+s18+$0x0], $0xffff;
	v2 =	vmul.f32 v29, v16;
	v29 =	vadd.s32 s23, v10;
	v6 =	vadd.f32 v9, v4  }
0x2ae: {  	v9 =	vmul.f32 v13, v16;
	v13 =	vld.idx.msk [tilespmem:v24+s18+$0x0], $0xffff;
	v60 =	vadd.f32 v0, v4;
	v0 =	vmul.f32 v15, v16  }
0x2af: {  	[tilespmem:$0x1FAF0] =	vst v18;
	v15 =	vld.idx.msk [tilespmem:v25+s18+$0x0], $0xffff;
	v48 =	vadd.f32 v11, v4;
	v27 =	vand.u32 $0x38, v29;
	v25 =	vand.u32 $0x3F, v29  }
0x2b0: {  	[tilespmem:$0x1FAE0] =	vst v14;
	v52 =	vmovc v62;
	v62 =	vld.idx.msk [tilespmem:v41+s18+$0x0], $0xffff;
	v24 =	vimm.f32 $0.0e+00;
	v58 =	vadd.f32 v63, v4;
	v50 =	vadd.f32 v2, v4  }
0x2b1: {  	[tilespmem:$0x1FA70] =	vst v20;
	v2 =	vld.idx.msk [tilespmem:v1+s18+$0x0], $0xffff;
	v1 =	vimm.f32 $0.0e+00;
	v53 =	vadd.f32 v0, v4;
	v0 =	vmul.f32 v21, v16  }
0x2b2: {  	[tilespmem:$0x1FAB0] =	vst v30;
	v54 =	vadd.f32 v9, v4;
	v9 =	vimm.f32 $0.0e+00;
	v21 =	vld.idx.msk [tilespmem:v43+s18+$0x0], $0xffff;
	v43 =	vimm.f32 $0.0e+00  }
0x2b3: {  	v49 =	vmovc v28;
	[tilespmem:$0x1FAC0] =	vst v8;
	v17 =	vld.idx.msk [tilespmem:v17+s18+$0x0], $0xffff;
	v11 =	vmul.f32 v7, v16;
	v47 =	vadd.f32 v0, v4;
	v7 =	vimm.f32 $0.0e+00  }
0x2b4: {  	s1 =	simm.s32 $0x2;
	v42 =	vmovc v61;
	[tilespmem:$0x1FA90] =	vst v22;
	v63 =	vld.idx.msk [tilespmem:v31+s18+$0x0], $0xffff;
	v13 =	vmul.f32 v13, v16;
	v61 =	vmul.f32 v15, v16;
	v15 =	vimm.f32 $0.0e+00  }
.LBB2_7:
0x2b5: {  	v8 =	vld [tilespmem:$0x1FA20]  }
0x2b6: {  	v33 =	vld.idx.msk [tilespmem:v23+s18+$0x0], $0xffff  }
0x2b7: {  	v12 =	vld [tilespmem:$0x1FA50]  }
0x2b8: {  	v14 =	vld [tilespmem:$0x1FA60]  }
0x2b9: {  	v18 =	vld [tilespmem:$0x1FA70]  }
0x2ba: {  	v20 =	vld [tilespmem:$0x1FA80]  }
0x2bb: {  	v0 =	vand.u32 $0x7, v29;
	v29 =	vor.u32 v8, v27;
	v8 =	vld [tilespmem:$0x1FA30]  }
0x2bc: {  	v22 =	vld [tilespmem:$0x1FA90]  }
0x2bd: {  	v26 =	vld [tilespmem:$0x1FAA0]  }
0x2be: {  	v30 =	vld [tilespmem:$0x1FAB0]  }
0x2bf: {  	v31 =	vor.u32 v51, v27;
	v32 =	vld [tilespmem:$0x1FAC0]  }
0x2c0: {  	v35 =	vor.u32 v3, v27;
	v23 =	vor.u32 v0, v29;
	v29 =	vor.u32 v8, v27;
	v8 =	vld [tilespmem:$0x1FA40]  }
0x2c1: {  	v37 =	vld.idx.msk [tilespmem:v19+s18+$0x0], $0xffff;
	v19 =	vor.u32 v42, v27;
	v38 =	vor.u32 v52, v27;
	v40 =	vor.u32 v45, v27  }
0x2c2: {  	v10 =	vor.u32 v44, v27;
	v35 =	vor.u32 v0, v35;
	v12 =	vor.u32 v12, v27  }
0x2c3: {  	v14 =	vor.u32 v14, v27;
	v18 =	vor.u32 v18, v27;
	v20 =	vor.u32 v20, v27  }
0x2c4: {  	v22 =	vor.u32 v22, v27;
	v26 =	vor.u32 v26, v27;
	v30 =	vor.u32 v30, v27  }
0x2c5: {  	v8 =	vor.u32 v8, v27;
	v27 =	vor.u32 v32, v27;
	v32 =	vor.u32 v0, v19;
	v19 =	vld [tilespmem:$0x1FAD0];
	_ =	sdelay $0x2  }
0x2c6: {  	v31 =	vor.u32 v0, v31  }
0x2c7: {  	v40 =	vor.u32 v0, v40;
	v35 =	vld.idx.msk [tilespmem:v35+s18+$0x0], $0xffff  }
0x2c8: {  	v41 =	vor.u32 v19, v25;
	v19 =	vld [tilespmem:$0x1FAE0]  }
0x2c9: {  	v12 =	vor.u32 v0, v12;
	v28 =	vld.idx.msk [tilespmem:v23+s15+$0x0], $0xffff  }
0x2ca: {  	v38 =	vor.u32 v0, v38;
	v10 =	vor.u32 v0, v10;
	v4 =	vadd.f32 v11, v4;
	v36 =	vld.idx.msk [tilespmem:v23+s16+$0x0], $0xffff  }
0x2cb: {  	v55 =	vadd.f32 v13, v55;
	v57 =	vadd.f32 v61, v57;
	v21 =	vmul.f32 v21, v16;
	v31 =	vld.idx.msk [tilespmem:v31+s18+$0x0], $0xffff  }
0x2cc: {  	v17 =	vmul.f32 v17, v16;
	v14 =	vor.u32 v0, v14;
	v13 =	vld.idx.msk [tilespmem:v40+s18+$0x0], $0xffff;
	v8 =	vor.u32 v0, v8  }
0x2cd: {  	v18 =	vor.u32 v0, v18;
	v29 =	vor.u32 v0, v29;
	v23 =	vor.u32 v19, v25;
	v19 =	vld [tilespmem:$0x1FAF0]  }
0x2ce: {  	v20 =	vor.u32 v0, v20;
	v22 =	vor.u32 v0, v22;
	v26 =	vor.u32 v0, v26;
	v12 =	vld.idx.msk [tilespmem:v12+s18+$0x0], $0xffff  }
0x2cf: {  	v30 =	vor.u32 v0, v30;
	v40 =	vmul.f32 v62, v16;
	v11 =	vmul.f32 v36, v28;
	v36 =	vld.idx.msk [tilespmem:v38+s18+$0x0], $0xffff  }
0x2d0: {  	v15 =	vadd.f32 v21, v15;
	v21 =	vmul.f32 v63, v16;
	v0 =	vor.u32 v0, v27;
	v27 =	vld.idx.msk [tilespmem:v32+s18+$0x0], $0xffff  }
0x2d1: {  	v39 =	vor.u32 v49, v25;
	v1 =	vadd.f32 v17, v1;
	v46 =	vadd.f32 v40, v46;
	v8 =	vld.idx.msk [tilespmem:v8+s18+$0x0], $0xffff  }
0x2d2: {  	v43 =	vadd.f32 v21, v43;
	v19 =	vor.u32 v19, v25;
	v25 =	vld.idx.msk [tilespmem:v29+s18+$0x0], $0xffff;
	v29 =	vmul.f32 v35, v28  }
0x2d3: {  	v14 =	vld.idx.msk [tilespmem:v14+s18+$0x0], $0xffff;
	v38 =	vmul.f32 v37, v16;
	v31 =	vmul.f32 v31, v28;
	v5 =	vadd.f32 v11, v5  }
0x2d4: {  	v10 =	vld.idx.msk [tilespmem:v10+s18+$0x0], $0xffff;
	v11 =	vmul.f32 v59, v16;
	v6 =	vadd.f32 v29, v6;
	v29 =	vmul.f32 v33, v16  }
0x2d5: {  	v7 =	vadd.f32 v38, v7;
	v16 =	vmul.f32 v2, v16;
	v2 =	vmul.f32 v27, v28  }
0x2d6: {  	v21 =	vld.idx.msk [tilespmem:v39+s18+$0x0], $0xffff;
	v58 =	vadd.f32 v31, v58;
	v34 =	vadd.f32 v11, v34;
	v8 =	vmul.f32 v8, v28  }
0x2d7: {  	v18 =	vld.idx.msk [tilespmem:v18+s18+$0x0], $0xffff;
	v17 =	vmul.f32 v36, v28;
	v56 =	vadd.f32 v2, v56;
	v2 =	vmul.f32 v13, v28  }
0x2d8: {  	p0 =	sne.s32 s1, $0x3F;
	v20 =	vld.idx.msk [tilespmem:v20+s18+$0x0], $0xffff;
	v11 =	vmul.f32 v14, v28;
	v48 =	vadd.f32 v8, v48;
	v8 =	vmul.f32 v12, v28  }
.Ltmp2:
0x2d9: {  	v62 =	vld.idx.msk [tilespmem:v26+s18+$0x0], $0xffff;
	v54 =	vadd.f32 v17, v54;
	v53 =	vadd.f32 v2, v53;
	v2 =	vmul.f32 v10, v28;
	(pc) =	sbr.rel @p0 .LBB2_7-.Ltmp2, $4  }
0x2da: {  	v63 =	vld.idx.msk [tilespmem:v30+s18+$0x0], $0xffff;
	v47 =	vadd.f32 v8, v47;
	v9 =	vadd.f32 v29, v9;
	v25 =	vmul.f32 v25, v28  }
0x2db: {  	v24 =	vadd.f32 v16, v24;
	v50 =	vadd.f32 v2, v50;
	v2 =	vld.idx.msk [tilespmem:v0+s18+$0x0], $0xffff;
	v0 =	vlaneseq.u32  }
0x2dc: {  	v59 =	vld.idx.msk [tilespmem:v22+s18+$0x0], $0xffff;
	v13 =	vmul.f32 v18, v28;
	v16 =	vmovc v28;
	v60 =	vadd.f32 v25, v60;
	v29 =	vadd.s32 s1, v0  }
0x2dd: {  	v17 =	vld.idx.msk [tilespmem:v41+s18+$0x0], $0xffff;
	v61 =	vmul.f32 v20, v16;
	s1 =	sadd.s32 $0x1, s1;
	v27 =	vand.u32 $0x38, v29;
	v25 =	vand.u32 $0x3F, v29  }
0x2de: {  	_ =	sdelay $0x2  }
0x2df: {  	v8 =	vld [tilespmem:$0x1FA20]  }
0x2e0: {  	v12 =	vld.idx.msk [tilespmem:v23+s18+$0x0], $0xffff  }
0x2e1: {  	v14 =	vld [tilespmem:$0x1FA30]  }
0x2e2: {  	v19 =	vld.idx.msk [tilespmem:v19+s18+$0x0], $0xffff  }
0x2e3: {  	v40 =	vld [tilespmem:$0x1FA40]  }
0x2e4: {  	v41 =	vld [tilespmem:$0x1FA50]  }
0x2e5: {  	v30 =	vld [tilespmem:$0x1FA60]  }
0x2e6: {  	v31 =	vld [tilespmem:$0x1FA70]  }
0x2e7: {  	v32 =	vld [tilespmem:$0x1FA80]  }
0x2e8: {  	v33 =	vld [tilespmem:$0x1FA90]  }
0x2e9: {  	v35 =	vor.u32 v49, v25;
	v36 =	vld [tilespmem:$0x1FAA0]  }
0x2ea: {  	v38 =	vld [tilespmem:$0x1FAC0]  }
0x2eb: {  	v0 =	vand.u32 $0x7, v29;
	v3 =	vor.u32 v3, v27;
	v26 =	vor.u32 v45, v27;
	v45 =	vld [tilespmem:$0x1FAD0]  }
0x2ec: {  	v18 =	vor.u32 v42, v27;
	v37 =	vld [tilespmem:$0x1FAB0];
	v10 =	vor.u32 v0, v3  }
0x2ed: {  	v22 =	vor.u32 v52, v27;
	v3 =	vor.u32 v51, v27;
	v39 =	vor.u32 v0, v18;
	v51 =	vld [tilespmem:$0x1FE60]  }
0x2ee: {  	v22 =	vor.u32 v0, v22;
	v35 =	vld.idx.msk [tilespmem:v35+s18+$0x0], $0xffff  }
0x2ef: {  	v28 =	vor.u32 v44, v27;
	v26 =	vor.u32 v0, v26;
	v29 =	vor.u32 v41, v27;
	v41 =	vld [tilespmem:$0x1FC10]  }
0x2f0: {  	v28 =	vor.u32 v0, v28;
	v42 =	vor.u32 v38, v27;
	v38 =	vor.u32 v45, v25;
	v45 =	vld [tilespmem:$0x1FC50]  }
0x2f1: {  	v18 =	vld.idx.msk [tilespmem:v10+s18+$0x0], $0xffff  }
0x2f2: {  	v23 =	vld.idx.msk [tilespmem:v39+s18+$0x0], $0xffff  }
0x2f3: {  	v20 =	vor.u32 v0, v3;
	v22 =	vld.idx.msk [tilespmem:v22+s18+$0x0], $0xffff  }
0x2f4: {  	v8 =	vor.u32 v8, v27;
	v26 =	vld.idx.msk [tilespmem:v26+s18+$0x0], $0xffff  }
0x2f5: {  	v8 =	vor.u32 v0, v8;
	v28 =	vld.idx.msk [tilespmem:v28+s18+$0x0], $0xffff  }
0x2f6: {  	v14 =	vor.u32 v14, v27;
	v39 =	vld [tilespmem:$0x1FAE0]  }
0x2f7: {  	v14 =	vor.u32 v0, v14;
	v10 =	vor.u32 v40, v27;
	v40 =	vld [tilespmem:$0x1FAF0]  }
0x2f8: {  	v30 =	vor.u32 v30, v27;
	v29 =	vor.u32 v0, v29;
	v20 =	vld.idx.msk [tilespmem:v20+s18+$0x0], $0xffff  }
0x2f9: {  	v31 =	vor.u32 v31, v27;
	v30 =	vor.u32 v0, v30;
	v52 =	vld.idx.msk [tilespmem:v38+s18+$0x0], $0xffff  }
0x2fa: {  	v32 =	vor.u32 v32, v27;
	v31 =	vor.u32 v0, v31;
	v3 =	vld.idx.msk [tilespmem:v8+s15+$0x0], $0xffff  }
0x2fb: {  	v33 =	vor.u32 v33, v27;
	v32 =	vor.u32 v0, v32;
	v8 =	vld.idx.msk [tilespmem:v8+s16+$0x0], $0xffff  }
0x2fc: {  	v36 =	vor.u32 v36, v27;
	v33 =	vor.u32 v0, v33;
	v14 =	vld.idx.msk [tilespmem:v14+s18+$0x0], $0xffff  }
0x2fd: {  	v37 =	vor.u32 v37, v27;
	v36 =	vor.u32 v0, v36;
	v29 =	vld.idx.msk [tilespmem:v29+s18+$0x0], $0xffff  }
0x2fe: {  	v37 =	vor.u32 v0, v37;
	v30 =	vld.idx.msk [tilespmem:v30+s18+$0x0], $0xffff  }
0x2ff: {  	v31 =	vld.idx.msk [tilespmem:v31+s18+$0x0], $0xffff  }
0x300: {  	v10 =	vor.u32 v0, v10;
	v27 =	vld.idx.msk [tilespmem:v32+s18+$0x0], $0xffff  }
0x301: {  	v0 =	vor.u32 v0, v42;
	v33 =	vld.idx.msk [tilespmem:v33+s18+$0x0], $0xffff  }
0x302: {  	s1 =	sor.u32 $0x10, s31;
	v39 =	vor.u32 v39, v25;
	v36 =	vld.idx.msk [tilespmem:v36+s18+$0x0], $0xffff  }
0x303: {  	v44 =	vmov s1;
	v37 =	vld.idx.msk [tilespmem:v37+s18+$0x0], $0xffff  }
0x304: {  	v32 =	vmul.u32 $0x18, v44;
	v49 =	vor.u32 v40, v25;
	v44 =	vld [tilespmem:$0x1FC30]  }
0x305: {  	v10 =	vld.idx.msk [tilespmem:v10+s18+$0x0], $0xffff  }
0x306: {  	v0 =	vld.idx.msk [tilespmem:v0+s18+$0x0], $0xffff;
	v32 =	vbroadcast v32, $0x0;
	v8 =	vmul.f32 v8, v3  }
0x307: {  	v21 =	vmul.f32 v21, v16;
	v38 =	vld.idx.msk [tilespmem:v39+s18+$0x0], $0xffff  }
0x308: {  	v40 =	vadd.s32 v51, v32;
	v51 =	vld [tilespmem:$0x1FC70];
	v39 =	vmul.f32 v17, v16;
	v5 =	vadd.f32 v8, v5  }
0x309: {  	v15 =	vadd.f32 v21, v15;
	v12 =	vmul.f32 v12, v16;
	v35 =	vmul.f32 v35, v3;
	v25 =	vld.idx.msk [tilespmem:v49+s18+$0x0], $0xffff  }
0x30a: {  	v42 =	vmul.f32 v52, v3;
	v52 =	vld [tilespmem:$0x1FC90];
	v1 =	vadd.f32 v39, v1;
	[tilespmem:s31+$0x19910] =	vst v5;
	v5 =	vadd.s32 v41, v32  }
0x30b: {  	v9 =	vadd.f32 v12, v9;
	v17 =	vadd.s32 v44, v32;
	v15 =	vadd.f32 v35, v15  }
0x30c: {  	v20 =	vmul.f32 v20, v3;
	v1 =	vadd.f32 v42, v1;
	v8 =	vmul.f32 v38, v3  }
0x30d: {  	v12 =	vadd.s32 v51, v32;
	[tilespmem:v40+s28+$0x0] =	vst.idx.msk $0xffff, v15;
	v40 =	vmul.f32 v19, v16  }
0x30e: {  	v15 =	vadd.s32 v45, v32;
	v49 =	vmul.f32 v25, v3;
	v19 =	vld [tilespmem:$0x1FCB0];
	v8 =	vadd.f32 v8, v9  }
0x30f: {  	v21 =	vld [tilespmem:$0x1FCD0];
	v7 =	vadd.f32 v40, v7;
	v9 =	vadd.s32 v52, v32;
	[tilespmem:v5+s28+$0x0] =	vst.idx.msk $0xffff, v1  }
0x310: {  	[tilespmem:v17+s28+$0x0] =	vst.idx.msk $0xffff, v8;
	v17 =	vadd.f32 v20, v58;
	v20 =	vmul.f32 v23, v3;
	v23 =	vld [tilespmem:$0x1FCF0]  }
0x311: {  	v14 =	vmul.f32 v14, v3;
	v25 =	vmul.f32 v26, v3;
	v26 =	vld [tilespmem:$0x1FD10];
	v1 =	vadd.f32 v49, v7;
	_ =	sdelay $0x1  }
0x312: {  	v5 =	vadd.s32 v19, v32;
	[tilespmem:v15+s28+$0x0] =	vst.idx.msk $0xffff, v1;
	v1 =	vadd.f32 v14, v60  }
0x313: {  	v8 =	vadd.s32 v21, v32;
	[tilespmem:v12+s28+$0x0] =	vst.idx.msk $0xffff, v17  }
0x314: {  	[tilespmem:v9+s28+$0x0] =	vst.idx.msk $0xffff, v1;
	v1 =	vmul.f32 v22, v3;
	v9 =	vadd.s32 v23, v32  }
0x315: {  	v14 =	vadd.s32 v26, v32;
	v7 =	vadd.f32 v20, v56  }
0x316: {  	v10 =	vmul.f32 v10, v3;
	v1 =	vadd.f32 v1, v54  }
0x317: {  	v38 =	vadd.f32 v25, v53;
	[tilespmem:v5+s28+$0x0] =	vst.idx.msk $0xffff, v7  }
0x318: {  	[tilespmem:v8+s28+$0x0] =	vst.idx.msk $0xffff, v1;
	v1 =	vadd.f32 v10, v48  }
0x319: {  	v35 =	vld [tilespmem:$0x1FD30];
	[tilespmem:v9+s28+$0x0] =	vst.idx.msk $0xffff, v38  }
0x31a: {  	[tilespmem:v14+s28+$0x0] =	vst.idx.msk $0xffff, v1;
	v1 =	vld [tilespmem:$0x1FD50]  }
0x31b: {  	v42 =	vld [tilespmem:$0x1FD70]  }
0x31c: {  	v48 =	vld [tilespmem:$0x1FD90]  }
0x31d: {  	v2 =	vmul.f32 v2, v16  }
0x31e: {  	v4 =	vadd.f32 v11, v4;
	v15 =	vadd.s32 v35, v32  }
0x31f: {  	v2 =	vadd.f32 v2, v24;
	v39 =	vmul.f32 v28, v3;
	v1 =	vadd.s32 v1, v32  }
0x320: {  	v44 =	vadd.f32 v13, v55;
	v41 =	vmul.f32 v29, v3;
	v7 =	vadd.s32 v42, v32  }
0x321: {  	v45 =	vmul.f32 v30, v3;
	v40 =	vadd.f32 v39, v50;
	v50 =	vld [tilespmem:$0x1FDB0];
	v10 =	vadd.s32 v48, v32  }
0x322: {  	v55 =	vmul.f32 v63, v16;
	v49 =	vmul.f32 v31, v3;
	v56 =	vld [tilespmem:$0x1FDD0];
	v5 =	vadd.f32 v41, v47  }
0x323: {  	v0 =	vmul.f32 v0, v3;
	v4 =	vadd.f32 v45, v4;
	v58 =	vld [tilespmem:$0x1FDF0];
	[tilespmem:v15+s28+$0x0] =	vst.idx.msk $0xffff, v40  }
0x324: {  	v51 =	vadd.f32 v61, v57;
	v60 =	vld [tilespmem:$0x1FE10];
	[tilespmem:v1+s28+$0x0] =	vst.idx.msk $0xffff, v5;
	v1 =	vadd.f32 v49, v44  }
0x325: {  	v52 =	vmul.f32 v27, v3;
	v54 =	vmul.f32 v62, v16;
	v62 =	vld [tilespmem:$0x1FE30];
	[tilespmem:v7+s28+$0x0] =	vst.idx.msk $0xffff, v4  }
0x326: {  	v63 =	vld [tilespmem:$0x1FE50];
	v12 =	vadd.s32 v50, v32;
	[tilespmem:v10+s28+$0x0] =	vst.idx.msk $0xffff, v1;
	v1 =	vmul.f32 v59, v16  }
0x327: {  	v57 =	vmul.f32 v33, v3;
	v61 =	vmul.f32 v37, v3;
	v7 =	vadd.s32 v56, v32  }
0x328: {  	v53 =	vadd.f32 v52, v51;
	v9 =	vadd.s32 v58, v32;
	v1 =	vadd.f32 v1, v34  }
0x329: {  	v11 =	vadd.s32 v60, v32;
	v5 =	vadd.f32 v54, v46;
	v59 =	vmul.f32 v36, v3  }
0x32a: {  	v8 =	vadd.s32 v62, v32;
	v4 =	vadd.f32 v55, v43;
	v1 =	vadd.f32 v57, v1  }
0x32b: {  	p0 =	sne.s32 s0, $0x10;
	v10 =	vadd.s32 v63, v32;
	[tilespmem:v12+s28+$0x0] =	vst.idx.msk $0xffff, v53;
	v5 =	vadd.f32 v59, v5  }
.Ltmp3:
0x32c: {  	[tilespmem:v7+s28+$0x0] =	vst.idx.msk $0xffff, v1;
	v1 =	vmul.f32 v18, v3;
	v3 =	vadd.f32 v61, v4;
	(pc) =	sbr.rel @p0 .LBB2_2-.Ltmp3, $4  }
0x32d: {  	v0 =	vadd.f32 v0, v2;
	[tilespmem:v9+s28+$0x0] =	vst.idx.msk $0xffff, v5  }
0x32e: {  	[tilespmem:v11+s28+$0x0] =	vst.idx.msk $0xffff, v3;
	v1 =	vadd.f32 v1, v6  }
0x32f: {  	[tilespmem:v8+s28+$0x0] =	vst.idx.msk $0xffff, v0  }
0x330: {  	s31 =	smov.u32 s0;
	v0 =	vlaneseq.u32;
	[tilespmem:v10+s28+$0x0] =	vst.idx.msk $0xffff, v1  }
0x331: {  	[hbm4b:s8+s2] =	stream.linear.scatter [tilespmem:s29], [sflag:$0x3], $0x200, $0x38;
	[tilespmem:$0x1CB00] =	vst v63  }
0x332: {  	s30 =	sadd.s32 $0x1, s30;
	_ =	swait.ge [sflag:s11], $0x200  }
0x333: {  	p0 =	sne.s32 s30, s10;
	[sflag:s11] =	ssyncset.done $0x0  }
.Ltmp4:
0x334: {  	[sflag:s11] =	ssyncadd.s32 $0xFFFFFE00;
	(pc) =	sbr.rel @p0 .LBB2_1-.Ltmp4, $4  }
0x335: {  	[hbm4b:s9+s2] =	stream.linear.scatter [tilespmem:s28], [sflag:$0x3], $0x3000, $0x38;
	[tilespmem:$0x1CB00] =	vst v63  }
0x336: {  	_ =	swait.ge [sflag:s11], $0x3000  }
0x337: {  	[sflag:s11] =	ssyncset.done $0x0  }
0x338: {  	[sflag:s11] =	ssyncadd.s32 $0xFFFFD000  }
0x339: {  	_ =	sfence.sel $0x180000  }
0x33a: {  	[bflag:$0x0] =	sbarrier.arrive $0xFFFF  }
0x33b: {  	_ =	strace $0x90000047  }
0x33c: {  	s0 =	stileid.u32;
	[bflag:$0x2] =	sbarrier.arrive $0xFFFF  }
0x33d: {  	p0 =	sne.s32 s0, $0x0;
	s0 =	rddreg [dreg:$0x3]  }
0x33e: {  	s0 =	sadd.s32 @!p0 $0x100000, s0  }
0x33f: {  	[sflag:s0] =	ssyncadd.tile.s32 @!p0 $0x1;
	_ =	shalt  }
.Lfunc_end2:
_tile_overlayer_lowered:
.L_overlay_start_2:
0x340: {  	(tag) =	ssettag $0x2  }
0x341: {  	s0 =	rddreg [dreg:$0x0];
	s2 =	stileid.u32  }
0x342: {  	s1 =	rddreg [dreg:$0x1];
	p0 =	sne.s32 s2, $0x0  }
0x343: {  	s3 =	rddreg [dreg:$0x2];
	[bflag:$0x3] =	sbarrier.arrive $0xFFFF;
	s2 =	simm.s32 @!p0 $0x1C03  }
0x344: {  	[timem:s3], [sflag:s2] =	dma.local @!p0 [hbm:s0], s1  }
0x345: {  	s0 =	simm.s32 @!p0 $0x3  }
0x346: {  	_ =	swait.ge @!p0 [sflag:s0], s1  }
0x347: {  	s1 =	ssub.s32 @!p0 $0x0, s1;
	[sflag:s0] =	ssyncset.done @!p0 $0x0  }
0x348: {  	[sflag:s0] =	ssyncadd.s32 @!p0 s1  }
0x349: {  	[bflag:$0x3] =	sbarrier.arrive $0xFFFF  }
0x34a: {  	_ =	shalt  }

</sc_bundles>
